<compile_context>
chip_gen: v7x
topology: tpu7x:2x2x1
jax: 0.10.2.dev20260603
libtpu: 0.0.44.dev20260713+nightly
codegen_flags: <defaults>
</compile_context>

<pallas_src>
import functools

import jax
import jax.numpy as jnp
from jax import lax
from jax.experimental import pallas as pl
from jax.experimental.pallas import tpu as pltpu
from jax.experimental.pallas import tpu_sc as plsc

N = 10000
NPAD = 10240
E = 160000
D = 256
HD = 128
NG = 64
NCLS = 10
NCORES = 2
NSUB = 16
LANES = 16
NQUART = 4
NQ = NPAD // NQUART
ACCR = NQ + 16
SSTR = NQ // NSUB
K = 128
CH_A = 80
EPT = CH_A * K
EPAD = NSUB * EPT
NBUF = 4
GRP = NBUF * K
SEGTOT = EPT + NQUART * GRP
MAXCH = EPT // GRP * NBUF + NBUF * NQUART
SRC_PAD = N
DST_PAD = NPAD
PATR = 2048
DGR = NPAD // 8
DACCR = DGR + 8
DSTR = DGR // NSUB
CH_D = CH_A // NCORES

_mesh = plsc.VectorSubcoreMesh(core_axis_name="c", subcore_axis_name="s")


@functools.partial(
    pl.kernel,
    out_type=jax.ShapeDtypeStruct((NCORES * DGR, HD), jnp.float32),
    mesh=_mesh,
    scratch_types=[
        pltpu.VMEM((CH_A, K), jnp.int32),
        pltpu.VMEM((CH_D, K), jnp.int32),
        pltpu.VMEM((CH_D, K), jnp.int32),
        pltpu.VMEM((NBUF, K, HD), jnp.float32),
        pltpu.VMEM_SHARED((DACCR, HD), jnp.float32),
        pltpu.SemaphoreType.DMA,
        pltpu.SemaphoreType.DMA,
        pltpu.SemaphoreType.DMA,
        pltpu.SemaphoreType.DMA,
    ],
)
def _deg_kernel(pat_hbm, dst_hbm, zeros_hbm, out_hbm,
                dst_raw, gsel, gdst, bufs, acc, s0, s1, s2, s3):
    cid = lax.axis_index("c")
    sid = lax.axis_index("s")
    sems = (s0, s1, s2, s3)
    nsl = K // 16

    pltpu.sync_copy(dst_hbm.at[sid], dst_raw)

    def _fix(t, _):
        j = t // nsl
        kk = (t % nsl) * 16
        v = dst_raw[cid * CH_D + j, pl.ds(kk, 16)]
        gsel[j, pl.ds(kk, 16)] = jnp.bitwise_and(v, PATR - 1)
        gdst[j, pl.ds(kk, 16)] = lax.shift_right_logical(v, 3)
        return _

    lax.fori_loop(0, CH_D * nsl, _fix, None)

    pltpu.sync_copy(
        zeros_hbm.at[pl.ds(sid * DSTR, DSTR)],
        acc.at[pl.ds(sid * DSTR, DSTR)],
    )

    @pl.when(sid == 0)
    def _zero_pad():
        pltpu.sync_copy(zeros_hbm.at[pl.ds(0, 8)], acc.at[pl.ds(DGR, 8)])

    plsc.subcore_barrier()

    def _group(g, _):
        descs = []
        for b in range(NBUF):
            j = NBUF * g + b
            descs.append(
                pltpu.async_copy(pat_hbm.at[gsel.at[j]], bufs.at[b], sems[b])
            )
        for b in range(NBUF):
            descs[b].wait()
        for b in range(NBUF):
            j = NBUF * g + b
            pltpu.sync_copy(bufs.at[b], acc.at[gdst.at[j]], add=True)
        return _

    lax.fori_loop(0, CH_D // NBUF, _group, None)
    plsc.subcore_barrier()
    pltpu.sync_copy(
        acc.at[pl.ds(sid * DSTR, DSTR)],
        out_hbm.at[pl.ds(cid * DGR + sid * DSTR, DSTR)],
    )


@functools.partial(
    pl.kernel,
    out_type=jax.ShapeDtypeStruct((NCORES * NPAD, HD), jnp.float32),
    mesh=_mesh,
    scratch_types=[
        pltpu.VMEM((CH_A, K), jnp.int32),
        pltpu.VMEM((CH_A, K), jnp.int32),
        pltpu.VMEM((CH_A, K), jnp.int32),
        pltpu.VMEM((NBUF, K, HD), jnp.float32),
        pltpu.VMEM_SHARED((ACCR, HD), jnp.float32),
        pltpu.SemaphoreType.DMA,
        pltpu.SemaphoreType.DMA,
        pltpu.SemaphoreType.DMA,
        pltpu.SemaphoreType.DMA,
    ],
)
def _agg_kernel(y_hbm, src_hbm, dst_hbm, zeros_hbm, out_hbm,
                src_v, dst_raw, dst_v, bufs, acc, s0, s1, s2, s3):
    cid = lax.axis_index("c")
    sid = lax.axis_index("s")
    sems = (s0, s1, s2, s3)
    nsl = K // 16

    pltpu.sync_copy(src_hbm.at[sid], src_v)
    pltpu.sync_copy(dst_hbm.at[sid], dst_raw)

    def _add_base(t, _):
        j = t // nsl
        kk = (t % nsl) * 16
        src_v[j, pl.ds(kk, 16)] = src_v[j, pl.ds(kk, 16)] + NPAD
        return _

    @pl.when(cid == 1)
    def _shift_src():
        lax.fori_loop(0, CH_A * nsl, _add_base, None)

    for q in range(NQUART):
        qbase = q * NQ

        dump_vec = NQ + lax.broadcasted_iota(
            jnp.int32, (16,), 0
        )

        def _fix_dst(t, _):
            j = t // nsl
            kk = (t % nsl) * 16
            loc = dst_raw[j, pl.ds(kk, 16)] - qbase
            ok = (loc >= 0) & (loc < NQ)
            dst_v[j, pl.ds(kk, 16)] = jnp.where(ok, loc, dump_vec)
            return _

        lax.fori_loop(0, CH_A * nsl, _fix_dst, None)

        pltpu.sync_copy(
            zeros_hbm.at[pl.ds(sid * SSTR, SSTR)],
            acc.at[pl.ds(sid * SSTR, SSTR)],
        )

        @pl.when(sid == 0)
        def _zero_dump():
            pltpu.sync_copy(zeros_hbm.at[pl.ds(0, 16)], acc.at[pl.ds(NQ, 16)])

        plsc.subcore_barrier()

        def _group(g, _):
            descs = []
            for b in range(NBUF):
                j = NBUF * g + b
                descs.append(
                    pltpu.async_copy(y_hbm.at[src_v.at[j]], bufs.at[b], sems[b])
                )
            for b in range(NBUF):
                descs[b].wait()
            for b in range(NBUF):
                j = NBUF * g + b
                pltpu.sync_copy(bufs.at[b], acc.at[dst_v.at[j]], add=True)
            return _

        lax.fori_loop(0, CH_A // NBUF, _group, None)
        plsc.subcore_barrier()
        pltpu.sync_copy(
            acc.at[pl.ds(sid * SSTR, SSTR)],
            out_hbm.at[pl.ds(cid * NPAD + qbase + sid * SSTR, SSTR)],
        )
        if q + 1 < NQUART:
            plsc.subcore_barrier()


def _row_mask(i, bm):
    rows = i * bm + lax.broadcasted_iota(jnp.int32, (bm, 1), 0)
    return rows < N


def _tc1_body(x_ref, w_ref, p0_ref, p1_ref, y_ref, dinv_ref):
    i = pl.program_id(0)
    xw = jnp.dot(x_ref[...], w_ref[...], preferred_element_type=jnp.float32)
    deg = 1.0 + p0_ref[:, 0:1] + p1_ref[:, 0:1]
    dinv = lax.rsqrt(deg)
    y = jnp.where(_row_mask(i, _BM), xw * dinv, 0.0)
    y_ref[0] = y[:, :HD]
    y_ref[1] = y[:, HD:]
    dinv_ref[...] = dinv


def _tc2_body(s_ref, y_ref, dinv_ref, b_ref, w_ref, o_ref):
    i = pl.program_id(0)
    s = jnp.concatenate([s_ref[0], s_ref[1]], axis=1)
    y = jnp.concatenate([y_ref[0], y_ref[1]], axis=1)
    h = jnp.maximum((s + y) * dinv_ref[...] + b_ref[...], 0.0)
    xw = jnp.dot(h, w_ref[...], preferred_element_type=jnp.float32)
    y2 = jnp.where(_row_mask(i, _BM), xw * dinv_ref[...], 0.0)
    o_ref[0] = y2[:, :HD]
    o_ref[1] = y2[:, HD:]


def _tc3_body(s_ref, y_ref, dinv_ref, b_ref, batch_ref, wfc_ref, bfc_ref, o_ref):
    s = jnp.concatenate([s_ref[0], s_ref[1]], axis=1)
    y = jnp.concatenate([y_ref[0], y_ref[1]], axis=1)
    h = jnp.maximum((s + y) * dinv_ref[...] + b_ref[...], 0.0)
    gids = lax.broadcasted_iota(jnp.int32, (1, NG), 1)
    m = (batch_ref[...] == gids).astype(jnp.float32)
    sums = lax.dot_general(
        m, h, (((0,), (0,)), ((), ())), preferred_element_type=jnp.float32
    )
    counts = lax.dot_general(
        m,
        jnp.ones((NPAD, 1), jnp.float32),
        (((0,), (0,)), ((), ())),
        preferred_element_type=jnp.float32,
    )
    g = sums / jnp.maximum(counts, 1.0)
    o_ref[...] = (
        jnp.dot(g, wfc_ref[...], preferred_element_type=jnp.float32) + bfc_ref[...]
    )


_BM = 640
_NBLK = NPAD // _BM


def _tc1(x, W1, degparts):
    return pl.pallas_call(
        _tc1_body,
        grid=(_NBLK,),
        in_specs=[
            pl.BlockSpec((_BM, D), lambda i: (i, 0)),
            pl.BlockSpec((D, D), lambda i: (0, 0)),
            pl.BlockSpec((_BM, LANES), lambda i: (i, 0)),
            pl.BlockSpec((_BM, LANES), lambda i: (i + _NBLK, 0)),
        ],
        out_specs=[
            pl.BlockSpec((NCORES, _BM, HD), lambda i: (0, i, 0)),
            pl.BlockSpec((_BM, 1), lambda i: (i, 0)),
        ],
        out_shape=[
            jax.ShapeDtypeStruct((NCORES, NPAD, HD), jnp.float32),
            jax.ShapeDtypeStruct((NPAD, 1), jnp.float32),
        ],
    )(x, W1, degparts, degparts)


def _tc2(S, y, dinv, b, W):
    return pl.pallas_call(
        _tc2_body,
        grid=(_NBLK,),
        in_specs=[
            pl.BlockSpec((NCORES, _BM, HD), lambda i: (0, i, 0)),
            pl.BlockSpec((NCORES, _BM, HD), lambda i: (0, i, 0)),
            pl.BlockSpec((_BM, 1), lambda i: (i, 0)),
            pl.BlockSpec((1, D), lambda i: (0, 0)),
            pl.BlockSpec((D, D), lambda i: (0, 0)),
        ],
        out_specs=pl.BlockSpec((NCORES, _BM, HD), lambda i: (0, i, 0)),
        out_shape=jax.ShapeDtypeStruct((NCORES, NPAD, HD), jnp.float32),
    )(S, y, dinv, b, W)


def _tc3(S, y, dinv, b, batch2, Wfc, bfc):
    return pl.pallas_call(
        _tc3_body,
        out_shape=jax.ShapeDtypeStruct((NG, NCLS), jnp.float32),
    )(S, y, dinv, b, batch2, Wfc, bfc)


def kernel(x, edge_index, batch, W1, b1, W2, b2, Wfc, bfc):
    src = edge_index[0].astype(jnp.int32)
    dst = edge_index[1].astype(jnp.int32)

    src_pad = jnp.concatenate(
        [src, jnp.full((EPAD - E,), SRC_PAD, jnp.int32)]
    ).reshape(NSUB, CH_A, K)
    dst_pad = jnp.concatenate(
        [dst, jnp.full((EPAD - E,), DST_PAD, jnp.int32)]
    ).reshape(NSUB, CH_A, K)

    x_pad = jnp.concatenate([x, jnp.zeros((NPAD - N, D), jnp.float32)], axis=0)
    batch_pad = jnp.concatenate(
        [batch.astype(jnp.int32), jnp.full((NPAD - N,), NG, jnp.int32)]
    ).reshape(NPAD, 1)
    zeros_h = jnp.zeros((NQ, HD), jnp.float32)
    pat = (
        jnp.arange(HD, dtype=jnp.int32)[None, :] // LANES
        == (jnp.arange(PATR, dtype=jnp.int32) % 8)[:, None]
    ).astype(jnp.float32)
    degraw = _deg_kernel(pat, dst_pad, zeros_h)
    degparts = degraw.reshape(NCORES * NPAD, LANES)
    y1, dinv = _tc1(x_pad, W1, degparts)
    S1 = _agg_kernel(y1.reshape(NCORES * NPAD, HD), src_pad, dst_pad, zeros_h)
    y2 = _tc2(S1.reshape(NCORES, NPAD, HD), y1, dinv, b1.reshape(1, D), W2)
    S2 = _agg_kernel(y2.reshape(NCORES * NPAD, HD), src_pad, dst_pad, zeros_h)
    out = _tc3(
        S2.reshape(NCORES, NPAD, HD),
        y2,
        dinv,
        b2.reshape(1, D),
        batch_pad,
        Wfc,
        bfc.reshape(1, NCLS),
    )
    return out

# --- scband reference (transcript-rebuilt; emitter-appended) ---
"""Pipeline reference for scband-gnnclassifier-16716012716366 (READ-ONLY COPY).

The authoritative reference and input builder live on the scoring server;
editing this copy changes nothing except your own understanding.
"""

import jax, jax.numpy as jnp
import numpy as np

N = 10000
E = 160000
IN_DIM = 256
HIDDEN = 256
NUM_CLASSES = 10
NUM_GRAPHS = 64


def setup_inputs(seed: int = 0) -> dict:
    key = jax.random.key(seed)
    ks = jax.random.split(key, 10)
    x = jax.random.normal(ks[0], (N, IN_DIM), dtype=jnp.float32)
    edge_index = jax.random.randint(ks[1], (2, E), 0, N)
    batch = jnp.sort(jax.random.randint(ks[2], (N,), 0, NUM_GRAPHS))
    W1 = jax.random.normal(ks[3], (IN_DIM, HIDDEN), dtype=jnp.float32) / np.sqrt(IN_DIM)
    b1 = jnp.zeros((HIDDEN,), dtype=jnp.float32)
    W2 = jax.random.normal(ks[4], (HIDDEN, HIDDEN), dtype=jnp.float32) / np.sqrt(HIDDEN)
    b2 = jnp.zeros((HIDDEN,), dtype=jnp.float32)
    Wfc = jax.random.normal(ks[5], (HIDDEN, NUM_CLASSES), dtype=jnp.float32) / np.sqrt(HIDDEN)
    bfc = jnp.zeros((NUM_CLASSES,), dtype=jnp.float32)
    return {"x": x, "edge_index": edge_index, "batch": batch, "W1": W1, "b1": b1, "W2": W2, "b2": b2, "Wfc": Wfc, "bfc": bfc}


def _gcn_conv(x, edge_index, W, b):
    n = x.shape[0]
    xw = x @ W
    src = edge_index[0]
    dst = edge_index[1]
    loop = jnp.arange(n, dtype=src.dtype)
    src = jnp.concatenate([src, loop])
    dst = jnp.concatenate([dst, loop])
    ones = jnp.ones(src.shape[0], dtype=x.dtype)
    deg = jax.ops.segment_sum(ones, dst, num_segments=n)
    deg_inv_sqrt = jnp.where(deg > 0, jax.lax.rsqrt(jnp.maximum(deg, 1e-12)), 0.0)
    norm = deg_inv_sqrt[src] * deg_inv_sqrt[dst]
    msg = xw[src] * norm[:, None]
    agg = jax.ops.segment_sum(msg, dst, num_segments=n)
    return agg + b


def _global_mean_pool(h, batch, num_graphs):
    sums = jax.ops.segment_sum(h, batch, num_segments=num_graphs)
    counts = jax.ops.segment_sum(jnp.ones(h.shape[0], dtype=h.dtype), batch, num_segments=num_graphs)
    return sums / jnp.maximum(counts, 1.0)[:, None]


def reference(x, edge_index, batch, W1, b1, W2, b2, Wfc, bfc):
    h = _gcn_conv(x, edge_index, W1, b1)
    h = jax.nn.relu(h)
    h = _gcn_conv(h, edge_index, W2, b2)
    h = jax.nn.relu(h)
    g = _global_mean_pool(h, batch, NUM_GRAPHS)
    out = g @ Wfc + bfc
    return out

if __name__ == "__main__":
    import jax
    _d = setup_inputs()
    print(jax.jit(kernel)(*tuple(_d.values())))

</pallas_src>

<mosaic_0001>
#map = affine_map<(d0, d1) -> (0, 0)>
#map1 = affine_map<(d0, d1) -> (0, 0, 0)>
module attributes {stable_mosaic.version = 14 : i64} {
  func.func @_deg_kernel(%arg0: i32, %arg1: i32, %arg2: memref<2048x128xf32, #tpu.memory_space<hbm>>, %arg3: memref<16x80x128xi32, #tpu.memory_space<hbm>>, %arg4: memref<2560x128xf32, #tpu.memory_space<hbm>>, %arg5: memref<2560x128xf32, #tpu.memory_space<hbm>>, %arg6: memref<80x128xi32, #tpu.memory_space<vmem>>, %arg7: memref<40x128xi32, #tpu.memory_space<vmem>>, %arg8: memref<40x128xi32, #tpu.memory_space<vmem>>, %arg9: memref<4x128x128xf32, #tpu.memory_space<vmem>>, %arg10: memref<1288x128xf32, #tpu.memory_space<vmem_shared>>, %arg11: memref<!tpu.dma_semaphore, #tpu.memory_space<semaphore_mem>>, %arg12: memref<!tpu.dma_semaphore, #tpu.memory_space<semaphore_mem>>, %arg13: memref<!tpu.dma_semaphore, #tpu.memory_space<semaphore_mem>>, %arg14: memref<!tpu.dma_semaphore, #tpu.memory_space<semaphore_mem>>) attributes {dimension_semantics = [#tpu.dimension_semantics<core_parallel>, #tpu.dimension_semantics<subcore_parallel>], iteration_bounds = array<i64: 2, 16>, scalar_prefetch = 0 : i64, scratch_operands = 9 : i64, tpu.core_type = #tpu.core_type<sc_vector_subcore>, window_params = [{transform_indices = #map}, {transform_indices = #map1}, {transform_indices = #map}, {transform_indices = #map}]} {
    "tpu.region"() ({
      %run_scoped3A = tpu.sem_alloc : memref<!tpu.dma_semaphore, #tpu.memory_space<semaphore_mem>>
      %dma_start3A = arith.constant 0 : i32
      %dma_start3A_21 = arith.constant 0 : i32
      %dma_start3A_22 = tpu.memref_slice %arg3[%arg1, %dma_start3A, %dma_start3A_21] : memref<16x80x128xi32, #tpu.memory_space<hbm>> -> memref<1x80x128xi32, #tpu.memory_space<hbm>>
      %dma_start3A_23 = tpu.memref_squeeze %dma_start3A_22 : memref<1x80x128xi32, #tpu.memory_space<hbm>> -> memref<80x128xi32, #tpu.memory_space<hbm>>
      %dma_start3A_24 = arith.constant 0 : i32
      %dma_start3A_25 = arith.constant 0 : i32
      %dma_start3A_26 = tpu.memref_slice %arg3[%arg1, %dma_start3A_24, %dma_start3A_25] : memref<16x80x128xi32, #tpu.memory_space<hbm>> -> memref<1x80x128xi32, #tpu.memory_space<hbm>>
      %dma_start3A_27 = tpu.memref_squeeze %dma_start3A_26 : memref<1x80x128xi32, #tpu.memory_space<hbm>> -> memref<80x128xi32, #tpu.memory_space<hbm>>
      tpu.enqueue_dma source(%dma_start3A_27 : memref<80x128xi32, #tpu.memory_space<hbm>>) target(%arg6 : memref<80x128xi32, #tpu.memory_space<vmem>>) target_semaphore(%run_scoped3A : memref<!tpu.dma_semaphore, #tpu.memory_space<semaphore_mem>>)
      %dma_wait3A = arith.constant 0 : i32
      %dma_wait3A_28 = arith.constant 0 : i32
      %dma_wait3A_29 = tpu.memref_slice %arg3[%arg1, %dma_wait3A, %dma_wait3A_28] : memref<16x80x128xi32, #tpu.memory_space<hbm>> -> memref<1x80x128xi32, #tpu.memory_space<hbm>>
      %dma_wait3A_30 = tpu.memref_squeeze %dma_wait3A_29 : memref<1x80x128xi32, #tpu.memory_space<hbm>> -> memref<80x128xi32, #tpu.memory_space<hbm>>
      %dma_wait3A_31 = arith.constant 0 : i32
      %dma_wait3A_32 = arith.constant 0 : i32
      %dma_wait3A_33 = tpu.memref_slice %arg3[%arg1, %dma_wait3A_31, %dma_wait3A_32] : memref<16x80x128xi32, #tpu.memory_space<hbm>> -> memref<1x80x128xi32, #tpu.memory_space<hbm>>
      %dma_wait3A_34 = tpu.memref_squeeze %dma_wait3A_33 : memref<1x80x128xi32, #tpu.memory_space<hbm>> -> memref<80x128xi32, #tpu.memory_space<hbm>>
      tpu.wait_dma2 semaphore(%run_scoped3A : memref<!tpu.dma_semaphore, #tpu.memory_space<semaphore_mem>>) src(%dma_wait3A_34 : memref<80x128xi32, #tpu.memory_space<hbm>>) dst(%arg6 : memref<80x128xi32, #tpu.memory_space<vmem>>)
      tpu.yield
    }) : () -> ()
    %scan3A = arith.constant 0 : i32
    %scan3A_0 = arith.constant 320 : i32
    %scan3A_1 = arith.addi %scan3A, %scan3A_0 : i32
    %scan3A_2 = arith.constant 1 : i32
    scf.for %scan3A_21 = %scan3A to %scan3A_1 step %scan3A_2  : i32 {
      %jit3A = arith.constant 8 : i32
      %div3A = arith.divsi %scan3A_21, %jit3A : i32
      %sign3A = arith.constant 0 : i32
      %sign3A_22 = arith.cmpi sgt, %scan3A_21, %sign3A : i32
      %sign3A_23 = arith.extui %sign3A_22 : i1 to i32
      %sign3A_24 = arith.constant 0 : i32
      %sign3A_25 = arith.cmpi slt, %scan3A_21, %sign3A_24 : i32
      %sign3A_26 = arith.extui %sign3A_25 : i1 to i32
      %sign3A_27 = arith.subi %sign3A_23, %sign3A_26 : i32
      %sign3A_28 = arith.constant 0 : i32
      %sign3A_29 = arith.cmpi sgt, %jit3A, %sign3A_28 : i32
      %sign3A_30 = arith.extui %sign3A_29 : i1 to i32
      %sign3A_31 = arith.constant 0 : i32
      %sign3A_32 = arith.cmpi slt, %jit3A, %sign3A_31 : i32
      %sign3A_33 = arith.extui %sign3A_32 : i1 to i32
      %sign3A_34 = arith.subi %sign3A_30, %sign3A_33 : i32
      %ne3A = arith.cmpi ne, %sign3A_27, %sign3A_34 : i32
      %rem3A = arith.remsi %scan3A_21, %jit3A : i32
      %ne3A_35 = arith.constant 0 : i32
      %ne3A_36 = arith.cmpi ne, %rem3A, %ne3A_35 : i32
      %and3A = arith.andi %ne3A, %ne3A_36 : i1
      %sub3A = arith.constant 1 : i32
      %sub3A_37 = arith.subi %div3A, %sub3A : i32
      %select_n3A = arith.select %and3A, %sub3A_37, %div3A : i32
      %jit3A_38 = arith.constant 8 : i32
      %eq3A_39 = arith.constant 0 : i32
      %eq3A_40 = arith.cmpi eq, %jit3A_38, %eq3A_39 : i32
      %jit3A_41 = arith.constant 1 : i32
      %select_n3A_42 = arith.select %eq3A_40, %jit3A_41, %jit3A_38 : i32
      %rem3A_43 = arith.remsi %scan3A_21, %select_n3A_42 : i32
      %ne3A_44 = arith.constant 0 : i32
      %ne3A_45 = arith.cmpi ne, %rem3A_43, %ne3A_44 : i32
      %lt3A = arith.constant 0 : i32
      %lt3A_46 = arith.cmpi slt, %rem3A_43, %lt3A : i32
      %lt3A_47 = arith.constant 0 : i32
      %lt3A_48 = arith.cmpi slt, %select_n3A_42, %lt3A_47 : i32
      %ne3A_49 = arith.xori %lt3A_46, %lt3A_48 : i1
      %and3A_50 = arith.andi %ne3A_49, %ne3A_45 : i1
      %add3A_51 = arith.addi %rem3A_43, %select_n3A_42 : i32
      %select_n3A_52 = arith.select %and3A_50, %add3A_51, %rem3A_43 : i32
      %mul3A_53 = arith.constant 16 : i32
      %mul3A_54 = arith.muli %select_n3A_52, %mul3A_53 : i32
      %mul3A_55 = arith.constant 40 : i32
      %mul3A_56 = arith.muli %arg0, %mul3A_55 : i32
      %add3A_57 = arith.addi %mul3A_56, %select_n3A : i32
      %get3A = arith.index_cast %add3A_57 : i32 to index
      %get3A_58 = arith.index_cast %mul3A_54 : i32 to index
      %get3A_59 = tpu.vector_load %arg6[%get3A, %get3A_58] {strides = array<i32>} : memref<80x128xi32, #tpu.memory_space<vmem>>, vector<1x16xi32>,
      %get3A_60 = vector.shape_cast %get3A_59 : vector<1x16xi32> to vector<16xi32>
      %and3A_61 = arith.constant 2047 : i32
      %and3A_62 = vector.broadcast %and3A_61 : i32 to vector<16xi32>
      %and3A_63 = arith.andi %get3A_60, %and3A_62 : vector<16xi32>
      %swap3A = arith.index_cast %select_n3A : i32 to index
      %swap3A_64 = arith.index_cast %mul3A_54 : i32 to index
      %swap3A_65 = tpu.vector_load %arg7[%swap3A, %swap3A_64] {strides = array<i32>} : memref<40x128xi32, #tpu.memory_space<vmem>>, vector<1x16xi32>,
      %swap3A_66 = vector.shape_cast %swap3A_65 : vector<1x16xi32> to vector<16xi32>
      %swap3A_67 = vector.shape_cast %and3A_63 : vector<16xi32> to vector<1x16xi32>
      tpu.vector_store %arg7[%swap3A, %swap3A_64], %swap3A_67 {strides = array<i32>} : memref<40x128xi32, #tpu.memory_space<vmem>>, vector<1x16xi32>,
      %shift_right_logical3A = arith.constant 3 : i32
      %shift_right_logical3A_68 = vector.broadcast %shift_right_logical3A : i32 to vector<16xi32>
      %shift_right_logical3A_69 = arith.shrui %get3A_60, %shift_right_logical3A_68 : vector<16xi32>
      %swap3A_70 = arith.index_cast %select_n3A : i32 to index
      %swap3A_71 = arith.index_cast %mul3A_54 : i32 to index
      %swap3A_72 = tpu.vector_load %arg8[%swap3A_70, %swap3A_71] {strides = array<i32>} : memref<40x128xi32, #tpu.memory_space<vmem>>, vector<1x16xi32>,
      %swap3A_73 = vector.shape_cast %swap3A_72 : vector<1x16xi32> to vector<16xi32>
      %swap3A_74 = vector.shape_cast %shift_right_logical3A_69 : vector<16xi32> to vector<1x16xi32>
      tpu.vector_store %arg8[%swap3A_70, %swap3A_71], %swap3A_74 {strides = array<i32>} : memref<40x128xi32, #tpu.memory_space<vmem>>, vector<1x16xi32>,
    }
    %scan3A_3 = arith.constant 320 : i32
    %mul3A = arith.constant 80 : i32
    %mul3A_4 = arith.muli %arg1, %mul3A : i32
    %mul3A_5 = arith.constant 80 : i32
    %mul3A_6 = arith.muli %arg1, %mul3A_5 : i32
    "tpu.region"() ({
      %run_scoped3A = tpu.sem_alloc : memref<!tpu.dma_semaphore, #tpu.memory_space<semaphore_mem>>
      %dma_start3A = arith.constant 0 : i32
      %dma_start3A_21 = tpu.memref_slice %arg10[%mul3A_6, %dma_start3A] : memref<1288x128xf32, #tpu.memory_space<vmem_shared>> -> memref<80x128xf32, #tpu.memory_space<vmem_shared>>
      %dma_start3A_22 = arith.constant 0 : i32
      %dma_start3A_23 = tpu.memref_slice %arg4[%mul3A_4, %dma_start3A_22] : memref<2560x128xf32, #tpu.memory_space<hbm>> -> memref<80x128xf32, #tpu.memory_space<hbm>>
      tpu.enqueue_dma source(%dma_start3A_23 : memref<80x128xf32, #tpu.memory_space<hbm>>) target(%dma_start3A_21 : memref<80x128xf32, #tpu.memory_space<vmem_shared>>) target_semaphore(%run_scoped3A : memref<!tpu.dma_semaphore, #tpu.memory_space<semaphore_mem>>)
      %dma_wait3A = arith.constant 0 : i32
      %dma_wait3A_24 = tpu.memref_slice %arg10[%mul3A_6, %dma_wait3A] : memref<1288x128xf32, #tpu.memory_space<vmem_shared>> -> memref<80x128xf32, #tpu.memory_space<vmem_shared>>
      %dma_wait3A_25 = arith.constant 0 : i32
      %dma_wait3A_26 = tpu.memref_slice %arg4[%mul3A_4, %dma_wait3A_25] : memref<2560x128xf32, #tpu.memory_space<hbm>> -> memref<80x128xf32, #tpu.memory_space<hbm>>
      tpu.wait_dma2 semaphore(%run_scoped3A : memref<!tpu.dma_semaphore, #tpu.memory_space<semaphore_mem>>) src(%dma_wait3A_26 : memref<80x128xf32, #tpu.memory_space<hbm>>) dst(%dma_wait3A_24 : memref<80x128xf32, #tpu.memory_space<vmem_shared>>)
      tpu.yield
    }) : () -> ()
    %eq3A = arith.constant 0 : i32
    %eq3A_7 = arith.cmpi eq, %arg1, %eq3A : i32
    %convert_element_type3A = arith.extui %eq3A_7 : i1 to i32
    %cond3A = arith.constant 0 : i32
    %cond3A_8 = arith.cmpi ne, %convert_element_type3A, %cond3A : i32
    scf.if %cond3A_8 {
      "tpu.region"() ({
        %run_scoped3A = tpu.sem_alloc : memref<!tpu.dma_semaphore, #tpu.memory_space<semaphore_mem>>
        %dma_start3A = arith.constant 1280 : i32
        %dma_start3A_21 = arith.constant 0 : i32
        %dma_start3A_22 = tpu.memref_slice %arg10[%dma_start3A, %dma_start3A_21] : memref<1288x128xf32, #tpu.memory_space<vmem_shared>> -> memref<8x128xf32, #tpu.memory_space<vmem_shared>>
        %dma_start3A_23 = arith.constant 0 : i32
        %dma_start3A_24 = arith.constant 0 : i32
        %dma_start3A_25 = tpu.memref_slice %arg4[%dma_start3A_23, %dma_start3A_24] : memref<2560x128xf32, #tpu.memory_space<hbm>> -> memref<8x128xf32, #tpu.memory_space<hbm>>
        tpu.enqueue_dma source(%dma_start3A_25 : memref<8x128xf32, #tpu.memory_space<hbm>>) target(%dma_start3A_22 : memref<8x128xf32, #tpu.memory_space<vmem_shared>>) target_semaphore(%run_scoped3A : memref<!tpu.dma_semaphore, #tpu.memory_space<semaphore_mem>>)
        %dma_wait3A = arith.constant 1280 : i32
        %dma_wait3A_26 = arith.constant 0 : i32
        %dma_wait3A_27 = tpu.memref_slice %arg10[%dma_wait3A, %dma_wait3A_26] : memref<1288x128xf32, #tpu.memory_space<vmem_shared>> -> memref<8x128xf32, #tpu.memory_space<vmem_shared>>
        %dma_wait3A_28 = arith.constant 0 : i32
        %dma_wait3A_29 = arith.constant 0 : i32
        %dma_wait3A_30 = tpu.memref_slice %arg4[%dma_wait3A_28, %dma_wait3A_29] : memref<2560x128xf32, #tpu.memory_space<hbm>> -> memref<8x128xf32, #tpu.memory_space<hbm>>
        tpu.wait_dma2 semaphore(%run_scoped3A : memref<!tpu.dma_semaphore, #tpu.memory_space<semaphore_mem>>) src(%dma_wait3A_30 : memref<8x128xf32, #tpu.memory_space<hbm>>) dst(%dma_wait3A_27 : memref<8x128xf32, #tpu.memory_space<vmem_shared>>)
        tpu.yield
      }) : () -> ()
    } else {
    }
    %barrier3A = arith.constant 0 : index
    tpu.barrier barrier_id(%barrier3A)
    %scan3A_9 = arith.constant 0 : i32
    %scan3A_10 = arith.constant 10 : i32
    %scan3A_11 = arith.addi %scan3A_9, %scan3A_10 : i32
    %scan3A_12 = arith.constant 1 : i32
    scf.for %scan3A_21 = %scan3A_9 to %scan3A_11 step %scan3A_12  : i32 {
      %mul3A_22 = arith.constant 4 : i32
      %mul3A_23 = arith.muli %mul3A_22, %scan3A_21 : i32
      %add3A_24 = arith.constant 0 : i32
      %add3A_25 = arith.addi %mul3A_23, %add3A_24 : i32
      %dma_start3A = arith.constant 0 : i32
      %dma_start3A_26 = arith.constant 0 : i32
      %dma_start3A_27 = arith.constant 0 : i32
      %dma_start3A_28 = tpu.memref_slice %arg9[%dma_start3A, %dma_start3A_26, %dma_start3A_27] : memref<4x128x128xf32, #tpu.memory_space<vmem>> -> memref<1x128x128xf32, #tpu.memory_space<vmem>>
      %dma_start3A_29 = tpu.memref_squeeze %dma_start3A_28 : memref<1x128x128xf32, #tpu.memory_space<vmem>> -> memref<128x128xf32, #tpu.memory_space<vmem>>
      %dma_start3A_30 = arith.constant 0 : i32
      %dma_start3A_31 = tpu.memref_slice %arg7[%add3A_25, %dma_start3A_30] : memref<40x128xi32, #tpu.memory_space<vmem>> -> memref<1x128xi32, #tpu.memory_space<vmem>>
      %dma_start3A_32 = tpu.memref_squeeze %dma_start3A_31 : memref<1x128xi32, #tpu.memory_space<vmem>> -> memref<128xi32, #tpu.memory_space<vmem>>
      %dma_start3A_33 = arith.constant 0 : i32
      %dma_start3A_34 = arith.constant 0 : i32
      %dma_start3A_35 = tpu.memref_slice %arg2[%dma_start3A_33, %dma_start3A_34] : memref<2048x128xf32, #tpu.memory_space<hbm>> -> memref<2048x128xf32, #tpu.memory_space<hbm>>
      tpu.enqueue_indirect_dma source(%dma_start3A_35 : memref<2048x128xf32, #tpu.memory_space<hbm>>) target(%dma_start3A_29 : memref<128x128xf32, #tpu.memory_space<vmem>>) offsets(%dma_start3A_32 : memref<128xi32, #tpu.memory_space<vmem>>) semaphore(%arg11 : memref<!tpu.dma_semaphore, #tpu.memory_space<semaphore_mem>>)
      %mul3A_36 = arith.constant 4 : i32
      %mul3A_37 = arith.muli %mul3A_36, %scan3A_21 : i32
      %add3A_38 = arith.constant 1 : i32
      %add3A_39 = arith.addi %mul3A_37, %add3A_38 : i32
      %dma_start3A_40 = arith.constant 1 : i32
      %dma_start3A_41 = arith.constant 0 : i32
      %dma_start3A_42 = arith.constant 0 : i32
      %dma_start3A_43 = tpu.memref_slice %arg9[%dma_start3A_40, %dma_start3A_41, %dma_start3A_42] : memref<4x128x128xf32, #tpu.memory_space<vmem>> -> memref<1x128x128xf32, #tpu.memory_space<vmem>>
      %dma_start3A_44 = tpu.memref_squeeze %dma_start3A_43 : memref<1x128x128xf32, #tpu.memory_space<vmem>> -> memref<128x128xf32, #tpu.memory_space<vmem>>
      %dma_start3A_45 = arith.constant 0 : i32
      %dma_start3A_46 = tpu.memref_slice %arg7[%add3A_39, %dma_start3A_45] : memref<40x128xi32, #tpu.memory_space<vmem>> -> memref<1x128xi32, #tpu.memory_space<vmem>>
      %dma_start3A_47 = tpu.memref_squeeze %dma_start3A_46 : memref<1x128xi32, #tpu.memory_space<vmem>> -> memref<128xi32, #tpu.memory_space<vmem>>
      %dma_start3A_48 = arith.constant 0 : i32
      %dma_start3A_49 = arith.constant 0 : i32
      %dma_start3A_50 = tpu.memref_slice %arg2[%dma_start3A_48, %dma_start3A_49] : memref<2048x128xf32, #tpu.memory_space<hbm>> -> memref<2048x128xf32, #tpu.memory_space<hbm>>
      tpu.enqueue_indirect_dma source(%dma_start3A_50 : memref<2048x128xf32, #tpu.memory_space<hbm>>) target(%dma_start3A_44 : memref<128x128xf32, #tpu.memory_space<vmem>>) offsets(%dma_start3A_47 : memref<128xi32, #tpu.memory_space<vmem>>) semaphore(%arg12 : memref<!tpu.dma_semaphore, #tpu.memory_space<semaphore_mem>>)
      %mul3A_51 = arith.constant 4 : i32
      %mul3A_52 = arith.muli %mul3A_51, %scan3A_21 : i32
      %add3A_53 = arith.constant 2 : i32
      %add3A_54 = arith.addi %mul3A_52, %add3A_53 : i32
      %dma_start3A_55 = arith.constant 2 : i32
      %dma_start3A_56 = arith.constant 0 : i32
      %dma_start3A_57 = arith.constant 0 : i32
      %dma_start3A_58 = tpu.memref_slice %arg9[%dma_start3A_55, %dma_start3A_56, %dma_start3A_57] : memref<4x128x128xf32, #tpu.memory_space<vmem>> -> memref<1x128x128xf32, #tpu.memory_space<vmem>>
      %dma_start3A_59 = tpu.memref_squeeze %dma_start3A_58 : memref<1x128x128xf32, #tpu.memory_space<vmem>> -> memref<128x128xf32, #tpu.memory_space<vmem>>
      %dma_start3A_60 = arith.constant 0 : i32
      %dma_start3A_61 = tpu.memref_slice %arg7[%add3A_54, %dma_start3A_60] : memref<40x128xi32, #tpu.memory_space<vmem>> -> memref<1x128xi32, #tpu.memory_space<vmem>>
      %dma_start3A_62 = tpu.memref_squeeze %dma_start3A_61 : memref<1x128xi32, #tpu.memory_space<vmem>> -> memref<128xi32, #tpu.memory_space<vmem>>
      %dma_start3A_63 = arith.constant 0 : i32
      %dma_start3A_64 = arith.constant 0 : i32
      %dma_start3A_65 = tpu.memref_slice %arg2[%dma_start3A_63, %dma_start3A_64] : memref<2048x128xf32, #tpu.memory_space<hbm>> -> memref<2048x128xf32, #tpu.memory_space<hbm>>
      tpu.enqueue_indirect_dma source(%dma_start3A_65 : memref<2048x128xf32, #tpu.memory_space<hbm>>) target(%dma_start3A_59 : memref<128x128xf32, #tpu.memory_space<vmem>>) offsets(%dma_start3A_62 : memref<128xi32, #tpu.memory_space<vmem>>) semaphore(%arg13 : memref<!tpu.dma_semaphore, #tpu.memory_space<semaphore_mem>>)
      %mul3A_66 = arith.constant 4 : i32
      %mul3A_67 = arith.muli %mul3A_66, %scan3A_21 : i32
      %add3A_68 = arith.constant 3 : i32
      %add3A_69 = arith.addi %mul3A_67, %add3A_68 : i32
      %dma_start3A_70 = arith.constant 3 : i32
      %dma_start3A_71 = arith.constant 0 : i32
      %dma_start3A_72 = arith.constant 0 : i32
      %dma_start3A_73 = tpu.memref_slice %arg9[%dma_start3A_70, %dma_start3A_71, %dma_start3A_72] : memref<4x128x128xf32, #tpu.memory_space<vmem>> -> memref<1x128x128xf32, #tpu.memory_space<vmem>>
      %dma_start3A_74 = tpu.memref_squeeze %dma_start3A_73 : memref<1x128x128xf32, #tpu.memory_space<vmem>> -> memref<128x128xf32, #tpu.memory_space<vmem>>
      %dma_start3A_75 = arith.constant 0 : i32
      %dma_start3A_76 = tpu.memref_slice %arg7[%add3A_69, %dma_start3A_75] : memref<40x128xi32, #tpu.memory_space<vmem>> -> memref<1x128xi32, #tpu.memory_space<vmem>>
      %dma_start3A_77 = tpu.memref_squeeze %dma_start3A_76 : memref<1x128xi32, #tpu.memory_space<vmem>> -> memref<128xi32, #tpu.memory_space<vmem>>
      %dma_start3A_78 = arith.constant 0 : i32
      %dma_start3A_79 = arith.constant 0 : i32
      %dma_start3A_80 = tpu.memref_slice %arg2[%dma_start3A_78, %dma_start3A_79] : memref<2048x128xf32, #tpu.memory_space<hbm>> -> memref<2048x128xf32, #tpu.memory_space<hbm>>
      tpu.enqueue_indirect_dma source(%dma_start3A_80 : memref<2048x128xf32, #tpu.memory_space<hbm>>) target(%dma_start3A_74 : memref<128x128xf32, #tpu.memory_space<vmem>>) offsets(%dma_start3A_77 : memref<128xi32, #tpu.memory_space<vmem>>) semaphore(%arg14 : memref<!tpu.dma_semaphore, #tpu.memory_space<semaphore_mem>>)
      %dma_wait3A = arith.constant 0 : i32
      %dma_wait3A_81 = arith.constant 0 : i32
      %dma_wait3A_82 = arith.constant 0 : i32
      %dma_wait3A_83 = tpu.memref_slice %arg9[%dma_wait3A, %dma_wait3A_81, %dma_wait3A_82] : memref<4x128x128xf32, #tpu.memory_space<vmem>> -> memref<1x128x128xf32, #tpu.memory_space<vmem>>
      %dma_wait3A_84 = tpu.memref_squeeze %dma_wait3A_83 : memref<1x128x128xf32, #tpu.memory_space<vmem>> -> memref<128x128xf32, #tpu.memory_space<vmem>>
      %dma_wait3A_85 = arith.constant 0 : i32
      %dma_wait3A_86 = tpu.memref_slice %arg7[%add3A_25, %dma_wait3A_85] : memref<40x128xi32, #tpu.memory_space<vmem>> -> memref<1x128xi32, #tpu.memory_space<vmem>>
      %dma_wait3A_87 = tpu.memref_squeeze %dma_wait3A_86 : memref<1x128xi32, #tpu.memory_space<vmem>> -> memref<128xi32, #tpu.memory_space<vmem>>
      %dma_wait3A_88 = arith.constant 0 : i32
      %dma_wait3A_89 = arith.constant 0 : i32
      %dma_wait3A_90 = tpu.memref_slice %arg2[%dma_wait3A_88, %dma_wait3A_89] : memref<2048x128xf32, #tpu.memory_space<hbm>> -> memref<2048x128xf32, #tpu.memory_space<hbm>>
      tpu.wait_indirect_dma semaphore(%arg11 : memref<!tpu.dma_semaphore, #tpu.memory_space<semaphore_mem>>) src(%dma_wait3A_90 : memref<2048x128xf32, #tpu.memory_space<hbm>>) dst(%dma_wait3A_84 : memref<128x128xf32, #tpu.memory_space<vmem>>)
      %dma_wait3A_91 = arith.constant 1 : i32
      %dma_wait3A_92 = arith.constant 0 : i32
      %dma_wait3A_93 = arith.constant 0 : i32
      %dma_wait3A_94 = tpu.memref_slice %arg9[%dma_wait3A_91, %dma_wait3A_92, %dma_wait3A_93] : memref<4x128x128xf32, #tpu.memory_space<vmem>> -> memref<1x128x128xf32, #tpu.memory_space<vmem>>
      %dma_wait3A_95 = tpu.memref_squeeze %dma_wait3A_94 : memref<1x128x128xf32, #tpu.memory_space<vmem>> -> memref<128x128xf32, #tpu.memory_space<vmem>>
      %dma_wait3A_96 = arith.constant 0 : i32
      %dma_wait3A_97 = tpu.memref_slice %arg7[%add3A_39, %dma_wait3A_96] : memref<40x128xi32, #tpu.memory_space<vmem>> -> memref<1x128xi32, #tpu.memory_space<vmem>>
      %dma_wait3A_98 = tpu.memref_squeeze %dma_wait3A_97 : memref<1x128xi32, #tpu.memory_space<vmem>> -> memref<128xi32, #tpu.memory_space<vmem>>
      %dma_wait3A_99 = arith.constant 0 : i32
      %dma_wait3A_100 = arith.constant 0 : i32
      %dma_wait3A_101 = tpu.memref_slice %arg2[%dma_wait3A_99, %dma_wait3A_100] : memref<2048x128xf32, #tpu.memory_space<hbm>> -> memref<2048x128xf32, #tpu.memory_space<hbm>>
      tpu.wait_indirect_dma semaphore(%arg12 : memref<!tpu.dma_semaphore, #tpu.memory_space<semaphore_mem>>) src(%dma_wait3A_101 : memref<2048x128xf32, #tpu.memory_space<hbm>>) dst(%dma_wait3A_95 : memref<128x128xf32, #tpu.memory_space<vmem>>)
      %dma_wait3A_102 = arith.constant 2 : i32
      %dma_wait3A_103 = arith.constant 0 : i32
      %dma_wait3A_104 = arith.constant 0 : i32
      %dma_wait3A_105 = tpu.memref_slice %arg9[%dma_wait3A_102, %dma_wait3A_103, %dma_wait3A_104] : memref<4x128x128xf32, #tpu.memory_space<vmem>> -> memref<1x128x128xf32, #tpu.memory_space<vmem>>
      %dma_wait3A_106 = tpu.memref_squeeze %dma_wait3A_105 : memref<1x128x128xf32, #tpu.memory_space<vmem>> -> memref<128x128xf32, #tpu.memory_space<vmem>>
      %dma_wait3A_107 = arith.constant 0 : i32
      %dma_wait3A_108 = tpu.memref_slice %arg7[%add3A_54, %dma_wait3A_107] : memref<40x128xi32, #tpu.memory_space<vmem>> -> memref<1x128xi32, #tpu.memory_space<vmem>>
      %dma_wait3A_109 = tpu.memref_squeeze %dma_wait3A_108 : memref<1x128xi32, #tpu.memory_space<vmem>> -> memref<128xi32, #tpu.memory_space<vmem>>
      %dma_wait3A_110 = arith.constant 0 : i32
      %dma_wait3A_111 = arith.constant 0 : i32
      %dma_wait3A_112 = tpu.memref_slice %arg2[%dma_wait3A_110, %dma_wait3A_111] : memref<2048x128xf32, #tpu.memory_space<hbm>> -> memref<2048x128xf32, #tpu.memory_space<hbm>>
      tpu.wait_indirect_dma semaphore(%arg13 : memref<!tpu.dma_semaphore, #tpu.memory_space<semaphore_mem>>) src(%dma_wait3A_112 : memref<2048x128xf32, #tpu.memory_space<hbm>>) dst(%dma_wait3A_106 : memref<128x128xf32, #tpu.memory_space<vmem>>)
      %dma_wait3A_113 = arith.constant 3 : i32
      %dma_wait3A_114 = arith.constant 0 : i32
      %dma_wait3A_115 = arith.constant 0 : i32
      %dma_wait3A_116 = tpu.memref_slice %arg9[%dma_wait3A_113, %dma_wait3A_114, %dma_wait3A_115] : memref<4x128x128xf32, #tpu.memory_space<vmem>> -> memref<1x128x128xf32, #tpu.memory_space<vmem>>
      %dma_wait3A_117 = tpu.memref_squeeze %dma_wait3A_116 : memref<1x128x128xf32, #tpu.memory_space<vmem>> -> memref<128x128xf32, #tpu.memory_space<vmem>>
      %dma_wait3A_118 = arith.constant 0 : i32
      %dma_wait3A_119 = tpu.memref_slice %arg7[%add3A_69, %dma_wait3A_118] : memref<40x128xi32, #tpu.memory_space<vmem>> -> memref<1x128xi32, #tpu.memory_space<vmem>>
      %dma_wait3A_120 = tpu.memref_squeeze %dma_wait3A_119 : memref<1x128xi32, #tpu.memory_space<vmem>> -> memref<128xi32, #tpu.memory_space<vmem>>
      %dma_wait3A_121 = arith.constant 0 : i32
      %dma_wait3A_122 = arith.constant 0 : i32
      %dma_wait3A_123 = tpu.memref_slice %arg2[%dma_wait3A_121, %dma_wait3A_122] : memref<2048x128xf32, #tpu.memory_space<hbm>> -> memref<2048x128xf32, #tpu.memory_space<hbm>>
      tpu.wait_indirect_dma semaphore(%arg14 : memref<!tpu.dma_semaphore, #tpu.memory_space<semaphore_mem>>) src(%dma_wait3A_123 : memref<2048x128xf32, #tpu.memory_space<hbm>>) dst(%dma_wait3A_117 : memref<128x128xf32, #tpu.memory_space<vmem>>)
      %mul3A_124 = arith.constant 4 : i32
      %mul3A_125 = arith.muli %mul3A_124, %scan3A_21 : i32
      %add3A_126 = arith.constant 0 : i32
      %add3A_127 = arith.addi %mul3A_125, %add3A_126 : i32
      %run_scoped3A = arith.constant 0 : i32
      "tpu.region"() ({
        %run_scoped3A_143 = tpu.sem_alloc : memref<!tpu.dma_semaphore, #tpu.memory_space<semaphore_mem>>
        %dma_start3A_144 = arith.constant 0 : i32
        %dma_start3A_145 = arith.constant 0 : i32
        %dma_start3A_146 = tpu.memref_slice %arg9[%run_scoped3A, %dma_start3A_144, %dma_start3A_145] : memref<4x128x128xf32, #tpu.memory_space<vmem>> -> memref<1x128x128xf32, #tpu.memory_space<vmem>>
        %dma_start3A_147 = tpu.memref_squeeze %dma_start3A_146 : memref<1x128x128xf32, #tpu.memory_space<vmem>> -> memref<128x128xf32, #tpu.memory_space<vmem>>
        %dma_start3A_148 = arith.constant 0 : i32
        %dma_start3A_149 = tpu.memref_slice %arg8[%add3A_127, %dma_start3A_148] : memref<40x128xi32, #tpu.memory_space<vmem>> -> memref<1x128xi32, #tpu.memory_space<vmem>>
        %dma_start3A_150 = tpu.memref_squeeze %dma_start3A_149 : memref<1x128xi32, #tpu.memory_space<vmem>> -> memref<128xi32, #tpu.memory_space<vmem>>
        %dma_start3A_151 = arith.constant 0 : i32
        %dma_start3A_152 = arith.constant 0 : i32
        %dma_start3A_153 = tpu.memref_slice %arg10[%dma_start3A_151, %dma_start3A_152] : memref<1288x128xf32, #tpu.memory_space<vmem_shared>> -> memref<1288x128xf32, #tpu.memory_space<vmem_shared>>
        tpu.enqueue_indirect_dma source(%dma_start3A_147 : memref<128x128xf32, #tpu.memory_space<vmem>>) target(%dma_start3A_153 : memref<1288x128xf32, #tpu.memory_space<vmem_shared>>) offsets(%dma_start3A_150 : memref<128xi32, #tpu.memory_space<vmem>>) semaphore(%run_scoped3A_143 : memref<!tpu.dma_semaphore, #tpu.memory_space<semaphore_mem>>) {add = true}
        %dma_wait3A_154 = arith.constant 0 : i32
        %dma_wait3A_155 = arith.constant 0 : i32
        %dma_wait3A_156 = tpu.memref_slice %arg9[%run_scoped3A, %dma_wait3A_154, %dma_wait3A_155] : memref<4x128x128xf32, #tpu.memory_space<vmem>> -> memref<1x128x128xf32, #tpu.memory_space<vmem>>
        %dma_wait3A_157 = tpu.memref_squeeze %dma_wait3A_156 : memref<1x128x128xf32, #tpu.memory_space<vmem>> -> memref<128x128xf32, #tpu.memory_space<vmem>>
        %dma_wait3A_158 = arith.constant 0 : i32
        %dma_wait3A_159 = tpu.memref_slice %arg8[%add3A_127, %dma_wait3A_158] : memref<40x128xi32, #tpu.memory_space<vmem>> -> memref<1x128xi32, #tpu.memory_space<vmem>>
        %dma_wait3A_160 = tpu.memref_squeeze %dma_wait3A_159 : memref<1x128xi32, #tpu.memory_space<vmem>> -> memref<128xi32, #tpu.memory_space<vmem>>
        %dma_wait3A_161 = arith.constant 0 : i32
        %dma_wait3A_162 = arith.constant 0 : i32
        %dma_wait3A_163 = tpu.memref_slice %arg10[%dma_wait3A_161, %dma_wait3A_162] : memref<1288x128xf32, #tpu.memory_space<vmem_shared>> -> memref<1288x128xf32, #tpu.memory_space<vmem_shared>>
        tpu.wait_indirect_dma semaphore(%run_scoped3A_143 : memref<!tpu.dma_semaphore, #tpu.memory_space<semaphore_mem>>) src(%dma_wait3A_157 : memref<128x128xf32, #tpu.memory_space<vmem>>) dst(%dma_wait3A_163 : memref<1288x128xf32, #tpu.memory_space<vmem_shared>>)
        tpu.yield
      }) : () -> ()
      %mul3A_128 = arith.constant 4 : i32
      %mul3A_129 = arith.muli %mul3A_128, %scan3A_21 : i32
      %add3A_130 = arith.constant 1 : i32
      %add3A_131 = arith.addi %mul3A_129, %add3A_130 : i32
      %run_scoped3A_132 = arith.constant 1 : i32
      "tpu.region"() ({
        %run_scoped3A_143 = tpu.sem_alloc : memref<!tpu.dma_semaphore, #tpu.memory_space<semaphore_mem>>
        %dma_start3A_144 = arith.constant 0 : i32
        %dma_start3A_145 = arith.constant 0 : i32
        %dma_start3A_146 = tpu.memref_slice %arg9[%run_scoped3A_132, %dma_start3A_144, %dma_start3A_145] : memref<4x128x128xf32, #tpu.memory_space<vmem>> -> memref<1x128x128xf32, #tpu.memory_space<vmem>>
        %dma_start3A_147 = tpu.memref_squeeze %dma_start3A_146 : memref<1x128x128xf32, #tpu.memory_space<vmem>> -> memref<128x128xf32, #tpu.memory_space<vmem>>
        %dma_start3A_148 = arith.constant 0 : i32
        %dma_start3A_149 = tpu.memref_slice %arg8[%add3A_131, %dma_start3A_148] : memref<40x128xi32, #tpu.memory_space<vmem>> -> memref<1x128xi32, #tpu.memory_space<vmem>>
        %dma_start3A_150 = tpu.memref_squeeze %dma_start3A_149 : memref<1x128xi32, #tpu.memory_space<vmem>> -> memref<128xi32, #tpu.memory_space<vmem>>
        %dma_start3A_151 = arith.constant 0 : i32
        %dma_start3A_152 = arith.constant 0 : i32
        %dma_start3A_153 = tpu.memref_slice %arg10[%dma_start3A_151, %dma_start3A_152] : memref<1288x128xf32, #tpu.memory_space<vmem_shared>> -> memref<1288x128xf32, #tpu.memory_space<vmem_shared>>
        tpu.enqueue_indirect_dma source(%dma_start3A_147 : memref<128x128xf32, #tpu.memory_space<vmem>>) target(%dma_start3A_153 : memref<1288x128xf32, #tpu.memory_space<vmem_shared>>) offsets(%dma_start3A_150 : memref<128xi32, #tpu.memory_space<vmem>>) semaphore(%run_scoped3A_143 : memref<!tpu.dma_semaphore, #tpu.memory_space<semaphore_mem>>) {add = true}
        %dma_wait3A_154 = arith.constant 0 : i32
        %dma_wait3A_155 = arith.constant 0 : i32
        %dma_wait3A_156 = tpu.memref_slice %arg9[%run_scoped3A_132, %dma_wait3A_154, %dma_wait3A_155] : memref<4x128x128xf32, #tpu.memory_space<vmem>> -> memref<1x128x128xf32, #tpu.memory_space<vmem>>
        %dma_wait3A_157 = tpu.memref_squeeze %dma_wait3A_156 : memref<1x128x128xf32, #tpu.memory_space<vmem>> -> memref<128x128xf32, #tpu.memory_space<vmem>>
        %dma_wait3A_158 = arith.constant 0 : i32
        %dma_wait3A_159 = tpu.memref_slice %arg8[%add3A_131, %dma_wait3A_158] : memref<40x128xi32, #tpu.memory_space<vmem>> -> memref<1x128xi32, #tpu.memory_space<vmem>>
        %dma_wait3A_160 = tpu.memref_squeeze %dma_wait3A_159 : memref<1x128xi32, #tpu.memory_space<vmem>> -> memref<128xi32, #tpu.memory_space<vmem>>
        %dma_wait3A_161 = arith.constant 0 : i32
        %dma_wait3A_162 = arith.constant 0 : i32
        %dma_wait3A_163 = tpu.memref_slice %arg10[%dma_wait3A_161, %dma_wait3A_162] : memref<1288x128xf32, #tpu.memory_space<vmem_shared>> -> memref<1288x128xf32, #tpu.memory_space<vmem_shared>>
        tpu.wait_indirect_dma semaphore(%run_scoped3A_143 : memref<!tpu.dma_semaphore, #tpu.memory_space<semaphore_mem>>) src(%dma_wait3A_157 : memref<128x128xf32, #tpu.memory_space<vmem>>) dst(%dma_wait3A_163 : memref<1288x128xf32, #tpu.memory_space<vmem_shared>>)
        tpu.yield
      }) : () -> ()
      %mul3A_133 = arith.constant 4 : i32
      %mul3A_134 = arith.muli %mul3A_133, %scan3A_21 : i32
      %add3A_135 = arith.constant 2 : i32
      %add3A_136 = arith.addi %mul3A_134, %add3A_135 : i32
      %run_scoped3A_137 = arith.constant 2 : i32
      "tpu.region"() ({
        %run_scoped3A_143 = tpu.sem_alloc : memref<!tpu.dma_semaphore, #tpu.memory_space<semaphore_mem>>
        %dma_start3A_144 = arith.constant 0 : i32
        %dma_start3A_145 = arith.constant 0 : i32
        %dma_start3A_146 = tpu.memref_slice %arg9[%run_scoped3A_137, %dma_start3A_144, %dma_start3A_145] : memref<4x128x128xf32, #tpu.memory_space<vmem>> -> memref<1x128x128xf32, #tpu.memory_space<vmem>>
        %dma_start3A_147 = tpu.memref_squeeze %dma_start3A_146 : memref<1x128x128xf32, #tpu.memory_space<vmem>> -> memref<128x128xf32, #tpu.memory_space<vmem>>
        %dma_start3A_148 = arith.constant 0 : i32
        %dma_start3A_149 = tpu.memref_slice %arg8[%add3A_136, %dma_start3A_148] : memref<40x128xi32, #tpu.memory_space<vmem>> -> memref<1x128xi32, #tpu.memory_space<vmem>>
        %dma_start3A_150 = tpu.memref_squeeze %dma_start3A_149 : memref<1x128xi32, #tpu.memory_space<vmem>> -> memref<128xi32, #tpu.memory_space<vmem>>
        %dma_start3A_151 = arith.constant 0 : i32
        %dma_start3A_152 = arith.constant 0 : i32
        %dma_start3A_153 = tpu.memref_slice %arg10[%dma_start3A_151, %dma_start3A_152] : memref<1288x128xf32, #tpu.memory_space<vmem_shared>> -> memref<1288x128xf32, #tpu.memory_space<vmem_shared>>
        tpu.enqueue_indirect_dma source(%dma_start3A_147 : memref<128x128xf32, #tpu.memory_space<vmem>>) target(%dma_start3A_153 : memref<1288x128xf32, #tpu.memory_space<vmem_shared>>) offsets(%dma_start3A_150 : memref<128xi32, #tpu.memory_space<vmem>>) semaphore(%run_scoped3A_143 : memref<!tpu.dma_semaphore, #tpu.memory_space<semaphore_mem>>) {add = true}
        %dma_wait3A_154 = arith.constant 0 : i32
        %dma_wait3A_155 = arith.constant 0 : i32
        %dma_wait3A_156 = tpu.memref_slice %arg9[%run_scoped3A_137, %dma_wait3A_154, %dma_wait3A_155] : memref<4x128x128xf32, #tpu.memory_space<vmem>> -> memref<1x128x128xf32, #tpu.memory_space<vmem>>
        %dma_wait3A_157 = tpu.memref_squeeze %dma_wait3A_156 : memref<1x128x128xf32, #tpu.memory_space<vmem>> -> memref<128x128xf32, #tpu.memory_space<vmem>>
        %dma_wait3A_158 = arith.constant 0 : i32
        %dma_wait3A_159 = tpu.memref_slice %arg8[%add3A_136, %dma_wait3A_158] : memref<40x128xi32, #tpu.memory_space<vmem>> -> memref<1x128xi32, #tpu.memory_space<vmem>>
        %dma_wait3A_160 = tpu.memref_squeeze %dma_wait3A_159 : memref<1x128xi32, #tpu.memory_space<vmem>> -> memref<128xi32, #tpu.memory_space<vmem>>
        %dma_wait3A_161 = arith.constant 0 : i32
        %dma_wait3A_162 = arith.constant 0 : i32
        %dma_wait3A_163 = tpu.memref_slice %arg10[%dma_wait3A_161, %dma_wait3A_162] : memref<1288x128xf32, #tpu.memory_space<vmem_shared>> -> memref<1288x128xf32, #tpu.memory_space<vmem_shared>>
        tpu.wait_indirect_dma semaphore(%run_scoped3A_143 : memref<!tpu.dma_semaphore, #tpu.memory_space<semaphore_mem>>) src(%dma_wait3A_157 : memref<128x128xf32, #tpu.memory_space<vmem>>) dst(%dma_wait3A_163 : memref<1288x128xf32, #tpu.memory_space<vmem_shared>>)
        tpu.yield
      }) : () -> ()
      %mul3A_138 = arith.constant 4 : i32
      %mul3A_139 = arith.muli %mul3A_138, %scan3A_21 : i32
      %add3A_140 = arith.constant 3 : i32
      %add3A_141 = arith.addi %mul3A_139, %add3A_140 : i32
      %run_scoped3A_142 = arith.constant 3 : i32
      "tpu.region"() ({
        %run_scoped3A_143 = tpu.sem_alloc : memref<!tpu.dma_semaphore, #tpu.memory_space<semaphore_mem>>
        %dma_start3A_144 = arith.constant 0 : i32
        %dma_start3A_145 = arith.constant 0 : i32
        %dma_start3A_146 = tpu.memref_slice %arg9[%run_scoped3A_142, %dma_start3A_144, %dma_start3A_145] : memref<4x128x128xf32, #tpu.memory_space<vmem>> -> memref<1x128x128xf32, #tpu.memory_space<vmem>>
        %dma_start3A_147 = tpu.memref_squeeze %dma_start3A_146 : memref<1x128x128xf32, #tpu.memory_space<vmem>> -> memref<128x128xf32, #tpu.memory_space<vmem>>
        %dma_start3A_148 = arith.constant 0 : i32
        %dma_start3A_149 = tpu.memref_slice %arg8[%add3A_141, %dma_start3A_148] : memref<40x128xi32, #tpu.memory_space<vmem>> -> memref<1x128xi32, #tpu.memory_space<vmem>>
        %dma_start3A_150 = tpu.memref_squeeze %dma_start3A_149 : memref<1x128xi32, #tpu.memory_space<vmem>> -> memref<128xi32, #tpu.memory_space<vmem>>
        %dma_start3A_151 = arith.constant 0 : i32
        %dma_start3A_152 = arith.constant 0 : i32
        %dma_start3A_153 = tpu.memref_slice %arg10[%dma_start3A_151, %dma_start3A_152] : memref<1288x128xf32, #tpu.memory_space<vmem_shared>> -> memref<1288x128xf32, #tpu.memory_space<vmem_shared>>
        tpu.enqueue_indirect_dma source(%dma_start3A_147 : memref<128x128xf32, #tpu.memory_space<vmem>>) target(%dma_start3A_153 : memref<1288x128xf32, #tpu.memory_space<vmem_shared>>) offsets(%dma_start3A_150 : memref<128xi32, #tpu.memory_space<vmem>>) semaphore(%run_scoped3A_143 : memref<!tpu.dma_semaphore, #tpu.memory_space<semaphore_mem>>) {add = true}
        %dma_wait3A_154 = arith.constant 0 : i32
        %dma_wait3A_155 = arith.constant 0 : i32
        %dma_wait3A_156 = tpu.memref_slice %arg9[%run_scoped3A_142, %dma_wait3A_154, %dma_wait3A_155] : memref<4x128x128xf32, #tpu.memory_space<vmem>> -> memref<1x128x128xf32, #tpu.memory_space<vmem>>
        %dma_wait3A_157 = tpu.memref_squeeze %dma_wait3A_156 : memref<1x128x128xf32, #tpu.memory_space<vmem>> -> memref<128x128xf32, #tpu.memory_space<vmem>>
        %dma_wait3A_158 = arith.constant 0 : i32
        %dma_wait3A_159 = tpu.memref_slice %arg8[%add3A_141, %dma_wait3A_158] : memref<40x128xi32, #tpu.memory_space<vmem>> -> memref<1x128xi32, #tpu.memory_space<vmem>>
        %dma_wait3A_160 = tpu.memref_squeeze %dma_wait3A_159 : memref<1x128xi32, #tpu.memory_space<vmem>> -> memref<128xi32, #tpu.memory_space<vmem>>
        %dma_wait3A_161 = arith.constant 0 : i32
        %dma_wait3A_162 = arith.constant 0 : i32
        %dma_wait3A_163 = tpu.memref_slice %arg10[%dma_wait3A_161, %dma_wait3A_162] : memref<1288x128xf32, #tpu.memory_space<vmem_shared>> -> memref<1288x128xf32, #tpu.memory_space<vmem_shared>>
        tpu.wait_indirect_dma semaphore(%run_scoped3A_143 : memref<!tpu.dma_semaphore, #tpu.memory_space<semaphore_mem>>) src(%dma_wait3A_157 : memref<128x128xf32, #tpu.memory_space<vmem>>) dst(%dma_wait3A_163 : memref<1288x128xf32, #tpu.memory_space<vmem_shared>>)
        tpu.yield
      }) : () -> ()
    }
    %scan3A_13 = arith.constant 10 : i32
    %barrier3A_14 = arith.constant 0 : index
    tpu.barrier barrier_id(%barrier3A_14)
    %mul3A_15 = arith.constant 80 : i32
    %mul3A_16 = arith.muli %arg1, %mul3A_15 : i32
    %mul3A_17 = arith.constant 1280 : i32
    %mul3A_18 = arith.muli %arg0, %mul3A_17 : i32
    %mul3A_19 = arith.constant 80 : i32
    %mul3A_20 = arith.muli %arg1, %mul3A_19 : i32
    %add3A = arith.addi %mul3A_18, %mul3A_20 : i32
    "tpu.region"() ({
      %run_scoped3A = tpu.sem_alloc : memref<!tpu.dma_semaphore, #tpu.memory_space<semaphore_mem>>
      %dma_start3A = arith.constant 0 : i32
      %dma_start3A_21 = tpu.memref_slice %arg5[%add3A, %dma_start3A] : memref<2560x128xf32, #tpu.memory_space<hbm>> -> memref<80x128xf32, #tpu.memory_space<hbm>>
      %dma_start3A_22 = arith.constant 0 : i32
      %dma_start3A_23 = tpu.memref_slice %arg10[%mul3A_16, %dma_start3A_22] : memref<1288x128xf32, #tpu.memory_space<vmem_shared>> -> memref<80x128xf32, #tpu.memory_space<vmem_shared>>
      tpu.enqueue_dma source(%dma_start3A_23 : memref<80x128xf32, #tpu.memory_space<vmem_shared>>) target(%dma_start3A_21 : memref<80x128xf32, #tpu.memory_space<hbm>>) target_semaphore(%run_scoped3A : memref<!tpu.dma_semaphore, #tpu.memory_space<semaphore_mem>>)
      %dma_wait3A = arith.constant 0 : i32
      %dma_wait3A_24 = tpu.memref_slice %arg5[%add3A, %dma_wait3A] : memref<2560x128xf32, #tpu.memory_space<hbm>> -> memref<80x128xf32, #tpu.memory_space<hbm>>
      %dma_wait3A_25 = arith.constant 0 : i32
      %dma_wait3A_26 = tpu.memref_slice %arg10[%mul3A_16, %dma_wait3A_25] : memref<1288x128xf32, #tpu.memory_space<vmem_shared>> -> memref<80x128xf32, #tpu.memory_space<vmem_shared>>
      tpu.wait_dma2 semaphore(%run_scoped3A : memref<!tpu.dma_semaphore, #tpu.memory_space<semaphore_mem>>) src(%dma_wait3A_26 : memref<80x128xf32, #tpu.memory_space<vmem_shared>>) dst(%dma_wait3A_24 : memref<80x128xf32, #tpu.memory_space<hbm>>)
      tpu.yield
    }) : () -> ()
    return
  }
}

#map = affine_map<(d0, d1) -> (0, 0)>
#map1 = affine_map<(d0, d1) -> (0, 0, 0)>
module attributes {stable_mosaic.version = 14 : i64} {
  func.func @_agg_kernel(%arg0: i32, %arg1: i32, %arg2: memref<20480x128xf32, #tpu.memory_space<hbm>>, %arg3: memref<16x80x128xi32, #tpu.memory_space<hbm>>, %arg4: memref<16x80x128xi32, #tpu.memory_space<hbm>>, %arg5: memref<2560x128xf32, #tpu.memory_space<hbm>>, %arg6: memref<20480x128xf32, #tpu.memory_space<hbm>>, %arg7: memref<80x128xi32, #tpu.memory_space<vmem>>, %arg8: memref<80x128xi32, #tpu.memory_space<vmem>>, %arg9: memref<80x128xi32, #tpu.memory_space<vmem>>, %arg10: memref<4x128x128xf32, #tpu.memory_space<vmem>>, %arg11: memref<2576x128xf32, #tpu.memory_space<vmem_shared>>, %arg12: memref<!tpu.dma_semaphore, #tpu.memory_space<semaphore_mem>>, %arg13: memref<!tpu.dma_semaphore, #tpu.memory_space<semaphore_mem>>, %arg14: memref<!tpu.dma_semaphore, #tpu.memory_space<semaphore_mem>>, %arg15: memref<!tpu.dma_semaphore, #tpu.memory_space<semaphore_mem>>) attributes {dimension_semantics = [#tpu.dimension_semantics<core_parallel>, #tpu.dimension_semantics<subcore_parallel>], iteration_bounds = array<i64: 2, 16>, scalar_prefetch = 0 : i64, scratch_operands = 9 : i64, tpu.core_type = #tpu.core_type<sc_vector_subcore>, window_params = [{transform_indices = #map}, {transform_indices = #map1}, {transform_indices = #map1}, {transform_indices = #map}, {transform_indices = #map}]} {
    "tpu.region"() ({
      %run_scoped3A = tpu.sem_alloc : memref<!tpu.dma_semaphore, #tpu.memory_space<semaphore_mem>>
      %dma_start3A = arith.constant 0 : i32
      %dma_start3A_136 = arith.constant 0 : i32
      %dma_start3A_137 = tpu.memref_slice %arg3[%arg1, %dma_start3A, %dma_start3A_136] : memref<16x80x128xi32, #tpu.memory_space<hbm>> -> memref<1x80x128xi32, #tpu.memory_space<hbm>>
      %dma_start3A_138 = tpu.memref_squeeze %dma_start3A_137 : memref<1x80x128xi32, #tpu.memory_space<hbm>> -> memref<80x128xi32, #tpu.memory_space<hbm>>
      %dma_start3A_139 = arith.constant 0 : i32
      %dma_start3A_140 = arith.constant 0 : i32
      %dma_start3A_141 = tpu.memref_slice %arg3[%arg1, %dma_start3A_139, %dma_start3A_140] : memref<16x80x128xi32, #tpu.memory_space<hbm>> -> memref<1x80x128xi32, #tpu.memory_space<hbm>>
      %dma_start3A_142 = tpu.memref_squeeze %dma_start3A_141 : memref<1x80x128xi32, #tpu.memory_space<hbm>> -> memref<80x128xi32, #tpu.memory_space<hbm>>
      tpu.enqueue_dma source(%dma_start3A_142 : memref<80x128xi32, #tpu.memory_space<hbm>>) target(%arg7 : memref<80x128xi32, #tpu.memory_space<vmem>>) target_semaphore(%run_scoped3A : memref<!tpu.dma_semaphore, #tpu.memory_space<semaphore_mem>>)
      %dma_wait3A = arith.constant 0 : i32
      %dma_wait3A_143 = arith.constant 0 : i32
      %dma_wait3A_144 = tpu.memref_slice %arg3[%arg1, %dma_wait3A, %dma_wait3A_143] : memref<16x80x128xi32, #tpu.memory_space<hbm>> -> memref<1x80x128xi32, #tpu.memory_space<hbm>>
      %dma_wait3A_145 = tpu.memref_squeeze %dma_wait3A_144 : memref<1x80x128xi32, #tpu.memory_space<hbm>> -> memref<80x128xi32, #tpu.memory_space<hbm>>
      %dma_wait3A_146 = arith.constant 0 : i32
      %dma_wait3A_147 = arith.constant 0 : i32
      %dma_wait3A_148 = tpu.memref_slice %arg3[%arg1, %dma_wait3A_146, %dma_wait3A_147] : memref<16x80x128xi32, #tpu.memory_space<hbm>> -> memref<1x80x128xi32, #tpu.memory_space<hbm>>
      %dma_wait3A_149 = tpu.memref_squeeze %dma_wait3A_148 : memref<1x80x128xi32, #tpu.memory_space<hbm>> -> memref<80x128xi32, #tpu.memory_space<hbm>>
      tpu.wait_dma2 semaphore(%run_scoped3A : memref<!tpu.dma_semaphore, #tpu.memory_space<semaphore_mem>>) src(%dma_wait3A_149 : memref<80x128xi32, #tpu.memory_space<hbm>>) dst(%arg7 : memref<80x128xi32, #tpu.memory_space<vmem>>)
      tpu.yield
    }) : () -> ()
    "tpu.region"() ({
      %run_scoped3A = tpu.sem_alloc : memref<!tpu.dma_semaphore, #tpu.memory_space<semaphore_mem>>
      %dma_start3A = arith.constant 0 : i32
      %dma_start3A_136 = arith.constant 0 : i32
      %dma_start3A_137 = tpu.memref_slice %arg4[%arg1, %dma_start3A, %dma_start3A_136] : memref<16x80x128xi32, #tpu.memory_space<hbm>> -> memref<1x80x128xi32, #tpu.memory_space<hbm>>
      %dma_start3A_138 = tpu.memref_squeeze %dma_start3A_137 : memref<1x80x128xi32, #tpu.memory_space<hbm>> -> memref<80x128xi32, #tpu.memory_space<hbm>>
      %dma_start3A_139 = arith.constant 0 : i32
      %dma_start3A_140 = arith.constant 0 : i32
      %dma_start3A_141 = tpu.memref_slice %arg4[%arg1, %dma_start3A_139, %dma_start3A_140] : memref<16x80x128xi32, #tpu.memory_space<hbm>> -> memref<1x80x128xi32, #tpu.memory_space<hbm>>
      %dma_start3A_142 = tpu.memref_squeeze %dma_start3A_141 : memref<1x80x128xi32, #tpu.memory_space<hbm>> -> memref<80x128xi32, #tpu.memory_space<hbm>>
      tpu.enqueue_dma source(%dma_start3A_142 : memref<80x128xi32, #tpu.memory_space<hbm>>) target(%arg8 : memref<80x128xi32, #tpu.memory_space<vmem>>) target_semaphore(%run_scoped3A : memref<!tpu.dma_semaphore, #tpu.memory_space<semaphore_mem>>)
      %dma_wait3A = arith.constant 0 : i32
      %dma_wait3A_143 = arith.constant 0 : i32
      %dma_wait3A_144 = tpu.memref_slice %arg4[%arg1, %dma_wait3A, %dma_wait3A_143] : memref<16x80x128xi32, #tpu.memory_space<hbm>> -> memref<1x80x128xi32, #tpu.memory_space<hbm>>
      %dma_wait3A_145 = tpu.memref_squeeze %dma_wait3A_144 : memref<1x80x128xi32, #tpu.memory_space<hbm>> -> memref<80x128xi32, #tpu.memory_space<hbm>>
      %dma_wait3A_146 = arith.constant 0 : i32
      %dma_wait3A_147 = arith.constant 0 : i32
      %dma_wait3A_148 = tpu.memref_slice %arg4[%arg1, %dma_wait3A_146, %dma_wait3A_147] : memref<16x80x128xi32, #tpu.memory_space<hbm>> -> memref<1x80x128xi32, #tpu.memory_space<hbm>>
      %dma_wait3A_149 = tpu.memref_squeeze %dma_wait3A_148 : memref<1x80x128xi32, #tpu.memory_space<hbm>> -> memref<80x128xi32, #tpu.memory_space<hbm>>
      tpu.wait_dma2 semaphore(%run_scoped3A : memref<!tpu.dma_semaphore, #tpu.memory_space<semaphore_mem>>) src(%dma_wait3A_149 : memref<80x128xi32, #tpu.memory_space<hbm>>) dst(%arg8 : memref<80x128xi32, #tpu.memory_space<vmem>>)
      tpu.yield
    }) : () -> ()
    %eq3A = arith.constant 1 : i32
    %eq3A_0 = arith.cmpi eq, %arg0, %eq3A : i32
    %convert_element_type3A = arith.extui %eq3A_0 : i1 to i32
    %cond3A = arith.constant 0 : i32
    %cond3A_1 = arith.cmpi ne, %convert_element_type3A, %cond3A : i32
    scf.if %cond3A_1 {
      %scan3A_136 = arith.constant 0 : i32
      %scan3A_137 = arith.constant 640 : i32
      %scan3A_138 = arith.addi %scan3A_136, %scan3A_137 : i32
      %scan3A_139 = arith.constant 1 : i32
      scf.for %scan3A_141 = %scan3A_136 to %scan3A_138 step %scan3A_139  : i32 {
        %jit3A = arith.constant 8 : i32
        %div3A = arith.divsi %scan3A_141, %jit3A : i32
        %sign3A = arith.constant 0 : i32
        %sign3A_142 = arith.cmpi sgt, %scan3A_141, %sign3A : i32
        %sign3A_143 = arith.extui %sign3A_142 : i1 to i32
        %sign3A_144 = arith.constant 0 : i32
        %sign3A_145 = arith.cmpi slt, %scan3A_141, %sign3A_144 : i32
        %sign3A_146 = arith.extui %sign3A_145 : i1 to i32
        %sign3A_147 = arith.subi %sign3A_143, %sign3A_146 : i32
        %sign3A_148 = arith.constant 0 : i32
        %sign3A_149 = arith.cmpi sgt, %jit3A, %sign3A_148 : i32
        %sign3A_150 = arith.extui %sign3A_149 : i1 to i32
        %sign3A_151 = arith.constant 0 : i32
        %sign3A_152 = arith.cmpi slt, %jit3A, %sign3A_151 : i32
        %sign3A_153 = arith.extui %sign3A_152 : i1 to i32
        %sign3A_154 = arith.subi %sign3A_150, %sign3A_153 : i32
        %ne3A = arith.cmpi ne, %sign3A_147, %sign3A_154 : i32
        %rem3A = arith.remsi %scan3A_141, %jit3A : i32
        %ne3A_155 = arith.constant 0 : i32
        %ne3A_156 = arith.cmpi ne, %rem3A, %ne3A_155 : i32
        %and3A = arith.andi %ne3A, %ne3A_156 : i1
        %sub3A = arith.constant 1 : i32
        %sub3A_157 = arith.subi %div3A, %sub3A : i32
        %select_n3A = arith.select %and3A, %sub3A_157, %div3A : i32
        %jit3A_158 = arith.constant 8 : i32
        %eq3A_159 = arith.constant 0 : i32
        %eq3A_160 = arith.cmpi eq, %jit3A_158, %eq3A_159 : i32
        %jit3A_161 = arith.constant 1 : i32
        %select_n3A_162 = arith.select %eq3A_160, %jit3A_161, %jit3A_158 : i32
        %rem3A_163 = arith.remsi %scan3A_141, %select_n3A_162 : i32
        %ne3A_164 = arith.constant 0 : i32
        %ne3A_165 = arith.cmpi ne, %rem3A_163, %ne3A_164 : i32
        %lt3A = arith.constant 0 : i32
        %lt3A_166 = arith.cmpi slt, %rem3A_163, %lt3A : i32
        %lt3A_167 = arith.constant 0 : i32
        %lt3A_168 = arith.cmpi slt, %select_n3A_162, %lt3A_167 : i32
        %ne3A_169 = arith.xori %lt3A_166, %lt3A_168 : i1
        %and3A_170 = arith.andi %ne3A_169, %ne3A_165 : i1
        %add3A_171 = arith.addi %rem3A_163, %select_n3A_162 : i32
        %select_n3A_172 = arith.select %and3A_170, %add3A_171, %rem3A_163 : i32
        %mul3A_173 = arith.constant 16 : i32
        %mul3A_174 = arith.muli %select_n3A_172, %mul3A_173 : i32
        %get3A = arith.index_cast %select_n3A : i32 to index
        %get3A_175 = arith.index_cast %mul3A_174 : i32 to index
        %get3A_176 = tpu.vector_load %arg7[%get3A, %get3A_175] {strides = array<i32>} : memref<80x128xi32, #tpu.memory_space<vmem>>, vector<1x16xi32>,
        %get3A_177 = vector.shape_cast %get3A_176 : vector<1x16xi32> to vector<16xi32>
        %add3A_178 = arith.constant 10240 : i32
        %add3A_179 = vector.broadcast %add3A_178 : i32 to vector<16xi32>
        %add3A_180 = arith.addi %get3A_177, %add3A_179 : vector<16xi32>
        %swap3A = arith.index_cast %select_n3A : i32 to index
        %swap3A_181 = arith.index_cast %mul3A_174 : i32 to index
        %swap3A_182 = tpu.vector_load %arg7[%swap3A, %swap3A_181] {strides = array<i32>} : memref<80x128xi32, #tpu.memory_space<vmem>>, vector<1x16xi32>,
        %swap3A_183 = vector.shape_cast %swap3A_182 : vector<1x16xi32> to vector<16xi32>
        %swap3A_184 = vector.shape_cast %add3A_180 : vector<16xi32> to vector<1x16xi32>
        tpu.vector_store %arg7[%swap3A, %swap3A_181], %swap3A_184 {strides = array<i32>} : memref<80x128xi32, #tpu.memory_space<vmem>>, vector<1x16xi32>,
      }
      %scan3A_140 = arith.constant 640 : i32
    } else {
    }
    %iota3A = tpu.iota {dimensions = array<i32: 0>} : vector<16xi32>
    %add3A = arith.constant 2560 : i32
    %add3A_2 = vector.broadcast %add3A : i32 to vector<16xi32>
    %add3A_3 = arith.addi %add3A_2, %iota3A : vector<16xi32>
    %scan3A = arith.constant 0 : i32
    %scan3A_4 = arith.constant 640 : i32
    %scan3A_5 = arith.addi %scan3A, %scan3A_4 : i32
    %scan3A_6 = arith.constant 1 : i32
    scf.for %scan3A_136 = %scan3A to %scan3A_5 step %scan3A_6  : i32 {
      %jit3A = arith.constant 8 : i32
      %div3A = arith.divsi %scan3A_136, %jit3A : i32
      %sign3A = arith.constant 0 : i32
      %sign3A_137 = arith.cmpi sgt, %scan3A_136, %sign3A : i32
      %sign3A_138 = arith.extui %sign3A_137 : i1 to i32
      %sign3A_139 = arith.constant 0 : i32
      %sign3A_140 = arith.cmpi slt, %scan3A_136, %sign3A_139 : i32
      %sign3A_141 = arith.extui %sign3A_140 : i1 to i32
      %sign3A_142 = arith.subi %sign3A_138, %sign3A_141 : i32
      %sign3A_143 = arith.constant 0 : i32
      %sign3A_144 = arith.cmpi sgt, %jit3A, %sign3A_143 : i32
      %sign3A_145 = arith.extui %sign3A_144 : i1 to i32
      %sign3A_146 = arith.constant 0 : i32
      %sign3A_147 = arith.cmpi slt, %jit3A, %sign3A_146 : i32
      %sign3A_148 = arith.extui %sign3A_147 : i1 to i32
      %sign3A_149 = arith.subi %sign3A_145, %sign3A_148 : i32
      %ne3A = arith.cmpi ne, %sign3A_142, %sign3A_149 : i32
      %rem3A = arith.remsi %scan3A_136, %jit3A : i32
      %ne3A_150 = arith.constant 0 : i32
      %ne3A_151 = arith.cmpi ne, %rem3A, %ne3A_150 : i32
      %and3A = arith.andi %ne3A, %ne3A_151 : i1
      %sub3A = arith.constant 1 : i32
      %sub3A_152 = arith.subi %div3A, %sub3A : i32
      %select_n3A = arith.select %and3A, %sub3A_152, %div3A : i32
      %jit3A_153 = arith.constant 8 : i32
      %eq3A_154 = arith.constant 0 : i32
      %eq3A_155 = arith.cmpi eq, %jit3A_153, %eq3A_154 : i32
      %jit3A_156 = arith.constant 1 : i32
      %select_n3A_157 = arith.select %eq3A_155, %jit3A_156, %jit3A_153 : i32
      %rem3A_158 = arith.remsi %scan3A_136, %select_n3A_157 : i32
      %ne3A_159 = arith.constant 0 : i32
      %ne3A_160 = arith.cmpi ne, %rem3A_158, %ne3A_159 : i32
      %lt3A = arith.constant 0 : i32
      %lt3A_161 = arith.cmpi slt, %rem3A_158, %lt3A : i32
      %lt3A_162 = arith.constant 0 : i32
      %lt3A_163 = arith.cmpi slt, %select_n3A_157, %lt3A_162 : i32
      %ne3A_164 = arith.xori %lt3A_161, %lt3A_163 : i1
      %and3A_165 = arith.andi %ne3A_164, %ne3A_160 : i1
      %add3A_166 = arith.addi %rem3A_158, %select_n3A_157 : i32
      %select_n3A_167 = arith.select %and3A_165, %add3A_166, %rem3A_158 : i32
      %mul3A_168 = arith.constant 16 : i32
      %mul3A_169 = arith.muli %select_n3A_167, %mul3A_168 : i32
      %get3A = arith.index_cast %select_n3A : i32 to index
      %get3A_170 = arith.index_cast %mul3A_169 : i32 to index
      %get3A_171 = tpu.vector_load %arg8[%get3A, %get3A_170] {strides = array<i32>} : memref<80x128xi32, #tpu.memory_space<vmem>>, vector<1x16xi32>,
      %get3A_172 = vector.shape_cast %get3A_171 : vector<1x16xi32> to vector<16xi32>
      %sub3A_173 = arith.constant 0 : i32
      %sub3A_174 = vector.broadcast %sub3A_173 : i32 to vector<16xi32>
      %sub3A_175 = arith.subi %get3A_172, %sub3A_174 : vector<16xi32>
      %ge3A = arith.constant 0 : i32
      %ge3A_176 = vector.broadcast %ge3A : i32 to vector<16xi32>
      %ge3A_177 = arith.cmpi sge, %sub3A_175, %ge3A_176 : vector<16xi32>
      %lt3A_178 = arith.constant 2560 : i32
      %lt3A_179 = vector.broadcast %lt3A_178 : i32 to vector<16xi32>
      %lt3A_180 = arith.cmpi slt, %sub3A_175, %lt3A_179 : vector<16xi32>
      %and3A_181 = arith.andi %ge3A_177, %lt3A_180 : vector<16xi1>
      %select_n3A_182 = arith.select %and3A_181, %sub3A_175, %add3A_3 : vector<16xi1>, vector<16xi32>
      %swap3A = arith.index_cast %select_n3A : i32 to index
      %swap3A_183 = arith.index_cast %mul3A_169 : i32 to index
      %swap3A_184 = tpu.vector_load %arg9[%swap3A, %swap3A_183] {strides = array<i32>} : memref<80x128xi32, #tpu.memory_space<vmem>>, vector<1x16xi32>,
      %swap3A_185 = vector.shape_cast %swap3A_184 : vector<1x16xi32> to vector<16xi32>
      %swap3A_186 = vector.shape_cast %select_n3A_182 : vector<16xi32> to vector<1x16xi32>
      tpu.vector_store %arg9[%swap3A, %swap3A_183], %swap3A_186 {strides = array<i32>} : memref<80x128xi32, #tpu.memory_space<vmem>>, vector<1x16xi32>,
    }
    %scan3A_7 = arith.constant 640 : i32
    %mul3A = arith.constant 160 : i32
    %mul3A_8 = arith.muli %arg1, %mul3A : i32
    %mul3A_9 = arith.constant 160 : i32
    %mul3A_10 = arith.muli %arg1, %mul3A_9 : i32
    "tpu.region"() ({
      %run_scoped3A = tpu.sem_alloc : memref<!tpu.dma_semaphore, #tpu.memory_space<semaphore_mem>>
      %dma_start3A = arith.constant 0 : i32
      %dma_start3A_136 = tpu.memref_slice %arg11[%mul3A_10, %dma_start3A] : memref<2576x128xf32, #tpu.memory_space<vmem_shared>> -> memref<160x128xf32, #tpu.memory_space<vmem_shared>>
      %dma_start3A_137 = arith.constant 0 : i32
      %dma_start3A_138 = tpu.memref_slice %arg5[%mul3A_8, %dma_start3A_137] : memref<2560x128xf32, #tpu.memory_space<hbm>> -> memref<160x128xf32, #tpu.memory_space<hbm>>
      tpu.enqueue_dma source(%dma_start3A_138 : memref<160x128xf32, #tpu.memory_space<hbm>>) target(%dma_start3A_136 : memref<160x128xf32, #tpu.memory_space<vmem_shared>>) target_semaphore(%run_scoped3A : memref<!tpu.dma_semaphore, #tpu.memory_space<semaphore_mem>>)
      %dma_wait3A = arith.constant 0 : i32
      %dma_wait3A_139 = tpu.memref_slice %arg11[%mul3A_10, %dma_wait3A] : memref<2576x128xf32, #tpu.memory_space<vmem_shared>> -> memref<160x128xf32, #tpu.memory_space<vmem_shared>>
      %dma_wait3A_140 = arith.constant 0 : i32
      %dma_wait3A_141 = tpu.memref_slice %arg5[%mul3A_8, %dma_wait3A_140] : memref<2560x128xf32, #tpu.memory_space<hbm>> -> memref<160x128xf32, #tpu.memory_space<hbm>>
      tpu.wait_dma2 semaphore(%run_scoped3A : memref<!tpu.dma_semaphore, #tpu.memory_space<semaphore_mem>>) src(%dma_wait3A_141 : memref<160x128xf32, #tpu.memory_space<hbm>>) dst(%dma_wait3A_139 : memref<160x128xf32, #tpu.memory_space<vmem_shared>>)
      tpu.yield
    }) : () -> ()
    %eq3A_11 = arith.constant 0 : i32
    %eq3A_12 = arith.cmpi eq, %arg1, %eq3A_11 : i32
    %convert_element_type3A_13 = arith.extui %eq3A_12 : i1 to i32
    %cond3A_14 = arith.constant 0 : i32
    %cond3A_15 = arith.cmpi ne, %convert_element_type3A_13, %cond3A_14 : i32
    scf.if %cond3A_15 {
      "tpu.region"() ({
        %run_scoped3A = tpu.sem_alloc : memref<!tpu.dma_semaphore, #tpu.memory_space<semaphore_mem>>
        %dma_start3A = arith.constant 2560 : i32
        %dma_start3A_136 = arith.constant 0 : i32
        %dma_start3A_137 = tpu.memref_slice %arg11[%dma_start3A, %dma_start3A_136] : memref<2576x128xf32, #tpu.memory_space<vmem_shared>> -> memref<16x128xf32, #tpu.memory_space<vmem_shared>>
        %dma_start3A_138 = arith.constant 0 : i32
        %dma_start3A_139 = arith.constant 0 : i32
        %dma_start3A_140 = tpu.memref_slice %arg5[%dma_start3A_138, %dma_start3A_139] : memref<2560x128xf32, #tpu.memory_space<hbm>> -> memref<16x128xf32, #tpu.memory_space<hbm>>
        tpu.enqueue_dma source(%dma_start3A_140 : memref<16x128xf32, #tpu.memory_space<hbm>>) target(%dma_start3A_137 : memref<16x128xf32, #tpu.memory_space<vmem_shared>>) target_semaphore(%run_scoped3A : memref<!tpu.dma_semaphore, #tpu.memory_space<semaphore_mem>>)
        %dma_wait3A = arith.constant 2560 : i32
        %dma_wait3A_141 = arith.constant 0 : i32
        %dma_wait3A_142 = tpu.memref_slice %arg11[%dma_wait3A, %dma_wait3A_141] : memref<2576x128xf32, #tpu.memory_space<vmem_shared>> -> memref<16x128xf32, #tpu.memory_space<vmem_shared>>
        %dma_wait3A_143 = arith.constant 0 : i32
        %dma_wait3A_144 = arith.constant 0 : i32
        %dma_wait3A_145 = tpu.memref_slice %arg5[%dma_wait3A_143, %dma_wait3A_144] : memref<2560x128xf32, #tpu.memory_space<hbm>> -> memref<16x128xf32, #tpu.memory_space<hbm>>
        tpu.wait_dma2 semaphore(%run_scoped3A : memref<!tpu.dma_semaphore, #tpu.memory_space<semaphore_mem>>) src(%dma_wait3A_145 : memref<16x128xf32, #tpu.memory_space<hbm>>) dst(%dma_wait3A_142 : memref<16x128xf32, #tpu.memory_space<vmem_shared>>)
        tpu.yield
      }) : () -> ()
    } else {
    }
    %barrier3A = arith.constant 0 : index
    tpu.barrier barrier_id(%barrier3A)
    %scan3A_16 = arith.constant 0 : i32
    %scan3A_17 = arith.constant 20 : i32
    %scan3A_18 = arith.addi %scan3A_16, %scan3A_17 : i32
    %scan3A_19 = arith.constant 1 : i32
    scf.for %scan3A_136 = %scan3A_16 to %scan3A_18 step %scan3A_19  : i32 {
      %mul3A_137 = arith.constant 4 : i32
      %mul3A_138 = arith.muli %mul3A_137, %scan3A_136 : i32
      %add3A_139 = arith.constant 0 : i32
      %add3A_140 = arith.addi %mul3A_138, %add3A_139 : i32
      %dma_start3A = arith.constant 0 : i32
      %dma_start3A_141 = arith.constant 0 : i32
      %dma_start3A_142 = arith.constant 0 : i32
      %dma_start3A_143 = tpu.memref_slice %arg10[%dma_start3A, %dma_start3A_141, %dma_start3A_142] : memref<4x128x128xf32, #tpu.memory_space<vmem>> -> memref<1x128x128xf32, #tpu.memory_space<vmem>>
      %dma_start3A_144 = tpu.memref_squeeze %dma_start3A_143 : memref<1x128x128xf32, #tpu.memory_space<vmem>> -> memref<128x128xf32, #tpu.memory_space<vmem>>
      %dma_start3A_145 = arith.constant 0 : i32
      %dma_start3A_146 = tpu.memref_slice %arg7[%add3A_140, %dma_start3A_145] : memref<80x128xi32, #tpu.memory_space<vmem>> -> memref<1x128xi32, #tpu.memory_space<vmem>>
      %dma_start3A_147 = tpu.memref_squeeze %dma_start3A_146 : memref<1x128xi32, #tpu.memory_space<vmem>> -> memref<128xi32, #tpu.memory_space<vmem>>
      %dma_start3A_148 = arith.constant 0 : i32
      %dma_start3A_149 = arith.constant 0 : i32
      %dma_start3A_150 = tpu.memref_slice %arg2[%dma_start3A_148, %dma_start3A_149] : memref<20480x128xf32, #tpu.memory_space<hbm>> -> memref<20480x128xf32, #tpu.memory_space<hbm>>
      tpu.enqueue_indirect_dma source(%dma_start3A_150 : memref<20480x128xf32, #tpu.memory_space<hbm>>) target(%dma_start3A_144 : memref<128x128xf32, #tpu.memory_space<vmem>>) offsets(%dma_start3A_147 : memref<128xi32, #tpu.memory_space<vmem>>) semaphore(%arg12 : memref<!tpu.dma_semaphore, #tpu.memory_space<semaphore_mem>>)
      %mul3A_151 = arith.constant 4 : i32
      %mul3A_152 = arith.muli %mul3A_151, %scan3A_136 : i32
      %add3A_153 = arith.constant 1 : i32
      %add3A_154 = arith.addi %mul3A_152, %add3A_153 : i32
      %dma_start3A_155 = arith.constant 1 : i32
      %dma_start3A_156 = arith.constant 0 : i32
      %dma_start3A_157 = arith.constant 0 : i32
      %dma_start3A_158 = tpu.memref_slice %arg10[%dma_start3A_155, %dma_start3A_156, %dma_start3A_157] : memref<4x128x128xf32, #tpu.memory_space<vmem>> -> memref<1x128x128xf32, #tpu.memory_space<vmem>>
      %dma_start3A_159 = tpu.memref_squeeze %dma_start3A_158 : memref<1x128x128xf32, #tpu.memory_space<vmem>> -> memref<128x128xf32, #tpu.memory_space<vmem>>
      %dma_start3A_160 = arith.constant 0 : i32
      %dma_start3A_161 = tpu.memref_slice %arg7[%add3A_154, %dma_start3A_160] : memref<80x128xi32, #tpu.memory_space<vmem>> -> memref<1x128xi32, #tpu.memory_space<vmem>>
      %dma_start3A_162 = tpu.memref_squeeze %dma_start3A_161 : memref<1x128xi32, #tpu.memory_space<vmem>> -> memref<128xi32, #tpu.memory_space<vmem>>
      %dma_start3A_163 = arith.constant 0 : i32
      %dma_start3A_164 = arith.constant 0 : i32
      %dma_start3A_165 = tpu.memref_slice %arg2[%dma_start3A_163, %dma_start3A_164] : memref<20480x128xf32, #tpu.memory_space<hbm>> -> memref<20480x128xf32, #tpu.memory_space<hbm>>
      tpu.enqueue_indirect_dma source(%dma_start3A_165 : memref<20480x128xf32, #tpu.memory_space<hbm>>) target(%dma_start3A_159 : memref<128x128xf32, #tpu.memory_space<vmem>>) offsets(%dma_start3A_162 : memref<128xi32, #tpu.memory_space<vmem>>) semaphore(%arg13 : memref<!tpu.dma_semaphore, #tpu.memory_space<semaphore_mem>>)
      %mul3A_166 = arith.constant 4 : i32
      %mul3A_167 = arith.muli %mul3A_166, %scan3A_136 : i32
      %add3A_168 = arith.constant 2 : i32
      %add3A_169 = arith.addi %mul3A_167, %add3A_168 : i32
      %dma_start3A_170 = arith.constant 2 : i32
      %dma_start3A_171 = arith.constant 0 : i32
      %dma_start3A_172 = arith.constant 0 : i32
      %dma_start3A_173 = tpu.memref_slice %arg10[%dma_start3A_170, %dma_start3A_171, %dma_start3A_172] : memref<4x128x128xf32, #tpu.memory_space<vmem>> -> memref<1x128x128xf32, #tpu.memory_space<vmem>>
      %dma_start3A_174 = tpu.memref_squeeze %dma_start3A_173 : memref<1x128x128xf32, #tpu.memory_space<vmem>> -> memref<128x128xf32, #tpu.memory_space<vmem>>
      %dma_start3A_175 = arith.constant 0 : i32
      %dma_start3A_176 = tpu.memref_slice %arg7[%add3A_169, %dma_start3A_175] : memref<80x128xi32, #tpu.memory_space<vmem>> -> memref<1x128xi32, #tpu.memory_space<vmem>>
      %dma_start3A_177 = tpu.memref_squeeze %dma_start3A_176 : memref<1x128xi32, #tpu.memory_space<vmem>> -> memref<128xi32, #tpu.memory_space<vmem>>
      %dma_start3A_178 = arith.constant 0 : i32
      %dma_start3A_179 = arith.constant 0 : i32
      %dma_start3A_180 = tpu.memref_slice %arg2[%dma_start3A_178, %dma_start3A_179] : memref<20480x128xf32, #tpu.memory_space<hbm>> -> memref<20480x128xf32, #tpu.memory_space<hbm>>
      tpu.enqueue_indirect_dma source(%dma_start3A_180 : memref<20480x128xf32, #tpu.memory_space<hbm>>) target(%dma_start3A_174 : memref<128x128xf32, #tpu.memory_space<vmem>>) offsets(%dma_start3A_177 : memref<128xi32, #tpu.memory_space<vmem>>) semaphore(%arg14 : memref<!tpu.dma_semaphore, #tpu.memory_space<semaphore_mem>>)
      %mul3A_181 = arith.constant 4 : i32
      %mul3A_182 = arith.muli %mul3A_181, %scan3A_136 : i32
      %add3A_183 = arith.constant 3 : i32
      %add3A_184 = arith.addi %mul3A_182, %add3A_183 : i32
      %dma_start3A_185 = arith.constant 3 : i32
      %dma_start3A_186 = arith.constant 0 : i32
      %dma_start3A_187 = arith.constant 0 : i32
      %dma_start3A_188 = tpu.memref_slice %arg10[%dma_start3A_185, %dma_start3A_186, %dma_start3A_187] : memref<4x128x128xf32, #tpu.memory_space<vmem>> -> memref<1x128x128xf32, #tpu.memory_space<vmem>>
      %dma_start3A_189 = tpu.memref_squeeze %dma_start3A_188 : memref<1x128x128xf32, #tpu.memory_space<vmem>> -> memref<128x128xf32, #tpu.memory_space<vmem>>
      %dma_start3A_190 = arith.constant 0 : i32
      %dma_start3A_191 = tpu.memref_slice %arg7[%add3A_184, %dma_start3A_190] : memref<80x128xi32, #tpu.memory_space<vmem>> -> memref<1x128xi32, #tpu.memory_space<vmem>>
      %dma_start3A_192 = tpu.memref_squeeze %dma_start3A_191 : memref<1x128xi32, #tpu.memory_space<vmem>> -> memref<128xi32, #tpu.memory_space<vmem>>
      %dma_start3A_193 = arith.constant 0 : i32
      %dma_start3A_194 = arith.constant 0 : i32
      %dma_start3A_195 = tpu.memref_slice %arg2[%dma_start3A_193, %dma_start3A_194] : memref<20480x128xf32, #tpu.memory_space<hbm>> -> memref<20480x128xf32, #tpu.memory_space<hbm>>
      tpu.enqueue_indirect_dma source(%dma_start3A_195 : memref<20480x128xf32, #tpu.memory_space<hbm>>) target(%dma_start3A_189 : memref<128x128xf32, #tpu.memory_space<vmem>>) offsets(%dma_start3A_192 : memref<128xi32, #tpu.memory_space<vmem>>) semaphore(%arg15 : memref<!tpu.dma_semaphore, #tpu.memory_space<semaphore_mem>>)
      %dma_wait3A = arith.constant 0 : i32
      %dma_wait3A_196 = arith.constant 0 : i32
      %dma_wait3A_197 = arith.constant 0 : i32
      %dma_wait3A_198 = tpu.memref_slice %arg10[%dma_wait3A, %dma_wait3A_196, %dma_wait3A_197] : memref<4x128x128xf32, #tpu.memory_space<vmem>> -> memref<1x128x128xf32, #tpu.memory_space<vmem>>
      %dma_wait3A_199 = tpu.memref_squeeze %dma_wait3A_198 : memref<1x128x128xf32, #tpu.memory_space<vmem>> -> memref<128x128xf32, #tpu.memory_space<vmem>>
      %dma_wait3A_200 = arith.constant 0 : i32
      %dma_wait3A_201 = tpu.memref_slice %arg7[%add3A_140, %dma_wait3A_200] : memref<80x128xi32, #tpu.memory_space<vmem>> -> memref<1x128xi32, #tpu.memory_space<vmem>>
      %dma_wait3A_202 = tpu.memref_squeeze %dma_wait3A_201 : memref<1x128xi32, #tpu.memory_space<vmem>> -> memref<128xi32, #tpu.memory_space<vmem>>
      %dma_wait3A_203 = arith.constant 0 : i32
      %dma_wait3A_204 = arith.constant 0 : i32
      %dma_wait3A_205 = tpu.memref_slice %arg2[%dma_wait3A_203, %dma_wait3A_204] : memref<20480x128xf32, #tpu.memory_space<hbm>> -> memref<20480x128xf32, #tpu.memory_space<hbm>>
      tpu.wait_indirect_dma semaphore(%arg12 : memref<!tpu.dma_semaphore, #tpu.memory_space<semaphore_mem>>) src(%dma_wait3A_205 : memref<20480x128xf32, #tpu.memory_space<hbm>>) dst(%dma_wait3A_199 : memref<128x128xf32, #tpu.memory_space<vmem>>)
      %dma_wait3A_206 = arith.constant 1 : i32
      %dma_wait3A_207 = arith.constant 0 : i32
      %dma_wait3A_208 = arith.constant 0 : i32
      %dma_wait3A_209 = tpu.memref_slice %arg10[%dma_wait3A_206, %dma_wait3A_207, %dma_wait3A_208] : memref<4x128x128xf32, #tpu.memory_space<vmem>> -> memref<1x128x128xf32, #tpu.memory_space<vmem>>
      %dma_wait3A_210 = tpu.memref_squeeze %dma_wait3A_209 : memref<1x128x128xf32, #tpu.memory_space<vmem>> -> memref<128x128xf32, #tpu.memory_space<vmem>>
      %dma_wait3A_211 = arith.constant 0 : i32
      %dma_wait3A_212 = tpu.memref_slice %arg7[%add3A_154, %dma_wait3A_211] : memref<80x128xi32, #tpu.memory_space<vmem>> -> memref<1x128xi32, #tpu.memory_space<vmem>>
      %dma_wait3A_213 = tpu.memref_squeeze %dma_wait3A_212 : memref<1x128xi32, #tpu.memory_space<vmem>> -> memref<128xi32, #tpu.memory_space<vmem>>
      %dma_wait3A_214 = arith.constant 0 : i32
      %dma_wait3A_215 = arith.constant 0 : i32
      %dma_wait3A_216 = tpu.memref_slice %arg2[%dma_wait3A_214, %dma_wait3A_215] : memref<20480x128xf32, #tpu.memory_space<hbm>> -> memref<20480x128xf32, #tpu.memory_space<hbm>>
      tpu.wait_indirect_dma semaphore(%arg13 : memref<!tpu.dma_semaphore, #tpu.memory_space<semaphore_mem>>) src(%dma_wait3A_216 : memref<20480x128xf32, #tpu.memory_space<hbm>>) dst(%dma_wait3A_210 : memref<128x128xf32, #tpu.memory_space<vmem>>)
      %dma_wait3A_217 = arith.constant 2 : i32
      %dma_wait3A_218 = arith.constant 0 : i32
      %dma_wait3A_219 = arith.constant 0 : i32
      %dma_wait3A_220 = tpu.memref_slice %arg10[%dma_wait3A_217, %dma_wait3A_218, %dma_wait3A_219] : memref<4x128x128xf32, #tpu.memory_space<vmem>> -> memref<1x128x128xf32, #tpu.memory_space<vmem>>
      %dma_wait3A_221 = tpu.memref_squeeze %dma_wait3A_220 : memref<1x128x128xf32, #tpu.memory_space<vmem>> -> memref<128x128xf32, #tpu.memory_space<vmem>>
      %dma_wait3A_222 = arith.constant 0 : i32
      %dma_wait3A_223 = tpu.memref_slice %arg7[%add3A_169, %dma_wait3A_222] : memref<80x128xi32, #tpu.memory_space<vmem>> -> memref<1x128xi32, #tpu.memory_space<vmem>>
      %dma_wait3A_224 = tpu.memref_squeeze %dma_wait3A_223 : memref<1x128xi32, #tpu.memory_space<vmem>> -> memref<128xi32, #tpu.memory_space<vmem>>
      %dma_wait3A_225 = arith.constant 0 : i32
      %dma_wait3A_226 = arith.constant 0 : i32
      %dma_wait3A_227 = tpu.memref_slice %arg2[%dma_wait3A_225, %dma_wait3A_226] : memref<20480x128xf32, #tpu.memory_space<hbm>> -> memref<20480x128xf32, #tpu.memory_space<hbm>>
      tpu.wait_indirect_dma semaphore(%arg14 : memref<!tpu.dma_semaphore, #tpu.memory_space<semaphore_mem>>) src(%dma_wait3A_227 : memref<20480x128xf32, #tpu.memory_space<hbm>>) dst(%dma_wait3A_221 : memref<128x128xf32, #tpu.memory_space<vmem>>)
      %dma_wait3A_228 = arith.constant 3 : i32
      %dma_wait3A_229 = arith.constant 0 : i32
      %dma_wait3A_230 = arith.constant 0 : i32
      %dma_wait3A_231 = tpu.memref_slice %arg10[%dma_wait3A_228, %dma_wait3A_229, %dma_wait3A_230] : memref<4x128x128xf32, #tpu.memory_space<vmem>> -> memref<1x128x128xf32, #tpu.memory_space<vmem>>
      %dma_wait3A_232 = tpu.memref_squeeze %dma_wait3A_231 : memref<1x128x128xf32, #tpu.memory_space<vmem>> -> memref<128x128xf32, #tpu.memory_space<vmem>>
      %dma_wait3A_233 = arith.constant 0 : i32
      %dma_wait3A_234 = tpu.memref_slice %arg7[%add3A_184, %dma_wait3A_233] : memref<80x128xi32, #tpu.memory_space<vmem>> -> memref<1x128xi32, #tpu.memory_space<vmem>>
      %dma_wait3A_235 = tpu.memref_squeeze %dma_wait3A_234 : memref<1x128xi32, #tpu.memory_space<vmem>> -> memref<128xi32, #tpu.memory_space<vmem>>
      %dma_wait3A_236 = arith.constant 0 : i32
      %dma_wait3A_237 = arith.constant 0 : i32
      %dma_wait3A_238 = tpu.memref_slice %arg2[%dma_wait3A_236, %dma_wait3A_237] : memref<20480x128xf32, #tpu.memory_space<hbm>> -> memref<20480x128xf32, #tpu.memory_space<hbm>>
      tpu.wait_indirect_dma semaphore(%arg15 : memref<!tpu.dma_semaphore, #tpu.memory_space<semaphore_mem>>) src(%dma_wait3A_238 : memref<20480x128xf32, #tpu.memory_space<hbm>>) dst(%dma_wait3A_232 : memref<128x128xf32, #tpu.memory_space<vmem>>)
      %mul3A_239 = arith.constant 4 : i32
      %mul3A_240 = arith.muli %mul3A_239, %scan3A_136 : i32
      %add3A_241 = arith.constant 0 : i32
      %add3A_242 = arith.addi %mul3A_240, %add3A_241 : i32
      %run_scoped3A = arith.constant 0 : i32
      "tpu.region"() ({
        %run_scoped3A_258 = tpu.sem_alloc : memref<!tpu.dma_semaphore, #tpu.memory_space<semaphore_mem>>
        %dma_start3A_259 = arith.constant 0 : i32
        %dma_start3A_260 = arith.constant 0 : i32
        %dma_start3A_261 = tpu.memref_slice %arg10[%run_scoped3A, %dma_start3A_259, %dma_start3A_260] : memref<4x128x128xf32, #tpu.memory_space<vmem>> -> memref<1x128x128xf32, #tpu.memory_space<vmem>>
        %dma_start3A_262 = tpu.memref_squeeze %dma_start3A_261 : memref<1x128x128xf32, #tpu.memory_space<vmem>> -> memref<128x128xf32, #tpu.memory_space<vmem>>
        %dma_start3A_263 = arith.constant 0 : i32
        %dma_start3A_264 = tpu.memref_slice %arg9[%add3A_242, %dma_start3A_263] : memref<80x128xi32, #tpu.memory_space<vmem>> -> memref<1x128xi32, #tpu.memory_space<vmem>>
        %dma_start3A_265 = tpu.memref_squeeze %dma_start3A_264 : memref<1x128xi32, #tpu.memory_space<vmem>> -> memref<128xi32, #tpu.memory_space<vmem>>
        %dma_start3A_266 = arith.constant 0 : i32
        %dma_start3A_267 = arith.constant 0 : i32
        %dma_start3A_268 = tpu.memref_slice %arg11[%dma_start3A_266, %dma_start3A_267] : memref<2576x128xf32, #tpu.memory_space<vmem_shared>> -> memref<2576x128xf32, #tpu.memory_space<vmem_shared>>
        tpu.enqueue_indirect_dma source(%dma_start3A_262 : memref<128x128xf32, #tpu.memory_space<vmem>>) target(%dma_start3A_268 : memref<2576x128xf32, #tpu.memory_space<vmem_shared>>) offsets(%dma_start3A_265 : memref<128xi32, #tpu.memory_space<vmem>>) semaphore(%run_scoped3A_258 : memref<!tpu.dma_semaphore, #tpu.memory_space<semaphore_mem>>) {add = true}
        %dma_wait3A_269 = arith.constant 0 : i32
        %dma_wait3A_270 = arith.constant 0 : i32
        %dma_wait3A_271 = tpu.memref_slice %arg10[%run_scoped3A, %dma_wait3A_269, %dma_wait3A_270] : memref<4x128x128xf32, #tpu.memory_space<vmem>> -> memref<1x128x128xf32, #tpu.memory_space<vmem>>
        %dma_wait3A_272 = tpu.memref_squeeze %dma_wait3A_271 : memref<1x128x128xf32, #tpu.memory_space<vmem>> -> memref<128x128xf32, #tpu.memory_space<vmem>>
        %dma_wait3A_273 = arith.constant 0 : i32
        %dma_wait3A_274 = tpu.memref_slice %arg9[%add3A_242, %dma_wait3A_273] : memref<80x128xi32, #tpu.memory_space<vmem>> -> memref<1x128xi32, #tpu.memory_space<vmem>>
        %dma_wait3A_275 = tpu.memref_squeeze %dma_wait3A_274 : memref<1x128xi32, #tpu.memory_space<vmem>> -> memref<128xi32, #tpu.memory_space<vmem>>
        %dma_wait3A_276 = arith.constant 0 : i32
        %dma_wait3A_277 = arith.constant 0 : i32
        %dma_wait3A_278 = tpu.memref_slice %arg11[%dma_wait3A_276, %dma_wait3A_277] : memref<2576x128xf32, #tpu.memory_space<vmem_shared>> -> memref<2576x128xf32, #tpu.memory_space<vmem_shared>>
        tpu.wait_indirect_dma semaphore(%run_scoped3A_258 : memref<!tpu.dma_semaphore, #tpu.memory_space<semaphore_mem>>) src(%dma_wait3A_272 : memref<128x128xf32, #tpu.memory_space<vmem>>) dst(%dma_wait3A_278 : memref<2576x128xf32, #tpu.memory_space<vmem_shared>>)
        tpu.yield
      }) : () -> ()
      %mul3A_243 = arith.constant 4 : i32
      %mul3A_244 = arith.muli %mul3A_243, %scan3A_136 : i32
      %add3A_245 = arith.constant 1 : i32
      %add3A_246 = arith.addi %mul3A_244, %add3A_245 : i32
      %run_scoped3A_247 = arith.constant 1 : i32
      "tpu.region"() ({
        %run_scoped3A_258 = tpu.sem_alloc : memref<!tpu.dma_semaphore, #tpu.memory_space<semaphore_mem>>
        %dma_start3A_259 = arith.constant 0 : i32
        %dma_start3A_260 = arith.constant 0 : i32
        %dma_start3A_261 = tpu.memref_slice %arg10[%run_scoped3A_247, %dma_start3A_259, %dma_start3A_260] : memref<4x128x128xf32, #tpu.memory_space<vmem>> -> memref<1x128x128xf32, #tpu.memory_space<vmem>>
        %dma_start3A_262 = tpu.memref_squeeze %dma_start3A_261 : memref<1x128x128xf32, #tpu.memory_space<vmem>> -> memref<128x128xf32, #tpu.memory_space<vmem>>
        %dma_start3A_263 = arith.constant 0 : i32
        %dma_start3A_264 = tpu.memref_slice %arg9[%add3A_246, %dma_start3A_263] : memref<80x128xi32, #tpu.memory_space<vmem>> -> memref<1x128xi32, #tpu.memory_space<vmem>>
        %dma_start3A_265 = tpu.memref_squeeze %dma_start3A_264 : memref<1x128xi32, #tpu.memory_space<vmem>> -> memref<128xi32, #tpu.memory_space<vmem>>
        %dma_start3A_266 = arith.constant 0 : i32
        %dma_start3A_267 = arith.constant 0 : i32
        %dma_start3A_268 = tpu.memref_slice %arg11[%dma_start3A_266, %dma_start3A_267] : memref<2576x128xf32, #tpu.memory_space<vmem_shared>> -> memref<2576x128xf32, #tpu.memory_space<vmem_shared>>
        tpu.enqueue_indirect_dma source(%dma_start3A_262 : memref<128x128xf32, #tpu.memory_space<vmem>>) target(%dma_start3A_268 : memref<2576x128xf32, #tpu.memory_space<vmem_shared>>) offsets(%dma_start3A_265 : memref<128xi32, #tpu.memory_space<vmem>>) semaphore(%run_scoped3A_258 : memref<!tpu.dma_semaphore, #tpu.memory_space<semaphore_mem>>) {add = true}
        %dma_wait3A_269 = arith.constant 0 : i32
        %dma_wait3A_270 = arith.constant 0 : i32
        %dma_wait3A_271 = tpu.memref_slice %arg10[%run_scoped3A_247, %dma_wait3A_269, %dma_wait3A_270] : memref<4x128x128xf32, #tpu.memory_space<vmem>> -> memref<1x128x128xf32, #tpu.memory_space<vmem>>
        %dma_wait3A_272 = tpu.memref_squeeze %dma_wait3A_271 : memref<1x128x128xf32, #tpu.memory_space<vmem>> -> memref<128x128xf32, #tpu.memory_space<vmem>>
        %dma_wait3A_273 = arith.constant 0 : i32
        %dma_wait3A_274 = tpu.memref_slice %arg9[%add3A_246, %dma_wait3A_273] : memref<80x128xi32, #tpu.memory_space<vmem>> -> memref<1x128xi32, #tpu.memory_space<vmem>>
        %dma_wait3A_275 = tpu.memref_squeeze %dma_wait3A_274 : memref<1x128xi32, #tpu.memory_space<vmem>> -> memref<128xi32, #tpu.memory_space<vmem>>
        %dma_wait3A_276 = arith.constant 0 : i32
        %dma_wait3A_277 = arith.constant 0 : i32
        %dma_wait3A_278 = tpu.memref_slice %arg11[%dma_wait3A_276, %dma_wait3A_277] : memref<2576x128xf32, #tpu.memory_space<vmem_shared>> -> memref<2576x128xf32, #tpu.memory_space<vmem_shared>>
        tpu.wait_indirect_dma semaphore(%run_scoped3A_258 : memref<!tpu.dma_semaphore, #tpu.memory_space<semaphore_mem>>) src(%dma_wait3A_272 : memref<128x128xf32, #tpu.memory_space<vmem>>) dst(%dma_wait3A_278 : memref<2576x128xf32, #tpu.memory_space<vmem_shared>>)
        tpu.yield
      }) : () -> ()
      %mul3A_248 = arith.constant 4 : i32
      %mul3A_249 = arith.muli %mul3A_248, %scan3A_136 : i32
      %add3A_250 = arith.constant 2 : i32
      %add3A_251 = arith.addi %mul3A_249, %add3A_250 : i32
      %run_scoped3A_252 = arith.constant 2 : i32
      "tpu.region"() ({
        %run_scoped3A_258 = tpu.sem_alloc : memref<!tpu.dma_semaphore, #tpu.memory_space<semaphore_mem>>
        %dma_start3A_259 = arith.constant 0 : i32
        %dma_start3A_260 = arith.constant 0 : i32
        %dma_start3A_261 = tpu.memref_slice %arg10[%run_scoped3A_252, %dma_start3A_259, %dma_start3A_260] : memref<4x128x128xf32, #tpu.memory_space<vmem>> -> memref<1x128x128xf32, #tpu.memory_space<vmem>>
        %dma_start3A_262 = tpu.memref_squeeze %dma_start3A_261 : memref<1x128x128xf32, #tpu.memory_space<vmem>> -> memref<128x128xf32, #tpu.memory_space<vmem>>
        %dma_start3A_263 = arith.constant 0 : i32
        %dma_start3A_264 = tpu.memref_slice %arg9[%add3A_251, %dma_start3A_263] : memref<80x128xi32, #tpu.memory_space<vmem>> -> memref<1x128xi32, #tpu.memory_space<vmem>>
        %dma_start3A_265 = tpu.memref_squeeze %dma_start3A_264 : memref<1x128xi32, #tpu.memory_space<vmem>> -> memref<128xi32, #tpu.memory_space<vmem>>
        %dma_start3A_266 = arith.constant 0 : i32
        %dma_start3A_267 = arith.constant 0 : i32
        %dma_start3A_268 = tpu.memref_slice %arg11[%dma_start3A_266, %dma_start3A_267] : memref<2576x128xf32, #tpu.memory_space<vmem_shared>> -> memref<2576x128xf32, #tpu.memory_space<vmem_shared>>
        tpu.enqueue_indirect_dma source(%dma_start3A_262 : memref<128x128xf32, #tpu.memory_space<vmem>>) target(%dma_start3A_268 : memref<2576x128xf32, #tpu.memory_space<vmem_shared>>) offsets(%dma_start3A_265 : memref<128xi32, #tpu.memory_space<vmem>>) semaphore(%run_scoped3A_258 : memref<!tpu.dma_semaphore, #tpu.memory_space<semaphore_mem>>) {add = true}
        %dma_wait3A_269 = arith.constant 0 : i32
        %dma_wait3A_270 = arith.constant 0 : i32
        %dma_wait3A_271 = tpu.memref_slice %arg10[%run_scoped3A_252, %dma_wait3A_269, %dma_wait3A_270] : memref<4x128x128xf32, #tpu.memory_space<vmem>> -> memref<1x128x128xf32, #tpu.memory_space<vmem>>
        %dma_wait3A_272 = tpu.memref_squeeze %dma_wait3A_271 : memref<1x128x128xf32, #tpu.memory_space<vmem>> -> memref<128x128xf32, #tpu.memory_space<vmem>>
        %dma_wait3A_273 = arith.constant 0 : i32
        %dma_wait3A_274 = tpu.memref_slice %arg9[%add3A_251, %dma_wait3A_273] : memref<80x128xi32, #tpu.memory_space<vmem>> -> memref<1x128xi32, #tpu.memory_space<vmem>>
        %dma_wait3A_275 = tpu.memref_squeeze %dma_wait3A_274 : memref<1x128xi32, #tpu.memory_space<vmem>> -> memref<128xi32, #tpu.memory_space<vmem>>
        %dma_wait3A_276 = arith.constant 0 : i32
        %dma_wait3A_277 = arith.constant 0 : i32
        %dma_wait3A_278 = tpu.memref_slice %arg11[%dma_wait3A_276, %dma_wait3A_277] : memref<2576x128xf32, #tpu.memory_space<vmem_shared>> -> memref<2576x128xf32, #tpu.memory_space<vmem_shared>>
        tpu.wait_indirect_dma semaphore(%run_scoped3A_258 : memref<!tpu.dma_semaphore, #tpu.memory_space<semaphore_mem>>) src(%dma_wait3A_272 : memref<128x128xf32, #tpu.memory_space<vmem>>) dst(%dma_wait3A_278 : memref<2576x128xf32, #tpu.memory_space<vmem_shared>>)
        tpu.yield
      }) : () -> ()
      %mul3A_253 = arith.constant 4 : i32
      %mul3A_254 = arith.muli %mul3A_253, %scan3A_136 : i32
      %add3A_255 = arith.constant 3 : i32
      %add3A_256 = arith.addi %mul3A_254, %add3A_255 : i32
      %run_scoped3A_257 = arith.constant 3 : i32
      "tpu.region"() ({
        %run_scoped3A_258 = tpu.sem_alloc : memref<!tpu.dma_semaphore, #tpu.memory_space<semaphore_mem>>
        %dma_start3A_259 = arith.constant 0 : i32
        %dma_start3A_260 = arith.constant 0 : i32
        %dma_start3A_261 = tpu.memref_slice %arg10[%run_scoped3A_257, %dma_start3A_259, %dma_start3A_260] : memref<4x128x128xf32, #tpu.memory_space<vmem>> -> memref<1x128x128xf32, #tpu.memory_space<vmem>>
        %dma_start3A_262 = tpu.memref_squeeze %dma_start3A_261 : memref<1x128x128xf32, #tpu.memory_space<vmem>> -> memref<128x128xf32, #tpu.memory_space<vmem>>
        %dma_start3A_263 = arith.constant 0 : i32
        %dma_start3A_264 = tpu.memref_slice %arg9[%add3A_256, %dma_start3A_263] : memref<80x128xi32, #tpu.memory_space<vmem>> -> memref<1x128xi32, #tpu.memory_space<vmem>>
        %dma_start3A_265 = tpu.memref_squeeze %dma_start3A_264 : memref<1x128xi32, #tpu.memory_space<vmem>> -> memref<128xi32, #tpu.memory_space<vmem>>
        %dma_start3A_266 = arith.constant 0 : i32
        %dma_start3A_267 = arith.constant 0 : i32
        %dma_start3A_268 = tpu.memref_slice %arg11[%dma_start3A_266, %dma_start3A_267] : memref<2576x128xf32, #tpu.memory_space<vmem_shared>> -> memref<2576x128xf32, #tpu.memory_space<vmem_shared>>
        tpu.enqueue_indirect_dma source(%dma_start3A_262 : memref<128x128xf32, #tpu.memory_space<vmem>>) target(%dma_start3A_268 : memref<2576x128xf32, #tpu.memory_space<vmem_shared>>) offsets(%dma_start3A_265 : memref<128xi32, #tpu.memory_space<vmem>>) semaphore(%run_scoped3A_258 : memref<!tpu.dma_semaphore, #tpu.memory_space<semaphore_mem>>) {add = true}
        %dma_wait3A_269 = arith.constant 0 : i32
        %dma_wait3A_270 = arith.constant 0 : i32
        %dma_wait3A_271 = tpu.memref_slice %arg10[%run_scoped3A_257, %dma_wait3A_269, %dma_wait3A_270] : memref<4x128x128xf32, #tpu.memory_space<vmem>> -> memref<1x128x128xf32, #tpu.memory_space<vmem>>
        %dma_wait3A_272 = tpu.memref_squeeze %dma_wait3A_271 : memref<1x128x128xf32, #tpu.memory_space<vmem>> -> memref<128x128xf32, #tpu.memory_space<vmem>>
        %dma_wait3A_273 = arith.constant 0 : i32
        %dma_wait3A_274 = tpu.memref_slice %arg9[%add3A_256, %dma_wait3A_273] : memref<80x128xi32, #tpu.memory_space<vmem>> -> memref<1x128xi32, #tpu.memory_space<vmem>>
        %dma_wait3A_275 = tpu.memref_squeeze %dma_wait3A_274 : memref<1x128xi32, #tpu.memory_space<vmem>> -> memref<128xi32, #tpu.memory_space<vmem>>
        %dma_wait3A_276 = arith.constant 0 : i32
        %dma_wait3A_277 = arith.constant 0 : i32
        %dma_wait3A_278 = tpu.memref_slice %arg11[%dma_wait3A_276, %dma_wait3A_277] : memref<2576x128xf32, #tpu.memory_space<vmem_shared>> -> memref<2576x128xf32, #tpu.memory_space<vmem_shared>>
        tpu.wait_indirect_dma semaphore(%run_scoped3A_258 : memref<!tpu.dma_semaphore, #tpu.memory_space<semaphore_mem>>) src(%dma_wait3A_272 : memref<128x128xf32, #tpu.memory_space<vmem>>) dst(%dma_wait3A_278 : memref<2576x128xf32, #tpu.memory_space<vmem_shared>>)
        tpu.yield
      }) : () -> ()
    }
    %scan3A_20 = arith.constant 20 : i32
    %barrier3A_21 = arith.constant 0 : index
    tpu.barrier barrier_id(%barrier3A_21)
    %mul3A_22 = arith.constant 160 : i32
    %mul3A_23 = arith.muli %arg1, %mul3A_22 : i32
    %mul3A_24 = arith.constant 10240 : i32
    %mul3A_25 = arith.muli %arg0, %mul3A_24 : i32
    %add3A_26 = arith.constant 0 : i32
    %add3A_27 = arith.addi %mul3A_25, %add3A_26 : i32
    %mul3A_28 = arith.constant 160 : i32
    %mul3A_29 = arith.muli %arg1, %mul3A_28 : i32
    %add3A_30 = arith.addi %add3A_27, %mul3A_29 : i32
    "tpu.region"() ({
      %run_scoped3A = tpu.sem_alloc : memref<!tpu.dma_semaphore, #tpu.memory_space<semaphore_mem>>
      %dma_start3A = arith.constant 0 : i32
      %dma_start3A_136 = tpu.memref_slice %arg6[%add3A_30, %dma_start3A] : memref<20480x128xf32, #tpu.memory_space<hbm>> -> memref<160x128xf32, #tpu.memory_space<hbm>>
      %dma_start3A_137 = arith.constant 0 : i32
      %dma_start3A_138 = tpu.memref_slice %arg11[%mul3A_23, %dma_start3A_137] : memref<2576x128xf32, #tpu.memory_space<vmem_shared>> -> memref<160x128xf32, #tpu.memory_space<vmem_shared>>
      tpu.enqueue_dma source(%dma_start3A_138 : memref<160x128xf32, #tpu.memory_space<vmem_shared>>) target(%dma_start3A_136 : memref<160x128xf32, #tpu.memory_space<hbm>>) target_semaphore(%run_scoped3A : memref<!tpu.dma_semaphore, #tpu.memory_space<semaphore_mem>>)
      %dma_wait3A = arith.constant 0 : i32
      %dma_wait3A_139 = tpu.memref_slice %arg6[%add3A_30, %dma_wait3A] : memref<20480x128xf32, #tpu.memory_space<hbm>> -> memref<160x128xf32, #tpu.memory_space<hbm>>
      %dma_wait3A_140 = arith.constant 0 : i32
      %dma_wait3A_141 = tpu.memref_slice %arg11[%mul3A_23, %dma_wait3A_140] : memref<2576x128xf32, #tpu.memory_space<vmem_shared>> -> memref<160x128xf32, #tpu.memory_space<vmem_shared>>
      tpu.wait_dma2 semaphore(%run_scoped3A : memref<!tpu.dma_semaphore, #tpu.memory_space<semaphore_mem>>) src(%dma_wait3A_141 : memref<160x128xf32, #tpu.memory_space<vmem_shared>>) dst(%dma_wait3A_139 : memref<160x128xf32, #tpu.memory_space<hbm>>)
      tpu.yield
    }) : () -> ()
    %barrier3A_31 = arith.constant 0 : index
    tpu.barrier barrier_id(%barrier3A_31)
    %iota3A_32 = tpu.iota {dimensions = array<i32: 0>} : vector<16xi32>
    %add3A_33 = arith.constant 2560 : i32
    %add3A_34 = vector.broadcast %add3A_33 : i32 to vector<16xi32>
    %add3A_35 = arith.addi %add3A_34, %iota3A_32 : vector<16xi32>
    %scan3A_36 = arith.constant 0 : i32
    %scan3A_37 = arith.constant 640 : i32
    %scan3A_38 = arith.addi %scan3A_36, %scan3A_37 : i32
    %scan3A_39 = arith.constant 1 : i32
    scf.for %scan3A_136 = %scan3A_36 to %scan3A_38 step %scan3A_39  : i32 {
      %jit3A = arith.constant 8 : i32
      %div3A = arith.divsi %scan3A_136, %jit3A : i32
      %sign3A = arith.constant 0 : i32
      %sign3A_137 = arith.cmpi sgt, %scan3A_136, %sign3A : i32
      %sign3A_138 = arith.extui %sign3A_137 : i1 to i32
      %sign3A_139 = arith.constant 0 : i32
      %sign3A_140 = arith.cmpi slt, %scan3A_136, %sign3A_139 : i32
      %sign3A_141 = arith.extui %sign3A_140 : i1 to i32
      %sign3A_142 = arith.subi %sign3A_138, %sign3A_141 : i32
      %sign3A_143 = arith.constant 0 : i32
      %sign3A_144 = arith.cmpi sgt, %jit3A, %sign3A_143 : i32
      %sign3A_145 = arith.extui %sign3A_144 : i1 to i32
      %sign3A_146 = arith.constant 0 : i32
      %sign3A_147 = arith.cmpi slt, %jit3A, %sign3A_146 : i32
      %sign3A_148 = arith.extui %sign3A_147 : i1 to i32
      %sign3A_149 = arith.subi %sign3A_145, %sign3A_148 : i32
      %ne3A = arith.cmpi ne, %sign3A_142, %sign3A_149 : i32
      %rem3A = arith.remsi %scan3A_136, %jit3A : i32
      %ne3A_150 = arith.constant 0 : i32
      %ne3A_151 = arith.cmpi ne, %rem3A, %ne3A_150 : i32
      %and3A = arith.andi %ne3A, %ne3A_151 : i1
      %sub3A = arith.constant 1 : i32
      %sub3A_152 = arith.subi %div3A, %sub3A : i32
      %select_n3A = arith.select %and3A, %sub3A_152, %div3A : i32
      %jit3A_153 = arith.constant 8 : i32
      %eq3A_154 = arith.constant 0 : i32
      %eq3A_155 = arith.cmpi eq, %jit3A_153, %eq3A_154 : i32
      %jit3A_156 = arith.constant 1 : i32
      %select_n3A_157 = arith.select %eq3A_155, %jit3A_156, %jit3A_153 : i32
      %rem3A_158 = arith.remsi %scan3A_136, %select_n3A_157 : i32
      %ne3A_159 = arith.constant 0 : i32
      %ne3A_160 = arith.cmpi ne, %rem3A_158, %ne3A_159 : i32
      %lt3A = arith.constant 0 : i32
      %lt3A_161 = arith.cmpi slt, %rem3A_158, %lt3A : i32
      %lt3A_162 = arith.constant 0 : i32
      %lt3A_163 = arith.cmpi slt, %select_n3A_157, %lt3A_162 : i32
      %ne3A_164 = arith.xori %lt3A_161, %lt3A_163 : i1
      %and3A_165 = arith.andi %ne3A_164, %ne3A_160 : i1
      %add3A_166 = arith.addi %rem3A_158, %select_n3A_157 : i32
      %select_n3A_167 = arith.select %and3A_165, %add3A_166, %rem3A_158 : i32
      %mul3A_168 = arith.constant 16 : i32
      %mul3A_169 = arith.muli %select_n3A_167, %mul3A_168 : i32
      %get3A = arith.index_cast %select_n3A : i32 to index
      %get3A_170 = arith.index_cast %mul3A_169 : i32 to index
      %get3A_171 = tpu.vector_load %arg8[%get3A, %get3A_170] {strides = array<i32>} : memref<80x128xi32, #tpu.memory_space<vmem>>, vector<1x16xi32>,
      %get3A_172 = vector.shape_cast %get3A_171 : vector<1x16xi32> to vector<16xi32>
      %sub3A_173 = arith.constant 2560 : i32
      %sub3A_174 = vector.broadcast %sub3A_173 : i32 to vector<16xi32>
      %sub3A_175 = arith.subi %get3A_172, %sub3A_174 : vector<16xi32>
      %ge3A = arith.constant 0 : i32
      %ge3A_176 = vector.broadcast %ge3A : i32 to vector<16xi32>
      %ge3A_177 = arith.cmpi sge, %sub3A_175, %ge3A_176 : vector<16xi32>
      %lt3A_178 = arith.constant 2560 : i32
      %lt3A_179 = vector.broadcast %lt3A_178 : i32 to vector<16xi32>
      %lt3A_180 = arith.cmpi slt, %sub3A_175, %lt3A_179 : vector<16xi32>
      %and3A_181 = arith.andi %ge3A_177, %lt3A_180 : vector<16xi1>
      %select_n3A_182 = arith.select %and3A_181, %sub3A_175, %add3A_35 : vector<16xi1>, vector<16xi32>
      %swap3A = arith.index_cast %select_n3A : i32 to index
      %swap3A_183 = arith.index_cast %mul3A_169 : i32 to index
      %swap3A_184 = tpu.vector_load %arg9[%swap3A, %swap3A_183] {strides = array<i32>} : memref<80x128xi32, #tpu.memory_space<vmem>>, vector<1x16xi32>,
      %swap3A_185 = vector.shape_cast %swap3A_184 : vector<1x16xi32> to vector<16xi32>
      %swap3A_186 = vector.shape_cast %select_n3A_182 : vector<16xi32> to vector<1x16xi32>
      tpu.vector_store %arg9[%swap3A, %swap3A_183], %swap3A_186 {strides = array<i32>} : memref<80x128xi32, #tpu.memory_space<vmem>>, vector<1x16xi32>,
    }
    %scan3A_40 = arith.constant 640 : i32
    %mul3A_41 = arith.constant 160 : i32
    %mul3A_42 = arith.muli %arg1, %mul3A_41 : i32
    %mul3A_43 = arith.constant 160 : i32
    %mul3A_44 = arith.muli %arg1, %mul3A_43 : i32
    "tpu.region"() ({
      %run_scoped3A = tpu.sem_alloc : memref<!tpu.dma_semaphore, #tpu.memory_space<semaphore_mem>>
      %dma_start3A = arith.constant 0 : i32
      %dma_start3A_136 = tpu.memref_slice %arg11[%mul3A_44, %dma_start3A] : memref<2576x128xf32, #tpu.memory_space<vmem_shared>> -> memref<160x128xf32, #tpu.memory_space<vmem_shared>>
      %dma_start3A_137 = arith.constant 0 : i32
      %dma_start3A_138 = tpu.memref_slice %arg5[%mul3A_42, %dma_start3A_137] : memref<2560x128xf32, #tpu.memory_space<hbm>> -> memref<160x128xf32, #tpu.memory_space<hbm>>
      tpu.enqueue_dma source(%dma_start3A_138 : memref<160x128xf32, #tpu.memory_space<hbm>>) target(%dma_start3A_136 : memref<160x128xf32, #tpu.memory_space<vmem_shared>>) target_semaphore(%run_scoped3A : memref<!tpu.dma_semaphore, #tpu.memory_space<semaphore_mem>>)
      %dma_wait3A = arith.constant 0 : i32
      %dma_wait3A_139 = tpu.memref_slice %arg11[%mul3A_44, %dma_wait3A] : memref<2576x128xf32, #tpu.memory_space<vmem_shared>> -> memref<160x128xf32, #tpu.memory_space<vmem_shared>>
      %dma_wait3A_140 = arith.constant 0 : i32
      %dma_wait3A_141 = tpu.memref_slice %arg5[%mul3A_42, %dma_wait3A_140] : memref<2560x128xf32, #tpu.memory_space<hbm>> -> memref<160x128xf32, #tpu.memory_space<hbm>>
      tpu.wait_dma2 semaphore(%run_scoped3A : memref<!tpu.dma_semaphore, #tpu.memory_space<semaphore_mem>>) src(%dma_wait3A_141 : memref<160x128xf32, #tpu.memory_space<hbm>>) dst(%dma_wait3A_139 : memref<160x128xf32, #tpu.memory_space<vmem_shared>>)
      tpu.yield
    }) : () -> ()
    %eq3A_45 = arith.constant 0 : i32
    %eq3A_46 = arith.cmpi eq, %arg1, %eq3A_45 : i32
    %convert_element_type3A_47 = arith.extui %eq3A_46 : i1 to i32
    %cond3A_48 = arith.constant 0 : i32
    %cond3A_49 = arith.cmpi ne, %convert_element_type3A_47, %cond3A_48 : i32
    scf.if %cond3A_49 {
      "tpu.region"() ({
        %run_scoped3A = tpu.sem_alloc : memref<!tpu.dma_semaphore, #tpu.memory_space<semaphore_mem>>
        %dma_start3A = arith.constant 2560 : i32
        %dma_start3A_136 = arith.constant 0 : i32
        %dma_start3A_137 = tpu.memref_slice %arg11[%dma_start3A, %dma_start3A_136] : memref<2576x128xf32, #tpu.memory_space<vmem_shared>> -> memref<16x128xf32, #tpu.memory_space<vmem_shared>>
        %dma_start3A_138 = arith.constant 0 : i32
        %dma_start3A_139 = arith.constant 0 : i32
        %dma_start3A_140 = tpu.memref_slice %arg5[%dma_start3A_138, %dma_start3A_139] : memref<2560x128xf32, #tpu.memory_space<hbm>> -> memref<16x128xf32, #tpu.memory_space<hbm>>
        tpu.enqueue_dma source(%dma_start3A_140 : memref<16x128xf32, #tpu.memory_space<hbm>>) target(%dma_start3A_137 : memref<16x128xf32, #tpu.memory_space<vmem_shared>>) target_semaphore(%run_scoped3A : memref<!tpu.dma_semaphore, #tpu.memory_space<semaphore_mem>>)
        %dma_wait3A = arith.constant 2560 : i32
        %dma_wait3A_141 = arith.constant 0 : i32
        %dma_wait3A_142 = tpu.memref_slice %arg11[%dma_wait3A, %dma_wait3A_141] : memref<2576x128xf32, #tpu.memory_space<vmem_shared>> -> memref<16x128xf32, #tpu.memory_space<vmem_shared>>
        %dma_wait3A_143 = arith.constant 0 : i32
        %dma_wait3A_144 = arith.constant 0 : i32
        %dma_wait3A_145 = tpu.memref_slice %arg5[%dma_wait3A_143, %dma_wait3A_144] : memref<2560x128xf32, #tpu.memory_space<hbm>> -> memref<16x128xf32, #tpu.memory_space<hbm>>
        tpu.wait_dma2 semaphore(%run_scoped3A : memref<!tpu.dma_semaphore, #tpu.memory_space<semaphore_mem>>) src(%dma_wait3A_145 : memref<16x128xf32, #tpu.memory_space<hbm>>) dst(%dma_wait3A_142 : memref<16x128xf32, #tpu.memory_space<vmem_shared>>)
        tpu.yield
      }) : () -> ()
    } else {
    }
    %barrier3A_50 = arith.constant 0 : index
    tpu.barrier barrier_id(%barrier3A_50)
    %scan3A_51 = arith.constant 0 : i32
    %scan3A_52 = arith.constant 20 : i32
    %scan3A_53 = arith.addi %scan3A_51, %scan3A_52 : i32
    %scan3A_54 = arith.constant 1 : i32
    scf.for %scan3A_136 = %scan3A_51 to %scan3A_53 step %scan3A_54  : i32 {
      %mul3A_137 = arith.constant 4 : i32
      %mul3A_138 = arith.muli %mul3A_137, %scan3A_136 : i32
      %add3A_139 = arith.constant 0 : i32
      %add3A_140 = arith.addi %mul3A_138, %add3A_139 : i32
      %dma_start3A = arith.constant 0 : i32
      %dma_start3A_141 = arith.constant 0 : i32
      %dma_start3A_142 = arith.constant 0 : i32
      %dma_start3A_143 = tpu.memref_slice %arg10[%dma_start3A, %dma_start3A_141, %dma_start3A_142] : memref<4x128x128xf32, #tpu.memory_space<vmem>> -> memref<1x128x128xf32, #tpu.memory_space<vmem>>
      %dma_start3A_144 = tpu.memref_squeeze %dma_start3A_143 : memref<1x128x128xf32, #tpu.memory_space<vmem>> -> memref<128x128xf32, #tpu.memory_space<vmem>>
      %dma_start3A_145 = arith.constant 0 : i32
      %dma_start3A_146 = tpu.memref_slice %arg7[%add3A_140, %dma_start3A_145] : memref<80x128xi32, #tpu.memory_space<vmem>> -> memref<1x128xi32, #tpu.memory_space<vmem>>
      %dma_start3A_147 = tpu.memref_squeeze %dma_start3A_146 : memref<1x128xi32, #tpu.memory_space<vmem>> -> memref<128xi32, #tpu.memory_space<vmem>>
      %dma_start3A_148 = arith.constant 0 : i32
      %dma_start3A_149 = arith.constant 0 : i32
      %dma_start3A_150 = tpu.memref_slice %arg2[%dma_start3A_148, %dma_start3A_149] : memref<20480x128xf32, #tpu.memory_space<hbm>> -> memref<20480x128xf32, #tpu.memory_space<hbm>>
      tpu.enqueue_indirect_dma source(%dma_start3A_150 : memref<20480x128xf32, #tpu.memory_space<hbm>>) target(%dma_start3A_144 : memref<128x128xf32, #tpu.memory_space<vmem>>) offsets(%dma_start3A_147 : memref<128xi32, #tpu.memory_space<vmem>>) semaphore(%arg12 : memref<!tpu.dma_semaphore, #tpu.memory_space<semaphore_mem>>)
      %mul3A_151 = arith.constant 4 : i32
      %mul3A_152 = arith.muli %mul3A_151, %scan3A_136 : i32
      %add3A_153 = arith.constant 1 : i32
      %add3A_154 = arith.addi %mul3A_152, %add3A_153 : i32
      %dma_start3A_155 = arith.constant 1 : i32
      %dma_start3A_156 = arith.constant 0 : i32
      %dma_start3A_157 = arith.constant 0 : i32
      %dma_start3A_158 = tpu.memref_slice %arg10[%dma_start3A_155, %dma_start3A_156, %dma_start3A_157] : memref<4x128x128xf32, #tpu.memory_space<vmem>> -> memref<1x128x128xf32, #tpu.memory_space<vmem>>
      %dma_start3A_159 = tpu.memref_squeeze %dma_start3A_158 : memref<1x128x128xf32, #tpu.memory_space<vmem>> -> memref<128x128xf32, #tpu.memory_space<vmem>>
      %dma_start3A_160 = arith.constant 0 : i32
      %dma_start3A_161 = tpu.memref_slice %arg7[%add3A_154, %dma_start3A_160] : memref<80x128xi32, #tpu.memory_space<vmem>> -> memref<1x128xi32, #tpu.memory_space<vmem>>
      %dma_start3A_162 = tpu.memref_squeeze %dma_start3A_161 : memref<1x128xi32, #tpu.memory_space<vmem>> -> memref<128xi32, #tpu.memory_space<vmem>>
      %dma_start3A_163 = arith.constant 0 : i32
      %dma_start3A_164 = arith.constant 0 : i32
      %dma_start3A_165 = tpu.memref_slice %arg2[%dma_start3A_163, %dma_start3A_164] : memref<20480x128xf32, #tpu.memory_space<hbm>> -> memref<20480x128xf32, #tpu.memory_space<hbm>>
      tpu.enqueue_indirect_dma source(%dma_start3A_165 : memref<20480x128xf32, #tpu.memory_space<hbm>>) target(%dma_start3A_159 : memref<128x128xf32, #tpu.memory_space<vmem>>) offsets(%dma_start3A_162 : memref<128xi32, #tpu.memory_space<vmem>>) semaphore(%arg13 : memref<!tpu.dma_semaphore, #tpu.memory_space<semaphore_mem>>)
      %mul3A_166 = arith.constant 4 : i32
      %mul3A_167 = arith.muli %mul3A_166, %scan3A_136 : i32
      %add3A_168 = arith.constant 2 : i32
      %add3A_169 = arith.addi %mul3A_167, %add3A_168 : i32
      %dma_start3A_170 = arith.constant 2 : i32
      %dma_start3A_171 = arith.constant 0 : i32
      %dma_start3A_172 = arith.constant 0 : i32
      %dma_start3A_173 = tpu.memref_slice %arg10[%dma_start3A_170, %dma_start3A_171, %dma_start3A_172] : memref<4x128x128xf32, #tpu.memory_space<vmem>> -> memref<1x128x128xf32, #tpu.memory_space<vmem>>
      %dma_start3A_174 = tpu.memref_squeeze %dma_start3A_173 : memref<1x128x128xf32, #tpu.memory_space<vmem>> -> memref<128x128xf32, #tpu.memory_space<vmem>>
      %dma_start3A_175 = arith.constant 0 : i32
      %dma_start3A_176 = tpu.memref_slice %arg7[%add3A_169, %dma_start3A_175] : memref<80x128xi32, #tpu.memory_space<vmem>> -> memref<1x128xi32, #tpu.memory_space<vmem>>
      %dma_start3A_177 = tpu.memref_squeeze %dma_start3A_176 : memref<1x128xi32, #tpu.memory_space<vmem>> -> memref<128xi32, #tpu.memory_space<vmem>>
      %dma_start3A_178 = arith.constant 0 : i32
      %dma_start3A_179 = arith.constant 0 : i32
      %dma_start3A_180 = tpu.memref_slice %arg2[%dma_start3A_178, %dma_start3A_179] : memref<20480x128xf32, #tpu.memory_space<hbm>> -> memref<20480x128xf32, #tpu.memory_space<hbm>>
      tpu.enqueue_indirect_dma source(%dma_start3A_180 : memref<20480x128xf32, #tpu.memory_space<hbm>>) target(%dma_start3A_174 : memref<128x128xf32, #tpu.memory_space<vmem>>) offsets(%dma_start3A_177 : memref<128xi32, #tpu.memory_space<vmem>>) semaphore(%arg14 : memref<!tpu.dma_semaphore, #tpu.memory_space<semaphore_mem>>)
      %mul3A_181 = arith.constant 4 : i32
      %mul3A_182 = arith.muli %mul3A_181, %scan3A_136 : i32
      %add3A_183 = arith.constant 3 : i32
      %add3A_184 = arith.addi %mul3A_182, %add3A_183 : i32
      %dma_start3A_185 = arith.constant 3 : i32
      %dma_start3A_186 = arith.constant 0 : i32
      %dma_start3A_187 = arith.constant 0 : i32
      %dma_start3A_188 = tpu.memref_slice %arg10[%dma_start3A_185, %dma_start3A_186, %dma_start3A_187] : memref<4x128x128xf32, #tpu.memory_space<vmem>> -> memref<1x128x128xf32, #tpu.memory_space<vmem>>
      %dma_start3A_189 = tpu.memref_squeeze %dma_start3A_188 : memref<1x128x128xf32, #tpu.memory_space<vmem>> -> memref<128x128xf32, #tpu.memory_space<vmem>>
      %dma_start3A_190 = arith.constant 0 : i32
      %dma_start3A_191 = tpu.memref_slice %arg7[%add3A_184, %dma_start3A_190] : memref<80x128xi32, #tpu.memory_space<vmem>> -> memref<1x128xi32, #tpu.memory_space<vmem>>
      %dma_start3A_192 = tpu.memref_squeeze %dma_start3A_191 : memref<1x128xi32, #tpu.memory_space<vmem>> -> memref<128xi32, #tpu.memory_space<vmem>>
      %dma_start3A_193 = arith.constant 0 : i32
      %dma_start3A_194 = arith.constant 0 : i32
      %dma_start3A_195 = tpu.memref_slice %arg2[%dma_start3A_193, %dma_start3A_194] : memref<20480x128xf32, #tpu.memory_space<hbm>> -> memref<20480x128xf32, #tpu.memory_space<hbm>>
      tpu.enqueue_indirect_dma source(%dma_start3A_195 : memref<20480x128xf32, #tpu.memory_space<hbm>>) target(%dma_start3A_189 : memref<128x128xf32, #tpu.memory_space<vmem>>) offsets(%dma_start3A_192 : memref<128xi32, #tpu.memory_space<vmem>>) semaphore(%arg15 : memref<!tpu.dma_semaphore, #tpu.memory_space<semaphore_mem>>)
      %dma_wait3A = arith.constant 0 : i32
      %dma_wait3A_196 = arith.constant 0 : i32
      %dma_wait3A_197 = arith.constant 0 : i32
      %dma_wait3A_198 = tpu.memref_slice %arg10[%dma_wait3A, %dma_wait3A_196, %dma_wait3A_197] : memref<4x128x128xf32, #tpu.memory_space<vmem>> -> memref<1x128x128xf32, #tpu.memory_space<vmem>>
      %dma_wait3A_199 = tpu.memref_squeeze %dma_wait3A_198 : memref<1x128x128xf32, #tpu.memory_space<vmem>> -> memref<128x128xf32, #tpu.memory_space<vmem>>
      %dma_wait3A_200 = arith.constant 0 : i32
      %dma_wait3A_201 = tpu.memref_slice %arg7[%add3A_140, %dma_wait3A_200] : memref<80x128xi32, #tpu.memory_space<vmem>> -> memref<1x128xi32, #tpu.memory_space<vmem>>
      %dma_wait3A_202 = tpu.memref_squeeze %dma_wait3A_201 : memref<1x128xi32, #tpu.memory_space<vmem>> -> memref<128xi32, #tpu.memory_space<vmem>>
      %dma_wait3A_203 = arith.constant 0 : i32
      %dma_wait3A_204 = arith.constant 0 : i32
      %dma_wait3A_205 = tpu.memref_slice %arg2[%dma_wait3A_203, %dma_wait3A_204] : memref<20480x128xf32, #tpu.memory_space<hbm>> -> memref<20480x128xf32, #tpu.memory_space<hbm>>
      tpu.wait_indirect_dma semaphore(%arg12 : memref<!tpu.dma_semaphore, #tpu.memory_space<semaphore_mem>>) src(%dma_wait3A_205 : memref<20480x128xf32, #tpu.memory_space<hbm>>) dst(%dma_wait3A_199 : memref<128x128xf32, #tpu.memory_space<vmem>>)
      %dma_wait3A_206 = arith.constant 1 : i32
      %dma_wait3A_207 = arith.constant 0 : i32
      %dma_wait3A_208 = arith.constant 0 : i32
      %dma_wait3A_209 = tpu.memref_slice %arg10[%dma_wait3A_206, %dma_wait3A_207, %dma_wait3A_208] : memref<4x128x128xf32, #tpu.memory_space<vmem>> -> memref<1x128x128xf32, #tpu.memory_space<vmem>>
      %dma_wait3A_210 = tpu.memref_squeeze %dma_wait3A_209 : memref<1x128x128xf32, #tpu.memory_space<vmem>> -> memref<128x128xf32, #tpu.memory_space<vmem>>
      %dma_wait3A_211 = arith.constant 0 : i32
      %dma_wait3A_212 = tpu.memref_slice %arg7[%add3A_154, %dma_wait3A_211] : memref<80x128xi32, #tpu.memory_space<vmem>> -> memref<1x128xi32, #tpu.memory_space<vmem>>
      %dma_wait3A_213 = tpu.memref_squeeze %dma_wait3A_212 : memref<1x128xi32, #tpu.memory_space<vmem>> -> memref<128xi32, #tpu.memory_space<vmem>>
      %dma_wait3A_214 = arith.constant 0 : i32
      %dma_wait3A_215 = arith.constant 0 : i32
      %dma_wait3A_216 = tpu.memref_slice %arg2[%dma_wait3A_214, %dma_wait3A_215] : memref<20480x128xf32, #tpu.memory_space<hbm>> -> memref<20480x128xf32, #tpu.memory_space<hbm>>
      tpu.wait_indirect_dma semaphore(%arg13 : memref<!tpu.dma_semaphore, #tpu.memory_space<semaphore_mem>>) src(%dma_wait3A_216 : memref<20480x128xf32, #tpu.memory_space<hbm>>) dst(%dma_wait3A_210 : memref<128x128xf32, #tpu.memory_space<vmem>>)
      %dma_wait3A_217 = arith.constant 2 : i32
      %dma_wait3A_218 = arith.constant 0 : i32
      %dma_wait3A_219 = arith.constant 0 : i32
      %dma_wait3A_220 = tpu.memref_slice %arg10[%dma_wait3A_217, %dma_wait3A_218, %dma_wait3A_219] : memref<4x128x128xf32, #tpu.memory_space<vmem>> -> memref<1x128x128xf32, #tpu.memory_space<vmem>>
      %dma_wait3A_221 = tpu.memref_squeeze %dma_wait3A_220 : memref<1x128x128xf32, #tpu.memory_space<vmem>> -> memref<128x128xf32, #tpu.memory_space<vmem>>
      %dma_wait3A_222 = arith.constant 0 : i32
      %dma_wait3A_223 = tpu.memref_slice %arg7[%add3A_169, %dma_wait3A_222] : memref<80x128xi32, #tpu.memory_space<vmem>> -> memref<1x128xi32, #tpu.memory_space<vmem>>
      %dma_wait3A_224 = tpu.memref_squeeze %dma_wait3A_223 : memref<1x128xi32, #tpu.memory_space<vmem>> -> memref<128xi32, #tpu.memory_space<vmem>>
      %dma_wait3A_225 = arith.constant 0 : i32
      %dma_wait3A_226 = arith.constant 0 : i32
      %dma_wait3A_227 = tpu.memref_slice %arg2[%dma_wait3A_225, %dma_wait3A_226] : memref<20480x128xf32, #tpu.memory_space<hbm>> -> memref<20480x128xf32, #tpu.memory_space<hbm>>
      tpu.wait_indirect_dma semaphore(%arg14 : memref<!tpu.dma_semaphore, #tpu.memory_space<semaphore_mem>>) src(%dma_wait3A_227 : memref<20480x128xf32, #tpu.memory_space<hbm>>) dst(%dma_wait3A_221 : memref<128x128xf32, #tpu.memory_space<vmem>>)
      %dma_wait3A_228 = arith.constant 3 : i32
      %dma_wait3A_229 = arith.constant 0 : i32
      %dma_wait3A_230 = arith.constant 0 : i32
      %dma_wait3A_231 = tpu.memref_slice %arg10[%dma_wait3A_228, %dma_wait3A_229, %dma_wait3A_230] : memref<4x128x128xf32, #tpu.memory_space<vmem>> -> memref<1x128x128xf32, #tpu.memory_space<vmem>>
      %dma_wait3A_232 = tpu.memref_squeeze %dma_wait3A_231 : memref<1x128x128xf32, #tpu.memory_space<vmem>> -> memref<128x128xf32, #tpu.memory_space<vmem>>
      %dma_wait3A_233 = arith.constant 0 : i32
      %dma_wait3A_234 = tpu.memref_slice %arg7[%add3A_184, %dma_wait3A_233] : memref<80x128xi32, #tpu.memory_space<vmem>> -> memref<1x128xi32, #tpu.memory_space<vmem>>
      %dma_wait3A_235 = tpu.memref_squeeze %dma_wait3A_234 : memref<1x128xi32, #tpu.memory_space<vmem>> -> memref<128xi32, #tpu.memory_space<vmem>>
      %dma_wait3A_236 = arith.constant 0 : i32
      %dma_wait3A_237 = arith.constant 0 : i32
      %dma_wait3A_238 = tpu.memref_slice %arg2[%dma_wait3A_236, %dma_wait3A_237] : memref<20480x128xf32, #tpu.memory_space<hbm>> -> memref<20480x128xf32, #tpu.memory_space<hbm>>
      tpu.wait_indirect_dma semaphore(%arg15 : memref<!tpu.dma_semaphore, #tpu.memory_space<semaphore_mem>>) src(%dma_wait3A_238 : memref<20480x128xf32, #tpu.memory_space<hbm>>) dst(%dma_wait3A_232 : memref<128x128xf32, #tpu.memory_space<vmem>>)
      %mul3A_239 = arith.constant 4 : i32
      %mul3A_240 = arith.muli %mul3A_239, %scan3A_136 : i32
      %add3A_241 = arith.constant 0 : i32
      %add3A_242 = arith.addi %mul3A_240, %add3A_241 : i32
      %run_scoped3A = arith.constant 0 : i32
      "tpu.region"() ({
        %run_scoped3A_258 = tpu.sem_alloc : memref<!tpu.dma_semaphore, #tpu.memory_space<semaphore_mem>>
        %dma_start3A_259 = arith.constant 0 : i32
        %dma_start3A_260 = arith.constant 0 : i32
        %dma_start3A_261 = tpu.memref_slice %arg10[%run_scoped3A, %dma_start3A_259, %dma_start3A_260] : memref<4x128x128xf32, #tpu.memory_space<vmem>> -> memref<1x128x128xf32, #tpu.memory_space<vmem>>
        %dma_start3A_262 = tpu.memref_squeeze %dma_start3A_261 : memref<1x128x128xf32, #tpu.memory_space<vmem>> -> memref<128x128xf32, #tpu.memory_space<vmem>>
        %dma_start3A_263 = arith.constant 0 : i32
        %dma_start3A_264 = tpu.memref_slice %arg9[%add3A_242, %dma_start3A_263] : memref<80x128xi32, #tpu.memory_space<vmem>> -> memref<1x128xi32, #tpu.memory_space<vmem>>
        %dma_start3A_265 = tpu.memref_squeeze %dma_start3A_264 : memref<1x128xi32, #tpu.memory_space<vmem>> -> memref<128xi32, #tpu.memory_space<vmem>>
        %dma_start3A_266 = arith.constant 0 : i32
        %dma_start3A_267 = arith.constant 0 : i32
        %dma_start3A_268 = tpu.memref_slice %arg11[%dma_start3A_266, %dma_start3A_267] : memref<2576x128xf32, #tpu.memory_space<vmem_shared>> -> memref<2576x128xf32, #tpu.memory_space<vmem_shared>>
        tpu.enqueue_indirect_dma source(%dma_start3A_262 : memref<128x128xf32, #tpu.memory_space<vmem>>) target(%dma_start3A_268 : memref<2576x128xf32, #tpu.memory_space<vmem_shared>>) offsets(%dma_start3A_265 : memref<128xi32, #tpu.memory_space<vmem>>) semaphore(%run_scoped3A_258 : memref<!tpu.dma_semaphore, #tpu.memory_space<semaphore_mem>>) {add = true}
        %dma_wait3A_269 = arith.constant 0 : i32
        %dma_wait3A_270 = arith.constant 0 : i32
        %dma_wait3A_271 = tpu.memref_slice %arg10[%run_scoped3A, %dma_wait3A_269, %dma_wait3A_270] : memref<4x128x128xf32, #tpu.memory_space<vmem>> -> memref<1x128x128xf32, #tpu.memory_space<vmem>>
        %dma_wait3A_272 = tpu.memref_squeeze %dma_wait3A_271 : memref<1x128x128xf32, #tpu.memory_space<vmem>> -> memref<128x128xf32, #tpu.memory_space<vmem>>
        %dma_wait3A_273 = arith.constant 0 : i32
        %dma_wait3A_274 = tpu.memref_slice %arg9[%add3A_242, %dma_wait3A_273] : memref<80x128xi32, #tpu.memory_space<vmem>> -> memref<1x128xi32, #tpu.memory_space<vmem>>
        %dma_wait3A_275 = tpu.memref_squeeze %dma_wait3A_274 : memref<1x128xi32, #tpu.memory_space<vmem>> -> memref<128xi32, #tpu.memory_space<vmem>>
        %dma_wait3A_276 = arith.constant 0 : i32
        %dma_wait3A_277 = arith.constant 0 : i32
        %dma_wait3A_278 = tpu.memref_slice %arg11[%dma_wait3A_276, %dma_wait3A_277] : memref<2576x128xf32, #tpu.memory_space<vmem_shared>> -> memref<2576x128xf32, #tpu.memory_space<vmem_shared>>
        tpu.wait_indirect_dma semaphore(%run_scoped3A_258 : memref<!tpu.dma_semaphore, #tpu.memory_space<semaphore_mem>>) src(%dma_wait3A_272 : memref<128x128xf32, #tpu.memory_space<vmem>>) dst(%dma_wait3A_278 : memref<2576x128xf32, #tpu.memory_space<vmem_shared>>)
        tpu.yield
      }) : () -> ()
      %mul3A_243 = arith.constant 4 : i32
      %mul3A_244 = arith.muli %mul3A_243, %scan3A_136 : i32
      %add3A_245 = arith.constant 1 : i32
      %add3A_246 = arith.addi %mul3A_244, %add3A_245 : i32
      %run_scoped3A_247 = arith.constant 1 : i32
      "tpu.region"() ({
        %run_scoped3A_258 = tpu.sem_alloc : memref<!tpu.dma_semaphore, #tpu.memory_space<semaphore_mem>>
        %dma_start3A_259 = arith.constant 0 : i32
        %dma_start3A_260 = arith.constant 0 : i32
        %dma_start3A_261 = tpu.memref_slice %arg10[%run_scoped3A_247, %dma_start3A_259, %dma_start3A_260] : memref<4x128x128xf32, #tpu.memory_space<vmem>> -> memref<1x128x128xf32, #tpu.memory_space<vmem>>
        %dma_start3A_262 = tpu.memref_squeeze %dma_start3A_261 : memref<1x128x128xf32, #tpu.memory_space<vmem>> -> memref<128x128xf32, #tpu.memory_space<vmem>>
        %dma_start3A_263 = arith.constant 0 : i32
        %dma_start3A_264 = tpu.memref_slice %arg9[%add3A_246, %dma_start3A_263] : memref<80x128xi32, #tpu.memory_space<vmem>> -> memref<1x128xi32, #tpu.memory_space<vmem>>
        %dma_start3A_265 = tpu.memref_squeeze %dma_start3A_264 : memref<1x128xi32, #tpu.memory_space<vmem>> -> memref<128xi32, #tpu.memory_space<vmem>>
        %dma_start3A_266 = arith.constant 0 : i32
        %dma_start3A_267 = arith.constant 0 : i32
        %dma_start3A_268 = tpu.memref_slice %arg11[%dma_start3A_266, %dma_start3A_267] : memref<2576x128xf32, #tpu.memory_space<vmem_shared>> -> memref<2576x128xf32, #tpu.memory_space<vmem_shared>>
        tpu.enqueue_indirect_dma source(%dma_start3A_262 : memref<128x128xf32, #tpu.memory_space<vmem>>) target(%dma_start3A_268 : memref<2576x128xf32, #tpu.memory_space<vmem_shared>>) offsets(%dma_start3A_265 : memref<128xi32, #tpu.memory_space<vmem>>) semaphore(%run_scoped3A_258 : memref<!tpu.dma_semaphore, #tpu.memory_space<semaphore_mem>>) {add = true}
        %dma_wait3A_269 = arith.constant 0 : i32
        %dma_wait3A_270 = arith.constant 0 : i32
        %dma_wait3A_271 = tpu.memref_slice %arg10[%run_scoped3A_247, %dma_wait3A_269, %dma_wait3A_270] : memref<4x128x128xf32, #tpu.memory_space<vmem>> -> memref<1x128x128xf32, #tpu.memory_space<vmem>>
        %dma_wait3A_272 = tpu.memref_squeeze %dma_wait3A_271 : memref<1x128x128xf32, #tpu.memory_space<vmem>> -> memref<128x128xf32, #tpu.memory_space<vmem>>
        %dma_wait3A_273 = arith.constant 0 : i32
        %dma_wait3A_274 = tpu.memref_slice %arg9[%add3A_246, %dma_wait3A_273] : memref<80x128xi32, #tpu.memory_space<vmem>> -> memref<1x128xi32, #tpu.memory_space<vmem>>
        %dma_wait3A_275 = tpu.memref_squeeze %dma_wait3A_274 : memref<1x128xi32, #tpu.memory_space<vmem>> -> memref<128xi32, #tpu.memory_space<vmem>>
        %dma_wait3A_276 = arith.constant 0 : i32
        %dma_wait3A_277 = arith.constant 0 : i32
        %dma_wait3A_278 = tpu.memref_slice %arg11[%dma_wait3A_276, %dma_wait3A_277] : memref<2576x128xf32, #tpu.memory_space<vmem_shared>> -> memref<2576x128xf32, #tpu.memory_space<vmem_shared>>
        tpu.wait_indirect_dma semaphore(%run_scoped3A_258 : memref<!tpu.dma_semaphore, #tpu.memory_space<semaphore_mem>>) src(%dma_wait3A_272 : memref<128x128xf32, #tpu.memory_space<vmem>>) dst(%dma_wait3A_278 : memref<2576x128xf32, #tpu.memory_space<vmem_shared>>)
        tpu.yield
      }) : () -> ()
      %mul3A_248 = arith.constant 4 : i32
      %mul3A_249 = arith.muli %mul3A_248, %scan3A_136 : i32
      %add3A_250 = arith.constant 2 : i32
      %add3A_251 = arith.addi %mul3A_249, %add3A_250 : i32
      %run_scoped3A_252 = arith.constant 2 : i32
      "tpu.region"() ({
        %run_scoped3A_258 = tpu.sem_alloc : memref<!tpu.dma_semaphore, #tpu.memory_space<semaphore_mem>>
        %dma_start3A_259 = arith.constant 0 : i32
        %dma_start3A_260 = arith.constant 0 : i32
        %dma_start3A_261 = tpu.memref_slice %arg10[%run_scoped3A_252, %dma_start3A_259, %dma_start3A_260] : memref<4x128x128xf32, #tpu.memory_space<vmem>> -> memref<1x128x128xf32, #tpu.memory_space<vmem>>
        %dma_start3A_262 = tpu.memref_squeeze %dma_start3A_261 : memref<1x128x128xf32, #tpu.memory_space<vmem>> -> memref<128x128xf32, #tpu.memory_space<vmem>>
        %dma_start3A_263 = arith.constant 0 : i32
        %dma_start3A_264 = tpu.memref_slice %arg9[%add3A_251, %dma_start3A_263] : memref<80x128xi32, #tpu.memory_space<vmem>> -> memref<1x128xi32, #tpu.memory_space<vmem>>
        %dma_start3A_265 = tpu.memref_squeeze %dma_start3A_264 : memref<1x128xi32, #tpu.memory_space<vmem>> -> memref<128xi32, #tpu.memory_space<vmem>>
        %dma_start3A_266 = arith.constant 0 : i32
        %dma_start3A_267 = arith.constant 0 : i32
        %dma_start3A_268 = tpu.memref_slice %arg11[%dma_start3A_266, %dma_start3A_267] : memref<2576x128xf32, #tpu.memory_space<vmem_shared>> -> memref<2576x128xf32, #tpu.memory_space<vmem_shared>>
        tpu.enqueue_indirect_dma source(%dma_start3A_262 : memref<128x128xf32, #tpu.memory_space<vmem>>) target(%dma_start3A_268 : memref<2576x128xf32, #tpu.memory_space<vmem_shared>>) offsets(%dma_start3A_265 : memref<128xi32, #tpu.memory_space<vmem>>) semaphore(%run_scoped3A_258 : memref<!tpu.dma_semaphore, #tpu.memory_space<semaphore_mem>>) {add = true}
        %dma_wait3A_269 = arith.constant 0 : i32
        %dma_wait3A_270 = arith.constant 0 : i32
        %dma_wait3A_271 = tpu.memref_slice %arg10[%run_scoped3A_252, %dma_wait3A_269, %dma_wait3A_270] : memref<4x128x128xf32, #tpu.memory_space<vmem>> -> memref<1x128x128xf32, #tpu.memory_space<vmem>>
        %dma_wait3A_272 = tpu.memref_squeeze %dma_wait3A_271 : memref<1x128x128xf32, #tpu.memory_space<vmem>> -> memref<128x128xf32, #tpu.memory_space<vmem>>
        %dma_wait3A_273 = arith.constant 0 : i32
        %dma_wait3A_274 = tpu.memref_slice %arg9[%add3A_251, %dma_wait3A_273] : memref<80x128xi32, #tpu.memory_space<vmem>> -> memref<1x128xi32, #tpu.memory_space<vmem>>
        %dma_wait3A_275 = tpu.memref_squeeze %dma_wait3A_274 : memref<1x128xi32, #tpu.memory_space<vmem>> -> memref<128xi32, #tpu.memory_space<vmem>>
        %dma_wait3A_276 = arith.constant 0 : i32
        %dma_wait3A_277 = arith.constant 0 : i32
        %dma_wait3A_278 = tpu.memref_slice %arg11[%dma_wait3A_276, %dma_wait3A_277] : memref<2576x128xf32, #tpu.memory_space<vmem_shared>> -> memref<2576x128xf32, #tpu.memory_space<vmem_shared>>
        tpu.wait_indirect_dma semaphore(%run_scoped3A_258 : memref<!tpu.dma_semaphore, #tpu.memory_space<semaphore_mem>>) src(%dma_wait3A_272 : memref<128x128xf32, #tpu.memory_space<vmem>>) dst(%dma_wait3A_278 : memref<2576x128xf32, #tpu.memory_space<vmem_shared>>)
        tpu.yield
      }) : () -> ()
      %mul3A_253 = arith.constant 4 : i32
      %mul3A_254 = arith.muli %mul3A_253, %scan3A_136 : i32
      %add3A_255 = arith.constant 3 : i32
      %add3A_256 = arith.addi %mul3A_254, %add3A_255 : i32
      %run_scoped3A_257 = arith.constant 3 : i32
      "tpu.region"() ({
        %run_scoped3A_258 = tpu.sem_alloc : memref<!tpu.dma_semaphore, #tpu.memory_space<semaphore_mem>>
        %dma_start3A_259 = arith.constant 0 : i32
        %dma_start3A_260 = arith.constant 0 : i32
        %dma_start3A_261 = tpu.memref_slice %arg10[%run_scoped3A_257, %dma_start3A_259, %dma_start3A_260] : memref<4x128x128xf32, #tpu.memory_space<vmem>> -> memref<1x128x128xf32, #tpu.memory_space<vmem>>
        %dma_start3A_262 = tpu.memref_squeeze %dma_start3A_261 : memref<1x128x128xf32, #tpu.memory_space<vmem>> -> memref<128x128xf32, #tpu.memory_space<vmem>>
        %dma_start3A_263 = arith.constant 0 : i32
        %dma_start3A_264 = tpu.memref_slice %arg9[%add3A_256, %dma_start3A_263] : memref<80x128xi32, #tpu.memory_space<vmem>> -> memref<1x128xi32, #tpu.memory_space<vmem>>
        %dma_start3A_265 = tpu.memref_squeeze %dma_start3A_264 : memref<1x128xi32, #tpu.memory_space<vmem>> -> memref<128xi32, #tpu.memory_space<vmem>>
        %dma_start3A_266 = arith.constant 0 : i32
        %dma_start3A_267 = arith.constant 0 : i32
        %dma_start3A_268 = tpu.memref_slice %arg11[%dma_start3A_266, %dma_start3A_267] : memref<2576x128xf32, #tpu.memory_space<vmem_shared>> -> memref<2576x128xf32, #tpu.memory_space<vmem_shared>>
        tpu.enqueue_indirect_dma source(%dma_start3A_262 : memref<128x128xf32, #tpu.memory_space<vmem>>) target(%dma_start3A_268 : memref<2576x128xf32, #tpu.memory_space<vmem_shared>>) offsets(%dma_start3A_265 : memref<128xi32, #tpu.memory_space<vmem>>) semaphore(%run_scoped3A_258 : memref<!tpu.dma_semaphore, #tpu.memory_space<semaphore_mem>>) {add = true}
        %dma_wait3A_269 = arith.constant 0 : i32
        %dma_wait3A_270 = arith.constant 0 : i32
        %dma_wait3A_271 = tpu.memref_slice %arg10[%run_scoped3A_257, %dma_wait3A_269, %dma_wait3A_270] : memref<4x128x128xf32, #tpu.memory_space<vmem>> -> memref<1x128x128xf32, #tpu.memory_space<vmem>>
        %dma_wait3A_272 = tpu.memref_squeeze %dma_wait3A_271 : memref<1x128x128xf32, #tpu.memory_space<vmem>> -> memref<128x128xf32, #tpu.memory_space<vmem>>
        %dma_wait3A_273 = arith.constant 0 : i32
        %dma_wait3A_274 = tpu.memref_slice %arg9[%add3A_256, %dma_wait3A_273] : memref<80x128xi32, #tpu.memory_space<vmem>> -> memref<1x128xi32, #tpu.memory_space<vmem>>
        %dma_wait3A_275 = tpu.memref_squeeze %dma_wait3A_274 : memref<1x128xi32, #tpu.memory_space<vmem>> -> memref<128xi32, #tpu.memory_space<vmem>>
        %dma_wait3A_276 = arith.constant 0 : i32
        %dma_wait3A_277 = arith.constant 0 : i32
        %dma_wait3A_278 = tpu.memref_slice %arg11[%dma_wait3A_276, %dma_wait3A_277] : memref<2576x128xf32, #tpu.memory_space<vmem_shared>> -> memref<2576x128xf32, #tpu.memory_space<vmem_shared>>
        tpu.wait_indirect_dma semaphore(%run_scoped3A_258 : memref<!tpu.dma_semaphore, #tpu.memory_space<semaphore_mem>>) src(%dma_wait3A_272 : memref<128x128xf32, #tpu.memory_space<vmem>>) dst(%dma_wait3A_278 : memref<2576x128xf32, #tpu.memory_space<vmem_shared>>)
        tpu.yield
      }) : () -> ()
    }
    %scan3A_55 = arith.constant 20 : i32
    %barrier3A_56 = arith.constant 0 : index
    tpu.barrier barrier_id(%barrier3A_56)
    %mul3A_57 = arith.constant 160 : i32
    %mul3A_58 = arith.muli %arg1, %mul3A_57 : i32
    %mul3A_59 = arith.constant 10240 : i32
    %mul3A_60 = arith.muli %arg0, %mul3A_59 : i32
    %add3A_61 = arith.constant 2560 : i32
    %add3A_62 = arith.addi %mul3A_60, %add3A_61 : i32
    %mul3A_63 = arith.constant 160 : i32
    %mul3A_64 = arith.muli %arg1, %mul3A_63 : i32
    %add3A_65 = arith.addi %add3A_62, %mul3A_64 : i32
    "tpu.region"() ({
      %run_scoped3A = tpu.sem_alloc : memref<!tpu.dma_semaphore, #tpu.memory_space<semaphore_mem>>
      %dma_start3A = arith.constant 0 : i32
      %dma_start3A_136 = tpu.memref_slice %arg6[%add3A_65, %dma_start3A] : memref<20480x128xf32, #tpu.memory_space<hbm>> -> memref<160x128xf32, #tpu.memory_space<hbm>>
      %dma_start3A_137 = arith.constant 0 : i32
      %dma_start3A_138 = tpu.memref_slice %arg11[%mul3A_58, %dma_start3A_137] : memref<2576x128xf32, #tpu.memory_space<vmem_shared>> -> memref<160x128xf32, #tpu.memory_space<vmem_shared>>
      tpu.enqueue_dma source(%dma_start3A_138 : memref<160x128xf32, #tpu.memory_space<vmem_shared>>) target(%dma_start3A_136 : memref<160x128xf32, #tpu.memory_space<hbm>>) target_semaphore(%run_scoped3A : memref<!tpu.dma_semaphore, #tpu.memory_space<semaphore_mem>>)
      %dma_wait3A = arith.constant 0 : i32
      %dma_wait3A_139 = tpu.memref_slice %arg6[%add3A_65, %dma_wait3A] : memref<20480x128xf32, #tpu.memory_space<hbm>> -> memref<160x128xf32, #tpu.memory_space<hbm>>
      %dma_wait3A_140 = arith.constant 0 : i32
      %dma_wait3A_141 = tpu.memref_slice %arg11[%mul3A_58, %dma_wait3A_140] : memref<2576x128xf32, #tpu.memory_space<vmem_shared>> -> memref<160x128xf32, #tpu.memory_space<vmem_shared>>
      tpu.wait_dma2 semaphore(%run_scoped3A : memref<!tpu.dma_semaphore, #tpu.memory_space<semaphore_mem>>) src(%dma_wait3A_141 : memref<160x128xf32, #tpu.memory_space<vmem_shared>>) dst(%dma_wait3A_139 : memref<160x128xf32, #tpu.memory_space<hbm>>)
      tpu.yield
    }) : () -> ()
    %barrier3A_66 = arith.constant 0 : index
    tpu.barrier barrier_id(%barrier3A_66)
    %iota3A_67 = tpu.iota {dimensions = array<i32: 0>} : vector<16xi32>
    %add3A_68 = arith.constant 2560 : i32
    %add3A_69 = vector.broadcast %add3A_68 : i32 to vector<16xi32>
    %add3A_70 = arith.addi %add3A_69, %iota3A_67 : vector<16xi32>
    %scan3A_71 = arith.constant 0 : i32
    %scan3A_72 = arith.constant 640 : i32
    %scan3A_73 = arith.addi %scan3A_71, %scan3A_72 : i32
    %scan3A_74 = arith.constant 1 : i32
    scf.for %scan3A_136 = %scan3A_71 to %scan3A_73 step %scan3A_74  : i32 {
      %jit3A = arith.constant 8 : i32
      %div3A = arith.divsi %scan3A_136, %jit3A : i32
      %sign3A = arith.constant 0 : i32
      %sign3A_137 = arith.cmpi sgt, %scan3A_136, %sign3A : i32
      %sign3A_138 = arith.extui %sign3A_137 : i1 to i32
      %sign3A_139 = arith.constant 0 : i32
      %sign3A_140 = arith.cmpi slt, %scan3A_136, %sign3A_139 : i32
      %sign3A_141 = arith.extui %sign3A_140 : i1 to i32
      %sign3A_142 = arith.subi %sign3A_138, %sign3A_141 : i32
      %sign3A_143 = arith.constant 0 : i32
      %sign3A_144 = arith.cmpi sgt, %jit3A, %sign3A_143 : i32
      %sign3A_145 = arith.extui %sign3A_144 : i1 to i32
      %sign3A_146 = arith.constant 0 : i32
      %sign3A_147 = arith.cmpi slt, %jit3A, %sign3A_146 : i32
      %sign3A_148 = arith.extui %sign3A_147 : i1 to i32
      %sign3A_149 = arith.subi %sign3A_145, %sign3A_148 : i32
      %ne3A = arith.cmpi ne, %sign3A_142, %sign3A_149 : i32
      %rem3A = arith.remsi %scan3A_136, %jit3A : i32
      %ne3A_150 = arith.constant 0 : i32
      %ne3A_151 = arith.cmpi ne, %rem3A, %ne3A_150 : i32
      %and3A = arith.andi %ne3A, %ne3A_151 : i1
      %sub3A = arith.constant 1 : i32
      %sub3A_152 = arith.subi %div3A, %sub3A : i32
      %select_n3A = arith.select %and3A, %sub3A_152, %div3A : i32
      %jit3A_153 = arith.constant 8 : i32
      %eq3A_154 = arith.constant 0 : i32
      %eq3A_155 = arith.cmpi eq, %jit3A_153, %eq3A_154 : i32
      %jit3A_156 = arith.constant 1 : i32
      %select_n3A_157 = arith.select %eq3A_155, %jit3A_156, %jit3A_153 : i32
      %rem3A_158 = arith.remsi %scan3A_136, %select_n3A_157 : i32
      %ne3A_159 = arith.constant 0 : i32
      %ne3A_160 = arith.cmpi ne, %rem3A_158, %ne3A_159 : i32
      %lt3A = arith.constant 0 : i32
      %lt3A_161 = arith.cmpi slt, %rem3A_158, %lt3A : i32
      %lt3A_162 = arith.constant 0 : i32
      %lt3A_163 = arith.cmpi slt, %select_n3A_157, %lt3A_162 : i32
      %ne3A_164 = arith.xori %lt3A_161, %lt3A_163 : i1
      %and3A_165 = arith.andi %ne3A_164, %ne3A_160 : i1
      %add3A_166 = arith.addi %rem3A_158, %select_n3A_157 : i32
      %select_n3A_167 = arith.select %and3A_165, %add3A_166, %rem3A_158 : i32
      %mul3A_168 = arith.constant 16 : i32
      %mul3A_169 = arith.muli %select_n3A_167, %mul3A_168 : i32
      %get3A = arith.index_cast %select_n3A : i32 to index
      %get3A_170 = arith.index_cast %mul3A_169 : i32 to index
      %get3A_171 = tpu.vector_load %arg8[%get3A, %get3A_170] {strides = array<i32>} : memref<80x128xi32, #tpu.memory_space<vmem>>, vector<1x16xi32>,
      %get3A_172 = vector.shape_cast %get3A_171 : vector<1x16xi32> to vector<16xi32>
      %sub3A_173 = arith.constant 5120 : i32
      %sub3A_174 = vector.broadcast %sub3A_173 : i32 to vector<16xi32>
      %sub3A_175 = arith.subi %get3A_172, %sub3A_174 : vector<16xi32>
      %ge3A = arith.constant 0 : i32
      %ge3A_176 = vector.broadcast %ge3A : i32 to vector<16xi32>
      %ge3A_177 = arith.cmpi sge, %sub3A_175, %ge3A_176 : vector<16xi32>
      %lt3A_178 = arith.constant 2560 : i32
      %lt3A_179 = vector.broadcast %lt3A_178 : i32 to vector<16xi32>
      %lt3A_180 = arith.cmpi slt, %sub3A_175, %lt3A_179 : vector<16xi32>
      %and3A_181 = arith.andi %ge3A_177, %lt3A_180 : vector<16xi1>
      %select_n3A_182 = arith.select %and3A_181, %sub3A_175, %add3A_70 : vector<16xi1>, vector<16xi32>
      %swap3A = arith.index_cast %select_n3A : i32 to index
      %swap3A_183 = arith.index_cast %mul3A_169 : i32 to index
      %swap3A_184 = tpu.vector_load %arg9[%swap3A, %swap3A_183] {strides = array<i32>} : memref<80x128xi32, #tpu.memory_space<vmem>>, vector<1x16xi32>,
      %swap3A_185 = vector.shape_cast %swap3A_184 : vector<1x16xi32> to vector<16xi32>
      %swap3A_186 = vector.shape_cast %select_n3A_182 : vector<16xi32> to vector<1x16xi32>
      tpu.vector_store %arg9[%swap3A, %swap3A_183], %swap3A_186 {strides = array<i32>} : memref<80x128xi32, #tpu.memory_space<vmem>>, vector<1x16xi32>,
    }
    %scan3A_75 = arith.constant 640 : i32
    %mul3A_76 = arith.constant 160 : i32
    %mul3A_77 = arith.muli %arg1, %mul3A_76 : i32
    %mul3A_78 = arith.constant 160 : i32
    %mul3A_79 = arith.muli %arg1, %mul3A_78 : i32
    "tpu.region"() ({
      %run_scoped3A = tpu.sem_alloc : memref<!tpu.dma_semaphore, #tpu.memory_space<semaphore_mem>>
      %dma_start3A = arith.constant 0 : i32
      %dma_start3A_136 = tpu.memref_slice %arg11[%mul3A_79, %dma_start3A] : memref<2576x128xf32, #tpu.memory_space<vmem_shared>> -> memref<160x128xf32, #tpu.memory_space<vmem_shared>>
      %dma_start3A_137 = arith.constant 0 : i32
      %dma_start3A_138 = tpu.memref_slice %arg5[%mul3A_77, %dma_start3A_137] : memref<2560x128xf32, #tpu.memory_space<hbm>> -> memref<160x128xf32, #tpu.memory_space<hbm>>
      tpu.enqueue_dma source(%dma_start3A_138 : memref<160x128xf32, #tpu.memory_space<hbm>>) target(%dma_start3A_136 : memref<160x128xf32, #tpu.memory_space<vmem_shared>>) target_semaphore(%run_scoped3A : memref<!tpu.dma_semaphore, #tpu.memory_space<semaphore_mem>>)
      %dma_wait3A = arith.constant 0 : i32
      %dma_wait3A_139 = tpu.memref_slice %arg11[%mul3A_79, %dma_wait3A] : memref<2576x128xf32, #tpu.memory_space<vmem_shared>> -> memref<160x128xf32, #tpu.memory_space<vmem_shared>>
      %dma_wait3A_140 = arith.constant 0 : i32
      %dma_wait3A_141 = tpu.memref_slice %arg5[%mul3A_77, %dma_wait3A_140] : memref<2560x128xf32, #tpu.memory_space<hbm>> -> memref<160x128xf32, #tpu.memory_space<hbm>>
      tpu.wait_dma2 semaphore(%run_scoped3A : memref<!tpu.dma_semaphore, #tpu.memory_space<semaphore_mem>>) src(%dma_wait3A_141 : memref<160x128xf32, #tpu.memory_space<hbm>>) dst(%dma_wait3A_139 : memref<160x128xf32, #tpu.memory_space<vmem_shared>>)
      tpu.yield
    }) : () -> ()
    %eq3A_80 = arith.constant 0 : i32
    %eq3A_81 = arith.cmpi eq, %arg1, %eq3A_80 : i32
    %convert_element_type3A_82 = arith.extui %eq3A_81 : i1 to i32
    %cond3A_83 = arith.constant 0 : i32
    %cond3A_84 = arith.cmpi ne, %convert_element_type3A_82, %cond3A_83 : i32
    scf.if %cond3A_84 {
      "tpu.region"() ({
        %run_scoped3A = tpu.sem_alloc : memref<!tpu.dma_semaphore, #tpu.memory_space<semaphore_mem>>
        %dma_start3A = arith.constant 2560 : i32
        %dma_start3A_136 = arith.constant 0 : i32
        %dma_start3A_137 = tpu.memref_slice %arg11[%dma_start3A, %dma_start3A_136] : memref<2576x128xf32, #tpu.memory_space<vmem_shared>> -> memref<16x128xf32, #tpu.memory_space<vmem_shared>>
        %dma_start3A_138 = arith.constant 0 : i32
        %dma_start3A_139 = arith.constant 0 : i32
        %dma_start3A_140 = tpu.memref_slice %arg5[%dma_start3A_138, %dma_start3A_139] : memref<2560x128xf32, #tpu.memory_space<hbm>> -> memref<16x128xf32, #tpu.memory_space<hbm>>
        tpu.enqueue_dma source(%dma_start3A_140 : memref<16x128xf32, #tpu.memory_space<hbm>>) target(%dma_start3A_137 : memref<16x128xf32, #tpu.memory_space<vmem_shared>>) target_semaphore(%run_scoped3A : memref<!tpu.dma_semaphore, #tpu.memory_space<semaphore_mem>>)
        %dma_wait3A = arith.constant 2560 : i32
        %dma_wait3A_141 = arith.constant 0 : i32
        %dma_wait3A_142 = tpu.memref_slice %arg11[%dma_wait3A, %dma_wait3A_141] : memref<2576x128xf32, #tpu.memory_space<vmem_shared>> -> memref<16x128xf32, #tpu.memory_space<vmem_shared>>
        %dma_wait3A_143 = arith.constant 0 : i32
        %dma_wait3A_144 = arith.constant 0 : i32
        %dma_wait3A_145 = tpu.memref_slice %arg5[%dma_wait3A_143, %dma_wait3A_144] : memref<2560x128xf32, #tpu.memory_space<hbm>> -> memref<16x128xf32, #tpu.memory_space<hbm>>
        tpu.wait_dma2 semaphore(%run_scoped3A : memref<!tpu.dma_semaphore, #tpu.memory_space<semaphore_mem>>) src(%dma_wait3A_145 : memref<16x128xf32, #tpu.memory_space<hbm>>) dst(%dma_wait3A_142 : memref<16x128xf32, #tpu.memory_space<vmem_shared>>)
        tpu.yield
      }) : () -> ()
    } else {
    }
    %barrier3A_85 = arith.constant 0 : index
    tpu.barrier barrier_id(%barrier3A_85)
    %scan3A_86 = arith.constant 0 : i32
    %scan3A_87 = arith.constant 20 : i32
    %scan3A_88 = arith.addi %scan3A_86, %scan3A_87 : i32
    %scan3A_89 = arith.constant 1 : i32
    scf.for %scan3A_136 = %scan3A_86 to %scan3A_88 step %scan3A_89  : i32 {
      %mul3A_137 = arith.constant 4 : i32
      %mul3A_138 = arith.muli %mul3A_137, %scan3A_136 : i32
      %add3A_139 = arith.constant 0 : i32
      %add3A_140 = arith.addi %mul3A_138, %add3A_139 : i32
      %dma_start3A = arith.constant 0 : i32
      %dma_start3A_141 = arith.constant 0 : i32
      %dma_start3A_142 = arith.constant 0 : i32
      %dma_start3A_143 = tpu.memref_slice %arg10[%dma_start3A, %dma_start3A_141, %dma_start3A_142] : memref<4x128x128xf32, #tpu.memory_space<vmem>> -> memref<1x128x128xf32, #tpu.memory_space<vmem>>
      %dma_start3A_144 = tpu.memref_squeeze %dma_start3A_143 : memref<1x128x128xf32, #tpu.memory_space<vmem>> -> memref<128x128xf32, #tpu.memory_space<vmem>>
      %dma_start3A_145 = arith.constant 0 : i32
      %dma_start3A_146 = tpu.memref_slice %arg7[%add3A_140, %dma_start3A_145] : memref<80x128xi32, #tpu.memory_space<vmem>> -> memref<1x128xi32, #tpu.memory_space<vmem>>
      %dma_start3A_147 = tpu.memref_squeeze %dma_start3A_146 : memref<1x128xi32, #tpu.memory_space<vmem>> -> memref<128xi32, #tpu.memory_space<vmem>>
      %dma_start3A_148 = arith.constant 0 : i32
      %dma_start3A_149 = arith.constant 0 : i32
      %dma_start3A_150 = tpu.memref_slice %arg2[%dma_start3A_148, %dma_start3A_149] : memref<20480x128xf32, #tpu.memory_space<hbm>> -> memref<20480x128xf32, #tpu.memory_space<hbm>>
      tpu.enqueue_indirect_dma source(%dma_start3A_150 : memref<20480x128xf32, #tpu.memory_space<hbm>>) target(%dma_start3A_144 : memref<128x128xf32, #tpu.memory_space<vmem>>) offsets(%dma_start3A_147 : memref<128xi32, #tpu.memory_space<vmem>>) semaphore(%arg12 : memref<!tpu.dma_semaphore, #tpu.memory_space<semaphore_mem>>)
      %mul3A_151 = arith.constant 4 : i32
      %mul3A_152 = arith.muli %mul3A_151, %scan3A_136 : i32
      %add3A_153 = arith.constant 1 : i32
      %add3A_154 = arith.addi %mul3A_152, %add3A_153 : i32
      %dma_start3A_155 = arith.constant 1 : i32
      %dma_start3A_156 = arith.constant 0 : i32
      %dma_start3A_157 = arith.constant 0 : i32
      %dma_start3A_158 = tpu.memref_slice %arg10[%dma_start3A_155, %dma_start3A_156, %dma_start3A_157] : memref<4x128x128xf32, #tpu.memory_space<vmem>> -> memref<1x128x128xf32, #tpu.memory_space<vmem>>
      %dma_start3A_159 = tpu.memref_squeeze %dma_start3A_158 : memref<1x128x128xf32, #tpu.memory_space<vmem>> -> memref<128x128xf32, #tpu.memory_space<vmem>>
      %dma_start3A_160 = arith.constant 0 : i32
      %dma_start3A_161 = tpu.memref_slice %arg7[%add3A_154, %dma_start3A_160] : memref<80x128xi32, #tpu.memory_space<vmem>> -> memref<1x128xi32, #tpu.memory_space<vmem>>
      %dma_start3A_162 = tpu.memref_squeeze %dma_start3A_161 : memref<1x128xi32, #tpu.memory_space<vmem>> -> memref<128xi32, #tpu.memory_space<vmem>>
      %dma_start3A_163 = arith.constant 0 : i32
      %dma_start3A_164 = arith.constant 0 : i32
      %dma_start3A_165 = tpu.memref_slice %arg2[%dma_start3A_163, %dma_start3A_164] : memref<20480x128xf32, #tpu.memory_space<hbm>> -> memref<20480x128xf32, #tpu.memory_space<hbm>>
      tpu.enqueue_indirect_dma source(%dma_start3A_165 : memref<20480x128xf32, #tpu.memory_space<hbm>>) target(%dma_start3A_159 : memref<128x128xf32, #tpu.memory_space<vmem>>) offsets(%dma_start3A_162 : memref<128xi32, #tpu.memory_space<vmem>>) semaphore(%arg13 : memref<!tpu.dma_semaphore, #tpu.memory_space<semaphore_mem>>)
      %mul3A_166 = arith.constant 4 : i32
      %mul3A_167 = arith.muli %mul3A_166, %scan3A_136 : i32
      %add3A_168 = arith.constant 2 : i32
      %add3A_169 = arith.addi %mul3A_167, %add3A_168 : i32
      %dma_start3A_170 = arith.constant 2 : i32
      %dma_start3A_171 = arith.constant 0 : i32
      %dma_start3A_172 = arith.constant 0 : i32
      %dma_start3A_173 = tpu.memref_slice %arg10[%dma_start3A_170, %dma_start3A_171, %dma_start3A_172] : memref<4x128x128xf32, #tpu.memory_space<vmem>> -> memref<1x128x128xf32, #tpu.memory_space<vmem>>
      %dma_start3A_174 = tpu.memref_squeeze %dma_start3A_173 : memref<1x128x128xf32, #tpu.memory_space<vmem>> -> memref<128x128xf32, #tpu.memory_space<vmem>>
      %dma_start3A_175 = arith.constant 0 : i32
      %dma_start3A_176 = tpu.memref_slice %arg7[%add3A_169, %dma_start3A_175] : memref<80x128xi32, #tpu.memory_space<vmem>> -> memref<1x128xi32, #tpu.memory_space<vmem>>
      %dma_start3A_177 = tpu.memref_squeeze %dma_start3A_176 : memref<1x128xi32, #tpu.memory_space<vmem>> -> memref<128xi32, #tpu.memory_space<vmem>>
      %dma_start3A_178 = arith.constant 0 : i32
      %dma_start3A_179 = arith.constant 0 : i32
      %dma_start3A_180 = tpu.memref_slice %arg2[%dma_start3A_178, %dma_start3A_179] : memref<20480x128xf32, #tpu.memory_space<hbm>> -> memref<20480x128xf32, #tpu.memory_space<hbm>>
      tpu.enqueue_indirect_dma source(%dma_start3A_180 : memref<20480x128xf32, #tpu.memory_space<hbm>>) target(%dma_start3A_174 : memref<128x128xf32, #tpu.memory_space<vmem>>) offsets(%dma_start3A_177 : memref<128xi32, #tpu.memory_space<vmem>>) semaphore(%arg14 : memref<!tpu.dma_semaphore, #tpu.memory_space<semaphore_mem>>)
      %mul3A_181 = arith.constant 4 : i32
      %mul3A_182 = arith.muli %mul3A_181, %scan3A_136 : i32
      %add3A_183 = arith.constant 3 : i32
      %add3A_184 = arith.addi %mul3A_182, %add3A_183 : i32
      %dma_start3A_185 = arith.constant 3 : i32
      %dma_start3A_186 = arith.constant 0 : i32
      %dma_start3A_187 = arith.constant 0 : i32
      %dma_start3A_188 = tpu.memref_slice %arg10[%dma_start3A_185, %dma_start3A_186, %dma_start3A_187] : memref<4x128x128xf32, #tpu.memory_space<vmem>> -> memref<1x128x128xf32, #tpu.memory_space<vmem>>
      %dma_start3A_189 = tpu.memref_squeeze %dma_start3A_188 : memref<1x128x128xf32, #tpu.memory_space<vmem>> -> memref<128x128xf32, #tpu.memory_space<vmem>>
      %dma_start3A_190 = arith.constant 0 : i32
      %dma_start3A_191 = tpu.memref_slice %arg7[%add3A_184, %dma_start3A_190] : memref<80x128xi32, #tpu.memory_space<vmem>> -> memref<1x128xi32, #tpu.memory_space<vmem>>
      %dma_start3A_192 = tpu.memref_squeeze %dma_start3A_191 : memref<1x128xi32, #tpu.memory_space<vmem>> -> memref<128xi32, #tpu.memory_space<vmem>>
      %dma_start3A_193 = arith.constant 0 : i32
      %dma_start3A_194 = arith.constant 0 : i32
      %dma_start3A_195 = tpu.memref_slice %arg2[%dma_start3A_193, %dma_start3A_194] : memref<20480x128xf32, #tpu.memory_space<hbm>> -> memref<20480x128xf32, #tpu.memory_space<hbm>>
      tpu.enqueue_indirect_dma source(%dma_start3A_195 : memref<20480x128xf32, #tpu.memory_space<hbm>>) target(%dma_start3A_189 : memref<128x128xf32, #tpu.memory_space<vmem>>) offsets(%dma_start3A_192 : memref<128xi32, #tpu.memory_space<vmem>>) semaphore(%arg15 : memref<!tpu.dma_semaphore, #tpu.memory_space<semaphore_mem>>)
      %dma_wait3A = arith.constant 0 : i32
      %dma_wait3A_196 = arith.constant 0 : i32
      %dma_wait3A_197 = arith.constant 0 : i32
      %dma_wait3A_198 = tpu.memref_slice %arg10[%dma_wait3A, %dma_wait3A_196, %dma_wait3A_197] : memref<4x128x128xf32, #tpu.memory_space<vmem>> -> memref<1x128x128xf32, #tpu.memory_space<vmem>>
      %dma_wait3A_199 = tpu.memref_squeeze %dma_wait3A_198 : memref<1x128x128xf32, #tpu.memory_space<vmem>> -> memref<128x128xf32, #tpu.memory_space<vmem>>
      %dma_wait3A_200 = arith.constant 0 : i32
      %dma_wait3A_201 = tpu.memref_slice %arg7[%add3A_140, %dma_wait3A_200] : memref<80x128xi32, #tpu.memory_space<vmem>> -> memref<1x128xi32, #tpu.memory_space<vmem>>
      %dma_wait3A_202 = tpu.memref_squeeze %dma_wait3A_201 : memref<1x128xi32, #tpu.memory_space<vmem>> -> memref<128xi32, #tpu.memory_space<vmem>>
      %dma_wait3A_203 = arith.constant 0 : i32
      %dma_wait3A_204 = arith.constant 0 : i32
      %dma_wait3A_205 = tpu.memref_slice %arg2[%dma_wait3A_203, %dma_wait3A_204] : memref<20480x128xf32, #tpu.memory_space<hbm>> -> memref<20480x128xf32, #tpu.memory_space<hbm>>
      tpu.wait_indirect_dma semaphore(%arg12 : memref<!tpu.dma_semaphore, #tpu.memory_space<semaphore_mem>>) src(%dma_wait3A_205 : memref<20480x128xf32, #tpu.memory_space<hbm>>) dst(%dma_wait3A_199 : memref<128x128xf32, #tpu.memory_space<vmem>>)
      %dma_wait3A_206 = arith.constant 1 : i32
      %dma_wait3A_207 = arith.constant 0 : i32
      %dma_wait3A_208 = arith.constant 0 : i32
      %dma_wait3A_209 = tpu.memref_slice %arg10[%dma_wait3A_206, %dma_wait3A_207, %dma_wait3A_208] : memref<4x128x128xf32, #tpu.memory_space<vmem>> -> memref<1x128x128xf32, #tpu.memory_space<vmem>>
      %dma_wait3A_210 = tpu.memref_squeeze %dma_wait3A_209 : memref<1x128x128xf32, #tpu.memory_space<vmem>> -> memref<128x128xf32, #tpu.memory_space<vmem>>
      %dma_wait3A_211 = arith.constant 0 : i32
      %dma_wait3A_212 = tpu.memref_slice %arg7[%add3A_154, %dma_wait3A_211] : memref<80x128xi32, #tpu.memory_space<vmem>> -> memref<1x128xi32, #tpu.memory_space<vmem>>
      %dma_wait3A_213 = tpu.memref_squeeze %dma_wait3A_212 : memref<1x128xi32, #tpu.memory_space<vmem>> -> memref<128xi32, #tpu.memory_space<vmem>>
      %dma_wait3A_214 = arith.constant 0 : i32
      %dma_wait3A_215 = arith.constant 0 : i32
      %dma_wait3A_216 = tpu.memref_slice %arg2[%dma_wait3A_214, %dma_wait3A_215] : memref<20480x128xf32, #tpu.memory_space<hbm>> -> memref<20480x128xf32, #tpu.memory_space<hbm>>
      tpu.wait_indirect_dma semaphore(%arg13 : memref<!tpu.dma_semaphore, #tpu.memory_space<semaphore_mem>>) src(%dma_wait3A_216 : memref<20480x128xf32, #tpu.memory_space<hbm>>) dst(%dma_wait3A_210 : memref<128x128xf32, #tpu.memory_space<vmem>>)
      %dma_wait3A_217 = arith.constant 2 : i32
      %dma_wait3A_218 = arith.constant 0 : i32
      %dma_wait3A_219 = arith.constant 0 : i32
      %dma_wait3A_220 = tpu.memref_slice %arg10[%dma_wait3A_217, %dma_wait3A_218, %dma_wait3A_219] : memref<4x128x128xf32, #tpu.memory_space<vmem>> -> memref<1x128x128xf32, #tpu.memory_space<vmem>>
      %dma_wait3A_221 = tpu.memref_squeeze %dma_wait3A_220 : memref<1x128x128xf32, #tpu.memory_space<vmem>> -> memref<128x128xf32, #tpu.memory_space<vmem>>
      %dma_wait3A_222 = arith.constant 0 : i32
      %dma_wait3A_223 = tpu.memref_slice %arg7[%add3A_169, %dma_wait3A_222] : memref<80x128xi32, #tpu.memory_space<vmem>> -> memref<1x128xi32, #tpu.memory_space<vmem>>
      %dma_wait3A_224 = tpu.memref_squeeze %dma_wait3A_223 : memref<1x128xi32, #tpu.memory_space<vmem>> -> memref<128xi32, #tpu.memory_space<vmem>>
      %dma_wait3A_225 = arith.constant 0 : i32
      %dma_wait3A_226 = arith.constant 0 : i32
      %dma_wait3A_227 = tpu.memref_slice %arg2[%dma_wait3A_225, %dma_wait3A_226] : memref<20480x128xf32, #tpu.memory_space<hbm>> -> memref<20480x128xf32, #tpu.memory_space<hbm>>
      tpu.wait_indirect_dma semaphore(%arg14 : memref<!tpu.dma_semaphore, #tpu.memory_space<semaphore_mem>>) src(%dma_wait3A_227 : memref<20480x128xf32, #tpu.memory_space<hbm>>) dst(%dma_wait3A_221 : memref<128x128xf32, #tpu.memory_space<vmem>>)
      %dma_wait3A_228 = arith.constant 3 : i32
      %dma_wait3A_229 = arith.constant 0 : i32
      %dma_wait3A_230 = arith.constant 0 : i32
      %dma_wait3A_231 = tpu.memref_slice %arg10[%dma_wait3A_228, %dma_wait3A_229, %dma_wait3A_230] : memref<4x128x128xf32, #tpu.memory_space<vmem>> -> memref<1x128x128xf32, #tpu.memory_space<vmem>>
      %dma_wait3A_232 = tpu.memref_squeeze %dma_wait3A_231 : memref<1x128x128xf32, #tpu.memory_space<vmem>> -> memref<128x128xf32, #tpu.memory_space<vmem>>
      %dma_wait3A_233 = arith.constant 0 : i32
      %dma_wait3A_234 = tpu.memref_slice %arg7[%add3A_184, %dma_wait3A_233] : memref<80x128xi32, #tpu.memory_space<vmem>> -> memref<1x128xi32, #tpu.memory_space<vmem>>
      %dma_wait3A_235 = tpu.memref_squeeze %dma_wait3A_234 : memref<1x128xi32, #tpu.memory_space<vmem>> -> memref<128xi32, #tpu.memory_space<vmem>>
      %dma_wait3A_236 = arith.constant 0 : i32
      %dma_wait3A_237 = arith.constant 0 : i32
      %dma_wait3A_238 = tpu.memref_slice %arg2[%dma_wait3A_236, %dma_wait3A_237] : memref<20480x128xf32, #tpu.memory_space<hbm>> -> memref<20480x128xf32, #tpu.memory_space<hbm>>
      tpu.wait_indirect_dma semaphore(%arg15 : memref<!tpu.dma_semaphore, #tpu.memory_space<semaphore_mem>>) src(%dma_wait3A_238 : memref<20480x128xf32, #tpu.memory_space<hbm>>) dst(%dma_wait3A_232 : memref<128x128xf32, #tpu.memory_space<vmem>>)
      %mul3A_239 = arith.constant 4 : i32
      %mul3A_240 = arith.muli %mul3A_239, %scan3A_136 : i32
      %add3A_241 = arith.constant 0 : i32
      %add3A_242 = arith.addi %mul3A_240, %add3A_241 : i32
      %run_scoped3A = arith.constant 0 : i32
      "tpu.region"() ({
        %run_scoped3A_258 = tpu.sem_alloc : memref<!tpu.dma_semaphore, #tpu.memory_space<semaphore_mem>>
        %dma_start3A_259 = arith.constant 0 : i32
        %dma_start3A_260 = arith.constant 0 : i32
        %dma_start3A_261 = tpu.memref_slice %arg10[%run_scoped3A, %dma_start3A_259, %dma_start3A_260] : memref<4x128x128xf32, #tpu.memory_space<vmem>> -> memref<1x128x128xf32, #tpu.memory_space<vmem>>
        %dma_start3A_262 = tpu.memref_squeeze %dma_start3A_261 : memref<1x128x128xf32, #tpu.memory_space<vmem>> -> memref<128x128xf32, #tpu.memory_space<vmem>>
        %dma_start3A_263 = arith.constant 0 : i32
        %dma_start3A_264 = tpu.memref_slice %arg9[%add3A_242, %dma_start3A_263] : memref<80x128xi32, #tpu.memory_space<vmem>> -> memref<1x128xi32, #tpu.memory_space<vmem>>
        %dma_start3A_265 = tpu.memref_squeeze %dma_start3A_264 : memref<1x128xi32, #tpu.memory_space<vmem>> -> memref<128xi32, #tpu.memory_space<vmem>>
        %dma_start3A_266 = arith.constant 0 : i32
        %dma_start3A_267 = arith.constant 0 : i32
        %dma_start3A_268 = tpu.memref_slice %arg11[%dma_start3A_266, %dma_start3A_267] : memref<2576x128xf32, #tpu.memory_space<vmem_shared>> -> memref<2576x128xf32, #tpu.memory_space<vmem_shared>>
        tpu.enqueue_indirect_dma source(%dma_start3A_262 : memref<128x128xf32, #tpu.memory_space<vmem>>) target(%dma_start3A_268 : memref<2576x128xf32, #tpu.memory_space<vmem_shared>>) offsets(%dma_start3A_265 : memref<128xi32, #tpu.memory_space<vmem>>) semaphore(%run_scoped3A_258 : memref<!tpu.dma_semaphore, #tpu.memory_space<semaphore_mem>>) {add = true}
        %dma_wait3A_269 = arith.constant 0 : i32
        %dma_wait3A_270 = arith.constant 0 : i32
        %dma_wait3A_271 = tpu.memref_slice %arg10[%run_scoped3A, %dma_wait3A_269, %dma_wait3A_270] : memref<4x128x128xf32, #tpu.memory_space<vmem>> -> memref<1x128x128xf32, #tpu.memory_space<vmem>>
        %dma_wait3A_272 = tpu.memref_squeeze %dma_wait3A_271 : memref<1x128x128xf32, #tpu.memory_space<vmem>> -> memref<128x128xf32, #tpu.memory_space<vmem>>
        %dma_wait3A_273 = arith.constant 0 : i32
        %dma_wait3A_274 = tpu.memref_slice %arg9[%add3A_242, %dma_wait3A_273] : memref<80x128xi32, #tpu.memory_space<vmem>> -> memref<1x128xi32, #tpu.memory_space<vmem>>
        %dma_wait3A_275 = tpu.memref_squeeze %dma_wait3A_274 : memref<1x128xi32, #tpu.memory_space<vmem>> -> memref<128xi32, #tpu.memory_space<vmem>>
        %dma_wait3A_276 = arith.constant 0 : i32
        %dma_wait3A_277 = arith.constant 0 : i32
        %dma_wait3A_278 = tpu.memref_slice %arg11[%dma_wait3A_276, %dma_wait3A_277] : memref<2576x128xf32, #tpu.memory_space<vmem_shared>> -> memref<2576x128xf32, #tpu.memory_space<vmem_shared>>
        tpu.wait_indirect_dma semaphore(%run_scoped3A_258 : memref<!tpu.dma_semaphore, #tpu.memory_space<semaphore_mem>>) src(%dma_wait3A_272 : memref<128x128xf32, #tpu.memory_space<vmem>>) dst(%dma_wait3A_278 : memref<2576x128xf32, #tpu.memory_space<vmem_shared>>)
        tpu.yield
      }) : () -> ()
      %mul3A_243 = arith.constant 4 : i32
      %mul3A_244 = arith.muli %mul3A_243, %scan3A_136 : i32
      %add3A_245 = arith.constant 1 : i32
      %add3A_246 = arith.addi %mul3A_244, %add3A_245 : i32
      %run_scoped3A_247 = arith.constant 1 : i32
      "tpu.region"() ({
        %run_scoped3A_258 = tpu.sem_alloc : memref<!tpu.dma_semaphore, #tpu.memory_space<semaphore_mem>>
        %dma_start3A_259 = arith.constant 0 : i32
        %dma_start3A_260 = arith.constant 0 : i32
        %dma_start3A_261 = tpu.memref_slice %arg10[%run_scoped3A_247, %dma_start3A_259, %dma_start3A_260] : memref<4x128x128xf32, #tpu.memory_space<vmem>> -> memref<1x128x128xf32, #tpu.memory_space<vmem>>
        %dma_start3A_262 = tpu.memref_squeeze %dma_start3A_261 : memref<1x128x128xf32, #tpu.memory_space<vmem>> -> memref<128x128xf32, #tpu.memory_space<vmem>>
        %dma_start3A_263 = arith.constant 0 : i32
        %dma_start3A_264 = tpu.memref_slice %arg9[%add3A_246, %dma_start3A_263] : memref<80x128xi32, #tpu.memory_space<vmem>> -> memref<1x128xi32, #tpu.memory_space<vmem>>
        %dma_start3A_265 = tpu.memref_squeeze %dma_start3A_264 : memref<1x128xi32, #tpu.memory_space<vmem>> -> memref<128xi32, #tpu.memory_space<vmem>>
        %dma_start3A_266 = arith.constant 0 : i32
        %dma_start3A_267 = arith.constant 0 : i32
        %dma_start3A_268 = tpu.memref_slice %arg11[%dma_start3A_266, %dma_start3A_267] : memref<2576x128xf32, #tpu.memory_space<vmem_shared>> -> memref<2576x128xf32, #tpu.memory_space<vmem_shared>>
        tpu.enqueue_indirect_dma source(%dma_start3A_262 : memref<128x128xf32, #tpu.memory_space<vmem>>) target(%dma_start3A_268 : memref<2576x128xf32, #tpu.memory_space<vmem_shared>>) offsets(%dma_start3A_265 : memref<128xi32, #tpu.memory_space<vmem>>) semaphore(%run_scoped3A_258 : memref<!tpu.dma_semaphore, #tpu.memory_space<semaphore_mem>>) {add = true}
        %dma_wait3A_269 = arith.constant 0 : i32
        %dma_wait3A_270 = arith.constant 0 : i32
        %dma_wait3A_271 = tpu.memref_slice %arg10[%run_scoped3A_247, %dma_wait3A_269, %dma_wait3A_270] : memref<4x128x128xf32, #tpu.memory_space<vmem>> -> memref<1x128x128xf32, #tpu.memory_space<vmem>>
        %dma_wait3A_272 = tpu.memref_squeeze %dma_wait3A_271 : memref<1x128x128xf32, #tpu.memory_space<vmem>> -> memref<128x128xf32, #tpu.memory_space<vmem>>
        %dma_wait3A_273 = arith.constant 0 : i32
        %dma_wait3A_274 = tpu.memref_slice %arg9[%add3A_246, %dma_wait3A_273] : memref<80x128xi32, #tpu.memory_space<vmem>> -> memref<1x128xi32, #tpu.memory_space<vmem>>
        %dma_wait3A_275 = tpu.memref_squeeze %dma_wait3A_274 : memref<1x128xi32, #tpu.memory_space<vmem>> -> memref<128xi32, #tpu.memory_space<vmem>>
        %dma_wait3A_276 = arith.constant 0 : i32
        %dma_wait3A_277 = arith.constant 0 : i32
        %dma_wait3A_278 = tpu.memref_slice %arg11[%dma_wait3A_276, %dma_wait3A_277] : memref<2576x128xf32, #tpu.memory_space<vmem_shared>> -> memref<2576x128xf32, #tpu.memory_space<vmem_shared>>
        tpu.wait_indirect_dma semaphore(%run_scoped3A_258 : memref<!tpu.dma_semaphore, #tpu.memory_space<semaphore_mem>>) src(%dma_wait3A_272 : memref<128x128xf32, #tpu.memory_space<vmem>>) dst(%dma_wait3A_278 : memref<2576x128xf32, #tpu.memory_space<vmem_shared>>)
        tpu.yield
      }) : () -> ()
      %mul3A_248 = arith.constant 4 : i32
      %mul3A_249 = arith.muli %mul3A_248, %scan3A_136 : i32
      %add3A_250 = arith.constant 2 : i32
      %add3A_251 = arith.addi %mul3A_249, %add3A_250 : i32
      %run_scoped3A_252 = arith.constant 2 : i32
      "tpu.region"() ({
        %run_scoped3A_258 = tpu.sem_alloc : memref<!tpu.dma_semaphore, #tpu.memory_space<semaphore_mem>>
        %dma_start3A_259 = arith.constant 0 : i32
        %dma_start3A_260 = arith.constant 0 : i32
        %dma_start3A_261 = tpu.memref_slice %arg10[%run_scoped3A_252, %dma_start3A_259, %dma_start3A_260] : memref<4x128x128xf32, #tpu.memory_space<vmem>> -> memref<1x128x128xf32, #tpu.memory_space<vmem>>
        %dma_start3A_262 = tpu.memref_squeeze %dma_start3A_261 : memref<1x128x128xf32, #tpu.memory_space<vmem>> -> memref<128x128xf32, #tpu.memory_space<vmem>>
        %dma_start3A_263 = arith.constant 0 : i32
        %dma_start3A_264 = tpu.memref_slice %arg9[%add3A_251, %dma_start3A_263] : memref<80x128xi32, #tpu.memory_space<vmem>> -> memref<1x128xi32, #tpu.memory_space<vmem>>
        %dma_start3A_265 = tpu.memref_squeeze %dma_start3A_264 : memref<1x128xi32, #tpu.memory_space<vmem>> -> memref<128xi32, #tpu.memory_space<vmem>>
        %dma_start3A_266 = arith.constant 0 : i32
        %dma_start3A_267 = arith.constant 0 : i32
        %dma_start3A_268 = tpu.memref_slice %arg11[%dma_start3A_266, %dma_start3A_267] : memref<2576x128xf32, #tpu.memory_space<vmem_shared>> -> memref<2576x128xf32, #tpu.memory_space<vmem_shared>>
        tpu.enqueue_indirect_dma source(%dma_start3A_262 : memref<128x128xf32, #tpu.memory_space<vmem>>) target(%dma_start3A_268 : memref<2576x128xf32, #tpu.memory_space<vmem_shared>>) offsets(%dma_start3A_265 : memref<128xi32, #tpu.memory_space<vmem>>) semaphore(%run_scoped3A_258 : memref<!tpu.dma_semaphore, #tpu.memory_space<semaphore_mem>>) {add = true}
        %dma_wait3A_269 = arith.constant 0 : i32
        %dma_wait3A_270 = arith.constant 0 : i32
        %dma_wait3A_271 = tpu.memref_slice %arg10[%run_scoped3A_252, %dma_wait3A_269, %dma_wait3A_270] : memref<4x128x128xf32, #tpu.memory_space<vmem>> -> memref<1x128x128xf32, #tpu.memory_space<vmem>>
        %dma_wait3A_272 = tpu.memref_squeeze %dma_wait3A_271 : memref<1x128x128xf32, #tpu.memory_space<vmem>> -> memref<128x128xf32, #tpu.memory_space<vmem>>
        %dma_wait3A_273 = arith.constant 0 : i32
        %dma_wait3A_274 = tpu.memref_slice %arg9[%add3A_251, %dma_wait3A_273] : memref<80x128xi32, #tpu.memory_space<vmem>> -> memref<1x128xi32, #tpu.memory_space<vmem>>
        %dma_wait3A_275 = tpu.memref_squeeze %dma_wait3A_274 : memref<1x128xi32, #tpu.memory_space<vmem>> -> memref<128xi32, #tpu.memory_space<vmem>>
        %dma_wait3A_276 = arith.constant 0 : i32
        %dma_wait3A_277 = arith.constant 0 : i32
        %dma_wait3A_278 = tpu.memref_slice %arg11[%dma_wait3A_276, %dma_wait3A_277] : memref<2576x128xf32, #tpu.memory_space<vmem_shared>> -> memref<2576x128xf32, #tpu.memory_space<vmem_shared>>
        tpu.wait_indirect_dma semaphore(%run_scoped3A_258 : memref<!tpu.dma_semaphore, #tpu.memory_space<semaphore_mem>>) src(%dma_wait3A_272 : memref<128x128xf32, #tpu.memory_space<vmem>>) dst(%dma_wait3A_278 : memref<2576x128xf32, #tpu.memory_space<vmem_shared>>)
        tpu.yield
      }) : () -> ()
      %mul3A_253 = arith.constant 4 : i32
      %mul3A_254 = arith.muli %mul3A_253, %scan3A_136 : i32
      %add3A_255 = arith.constant 3 : i32
      %add3A_256 = arith.addi %mul3A_254, %add3A_255 : i32
      %run_scoped3A_257 = arith.constant 3 : i32
      "tpu.region"() ({
        %run_scoped3A_258 = tpu.sem_alloc : memref<!tpu.dma_semaphore, #tpu.memory_space<semaphore_mem>>
        %dma_start3A_259 = arith.constant 0 : i32
        %dma_start3A_260 = arith.constant 0 : i32
        %dma_start3A_261 = tpu.memref_slice %arg10[%run_scoped3A_257, %dma_start3A_259, %dma_start3A_260] : memref<4x128x128xf32, #tpu.memory_space<vmem>> -> memref<1x128x128xf32, #tpu.memory_space<vmem>>
        %dma_start3A_262 = tpu.memref_squeeze %dma_start3A_261 : memref<1x128x128xf32, #tpu.memory_space<vmem>> -> memref<128x128xf32, #tpu.memory_space<vmem>>
        %dma_start3A_263 = arith.constant 0 : i32
        %dma_start3A_264 = tpu.memref_slice %arg9[%add3A_256, %dma_start3A_263] : memref<80x128xi32, #tpu.memory_space<vmem>> -> memref<1x128xi32, #tpu.memory_space<vmem>>
        %dma_start3A_265 = tpu.memref_squeeze %dma_start3A_264 : memref<1x128xi32, #tpu.memory_space<vmem>> -> memref<128xi32, #tpu.memory_space<vmem>>
        %dma_start3A_266 = arith.constant 0 : i32
        %dma_start3A_267 = arith.constant 0 : i32
        %dma_start3A_268 = tpu.memref_slice %arg11[%dma_start3A_266, %dma_start3A_267] : memref<2576x128xf32, #tpu.memory_space<vmem_shared>> -> memref<2576x128xf32, #tpu.memory_space<vmem_shared>>
        tpu.enqueue_indirect_dma source(%dma_start3A_262 : memref<128x128xf32, #tpu.memory_space<vmem>>) target(%dma_start3A_268 : memref<2576x128xf32, #tpu.memory_space<vmem_shared>>) offsets(%dma_start3A_265 : memref<128xi32, #tpu.memory_space<vmem>>) semaphore(%run_scoped3A_258 : memref<!tpu.dma_semaphore, #tpu.memory_space<semaphore_mem>>) {add = true}
        %dma_wait3A_269 = arith.constant 0 : i32
        %dma_wait3A_270 = arith.constant 0 : i32
        %dma_wait3A_271 = tpu.memref_slice %arg10[%run_scoped3A_257, %dma_wait3A_269, %dma_wait3A_270] : memref<4x128x128xf32, #tpu.memory_space<vmem>> -> memref<1x128x128xf32, #tpu.memory_space<vmem>>
        %dma_wait3A_272 = tpu.memref_squeeze %dma_wait3A_271 : memref<1x128x128xf32, #tpu.memory_space<vmem>> -> memref<128x128xf32, #tpu.memory_space<vmem>>
        %dma_wait3A_273 = arith.constant 0 : i32
        %dma_wait3A_274 = tpu.memref_slice %arg9[%add3A_256, %dma_wait3A_273] : memref<80x128xi32, #tpu.memory_space<vmem>> -> memref<1x128xi32, #tpu.memory_space<vmem>>
        %dma_wait3A_275 = tpu.memref_squeeze %dma_wait3A_274 : memref<1x128xi32, #tpu.memory_space<vmem>> -> memref<128xi32, #tpu.memory_space<vmem>>
        %dma_wait3A_276 = arith.constant 0 : i32
        %dma_wait3A_277 = arith.constant 0 : i32
        %dma_wait3A_278 = tpu.memref_slice %arg11[%dma_wait3A_276, %dma_wait3A_277] : memref<2576x128xf32, #tpu.memory_space<vmem_shared>> -> memref<2576x128xf32, #tpu.memory_space<vmem_shared>>
        tpu.wait_indirect_dma semaphore(%run_scoped3A_258 : memref<!tpu.dma_semaphore, #tpu.memory_space<semaphore_mem>>) src(%dma_wait3A_272 : memref<128x128xf32, #tpu.memory_space<vmem>>) dst(%dma_wait3A_278 : memref<2576x128xf32, #tpu.memory_space<vmem_shared>>)
        tpu.yield
      }) : () -> ()
    }
    %scan3A_90 = arith.constant 20 : i32
    %barrier3A_91 = arith.constant 0 : index
    tpu.barrier barrier_id(%barrier3A_91)
    %mul3A_92 = arith.constant 160 : i32
    %mul3A_93 = arith.muli %arg1, %mul3A_92 : i32
    %mul3A_94 = arith.constant 10240 : i32
    %mul3A_95 = arith.muli %arg0, %mul3A_94 : i32
    %add3A_96 = arith.constant 5120 : i32
    %add3A_97 = arith.addi %mul3A_95, %add3A_96 : i32
    %mul3A_98 = arith.constant 160 : i32
    %mul3A_99 = arith.muli %arg1, %mul3A_98 : i32
    %add3A_100 = arith.addi %add3A_97, %mul3A_99 : i32
    "tpu.region"() ({
      %run_scoped3A = tpu.sem_alloc : memref<!tpu.dma_semaphore, #tpu.memory_space<semaphore_mem>>
      %dma_start3A = arith.constant 0 : i32
      %dma_start3A_136 = tpu.memref_slice %arg6[%add3A_100, %dma_start3A] : memref<20480x128xf32, #tpu.memory_space<hbm>> -> memref<160x128xf32, #tpu.memory_space<hbm>>
      %dma_start3A_137 = arith.constant 0 : i32
      %dma_start3A_138 = tpu.memref_slice %arg11[%mul3A_93, %dma_start3A_137] : memref<2576x128xf32, #tpu.memory_space<vmem_shared>> -> memref<160x128xf32, #tpu.memory_space<vmem_shared>>
      tpu.enqueue_dma source(%dma_start3A_138 : memref<160x128xf32, #tpu.memory_space<vmem_shared>>) target(%dma_start3A_136 : memref<160x128xf32, #tpu.memory_space<hbm>>) target_semaphore(%run_scoped3A : memref<!tpu.dma_semaphore, #tpu.memory_space<semaphore_mem>>)
      %dma_wait3A = arith.constant 0 : i32
      %dma_wait3A_139 = tpu.memref_slice %arg6[%add3A_100, %dma_wait3A] : memref<20480x128xf32, #tpu.memory_space<hbm>> -> memref<160x128xf32, #tpu.memory_space<hbm>>
      %dma_wait3A_140 = arith.constant 0 : i32
      %dma_wait3A_141 = tpu.memref_slice %arg11[%mul3A_93, %dma_wait3A_140] : memref<2576x128xf32, #tpu.memory_space<vmem_shared>> -> memref<160x128xf32, #tpu.memory_space<vmem_shared>>
      tpu.wait_dma2 semaphore(%run_scoped3A : memref<!tpu.dma_semaphore, #tpu.memory_space<semaphore_mem>>) src(%dma_wait3A_141 : memref<160x128xf32, #tpu.memory_space<vmem_shared>>) dst(%dma_wait3A_139 : memref<160x128xf32, #tpu.memory_space<hbm>>)
      tpu.yield
    }) : () -> ()
    %barrier3A_101 = arith.constant 0 : index
    tpu.barrier barrier_id(%barrier3A_101)
    %iota3A_102 = tpu.iota {dimensions = array<i32: 0>} : vector<16xi32>
    %add3A_103 = arith.constant 2560 : i32
    %add3A_104 = vector.broadcast %add3A_103 : i32 to vector<16xi32>
    %add3A_105 = arith.addi %add3A_104, %iota3A_102 : vector<16xi32>
    %scan3A_106 = arith.constant 0 : i32
    %scan3A_107 = arith.constant 640 : i32
    %scan3A_108 = arith.addi %scan3A_106, %scan3A_107 : i32
    %scan3A_109 = arith.constant 1 : i32
    scf.for %scan3A_136 = %scan3A_106 to %scan3A_108 step %scan3A_109  : i32 {
      %jit3A = arith.constant 8 : i32
      %div3A = arith.divsi %scan3A_136, %jit3A : i32
      %sign3A = arith.constant 0 : i32
      %sign3A_137 = arith.cmpi sgt, %scan3A_136, %sign3A : i32
      %sign3A_138 = arith.extui %sign3A_137 : i1 to i32
      %sign3A_139 = arith.constant 0 : i32
      %sign3A_140 = arith.cmpi slt, %scan3A_136, %sign3A_139 : i32
      %sign3A_141 = arith.extui %sign3A_140 : i1 to i32
      %sign3A_142 = arith.subi %sign3A_138, %sign3A_141 : i32
      %sign3A_143 = arith.constant 0 : i32
      %sign3A_144 = arith.cmpi sgt, %jit3A, %sign3A_143 : i32
      %sign3A_145 = arith.extui %sign3A_144 : i1 to i32
      %sign3A_146 = arith.constant 0 : i32
      %sign3A_147 = arith.cmpi slt, %jit3A, %sign3A_146 : i32
      %sign3A_148 = arith.extui %sign3A_147 : i1 to i32
      %sign3A_149 = arith.subi %sign3A_145, %sign3A_148 : i32
      %ne3A = arith.cmpi ne, %sign3A_142, %sign3A_149 : i32
      %rem3A = arith.remsi %scan3A_136, %jit3A : i32
      %ne3A_150 = arith.constant 0 : i32
      %ne3A_151 = arith.cmpi ne, %rem3A, %ne3A_150 : i32
      %and3A = arith.andi %ne3A, %ne3A_151 : i1
      %sub3A = arith.constant 1 : i32
      %sub3A_152 = arith.subi %div3A, %sub3A : i32
      %select_n3A = arith.select %and3A, %sub3A_152, %div3A : i32
      %jit3A_153 = arith.constant 8 : i32
      %eq3A_154 = arith.constant 0 : i32
      %eq3A_155 = arith.cmpi eq, %jit3A_153, %eq3A_154 : i32
      %jit3A_156 = arith.constant 1 : i32
      %select_n3A_157 = arith.select %eq3A_155, %jit3A_156, %jit3A_153 : i32
      %rem3A_158 = arith.remsi %scan3A_136, %select_n3A_157 : i32
      %ne3A_159 = arith.constant 0 : i32
      %ne3A_160 = arith.cmpi ne, %rem3A_158, %ne3A_159 : i32
      %lt3A = arith.constant 0 : i32
      %lt3A_161 = arith.cmpi slt, %rem3A_158, %lt3A : i32
      %lt3A_162 = arith.constant 0 : i32
      %lt3A_163 = arith.cmpi slt, %select_n3A_157, %lt3A_162 : i32
      %ne3A_164 = arith.xori %lt3A_161, %lt3A_163 : i1
      %and3A_165 = arith.andi %ne3A_164, %ne3A_160 : i1
      %add3A_166 = arith.addi %rem3A_158, %select_n3A_157 : i32
      %select_n3A_167 = arith.select %and3A_165, %add3A_166, %rem3A_158 : i32
      %mul3A_168 = arith.constant 16 : i32
      %mul3A_169 = arith.muli %select_n3A_167, %mul3A_168 : i32
      %get3A = arith.index_cast %select_n3A : i32 to index
      %get3A_170 = arith.index_cast %mul3A_169 : i32 to index
      %get3A_171 = tpu.vector_load %arg8[%get3A, %get3A_170] {strides = array<i32>} : memref<80x128xi32, #tpu.memory_space<vmem>>, vector<1x16xi32>,
      %get3A_172 = vector.shape_cast %get3A_171 : vector<1x16xi32> to vector<16xi32>
      %sub3A_173 = arith.constant 7680 : i32
      %sub3A_174 = vector.broadcast %sub3A_173 : i32 to vector<16xi32>
      %sub3A_175 = arith.subi %get3A_172, %sub3A_174 : vector<16xi32>
      %ge3A = arith.constant 0 : i32
      %ge3A_176 = vector.broadcast %ge3A : i32 to vector<16xi32>
      %ge3A_177 = arith.cmpi sge, %sub3A_175, %ge3A_176 : vector<16xi32>
      %lt3A_178 = arith.constant 2560 : i32
      %lt3A_179 = vector.broadcast %lt3A_178 : i32 to vector<16xi32>
      %lt3A_180 = arith.cmpi slt, %sub3A_175, %lt3A_179 : vector<16xi32>
      %and3A_181 = arith.andi %ge3A_177, %lt3A_180 : vector<16xi1>
      %select_n3A_182 = arith.select %and3A_181, %sub3A_175, %add3A_105 : vector<16xi1>, vector<16xi32>
      %swap3A = arith.index_cast %select_n3A : i32 to index
      %swap3A_183 = arith.index_cast %mul3A_169 : i32 to index
      %swap3A_184 = tpu.vector_load %arg9[%swap3A, %swap3A_183] {strides = array<i32>} : memref<80x128xi32, #tpu.memory_space<vmem>>, vector<1x16xi32>,
      %swap3A_185 = vector.shape_cast %swap3A_184 : vector<1x16xi32> to vector<16xi32>
      %swap3A_186 = vector.shape_cast %select_n3A_182 : vector<16xi32> to vector<1x16xi32>
      tpu.vector_store %arg9[%swap3A, %swap3A_183], %swap3A_186 {strides = array<i32>} : memref<80x128xi32, #tpu.memory_space<vmem>>, vector<1x16xi32>,
    }
    %scan3A_110 = arith.constant 640 : i32
    %mul3A_111 = arith.constant 160 : i32
    %mul3A_112 = arith.muli %arg1, %mul3A_111 : i32
    %mul3A_113 = arith.constant 160 : i32
    %mul3A_114 = arith.muli %arg1, %mul3A_113 : i32
    "tpu.region"() ({
      %run_scoped3A = tpu.sem_alloc : memref<!tpu.dma_semaphore, #tpu.memory_space<semaphore_mem>>
      %dma_start3A = arith.constant 0 : i32
      %dma_start3A_136 = tpu.memref_slice %arg11[%mul3A_114, %dma_start3A] : memref<2576x128xf32, #tpu.memory_space<vmem_shared>> -> memref<160x128xf32, #tpu.memory_space<vmem_shared>>
      %dma_start3A_137 = arith.constant 0 : i32
      %dma_start3A_138 = tpu.memref_slice %arg5[%mul3A_112, %dma_start3A_137] : memref<2560x128xf32, #tpu.memory_space<hbm>> -> memref<160x128xf32, #tpu.memory_space<hbm>>
      tpu.enqueue_dma source(%dma_start3A_138 : memref<160x128xf32, #tpu.memory_space<hbm>>) target(%dma_start3A_136 : memref<160x128xf32, #tpu.memory_space<vmem_shared>>) target_semaphore(%run_scoped3A : memref<!tpu.dma_semaphore, #tpu.memory_space<semaphore_mem>>)
      %dma_wait3A = arith.constant 0 : i32
      %dma_wait3A_139 = tpu.memref_slice %arg11[%mul3A_114, %dma_wait3A] : memref<2576x128xf32, #tpu.memory_space<vmem_shared>> -> memref<160x128xf32, #tpu.memory_space<vmem_shared>>
      %dma_wait3A_140 = arith.constant 0 : i32
      %dma_wait3A_141 = tpu.memref_slice %arg5[%mul3A_112, %dma_wait3A_140] : memref<2560x128xf32, #tpu.memory_space<hbm>> -> memref<160x128xf32, #tpu.memory_space<hbm>>
      tpu.wait_dma2 semaphore(%run_scoped3A : memref<!tpu.dma_semaphore, #tpu.memory_space<semaphore_mem>>) src(%dma_wait3A_141 : memref<160x128xf32, #tpu.memory_space<hbm>>) dst(%dma_wait3A_139 : memref<160x128xf32, #tpu.memory_space<vmem_shared>>)
      tpu.yield
    }) : () -> ()
    %eq3A_115 = arith.constant 0 : i32
    %eq3A_116 = arith.cmpi eq, %arg1, %eq3A_115 : i32
    %convert_element_type3A_117 = arith.extui %eq3A_116 : i1 to i32
    %cond3A_118 = arith.constant 0 : i32
    %cond3A_119 = arith.cmpi ne, %convert_element_type3A_117, %cond3A_118 : i32
    scf.if %cond3A_119 {
      "tpu.region"() ({
        %run_scoped3A = tpu.sem_alloc : memref<!tpu.dma_semaphore, #tpu.memory_space<semaphore_mem>>
        %dma_start3A = arith.constant 2560 : i32
        %dma_start3A_136 = arith.constant 0 : i32
        %dma_start3A_137 = tpu.memref_slice %arg11[%dma_start3A, %dma_start3A_136] : memref<2576x128xf32, #tpu.memory_space<vmem_shared>> -> memref<16x128xf32, #tpu.memory_space<vmem_shared>>
        %dma_start3A_138 = arith.constant 0 : i32
        %dma_start3A_139 = arith.constant 0 : i32
        %dma_start3A_140 = tpu.memref_slice %arg5[%dma_start3A_138, %dma_start3A_139] : memref<2560x128xf32, #tpu.memory_space<hbm>> -> memref<16x128xf32, #tpu.memory_space<hbm>>
        tpu.enqueue_dma source(%dma_start3A_140 : memref<16x128xf32, #tpu.memory_space<hbm>>) target(%dma_start3A_137 : memref<16x128xf32, #tpu.memory_space<vmem_shared>>) target_semaphore(%run_scoped3A : memref<!tpu.dma_semaphore, #tpu.memory_space<semaphore_mem>>)
        %dma_wait3A = arith.constant 2560 : i32
        %dma_wait3A_141 = arith.constant 0 : i32
        %dma_wait3A_142 = tpu.memref_slice %arg11[%dma_wait3A, %dma_wait3A_141] : memref<2576x128xf32, #tpu.memory_space<vmem_shared>> -> memref<16x128xf32, #tpu.memory_space<vmem_shared>>
        %dma_wait3A_143 = arith.constant 0 : i32
        %dma_wait3A_144 = arith.constant 0 : i32
        %dma_wait3A_145 = tpu.memref_slice %arg5[%dma_wait3A_143, %dma_wait3A_144] : memref<2560x128xf32, #tpu.memory_space<hbm>> -> memref<16x128xf32, #tpu.memory_space<hbm>>
        tpu.wait_dma2 semaphore(%run_scoped3A : memref<!tpu.dma_semaphore, #tpu.memory_space<semaphore_mem>>) src(%dma_wait3A_145 : memref<16x128xf32, #tpu.memory_space<hbm>>) dst(%dma_wait3A_142 : memref<16x128xf32, #tpu.memory_space<vmem_shared>>)
        tpu.yield
      }) : () -> ()
    } else {
    }
    %barrier3A_120 = arith.constant 0 : index
    tpu.barrier barrier_id(%barrier3A_120)
    %scan3A_121 = arith.constant 0 : i32
    %scan3A_122 = arith.constant 20 : i32
    %scan3A_123 = arith.addi %scan3A_121, %scan3A_122 : i32
    %scan3A_124 = arith.constant 1 : i32
    scf.for %scan3A_136 = %scan3A_121 to %scan3A_123 step %scan3A_124  : i32 {
      %mul3A_137 = arith.constant 4 : i32
      %mul3A_138 = arith.muli %mul3A_137, %scan3A_136 : i32
      %add3A_139 = arith.constant 0 : i32
      %add3A_140 = arith.addi %mul3A_138, %add3A_139 : i32
      %dma_start3A = arith.constant 0 : i32
      %dma_start3A_141 = arith.constant 0 : i32
      %dma_start3A_142 = arith.constant 0 : i32
      %dma_start3A_143 = tpu.memref_slice %arg10[%dma_start3A, %dma_start3A_141, %dma_start3A_142] : memref<4x128x128xf32, #tpu.memory_space<vmem>> -> memref<1x128x128xf32, #tpu.memory_space<vmem>>
      %dma_start3A_144 = tpu.memref_squeeze %dma_start3A_143 : memref<1x128x128xf32, #tpu.memory_space<vmem>> -> memref<128x128xf32, #tpu.memory_space<vmem>>
      %dma_start3A_145 = arith.constant 0 : i32
      %dma_start3A_146 = tpu.memref_slice %arg7[%add3A_140, %dma_start3A_145] : memref<80x128xi32, #tpu.memory_space<vmem>> -> memref<1x128xi32, #tpu.memory_space<vmem>>
      %dma_start3A_147 = tpu.memref_squeeze %dma_start3A_146 : memref<1x128xi32, #tpu.memory_space<vmem>> -> memref<128xi32, #tpu.memory_space<vmem>>
      %dma_start3A_148 = arith.constant 0 : i32
      %dma_start3A_149 = arith.constant 0 : i32
      %dma_start3A_150 = tpu.memref_slice %arg2[%dma_start3A_148, %dma_start3A_149] : memref<20480x128xf32, #tpu.memory_space<hbm>> -> memref<20480x128xf32, #tpu.memory_space<hbm>>
      tpu.enqueue_indirect_dma source(%dma_start3A_150 : memref<20480x128xf32, #tpu.memory_space<hbm>>) target(%dma_start3A_144 : memref<128x128xf32, #tpu.memory_space<vmem>>) offsets(%dma_start3A_147 : memref<128xi32, #tpu.memory_space<vmem>>) semaphore(%arg12 : memref<!tpu.dma_semaphore, #tpu.memory_space<semaphore_mem>>)
      %mul3A_151 = arith.constant 4 : i32
      %mul3A_152 = arith.muli %mul3A_151, %scan3A_136 : i32
      %add3A_153 = arith.constant 1 : i32
      %add3A_154 = arith.addi %mul3A_152, %add3A_153 : i32
      %dma_start3A_155 = arith.constant 1 : i32
      %dma_start3A_156 = arith.constant 0 : i32
      %dma_start3A_157 = arith.constant 0 : i32
      %dma_start3A_158 = tpu.memref_slice %arg10[%dma_start3A_155, %dma_start3A_156, %dma_start3A_157] : memref<4x128x128xf32, #tpu.memory_space<vmem>> -> memref<1x128x128xf32, #tpu.memory_space<vmem>>
      %dma_start3A_159 = tpu.memref_squeeze %dma_start3A_158 : memref<1x128x128xf32, #tpu.memory_space<vmem>> -> memref<128x128xf32, #tpu.memory_space<vmem>>
      %dma_start3A_160 = arith.constant 0 : i32
      %dma_start3A_161 = tpu.memref_slice %arg7[%add3A_154, %dma_start3A_160] : memref<80x128xi32, #tpu.memory_space<vmem>> -> memref<1x128xi32, #tpu.memory_space<vmem>>
      %dma_start3A_162 = tpu.memref_squeeze %dma_start3A_161 : memref<1x128xi32, #tpu.memory_space<vmem>> -> memref<128xi32, #tpu.memory_space<vmem>>
      %dma_start3A_163 = arith.constant 0 : i32
      %dma_start3A_164 = arith.constant 0 : i32
      %dma_start3A_165 = tpu.memref_slice %arg2[%dma_start3A_163, %dma_start3A_164] : memref<20480x128xf32, #tpu.memory_space<hbm>> -> memref<20480x128xf32, #tpu.memory_space<hbm>>
      tpu.enqueue_indirect_dma source(%dma_start3A_165 : memref<20480x128xf32, #tpu.memory_space<hbm>>) target(%dma_start3A_159 : memref<128x128xf32, #tpu.memory_space<vmem>>) offsets(%dma_start3A_162 : memref<128xi32, #tpu.memory_space<vmem>>) semaphore(%arg13 : memref<!tpu.dma_semaphore, #tpu.memory_space<semaphore_mem>>)
      %mul3A_166 = arith.constant 4 : i32
      %mul3A_167 = arith.muli %mul3A_166, %scan3A_136 : i32
      %add3A_168 = arith.constant 2 : i32
      %add3A_169 = arith.addi %mul3A_167, %add3A_168 : i32
      %dma_start3A_170 = arith.constant 2 : i32
      %dma_start3A_171 = arith.constant 0 : i32
      %dma_start3A_172 = arith.constant 0 : i32
      %dma_start3A_173 = tpu.memref_slice %arg10[%dma_start3A_170, %dma_start3A_171, %dma_start3A_172] : memref<4x128x128xf32, #tpu.memory_space<vmem>> -> memref<1x128x128xf32, #tpu.memory_space<vmem>>
      %dma_start3A_174 = tpu.memref_squeeze %dma_start3A_173 : memref<1x128x128xf32, #tpu.memory_space<vmem>> -> memref<128x128xf32, #tpu.memory_space<vmem>>
      %dma_start3A_175 = arith.constant 0 : i32
      %dma_start3A_176 = tpu.memref_slice %arg7[%add3A_169, %dma_start3A_175] : memref<80x128xi32, #tpu.memory_space<vmem>> -> memref<1x128xi32, #tpu.memory_space<vmem>>
      %dma_start3A_177 = tpu.memref_squeeze %dma_start3A_176 : memref<1x128xi32, #tpu.memory_space<vmem>> -> memref<128xi32, #tpu.memory_space<vmem>>
      %dma_start3A_178 = arith.constant 0 : i32
      %dma_start3A_179 = arith.constant 0 : i32
      %dma_start3A_180 = tpu.memref_slice %arg2[%dma_start3A_178, %dma_start3A_179] : memref<20480x128xf32, #tpu.memory_space<hbm>> -> memref<20480x128xf32, #tpu.memory_space<hbm>>
      tpu.enqueue_indirect_dma source(%dma_start3A_180 : memref<20480x128xf32, #tpu.memory_space<hbm>>) target(%dma_start3A_174 : memref<128x128xf32, #tpu.memory_space<vmem>>) offsets(%dma_start3A_177 : memref<128xi32, #tpu.memory_space<vmem>>) semaphore(%arg14 : memref<!tpu.dma_semaphore, #tpu.memory_space<semaphore_mem>>)
      %mul3A_181 = arith.constant 4 : i32
      %mul3A_182 = arith.muli %mul3A_181, %scan3A_136 : i32
      %add3A_183 = arith.constant 3 : i32
      %add3A_184 = arith.addi %mul3A_182, %add3A_183 : i32
      %dma_start3A_185 = arith.constant 3 : i32
      %dma_start3A_186 = arith.constant 0 : i32
      %dma_start3A_187 = arith.constant 0 : i32
      %dma_start3A_188 = tpu.memref_slice %arg10[%dma_start3A_185, %dma_start3A_186, %dma_start3A_187] : memref<4x128x128xf32, #tpu.memory_space<vmem>> -> memref<1x128x128xf32, #tpu.memory_space<vmem>>
      %dma_start3A_189 = tpu.memref_squeeze %dma_start3A_188 : memref<1x128x128xf32, #tpu.memory_space<vmem>> -> memref<128x128xf32, #tpu.memory_space<vmem>>
      %dma_start3A_190 = arith.constant 0 : i32
      %dma_start3A_191 = tpu.memref_slice %arg7[%add3A_184, %dma_start3A_190] : memref<80x128xi32, #tpu.memory_space<vmem>> -> memref<1x128xi32, #tpu.memory_space<vmem>>
      %dma_start3A_192 = tpu.memref_squeeze %dma_start3A_191 : memref<1x128xi32, #tpu.memory_space<vmem>> -> memref<128xi32, #tpu.memory_space<vmem>>
      %dma_start3A_193 = arith.constant 0 : i32
      %dma_start3A_194 = arith.constant 0 : i32
      %dma_start3A_195 = tpu.memref_slice %arg2[%dma_start3A_193, %dma_start3A_194] : memref<20480x128xf32, #tpu.memory_space<hbm>> -> memref<20480x128xf32, #tpu.memory_space<hbm>>
      tpu.enqueue_indirect_dma source(%dma_start3A_195 : memref<20480x128xf32, #tpu.memory_space<hbm>>) target(%dma_start3A_189 : memref<128x128xf32, #tpu.memory_space<vmem>>) offsets(%dma_start3A_192 : memref<128xi32, #tpu.memory_space<vmem>>) semaphore(%arg15 : memref<!tpu.dma_semaphore, #tpu.memory_space<semaphore_mem>>)
      %dma_wait3A = arith.constant 0 : i32
      %dma_wait3A_196 = arith.constant 0 : i32
      %dma_wait3A_197 = arith.constant 0 : i32
      %dma_wait3A_198 = tpu.memref_slice %arg10[%dma_wait3A, %dma_wait3A_196, %dma_wait3A_197] : memref<4x128x128xf32, #tpu.memory_space<vmem>> -> memref<1x128x128xf32, #tpu.memory_space<vmem>>
      %dma_wait3A_199 = tpu.memref_squeeze %dma_wait3A_198 : memref<1x128x128xf32, #tpu.memory_space<vmem>> -> memref<128x128xf32, #tpu.memory_space<vmem>>
      %dma_wait3A_200 = arith.constant 0 : i32
      %dma_wait3A_201 = tpu.memref_slice %arg7[%add3A_140, %dma_wait3A_200] : memref<80x128xi32, #tpu.memory_space<vmem>> -> memref<1x128xi32, #tpu.memory_space<vmem>>
      %dma_wait3A_202 = tpu.memref_squeeze %dma_wait3A_201 : memref<1x128xi32, #tpu.memory_space<vmem>> -> memref<128xi32, #tpu.memory_space<vmem>>
      %dma_wait3A_203 = arith.constant 0 : i32
      %dma_wait3A_204 = arith.constant 0 : i32
      %dma_wait3A_205 = tpu.memref_slice %arg2[%dma_wait3A_203, %dma_wait3A_204] : memref<20480x128xf32, #tpu.memory_space<hbm>> -> memref<20480x128xf32, #tpu.memory_space<hbm>>
      tpu.wait_indirect_dma semaphore(%arg12 : memref<!tpu.dma_semaphore, #tpu.memory_space<semaphore_mem>>) src(%dma_wait3A_205 : memref<20480x128xf32, #tpu.memory_space<hbm>>) dst(%dma_wait3A_199 : memref<128x128xf32, #tpu.memory_space<vmem>>)
      %dma_wait3A_206 = arith.constant 1 : i32
      %dma_wait3A_207 = arith.constant 0 : i32
      %dma_wait3A_208 = arith.constant 0 : i32
      %dma_wait3A_209 = tpu.memref_slice %arg10[%dma_wait3A_206, %dma_wait3A_207, %dma_wait3A_208] : memref<4x128x128xf32, #tpu.memory_space<vmem>> -> memref<1x128x128xf32, #tpu.memory_space<vmem>>
      %dma_wait3A_210 = tpu.memref_squeeze %dma_wait3A_209 : memref<1x128x128xf32, #tpu.memory_space<vmem>> -> memref<128x128xf32, #tpu.memory_space<vmem>>
      %dma_wait3A_211 = arith.constant 0 : i32
      %dma_wait3A_212 = tpu.memref_slice %arg7[%add3A_154, %dma_wait3A_211] : memref<80x128xi32, #tpu.memory_space<vmem>> -> memref<1x128xi32, #tpu.memory_space<vmem>>
      %dma_wait3A_213 = tpu.memref_squeeze %dma_wait3A_212 : memref<1x128xi32, #tpu.memory_space<vmem>> -> memref<128xi32, #tpu.memory_space<vmem>>
      %dma_wait3A_214 = arith.constant 0 : i32
      %dma_wait3A_215 = arith.constant 0 : i32
      %dma_wait3A_216 = tpu.memref_slice %arg2[%dma_wait3A_214, %dma_wait3A_215] : memref<20480x128xf32, #tpu.memory_space<hbm>> -> memref<20480x128xf32, #tpu.memory_space<hbm>>
      tpu.wait_indirect_dma semaphore(%arg13 : memref<!tpu.dma_semaphore, #tpu.memory_space<semaphore_mem>>) src(%dma_wait3A_216 : memref<20480x128xf32, #tpu.memory_space<hbm>>) dst(%dma_wait3A_210 : memref<128x128xf32, #tpu.memory_space<vmem>>)
      %dma_wait3A_217 = arith.constant 2 : i32
      %dma_wait3A_218 = arith.constant 0 : i32
      %dma_wait3A_219 = arith.constant 0 : i32
      %dma_wait3A_220 = tpu.memref_slice %arg10[%dma_wait3A_217, %dma_wait3A_218, %dma_wait3A_219] : memref<4x128x128xf32, #tpu.memory_space<vmem>> -> memref<1x128x128xf32, #tpu.memory_space<vmem>>
      %dma_wait3A_221 = tpu.memref_squeeze %dma_wait3A_220 : memref<1x128x128xf32, #tpu.memory_space<vmem>> -> memref<128x128xf32, #tpu.memory_space<vmem>>
      %dma_wait3A_222 = arith.constant 0 : i32
      %dma_wait3A_223 = tpu.memref_slice %arg7[%add3A_169, %dma_wait3A_222] : memref<80x128xi32, #tpu.memory_space<vmem>> -> memref<1x128xi32, #tpu.memory_space<vmem>>
      %dma_wait3A_224 = tpu.memref_squeeze %dma_wait3A_223 : memref<1x128xi32, #tpu.memory_space<vmem>> -> memref<128xi32, #tpu.memory_space<vmem>>
      %dma_wait3A_225 = arith.constant 0 : i32
      %dma_wait3A_226 = arith.constant 0 : i32
      %dma_wait3A_227 = tpu.memref_slice %arg2[%dma_wait3A_225, %dma_wait3A_226] : memref<20480x128xf32, #tpu.memory_space<hbm>> -> memref<20480x128xf32, #tpu.memory_space<hbm>>
      tpu.wait_indirect_dma semaphore(%arg14 : memref<!tpu.dma_semaphore, #tpu.memory_space<semaphore_mem>>) src(%dma_wait3A_227 : memref<20480x128xf32, #tpu.memory_space<hbm>>) dst(%dma_wait3A_221 : memref<128x128xf32, #tpu.memory_space<vmem>>)
      %dma_wait3A_228 = arith.constant 3 : i32
      %dma_wait3A_229 = arith.constant 0 : i32
      %dma_wait3A_230 = arith.constant 0 : i32
      %dma_wait3A_231 = tpu.memref_slice %arg10[%dma_wait3A_228, %dma_wait3A_229, %dma_wait3A_230] : memref<4x128x128xf32, #tpu.memory_space<vmem>> -> memref<1x128x128xf32, #tpu.memory_space<vmem>>
      %dma_wait3A_232 = tpu.memref_squeeze %dma_wait3A_231 : memref<1x128x128xf32, #tpu.memory_space<vmem>> -> memref<128x128xf32, #tpu.memory_space<vmem>>
      %dma_wait3A_233 = arith.constant 0 : i32
      %dma_wait3A_234 = tpu.memref_slice %arg7[%add3A_184, %dma_wait3A_233] : memref<80x128xi32, #tpu.memory_space<vmem>> -> memref<1x128xi32, #tpu.memory_space<vmem>>
      %dma_wait3A_235 = tpu.memref_squeeze %dma_wait3A_234 : memref<1x128xi32, #tpu.memory_space<vmem>> -> memref<128xi32, #tpu.memory_space<vmem>>
      %dma_wait3A_236 = arith.constant 0 : i32
      %dma_wait3A_237 = arith.constant 0 : i32
      %dma_wait3A_238 = tpu.memref_slice %arg2[%dma_wait3A_236, %dma_wait3A_237] : memref<20480x128xf32, #tpu.memory_space<hbm>> -> memref<20480x128xf32, #tpu.memory_space<hbm>>
      tpu.wait_indirect_dma semaphore(%arg15 : memref<!tpu.dma_semaphore, #tpu.memory_space<semaphore_mem>>) src(%dma_wait3A_238 : memref<20480x128xf32, #tpu.memory_space<hbm>>) dst(%dma_wait3A_232 : memref<128x128xf32, #tpu.memory_space<vmem>>)
      %mul3A_239 = arith.constant 4 : i32
      %mul3A_240 = arith.muli %mul3A_239, %scan3A_136 : i32
      %add3A_241 = arith.constant 0 : i32
      %add3A_242 = arith.addi %mul3A_240, %add3A_241 : i32
      %run_scoped3A = arith.constant 0 : i32
      "tpu.region"() ({
        %run_scoped3A_258 = tpu.sem_alloc : memref<!tpu.dma_semaphore, #tpu.memory_space<semaphore_mem>>
        %dma_start3A_259 = arith.constant 0 : i32
        %dma_start3A_260 = arith.constant 0 : i32
        %dma_start3A_261 = tpu.memref_slice %arg10[%run_scoped3A, %dma_start3A_259, %dma_start3A_260] : memref<4x128x128xf32, #tpu.memory_space<vmem>> -> memref<1x128x128xf32, #tpu.memory_space<vmem>>
        %dma_start3A_262 = tpu.memref_squeeze %dma_start3A_261 : memref<1x128x128xf32, #tpu.memory_space<vmem>> -> memref<128x128xf32, #tpu.memory_space<vmem>>
        %dma_start3A_263 = arith.constant 0 : i32
        %dma_start3A_264 = tpu.memref_slice %arg9[%add3A_242, %dma_start3A_263] : memref<80x128xi32, #tpu.memory_space<vmem>> -> memref<1x128xi32, #tpu.memory_space<vmem>>
        %dma_start3A_265 = tpu.memref_squeeze %dma_start3A_264 : memref<1x128xi32, #tpu.memory_space<vmem>> -> memref<128xi32, #tpu.memory_space<vmem>>
        %dma_start3A_266 = arith.constant 0 : i32
        %dma_start3A_267 = arith.constant 0 : i32
        %dma_start3A_268 = tpu.memref_slice %arg11[%dma_start3A_266, %dma_start3A_267] : memref<2576x128xf32, #tpu.memory_space<vmem_shared>> -> memref<2576x128xf32, #tpu.memory_space<vmem_shared>>
        tpu.enqueue_indirect_dma source(%dma_start3A_262 : memref<128x128xf32, #tpu.memory_space<vmem>>) target(%dma_start3A_268 : memref<2576x128xf32, #tpu.memory_space<vmem_shared>>) offsets(%dma_start3A_265 : memref<128xi32, #tpu.memory_space<vmem>>) semaphore(%run_scoped3A_258 : memref<!tpu.dma_semaphore, #tpu.memory_space<semaphore_mem>>) {add = true}
        %dma_wait3A_269 = arith.constant 0 : i32
        %dma_wait3A_270 = arith.constant 0 : i32
        %dma_wait3A_271 = tpu.memref_slice %arg10[%run_scoped3A, %dma_wait3A_269, %dma_wait3A_270] : memref<4x128x128xf32, #tpu.memory_space<vmem>> -> memref<1x128x128xf32, #tpu.memory_space<vmem>>
        %dma_wait3A_272 = tpu.memref_squeeze %dma_wait3A_271 : memref<1x128x128xf32, #tpu.memory_space<vmem>> -> memref<128x128xf32, #tpu.memory_space<vmem>>
        %dma_wait3A_273 = arith.constant 0 : i32
        %dma_wait3A_274 = tpu.memref_slice %arg9[%add3A_242, %dma_wait3A_273] : memref<80x128xi32, #tpu.memory_space<vmem>> -> memref<1x128xi32, #tpu.memory_space<vmem>>
        %dma_wait3A_275 = tpu.memref_squeeze %dma_wait3A_274 : memref<1x128xi32, #tpu.memory_space<vmem>> -> memref<128xi32, #tpu.memory_space<vmem>>
        %dma_wait3A_276 = arith.constant 0 : i32
        %dma_wait3A_277 = arith.constant 0 : i32
        %dma_wait3A_278 = tpu.memref_slice %arg11[%dma_wait3A_276, %dma_wait3A_277] : memref<2576x128xf32, #tpu.memory_space<vmem_shared>> -> memref<2576x128xf32, #tpu.memory_space<vmem_shared>>
        tpu.wait_indirect_dma semaphore(%run_scoped3A_258 : memref<!tpu.dma_semaphore, #tpu.memory_space<semaphore_mem>>) src(%dma_wait3A_272 : memref<128x128xf32, #tpu.memory_space<vmem>>) dst(%dma_wait3A_278 : memref<2576x128xf32, #tpu.memory_space<vmem_shared>>)
        tpu.yield
      }) : () -> ()
      %mul3A_243 = arith.constant 4 : i32
      %mul3A_244 = arith.muli %mul3A_243, %scan3A_136 : i32
      %add3A_245 = arith.constant 1 : i32
      %add3A_246 = arith.addi %mul3A_244, %add3A_245 : i32
      %run_scoped3A_247 = arith.constant 1 : i32
      "tpu.region"() ({
        %run_scoped3A_258 = tpu.sem_alloc : memref<!tpu.dma_semaphore, #tpu.memory_space<semaphore_mem>>
        %dma_start3A_259 = arith.constant 0 : i32
        %dma_start3A_260 = arith.constant 0 : i32
        %dma_start3A_261 = tpu.memref_slice %arg10[%run_scoped3A_247, %dma_start3A_259, %dma_start3A_260] : memref<4x128x128xf32, #tpu.memory_space<vmem>> -> memref<1x128x128xf32, #tpu.memory_space<vmem>>
        %dma_start3A_262 = tpu.memref_squeeze %dma_start3A_261 : memref<1x128x128xf32, #tpu.memory_space<vmem>> -> memref<128x128xf32, #tpu.memory_space<vmem>>
        %dma_start3A_263 = arith.constant 0 : i32
        %dma_start3A_264 = tpu.memref_slice %arg9[%add3A_246, %dma_start3A_263] : memref<80x128xi32, #tpu.memory_space<vmem>> -> memref<1x128xi32, #tpu.memory_space<vmem>>
        %dma_start3A_265 = tpu.memref_squeeze %dma_start3A_264 : memref<1x128xi32, #tpu.memory_space<vmem>> -> memref<128xi32, #tpu.memory_space<vmem>>
        %dma_start3A_266 = arith.constant 0 : i32
        %dma_start3A_267 = arith.constant 0 : i32
        %dma_start3A_268 = tpu.memref_slice %arg11[%dma_start3A_266, %dma_start3A_267] : memref<2576x128xf32, #tpu.memory_space<vmem_shared>> -> memref<2576x128xf32, #tpu.memory_space<vmem_shared>>
        tpu.enqueue_indirect_dma source(%dma_start3A_262 : memref<128x128xf32, #tpu.memory_space<vmem>>) target(%dma_start3A_268 : memref<2576x128xf32, #tpu.memory_space<vmem_shared>>) offsets(%dma_start3A_265 : memref<128xi32, #tpu.memory_space<vmem>>) semaphore(%run_scoped3A_258 : memref<!tpu.dma_semaphore, #tpu.memory_space<semaphore_mem>>) {add = true}
        %dma_wait3A_269 = arith.constant 0 : i32
        %dma_wait3A_270 = arith.constant 0 : i32
        %dma_wait3A_271 = tpu.memref_slice %arg10[%run_scoped3A_247, %dma_wait3A_269, %dma_wait3A_270] : memref<4x128x128xf32, #tpu.memory_space<vmem>> -> memref<1x128x128xf32, #tpu.memory_space<vmem>>
        %dma_wait3A_272 = tpu.memref_squeeze %dma_wait3A_271 : memref<1x128x128xf32, #tpu.memory_space<vmem>> -> memref<128x128xf32, #tpu.memory_space<vmem>>
        %dma_wait3A_273 = arith.constant 0 : i32
        %dma_wait3A_274 = tpu.memref_slice %arg9[%add3A_246, %dma_wait3A_273] : memref<80x128xi32, #tpu.memory_space<vmem>> -> memref<1x128xi32, #tpu.memory_space<vmem>>
        %dma_wait3A_275 = tpu.memref_squeeze %dma_wait3A_274 : memref<1x128xi32, #tpu.memory_space<vmem>> -> memref<128xi32, #tpu.memory_space<vmem>>
        %dma_wait3A_276 = arith.constant 0 : i32
        %dma_wait3A_277 = arith.constant 0 : i32
        %dma_wait3A_278 = tpu.memref_slice %arg11[%dma_wait3A_276, %dma_wait3A_277] : memref<2576x128xf32, #tpu.memory_space<vmem_shared>> -> memref<2576x128xf32, #tpu.memory_space<vmem_shared>>
        tpu.wait_indirect_dma semaphore(%run_scoped3A_258 : memref<!tpu.dma_semaphore, #tpu.memory_space<semaphore_mem>>) src(%dma_wait3A_272 : memref<128x128xf32, #tpu.memory_space<vmem>>) dst(%dma_wait3A_278 : memref<2576x128xf32, #tpu.memory_space<vmem_shared>>)
        tpu.yield
      }) : () -> ()
      %mul3A_248 = arith.constant 4 : i32
      %mul3A_249 = arith.muli %mul3A_248, %scan3A_136 : i32
      %add3A_250 = arith.constant 2 : i32
      %add3A_251 = arith.addi %mul3A_249, %add3A_250 : i32
      %run_scoped3A_252 = arith.constant 2 : i32
      "tpu.region"() ({
        %run_scoped3A_258 = tpu.sem_alloc : memref<!tpu.dma_semaphore, #tpu.memory_space<semaphore_mem>>
        %dma_start3A_259 = arith.constant 0 : i32
        %dma_start3A_260 = arith.constant 0 : i32
        %dma_start3A_261 = tpu.memref_slice %arg10[%run_scoped3A_252, %dma_start3A_259, %dma_start3A_260] : memref<4x128x128xf32, #tpu.memory_space<vmem>> -> memref<1x128x128xf32, #tpu.memory_space<vmem>>
        %dma_start3A_262 = tpu.memref_squeeze %dma_start3A_261 : memref<1x128x128xf32, #tpu.memory_space<vmem>> -> memref<128x128xf32, #tpu.memory_space<vmem>>
        %dma_start3A_263 = arith.constant 0 : i32
        %dma_start3A_264 = tpu.memref_slice %arg9[%add3A_251, %dma_start3A_263] : memref<80x128xi32, #tpu.memory_space<vmem>> -> memref<1x128xi32, #tpu.memory_space<vmem>>
        %dma_start3A_265 = tpu.memref_squeeze %dma_start3A_264 : memref<1x128xi32, #tpu.memory_space<vmem>> -> memref<128xi32, #tpu.memory_space<vmem>>
        %dma_start3A_266 = arith.constant 0 : i32
        %dma_start3A_267 = arith.constant 0 : i32
        %dma_start3A_268 = tpu.memref_slice %arg11[%dma_start3A_266, %dma_start3A_267] : memref<2576x128xf32, #tpu.memory_space<vmem_shared>> -> memref<2576x128xf32, #tpu.memory_space<vmem_shared>>
        tpu.enqueue_indirect_dma source(%dma_start3A_262 : memref<128x128xf32, #tpu.memory_space<vmem>>) target(%dma_start3A_268 : memref<2576x128xf32, #tpu.memory_space<vmem_shared>>) offsets(%dma_start3A_265 : memref<128xi32, #tpu.memory_space<vmem>>) semaphore(%run_scoped3A_258 : memref<!tpu.dma_semaphore, #tpu.memory_space<semaphore_mem>>) {add = true}
        %dma_wait3A_269 = arith.constant 0 : i32
        %dma_wait3A_270 = arith.constant 0 : i32
        %dma_wait3A_271 = tpu.memref_slice %arg10[%run_scoped3A_252, %dma_wait3A_269, %dma_wait3A_270] : memref<4x128x128xf32, #tpu.memory_space<vmem>> -> memref<1x128x128xf32, #tpu.memory_space<vmem>>
        %dma_wait3A_272 = tpu.memref_squeeze %dma_wait3A_271 : memref<1x128x128xf32, #tpu.memory_space<vmem>> -> memref<128x128xf32, #tpu.memory_space<vmem>>
        %dma_wait3A_273 = arith.constant 0 : i32
        %dma_wait3A_274 = tpu.memref_slice %arg9[%add3A_251, %dma_wait3A_273] : memref<80x128xi32, #tpu.memory_space<vmem>> -> memref<1x128xi32, #tpu.memory_space<vmem>>
        %dma_wait3A_275 = tpu.memref_squeeze %dma_wait3A_274 : memref<1x128xi32, #tpu.memory_space<vmem>> -> memref<128xi32, #tpu.memory_space<vmem>>
        %dma_wait3A_276 = arith.constant 0 : i32
        %dma_wait3A_277 = arith.constant 0 : i32
        %dma_wait3A_278 = tpu.memref_slice %arg11[%dma_wait3A_276, %dma_wait3A_277] : memref<2576x128xf32, #tpu.memory_space<vmem_shared>> -> memref<2576x128xf32, #tpu.memory_space<vmem_shared>>
        tpu.wait_indirect_dma semaphore(%run_scoped3A_258 : memref<!tpu.dma_semaphore, #tpu.memory_space<semaphore_mem>>) src(%dma_wait3A_272 : memref<128x128xf32, #tpu.memory_space<vmem>>) dst(%dma_wait3A_278 : memref<2576x128xf32, #tpu.memory_space<vmem_shared>>)
        tpu.yield
      }) : () -> ()
      %mul3A_253 = arith.constant 4 : i32
      %mul3A_254 = arith.muli %mul3A_253, %scan3A_136 : i32
      %add3A_255 = arith.constant 3 : i32
      %add3A_256 = arith.addi %mul3A_254, %add3A_255 : i32
      %run_scoped3A_257 = arith.constant 3 : i32
      "tpu.region"() ({
        %run_scoped3A_258 = tpu.sem_alloc : memref<!tpu.dma_semaphore, #tpu.memory_space<semaphore_mem>>
        %dma_start3A_259 = arith.constant 0 : i32
        %dma_start3A_260 = arith.constant 0 : i32
        %dma_start3A_261 = tpu.memref_slice %arg10[%run_scoped3A_257, %dma_start3A_259, %dma_start3A_260] : memref<4x128x128xf32, #tpu.memory_space<vmem>> -> memref<1x128x128xf32, #tpu.memory_space<vmem>>
        %dma_start3A_262 = tpu.memref_squeeze %dma_start3A_261 : memref<1x128x128xf32, #tpu.memory_space<vmem>> -> memref<128x128xf32, #tpu.memory_space<vmem>>
        %dma_start3A_263 = arith.constant 0 : i32
        %dma_start3A_264 = tpu.memref_slice %arg9[%add3A_256, %dma_start3A_263] : memref<80x128xi32, #tpu.memory_space<vmem>> -> memref<1x128xi32, #tpu.memory_space<vmem>>
        %dma_start3A_265 = tpu.memref_squeeze %dma_start3A_264 : memref<1x128xi32, #tpu.memory_space<vmem>> -> memref<128xi32, #tpu.memory_space<vmem>>
        %dma_start3A_266 = arith.constant 0 : i32
        %dma_start3A_267 = arith.constant 0 : i32
        %dma_start3A_268 = tpu.memref_slice %arg11[%dma_start3A_266, %dma_start3A_267] : memref<2576x128xf32, #tpu.memory_space<vmem_shared>> -> memref<2576x128xf32, #tpu.memory_space<vmem_shared>>
        tpu.enqueue_indirect_dma source(%dma_start3A_262 : memref<128x128xf32, #tpu.memory_space<vmem>>) target(%dma_start3A_268 : memref<2576x128xf32, #tpu.memory_space<vmem_shared>>) offsets(%dma_start3A_265 : memref<128xi32, #tpu.memory_space<vmem>>) semaphore(%run_scoped3A_258 : memref<!tpu.dma_semaphore, #tpu.memory_space<semaphore_mem>>) {add = true}
        %dma_wait3A_269 = arith.constant 0 : i32
        %dma_wait3A_270 = arith.constant 0 : i32
        %dma_wait3A_271 = tpu.memref_slice %arg10[%run_scoped3A_257, %dma_wait3A_269, %dma_wait3A_270] : memref<4x128x128xf32, #tpu.memory_space<vmem>> -> memref<1x128x128xf32, #tpu.memory_space<vmem>>
        %dma_wait3A_272 = tpu.memref_squeeze %dma_wait3A_271 : memref<1x128x128xf32, #tpu.memory_space<vmem>> -> memref<128x128xf32, #tpu.memory_space<vmem>>
        %dma_wait3A_273 = arith.constant 0 : i32
        %dma_wait3A_274 = tpu.memref_slice %arg9[%add3A_256, %dma_wait3A_273] : memref<80x128xi32, #tpu.memory_space<vmem>> -> memref<1x128xi32, #tpu.memory_space<vmem>>
        %dma_wait3A_275 = tpu.memref_squeeze %dma_wait3A_274 : memref<1x128xi32, #tpu.memory_space<vmem>> -> memref<128xi32, #tpu.memory_space<vmem>>
        %dma_wait3A_276 = arith.constant 0 : i32
        %dma_wait3A_277 = arith.constant 0 : i32
        %dma_wait3A_278 = tpu.memref_slice %arg11[%dma_wait3A_276, %dma_wait3A_277] : memref<2576x128xf32, #tpu.memory_space<vmem_shared>> -> memref<2576x128xf32, #tpu.memory_space<vmem_shared>>
        tpu.wait_indirect_dma semaphore(%run_scoped3A_258 : memref<!tpu.dma_semaphore, #tpu.memory_space<semaphore_mem>>) src(%dma_wait3A_272 : memref<128x128xf32, #tpu.memory_space<vmem>>) dst(%dma_wait3A_278 : memref<2576x128xf32, #tpu.memory_space<vmem_shared>>)
        tpu.yield
      }) : () -> ()
    }
    %scan3A_125 = arith.constant 20 : i32
    %barrier3A_126 = arith.constant 0 : index
    tpu.barrier barrier_id(%barrier3A_126)
    %mul3A_127 = arith.constant 160 : i32
    %mul3A_128 = arith.muli %arg1, %mul3A_127 : i32
    %mul3A_129 = arith.constant 10240 : i32
    %mul3A_130 = arith.muli %arg0, %mul3A_129 : i32
    %add3A_131 = arith.constant 7680 : i32
    %add3A_132 = arith.addi %mul3A_130, %add3A_131 : i32
    %mul3A_133 = arith.constant 160 : i32
    %mul3A_134 = arith.muli %arg1, %mul3A_133 : i32
    %add3A_135 = arith.addi %add3A_132, %mul3A_134 : i32
    "tpu.region"() ({
      %run_scoped3A = tpu.sem_alloc : memref<!tpu.dma_semaphore, #tpu.memory_space<semaphore_mem>>
      %dma_start3A = arith.constant 0 : i32
      %dma_start3A_136 = tpu.memref_slice %arg6[%add3A_135, %dma_start3A] : memref<20480x128xf32, #tpu.memory_space<hbm>> -> memref<160x128xf32, #tpu.memory_space<hbm>>
      %dma_start3A_137 = arith.constant 0 : i32
      %dma_start3A_138 = tpu.memref_slice %arg11[%mul3A_128, %dma_start3A_137] : memref<2576x128xf32, #tpu.memory_space<vmem_shared>> -> memref<160x128xf32, #tpu.memory_space<vmem_shared>>
      tpu.enqueue_dma source(%dma_start3A_138 : memref<160x128xf32, #tpu.memory_space<vmem_shared>>) target(%dma_start3A_136 : memref<160x128xf32, #tpu.memory_space<hbm>>) target_semaphore(%run_scoped3A : memref<!tpu.dma_semaphore, #tpu.memory_space<semaphore_mem>>)
      %dma_wait3A = arith.constant 0 : i32
      %dma_wait3A_139 = tpu.memref_slice %arg6[%add3A_135, %dma_wait3A] : memref<20480x128xf32, #tpu.memory_space<hbm>> -> memref<160x128xf32, #tpu.memory_space<hbm>>
      %dma_wait3A_140 = arith.constant 0 : i32
      %dma_wait3A_141 = tpu.memref_slice %arg11[%mul3A_128, %dma_wait3A_140] : memref<2576x128xf32, #tpu.memory_space<vmem_shared>> -> memref<160x128xf32, #tpu.memory_space<vmem_shared>>
      tpu.wait_dma2 semaphore(%run_scoped3A : memref<!tpu.dma_semaphore, #tpu.memory_space<semaphore_mem>>) src(%dma_wait3A_141 : memref<160x128xf32, #tpu.memory_space<vmem_shared>>) dst(%dma_wait3A_139 : memref<160x128xf32, #tpu.memory_space<hbm>>)
      tpu.yield
    }) : () -> ()
    return
  }
}

#map = affine_map<(d0, d1) -> (0, 0)>
#map1 = affine_map<(d0, d1) -> (0, 0, 0)>
module attributes {stable_mosaic.version = 14 : i64} {
  func.func @_agg_kernel(%arg0: i32, %arg1: i32, %arg2: memref<20480x128xf32, #tpu.memory_space<hbm>>, %arg3: memref<16x80x128xi32, #tpu.memory_space<hbm>>, %arg4: memref<16x80x128xi32, #tpu.memory_space<hbm>>, %arg5: memref<2560x128xf32, #tpu.memory_space<hbm>>, %arg6: memref<20480x128xf32, #tpu.memory_space<hbm>>, %arg7: memref<80x128xi32, #tpu.memory_space<vmem>>, %arg8: memref<80x128xi32, #tpu.memory_space<vmem>>, %arg9: memref<80x128xi32, #tpu.memory_space<vmem>>, %arg10: memref<4x128x128xf32, #tpu.memory_space<vmem>>, %arg11: memref<2576x128xf32, #tpu.memory_space<vmem_shared>>, %arg12: memref<!tpu.dma_semaphore, #tpu.memory_space<semaphore_mem>>, %arg13: memref<!tpu.dma_semaphore, #tpu.memory_space<semaphore_mem>>, %arg14: memref<!tpu.dma_semaphore, #tpu.memory_space<semaphore_mem>>, %arg15: memref<!tpu.dma_semaphore, #tpu.memory_space<semaphore_mem>>) attributes {dimension_semantics = [#tpu.dimension_semantics<core_parallel>, #tpu.dimension_semantics<subcore_parallel>], iteration_bounds = array<i64: 2, 16>, scalar_prefetch = 0 : i64, scratch_operands = 9 : i64, tpu.core_type = #tpu.core_type<sc_vector_subcore>, window_params = [{transform_indices = #map}, {transform_indices = #map1}, {transform_indices = #map1}, {transform_indices = #map}, {transform_indices = #map}]} {
    "tpu.region"() ({
      %run_scoped3A = tpu.sem_alloc : memref<!tpu.dma_semaphore, #tpu.memory_space<semaphore_mem>>
      %dma_start3A = arith.constant 0 : i32
      %dma_start3A_136 = arith.constant 0 : i32
      %dma_start3A_137 = tpu.memref_slice %arg3[%arg1, %dma_start3A, %dma_start3A_136] : memref<16x80x128xi32, #tpu.memory_space<hbm>> -> memref<1x80x128xi32, #tpu.memory_space<hbm>>
      %dma_start3A_138 = tpu.memref_squeeze %dma_start3A_137 : memref<1x80x128xi32, #tpu.memory_space<hbm>> -> memref<80x128xi32, #tpu.memory_space<hbm>>
      %dma_start3A_139 = arith.constant 0 : i32
      %dma_start3A_140 = arith.constant 0 : i32
      %dma_start3A_141 = tpu.memref_slice %arg3[%arg1, %dma_start3A_139, %dma_start3A_140] : memref<16x80x128xi32, #tpu.memory_space<hbm>> -> memref<1x80x128xi32, #tpu.memory_space<hbm>>
      %dma_start3A_142 = tpu.memref_squeeze %dma_start3A_141 : memref<1x80x128xi32, #tpu.memory_space<hbm>> -> memref<80x128xi32, #tpu.memory_space<hbm>>
      tpu.enqueue_dma source(%dma_start3A_142 : memref<80x128xi32, #tpu.memory_space<hbm>>) target(%arg7 : memref<80x128xi32, #tpu.memory_space<vmem>>) target_semaphore(%run_scoped3A : memref<!tpu.dma_semaphore, #tpu.memory_space<semaphore_mem>>)
      %dma_wait3A = arith.constant 0 : i32
      %dma_wait3A_143 = arith.constant 0 : i32
      %dma_wait3A_144 = tpu.memref_slice %arg3[%arg1, %dma_wait3A, %dma_wait3A_143] : memref<16x80x128xi32, #tpu.memory_space<hbm>> -> memref<1x80x128xi32, #tpu.memory_space<hbm>>
      %dma_wait3A_145 = tpu.memref_squeeze %dma_wait3A_144 : memref<1x80x128xi32, #tpu.memory_space<hbm>> -> memref<80x128xi32, #tpu.memory_space<hbm>>
      %dma_wait3A_146 = arith.constant 0 : i32
      %dma_wait3A_147 = arith.constant 0 : i32
      %dma_wait3A_148 = tpu.memref_slice %arg3[%arg1, %dma_wait3A_146, %dma_wait3A_147] : memref<16x80x128xi32, #tpu.memory_space<hbm>> -> memref<1x80x128xi32, #tpu.memory_space<hbm>>
      %dma_wait3A_149 = tpu.memref_squeeze %dma_wait3A_148 : memref<1x80x128xi32, #tpu.memory_space<hbm>> -> memref<80x128xi32, #tpu.memory_space<hbm>>
      tpu.wait_dma2 semaphore(%run_scoped3A : memref<!tpu.dma_semaphore, #tpu.memory_space<semaphore_mem>>) src(%dma_wait3A_149 : memref<80x128xi32, #tpu.memory_space<hbm>>) dst(%arg7 : memref<80x128xi32, #tpu.memory_space<vmem>>)
      tpu.yield
    }) : () -> ()
    "tpu.region"() ({
      %run_scoped3A = tpu.sem_alloc : memref<!tpu.dma_semaphore, #tpu.memory_space<semaphore_mem>>
      %dma_start3A = arith.constant 0 : i32
      %dma_start3A_136 = arith.constant 0 : i32
      %dma_start3A_137 = tpu.memref_slice %arg4[%arg1, %dma_start3A, %dma_start3A_136] : memref<16x80x128xi32, #tpu.memory_space<hbm>> -> memref<1x80x128xi32, #tpu.memory_space<hbm>>
      %dma_start3A_138 = tpu.memref_squeeze %dma_start3A_137 : memref<1x80x128xi32, #tpu.memory_space<hbm>> -> memref<80x128xi32, #tpu.memory_space<hbm>>
      %dma_start3A_139 = arith.constant 0 : i32
      %dma_start3A_140 = arith.constant 0 : i32
      %dma_start3A_141 = tpu.memref_slice %arg4[%arg1, %dma_start3A_139, %dma_start3A_140] : memref<16x80x128xi32, #tpu.memory_space<hbm>> -> memref<1x80x128xi32, #tpu.memory_space<hbm>>
      %dma_start3A_142 = tpu.memref_squeeze %dma_start3A_141 : memref<1x80x128xi32, #tpu.memory_space<hbm>> -> memref<80x128xi32, #tpu.memory_space<hbm>>
      tpu.enqueue_dma source(%dma_start3A_142 : memref<80x128xi32, #tpu.memory_space<hbm>>) target(%arg8 : memref<80x128xi32, #tpu.memory_space<vmem>>) target_semaphore(%run_scoped3A : memref<!tpu.dma_semaphore, #tpu.memory_space<semaphore_mem>>)
      %dma_wait3A = arith.constant 0 : i32
      %dma_wait3A_143 = arith.constant 0 : i32
      %dma_wait3A_144 = tpu.memref_slice %arg4[%arg1, %dma_wait3A, %dma_wait3A_143] : memref<16x80x128xi32, #tpu.memory_space<hbm>> -> memref<1x80x128xi32, #tpu.memory_space<hbm>>
      %dma_wait3A_145 = tpu.memref_squeeze %dma_wait3A_144 : memref<1x80x128xi32, #tpu.memory_space<hbm>> -> memref<80x128xi32, #tpu.memory_space<hbm>>
      %dma_wait3A_146 = arith.constant 0 : i32
      %dma_wait3A_147 = arith.constant 0 : i32
      %dma_wait3A_148 = tpu.memref_slice %arg4[%arg1, %dma_wait3A_146, %dma_wait3A_147] : memref<16x80x128xi32, #tpu.memory_space<hbm>> -> memref<1x80x128xi32, #tpu.memory_space<hbm>>
      %dma_wait3A_149 = tpu.memref_squeeze %dma_wait3A_148 : memref<1x80x128xi32, #tpu.memory_space<hbm>> -> memref<80x128xi32, #tpu.memory_space<hbm>>
      tpu.wait_dma2 semaphore(%run_scoped3A : memref<!tpu.dma_semaphore, #tpu.memory_space<semaphore_mem>>) src(%dma_wait3A_149 : memref<80x128xi32, #tpu.memory_space<hbm>>) dst(%arg8 : memref<80x128xi32, #tpu.memory_space<vmem>>)
      tpu.yield
    }) : () -> ()
    %eq3A = arith.constant 1 : i32
    %eq3A_0 = arith.cmpi eq, %arg0, %eq3A : i32
    %convert_element_type3A = arith.extui %eq3A_0 : i1 to i32
    %cond3A = arith.constant 0 : i32
    %cond3A_1 = arith.cmpi ne, %convert_element_type3A, %cond3A : i32
    scf.if %cond3A_1 {
      %scan3A_136 = arith.constant 0 : i32
      %scan3A_137 = arith.constant 640 : i32
      %scan3A_138 = arith.addi %scan3A_136, %scan3A_137 : i32
      %scan3A_139 = arith.constant 1 : i32
      scf.for %scan3A_141 = %scan3A_136 to %scan3A_138 step %scan3A_139  : i32 {
        %jit3A = arith.constant 8 : i32
        %div3A = arith.divsi %scan3A_141, %jit3A : i32
        %sign3A = arith.constant 0 : i32
        %sign3A_142 = arith.cmpi sgt, %scan3A_141, %sign3A : i32
        %sign3A_143 = arith.extui %sign3A_142 : i1 to i32
        %sign3A_144 = arith.constant 0 : i32
        %sign3A_145 = arith.cmpi slt, %scan3A_141, %sign3A_144 : i32
        %sign3A_146 = arith.extui %sign3A_145 : i1 to i32
        %sign3A_147 = arith.subi %sign3A_143, %sign3A_146 : i32
        %sign3A_148 = arith.constant 0 : i32
        %sign3A_149 = arith.cmpi sgt, %jit3A, %sign3A_148 : i32
        %sign3A_150 = arith.extui %sign3A_149 : i1 to i32
        %sign3A_151 = arith.constant 0 : i32
        %sign3A_152 = arith.cmpi slt, %jit3A, %sign3A_151 : i32
        %sign3A_153 = arith.extui %sign3A_152 : i1 to i32
        %sign3A_154 = arith.subi %sign3A_150, %sign3A_153 : i32
        %ne3A = arith.cmpi ne, %sign3A_147, %sign3A_154 : i32
        %rem3A = arith.remsi %scan3A_141, %jit3A : i32
        %ne3A_155 = arith.constant 0 : i32
        %ne3A_156 = arith.cmpi ne, %rem3A, %ne3A_155 : i32
        %and3A = arith.andi %ne3A, %ne3A_156 : i1
        %sub3A = arith.constant 1 : i32
        %sub3A_157 = arith.subi %div3A, %sub3A : i32
        %select_n3A = arith.select %and3A, %sub3A_157, %div3A : i32
        %jit3A_158 = arith.constant 8 : i32
        %eq3A_159 = arith.constant 0 : i32
        %eq3A_160 = arith.cmpi eq, %jit3A_158, %eq3A_159 : i32
        %jit3A_161 = arith.constant 1 : i32
        %select_n3A_162 = arith.select %eq3A_160, %jit3A_161, %jit3A_158 : i32
        %rem3A_163 = arith.remsi %scan3A_141, %select_n3A_162 : i32
        %ne3A_164 = arith.constant 0 : i32
        %ne3A_165 = arith.cmpi ne, %rem3A_163, %ne3A_164 : i32
        %lt3A = arith.constant 0 : i32
        %lt3A_166 = arith.cmpi slt, %rem3A_163, %lt3A : i32
        %lt3A_167 = arith.constant 0 : i32
        %lt3A_168 = arith.cmpi slt, %select_n3A_162, %lt3A_167 : i32
        %ne3A_169 = arith.xori %lt3A_166, %lt3A_168 : i1
        %and3A_170 = arith.andi %ne3A_169, %ne3A_165 : i1
        %add3A_171 = arith.addi %rem3A_163, %select_n3A_162 : i32
        %select_n3A_172 = arith.select %and3A_170, %add3A_171, %rem3A_163 : i32
        %mul3A_173 = arith.constant 16 : i32
        %mul3A_174 = arith.muli %select_n3A_172, %mul3A_173 : i32
        %get3A = arith.index_cast %select_n3A : i32 to index
        %get3A_175 = arith.index_cast %mul3A_174 : i32 to index
        %get3A_176 = tpu.vector_load %arg7[%get3A, %get3A_175] {strides = array<i32>} : memref<80x128xi32, #tpu.memory_space<vmem>>, vector<1x16xi32>,
        %get3A_177 = vector.shape_cast %get3A_176 : vector<1x16xi32> to vector<16xi32>
        %add3A_178 = arith.constant 10240 : i32
        %add3A_179 = vector.broadcast %add3A_178 : i32 to vector<16xi32>
        %add3A_180 = arith.addi %get3A_177, %add3A_179 : vector<16xi32>
        %swap3A = arith.index_cast %select_n3A : i32 to index
        %swap3A_181 = arith.index_cast %mul3A_174 : i32 to index
        %swap3A_182 = tpu.vector_load %arg7[%swap3A, %swap3A_181] {strides = array<i32>} : memref<80x128xi32, #tpu.memory_space<vmem>>, vector<1x16xi32>,
        %swap3A_183 = vector.shape_cast %swap3A_182 : vector<1x16xi32> to vector<16xi32>
        %swap3A_184 = vector.shape_cast %add3A_180 : vector<16xi32> to vector<1x16xi32>
        tpu.vector_store %arg7[%swap3A, %swap3A_181], %swap3A_184 {strides = array<i32>} : memref<80x128xi32, #tpu.memory_space<vmem>>, vector<1x16xi32>,
      }
      %scan3A_140 = arith.constant 640 : i32
    } else {
    }
    %iota3A = tpu.iota {dimensions = array<i32: 0>} : vector<16xi32>
    %add3A = arith.constant 2560 : i32
    %add3A_2 = vector.broadcast %add3A : i32 to vector<16xi32>
    %add3A_3 = arith.addi %add3A_2, %iota3A : vector<16xi32>
    %scan3A = arith.constant 0 : i32
    %scan3A_4 = arith.constant 640 : i32
    %scan3A_5 = arith.addi %scan3A, %scan3A_4 : i32
    %scan3A_6 = arith.constant 1 : i32
    scf.for %scan3A_136 = %scan3A to %scan3A_5 step %scan3A_6  : i32 {
      %jit3A = arith.constant 8 : i32
      %div3A = arith.divsi %scan3A_136, %jit3A : i32
      %sign3A = arith.constant 0 : i32
      %sign3A_137 = arith.cmpi sgt, %scan3A_136, %sign3A : i32
      %sign3A_138 = arith.extui %sign3A_137 : i1 to i32
      %sign3A_139 = arith.constant 0 : i32
      %sign3A_140 = arith.cmpi slt, %scan3A_136, %sign3A_139 : i32
      %sign3A_141 = arith.extui %sign3A_140 : i1 to i32
      %sign3A_142 = arith.subi %sign3A_138, %sign3A_141 : i32
      %sign3A_143 = arith.constant 0 : i32
      %sign3A_144 = arith.cmpi sgt, %jit3A, %sign3A_143 : i32
      %sign3A_145 = arith.extui %sign3A_144 : i1 to i32
      %sign3A_146 = arith.constant 0 : i32
      %sign3A_147 = arith.cmpi slt, %jit3A, %sign3A_146 : i32
      %sign3A_148 = arith.extui %sign3A_147 : i1 to i32
      %sign3A_149 = arith.subi %sign3A_145, %sign3A_148 : i32
      %ne3A = arith.cmpi ne, %sign3A_142, %sign3A_149 : i32
      %rem3A = arith.remsi %scan3A_136, %jit3A : i32
      %ne3A_150 = arith.constant 0 : i32
      %ne3A_151 = arith.cmpi ne, %rem3A, %ne3A_150 : i32
      %and3A = arith.andi %ne3A, %ne3A_151 : i1
      %sub3A = arith.constant 1 : i32
      %sub3A_152 = arith.subi %div3A, %sub3A : i32
      %select_n3A = arith.select %and3A, %sub3A_152, %div3A : i32
      %jit3A_153 = arith.constant 8 : i32
      %eq3A_154 = arith.constant 0 : i32
      %eq3A_155 = arith.cmpi eq, %jit3A_153, %eq3A_154 : i32
      %jit3A_156 = arith.constant 1 : i32
      %select_n3A_157 = arith.select %eq3A_155, %jit3A_156, %jit3A_153 : i32
      %rem3A_158 = arith.remsi %scan3A_136, %select_n3A_157 : i32
      %ne3A_159 = arith.constant 0 : i32
      %ne3A_160 = arith.cmpi ne, %rem3A_158, %ne3A_159 : i32
      %lt3A = arith.constant 0 : i32
      %lt3A_161 = arith.cmpi slt, %rem3A_158, %lt3A : i32
      %lt3A_162 = arith.constant 0 : i32
      %lt3A_163 = arith.cmpi slt, %select_n3A_157, %lt3A_162 : i32
      %ne3A_164 = arith.xori %lt3A_161, %lt3A_163 : i1
      %and3A_165 = arith.andi %ne3A_164, %ne3A_160 : i1
      %add3A_166 = arith.addi %rem3A_158, %select_n3A_157 : i32
      %select_n3A_167 = arith.select %and3A_165, %add3A_166, %rem3A_158 : i32
      %mul3A_168 = arith.constant 16 : i32
      %mul3A_169 = arith.muli %select_n3A_167, %mul3A_168 : i32
      %get3A = arith.index_cast %select_n3A : i32 to index
      %get3A_170 = arith.index_cast %mul3A_169 : i32 to index
      %get3A_171 = tpu.vector_load %arg8[%get3A, %get3A_170] {strides = array<i32>} : memref<80x128xi32, #tpu.memory_space<vmem>>, vector<1x16xi32>,
      %get3A_172 = vector.shape_cast %get3A_171 : vector<1x16xi32> to vector<16xi32>
      %sub3A_173 = arith.constant 0 : i32
      %sub3A_174 = vector.broadcast %sub3A_173 : i32 to vector<16xi32>
      %sub3A_175 = arith.subi %get3A_172, %sub3A_174 : vector<16xi32>
      %ge3A = arith.constant 0 : i32
      %ge3A_176 = vector.broadcast %ge3A : i32 to vector<16xi32>
      %ge3A_177 = arith.cmpi sge, %sub3A_175, %ge3A_176 : vector<16xi32>
      %lt3A_178 = arith.constant 2560 : i32
      %lt3A_179 = vector.broadcast %lt3A_178 : i32 to vector<16xi32>
      %lt3A_180 = arith.cmpi slt, %sub3A_175, %lt3A_179 : vector<16xi32>
      %and3A_181 = arith.andi %ge3A_177, %lt3A_180 : vector<16xi1>
      %select_n3A_182 = arith.select %and3A_181, %sub3A_175, %add3A_3 : vector<16xi1>, vector<16xi32>
      %swap3A = arith.index_cast %select_n3A : i32 to index
      %swap3A_183 = arith.index_cast %mul3A_169 : i32 to index
      %swap3A_184 = tpu.vector_load %arg9[%swap3A, %swap3A_183] {strides = array<i32>} : memref<80x128xi32, #tpu.memory_space<vmem>>, vector<1x16xi32>,
      %swap3A_185 = vector.shape_cast %swap3A_184 : vector<1x16xi32> to vector<16xi32>
      %swap3A_186 = vector.shape_cast %select_n3A_182 : vector<16xi32> to vector<1x16xi32>
      tpu.vector_store %arg9[%swap3A, %swap3A_183], %swap3A_186 {strides = array<i32>} : memref<80x128xi32, #tpu.memory_space<vmem>>, vector<1x16xi32>,
    }
    %scan3A_7 = arith.constant 640 : i32
    %mul3A = arith.constant 160 : i32
    %mul3A_8 = arith.muli %arg1, %mul3A : i32
    %mul3A_9 = arith.constant 160 : i32
    %mul3A_10 = arith.muli %arg1, %mul3A_9 : i32
    "tpu.region"() ({
      %run_scoped3A = tpu.sem_alloc : memref<!tpu.dma_semaphore, #tpu.memory_space<semaphore_mem>>
      %dma_start3A = arith.constant 0 : i32
      %dma_start3A_136 = tpu.memref_slice %arg11[%mul3A_10, %dma_start3A] : memref<2576x128xf32, #tpu.memory_space<vmem_shared>> -> memref<160x128xf32, #tpu.memory_space<vmem_shared>>
      %dma_start3A_137 = arith.constant 0 : i32
      %dma_start3A_138 = tpu.memref_slice %arg5[%mul3A_8, %dma_start3A_137] : memref<2560x128xf32, #tpu.memory_space<hbm>> -> memref<160x128xf32, #tpu.memory_space<hbm>>
      tpu.enqueue_dma source(%dma_start3A_138 : memref<160x128xf32, #tpu.memory_space<hbm>>) target(%dma_start3A_136 : memref<160x128xf32, #tpu.memory_space<vmem_shared>>) target_semaphore(%run_scoped3A : memref<!tpu.dma_semaphore, #tpu.memory_space<semaphore_mem>>)
      %dma_wait3A = arith.constant 0 : i32
      %dma_wait3A_139 = tpu.memref_slice %arg11[%mul3A_10, %dma_wait3A] : memref<2576x128xf32, #tpu.memory_space<vmem_shared>> -> memref<160x128xf32, #tpu.memory_space<vmem_shared>>
      %dma_wait3A_140 = arith.constant 0 : i32
      %dma_wait3A_141 = tpu.memref_slice %arg5[%mul3A_8, %dma_wait3A_140] : memref<2560x128xf32, #tpu.memory_space<hbm>> -> memref<160x128xf32, #tpu.memory_space<hbm>>
      tpu.wait_dma2 semaphore(%run_scoped3A : memref<!tpu.dma_semaphore, #tpu.memory_space<semaphore_mem>>) src(%dma_wait3A_141 : memref<160x128xf32, #tpu.memory_space<hbm>>) dst(%dma_wait3A_139 : memref<160x128xf32, #tpu.memory_space<vmem_shared>>)
      tpu.yield
    }) : () -> ()
    %eq3A_11 = arith.constant 0 : i32
    %eq3A_12 = arith.cmpi eq, %arg1, %eq3A_11 : i32
    %convert_element_type3A_13 = arith.extui %eq3A_12 : i1 to i32
    %cond3A_14 = arith.constant 0 : i32
    %cond3A_15 = arith.cmpi ne, %convert_element_type3A_13, %cond3A_14 : i32
    scf.if %cond3A_15 {
      "tpu.region"() ({
        %run_scoped3A = tpu.sem_alloc : memref<!tpu.dma_semaphore, #tpu.memory_space<semaphore_mem>>
        %dma_start3A = arith.constant 2560 : i32
        %dma_start3A_136 = arith.constant 0 : i32
        %dma_start3A_137 = tpu.memref_slice %arg11[%dma_start3A, %dma_start3A_136] : memref<2576x128xf32, #tpu.memory_space<vmem_shared>> -> memref<16x128xf32, #tpu.memory_space<vmem_shared>>
        %dma_start3A_138 = arith.constant 0 : i32
        %dma_start3A_139 = arith.constant 0 : i32
        %dma_start3A_140 = tpu.memref_slice %arg5[%dma_start3A_138, %dma_start3A_139] : memref<2560x128xf32, #tpu.memory_space<hbm>> -> memref<16x128xf32, #tpu.memory_space<hbm>>
        tpu.enqueue_dma source(%dma_start3A_140 : memref<16x128xf32, #tpu.memory_space<hbm>>) target(%dma_start3A_137 : memref<16x128xf32, #tpu.memory_space<vmem_shared>>) target_semaphore(%run_scoped3A : memref<!tpu.dma_semaphore, #tpu.memory_space<semaphore_mem>>)
        %dma_wait3A = arith.constant 2560 : i32
        %dma_wait3A_141 = arith.constant 0 : i32
        %dma_wait3A_142 = tpu.memref_slice %arg11[%dma_wait3A, %dma_wait3A_141] : memref<2576x128xf32, #tpu.memory_space<vmem_shared>> -> memref<16x128xf32, #tpu.memory_space<vmem_shared>>
        %dma_wait3A_143 = arith.constant 0 : i32
        %dma_wait3A_144 = arith.constant 0 : i32
        %dma_wait3A_145 = tpu.memref_slice %arg5[%dma_wait3A_143, %dma_wait3A_144] : memref<2560x128xf32, #tpu.memory_space<hbm>> -> memref<16x128xf32, #tpu.memory_space<hbm>>
        tpu.wait_dma2 semaphore(%run_scoped3A : memref<!tpu.dma_semaphore, #tpu.memory_space<semaphore_mem>>) src(%dma_wait3A_145 : memref<16x128xf32, #tpu.memory_space<hbm>>) dst(%dma_wait3A_142 : memref<16x128xf32, #tpu.memory_space<vmem_shared>>)
        tpu.yield
      }) : () -> ()
    } else {
    }
    %barrier3A = arith.constant 0 : index
    tpu.barrier barrier_id(%barrier3A)
    %scan3A_16 = arith.constant 0 : i32
    %scan3A_17 = arith.constant 20 : i32
    %scan3A_18 = arith.addi %scan3A_16, %scan3A_17 : i32
    %scan3A_19 = arith.constant 1 : i32
    scf.for %scan3A_136 = %scan3A_16 to %scan3A_18 step %scan3A_19  : i32 {
      %mul3A_137 = arith.constant 4 : i32
      %mul3A_138 = arith.muli %mul3A_137, %scan3A_136 : i32
      %add3A_139 = arith.constant 0 : i32
      %add3A_140 = arith.addi %mul3A_138, %add3A_139 : i32
      %dma_start3A = arith.constant 0 : i32
      %dma_start3A_141 = arith.constant 0 : i32
      %dma_start3A_142 = arith.constant 0 : i32
      %dma_start3A_143 = tpu.memref_slice %arg10[%dma_start3A, %dma_start3A_141, %dma_start3A_142] : memref<4x128x128xf32, #tpu.memory_space<vmem>> -> memref<1x128x128xf32, #tpu.memory_space<vmem>>
      %dma_start3A_144 = tpu.memref_squeeze %dma_start3A_143 : memref<1x128x128xf32, #tpu.memory_space<vmem>> -> memref<128x128xf32, #tpu.memory_space<vmem>>
      %dma_start3A_145 = arith.constant 0 : i32
      %dma_start3A_146 = tpu.memref_slice %arg7[%add3A_140, %dma_start3A_145] : memref<80x128xi32, #tpu.memory_space<vmem>> -> memref<1x128xi32, #tpu.memory_space<vmem>>
      %dma_start3A_147 = tpu.memref_squeeze %dma_start3A_146 : memref<1x128xi32, #tpu.memory_space<vmem>> -> memref<128xi32, #tpu.memory_space<vmem>>
      %dma_start3A_148 = arith.constant 0 : i32
      %dma_start3A_149 = arith.constant 0 : i32
      %dma_start3A_150 = tpu.memref_slice %arg2[%dma_start3A_148, %dma_start3A_149] : memref<20480x128xf32, #tpu.memory_space<hbm>> -> memref<20480x128xf32, #tpu.memory_space<hbm>>
      tpu.enqueue_indirect_dma source(%dma_start3A_150 : memref<20480x128xf32, #tpu.memory_space<hbm>>) target(%dma_start3A_144 : memref<128x128xf32, #tpu.memory_space<vmem>>) offsets(%dma_start3A_147 : memref<128xi32, #tpu.memory_space<vmem>>) semaphore(%arg12 : memref<!tpu.dma_semaphore, #tpu.memory_space<semaphore_mem>>)
      %mul3A_151 = arith.constant 4 : i32
      %mul3A_152 = arith.muli %mul3A_151, %scan3A_136 : i32
      %add3A_153 = arith.constant 1 : i32
      %add3A_154 = arith.addi %mul3A_152, %add3A_153 : i32
      %dma_start3A_155 = arith.constant 1 : i32
      %dma_start3A_156 = arith.constant 0 : i32
      %dma_start3A_157 = arith.constant 0 : i32
      %dma_start3A_158 = tpu.memref_slice %arg10[%dma_start3A_155, %dma_start3A_156, %dma_start3A_157] : memref<4x128x128xf32, #tpu.memory_space<vmem>> -> memref<1x128x128xf32, #tpu.memory_space<vmem>>
      %dma_start3A_159 = tpu.memref_squeeze %dma_start3A_158 : memref<1x128x128xf32, #tpu.memory_space<vmem>> -> memref<128x128xf32, #tpu.memory_space<vmem>>
      %dma_start3A_160 = arith.constant 0 : i32
      %dma_start3A_161 = tpu.memref_slice %arg7[%add3A_154, %dma_start3A_160] : memref<80x128xi32, #tpu.memory_space<vmem>> -> memref<1x128xi32, #tpu.memory_space<vmem>>
      %dma_start3A_162 = tpu.memref_squeeze %dma_start3A_161 : memref<1x128xi32, #tpu.memory_space<vmem>> -> memref<128xi32, #tpu.memory_space<vmem>>
      %dma_start3A_163 = arith.constant 0 : i32
      %dma_start3A_164 = arith.constant 0 : i32
      %dma_start3A_165 = tpu.memref_slice %arg2[%dma_start3A_163, %dma_start3A_164] : memref<20480x128xf32, #tpu.memory_space<hbm>> -> memref<20480x128xf32, #tpu.memory_space<hbm>>
      tpu.enqueue_indirect_dma source(%dma_start3A_165 : memref<20480x128xf32, #tpu.memory_space<hbm>>) target(%dma_start3A_159 : memref<128x128xf32, #tpu.memory_space<vmem>>) offsets(%dma_start3A_162 : memref<128xi32, #tpu.memory_space<vmem>>) semaphore(%arg13 : memref<!tpu.dma_semaphore, #tpu.memory_space<semaphore_mem>>)
      %mul3A_166 = arith.constant 4 : i32
      %mul3A_167 = arith.muli %mul3A_166, %scan3A_136 : i32
      %add3A_168 = arith.constant 2 : i32
      %add3A_169 = arith.addi %mul3A_167, %add3A_168 : i32
      %dma_start3A_170 = arith.constant 2 : i32
      %dma_start3A_171 = arith.constant 0 : i32
      %dma_start3A_172 = arith.constant 0 : i32
      %dma_start3A_173 = tpu.memref_slice %arg10[%dma_start3A_170, %dma_start3A_171, %dma_start3A_172] : memref<4x128x128xf32, #tpu.memory_space<vmem>> -> memref<1x128x128xf32, #tpu.memory_space<vmem>>
      %dma_start3A_174 = tpu.memref_squeeze %dma_start3A_173 : memref<1x128x128xf32, #tpu.memory_space<vmem>> -> memref<128x128xf32, #tpu.memory_space<vmem>>
      %dma_start3A_175 = arith.constant 0 : i32
      %dma_start3A_176 = tpu.memref_slice %arg7[%add3A_169, %dma_start3A_175] : memref<80x128xi32, #tpu.memory_space<vmem>> -> memref<1x128xi32, #tpu.memory_space<vmem>>
      %dma_start3A_177 = tpu.memref_squeeze %dma_start3A_176 : memref<1x128xi32, #tpu.memory_space<vmem>> -> memref<128xi32, #tpu.memory_space<vmem>>
      %dma_start3A_178 = arith.constant 0 : i32
      %dma_start3A_179 = arith.constant 0 : i32
      %dma_start3A_180 = tpu.memref_slice %arg2[%dma_start3A_178, %dma_start3A_179] : memref<20480x128xf32, #tpu.memory_space<hbm>> -> memref<20480x128xf32, #tpu.memory_space<hbm>>
      tpu.enqueue_indirect_dma source(%dma_start3A_180 : memref<20480x128xf32, #tpu.memory_space<hbm>>) target(%dma_start3A_174 : memref<128x128xf32, #tpu.memory_space<vmem>>) offsets(%dma_start3A_177 : memref<128xi32, #tpu.memory_space<vmem>>) semaphore(%arg14 : memref<!tpu.dma_semaphore, #tpu.memory_space<semaphore_mem>>)
      %mul3A_181 = arith.constant 4 : i32
      %mul3A_182 = arith.muli %mul3A_181, %scan3A_136 : i32
      %add3A_183 = arith.constant 3 : i32
      %add3A_184 = arith.addi %mul3A_182, %add3A_183 : i32
      %dma_start3A_185 = arith.constant 3 : i32
      %dma_start3A_186 = arith.constant 0 : i32
      %dma_start3A_187 = arith.constant 0 : i32
      %dma_start3A_188 = tpu.memref_slice %arg10[%dma_start3A_185, %dma_start3A_186, %dma_start3A_187] : memref<4x128x128xf32, #tpu.memory_space<vmem>> -> memref<1x128x128xf32, #tpu.memory_space<vmem>>
      %dma_start3A_189 = tpu.memref_squeeze %dma_start3A_188 : memref<1x128x128xf32, #tpu.memory_space<vmem>> -> memref<128x128xf32, #tpu.memory_space<vmem>>
      %dma_start3A_190 = arith.constant 0 : i32
      %dma_start3A_191 = tpu.memref_slice %arg7[%add3A_184, %dma_start3A_190] : memref<80x128xi32, #tpu.memory_space<vmem>> -> memref<1x128xi32, #tpu.memory_space<vmem>>
      %dma_start3A_192 = tpu.memref_squeeze %dma_start3A_191 : memref<1x128xi32, #tpu.memory_space<vmem>> -> memref<128xi32, #tpu.memory_space<vmem>>
      %dma_start3A_193 = arith.constant 0 : i32
      %dma_start3A_194 = arith.constant 0 : i32
      %dma_start3A_195 = tpu.memref_slice %arg2[%dma_start3A_193, %dma_start3A_194] : memref<20480x128xf32, #tpu.memory_space<hbm>> -> memref<20480x128xf32, #tpu.memory_space<hbm>>
      tpu.enqueue_indirect_dma source(%dma_start3A_195 : memref<20480x128xf32, #tpu.memory_space<hbm>>) target(%dma_start3A_189 : memref<128x128xf32, #tpu.memory_space<vmem>>) offsets(%dma_start3A_192 : memref<128xi32, #tpu.memory_space<vmem>>) semaphore(%arg15 : memref<!tpu.dma_semaphore, #tpu.memory_space<semaphore_mem>>)
      %dma_wait3A = arith.constant 0 : i32
      %dma_wait3A_196 = arith.constant 0 : i32
      %dma_wait3A_197 = arith.constant 0 : i32
      %dma_wait3A_198 = tpu.memref_slice %arg10[%dma_wait3A, %dma_wait3A_196, %dma_wait3A_197] : memref<4x128x128xf32, #tpu.memory_space<vmem>> -> memref<1x128x128xf32, #tpu.memory_space<vmem>>
      %dma_wait3A_199 = tpu.memref_squeeze %dma_wait3A_198 : memref<1x128x128xf32, #tpu.memory_space<vmem>> -> memref<128x128xf32, #tpu.memory_space<vmem>>
      %dma_wait3A_200 = arith.constant 0 : i32
      %dma_wait3A_201 = tpu.memref_slice %arg7[%add3A_140, %dma_wait3A_200] : memref<80x128xi32, #tpu.memory_space<vmem>> -> memref<1x128xi32, #tpu.memory_space<vmem>>
      %dma_wait3A_202 = tpu.memref_squeeze %dma_wait3A_201 : memref<1x128xi32, #tpu.memory_space<vmem>> -> memref<128xi32, #tpu.memory_space<vmem>>
      %dma_wait3A_203 = arith.constant 0 : i32
      %dma_wait3A_204 = arith.constant 0 : i32
      %dma_wait3A_205 = tpu.memref_slice %arg2[%dma_wait3A_203, %dma_wait3A_204] : memref<20480x128xf32, #tpu.memory_space<hbm>> -> memref<20480x128xf32, #tpu.memory_space<hbm>>
      tpu.wait_indirect_dma semaphore(%arg12 : memref<!tpu.dma_semaphore, #tpu.memory_space<semaphore_mem>>) src(%dma_wait3A_205 : memref<20480x128xf32, #tpu.memory_space<hbm>>) dst(%dma_wait3A_199 : memref<128x128xf32, #tpu.memory_space<vmem>>)
      %dma_wait3A_206 = arith.constant 1 : i32
      %dma_wait3A_207 = arith.constant 0 : i32
      %dma_wait3A_208 = arith.constant 0 : i32
      %dma_wait3A_209 = tpu.memref_slice %arg10[%dma_wait3A_206, %dma_wait3A_207, %dma_wait3A_208] : memref<4x128x128xf32, #tpu.memory_space<vmem>> -> memref<1x128x128xf32, #tpu.memory_space<vmem>>
      %dma_wait3A_210 = tpu.memref_squeeze %dma_wait3A_209 : memref<1x128x128xf32, #tpu.memory_space<vmem>> -> memref<128x128xf32, #tpu.memory_space<vmem>>
      %dma_wait3A_211 = arith.constant 0 : i32
      %dma_wait3A_212 = tpu.memref_slice %arg7[%add3A_154, %dma_wait3A_211] : memref<80x128xi32, #tpu.memory_space<vmem>> -> memref<1x128xi32, #tpu.memory_space<vmem>>
      %dma_wait3A_213 = tpu.memref_squeeze %dma_wait3A_212 : memref<1x128xi32, #tpu.memory_space<vmem>> -> memref<128xi32, #tpu.memory_space<vmem>>
      %dma_wait3A_214 = arith.constant 0 : i32
      %dma_wait3A_215 = arith.constant 0 : i32
      %dma_wait3A_216 = tpu.memref_slice %arg2[%dma_wait3A_214, %dma_wait3A_215] : memref<20480x128xf32, #tpu.memory_space<hbm>> -> memref<20480x128xf32, #tpu.memory_space<hbm>>
      tpu.wait_indirect_dma semaphore(%arg13 : memref<!tpu.dma_semaphore, #tpu.memory_space<semaphore_mem>>) src(%dma_wait3A_216 : memref<20480x128xf32, #tpu.memory_space<hbm>>) dst(%dma_wait3A_210 : memref<128x128xf32, #tpu.memory_space<vmem>>)
      %dma_wait3A_217 = arith.constant 2 : i32
      %dma_wait3A_218 = arith.constant 0 : i32
      %dma_wait3A_219 = arith.constant 0 : i32
      %dma_wait3A_220 = tpu.memref_slice %arg10[%dma_wait3A_217, %dma_wait3A_218, %dma_wait3A_219] : memref<4x128x128xf32, #tpu.memory_space<vmem>> -> memref<1x128x128xf32, #tpu.memory_space<vmem>>
      %dma_wait3A_221 = tpu.memref_squeeze %dma_wait3A_220 : memref<1x128x128xf32, #tpu.memory_space<vmem>> -> memref<128x128xf32, #tpu.memory_space<vmem>>
      %dma_wait3A_222 = arith.constant 0 : i32
      %dma_wait3A_223 = tpu.memref_slice %arg7[%add3A_169, %dma_wait3A_222] : memref<80x128xi32, #tpu.memory_space<vmem>> -> memref<1x128xi32, #tpu.memory_space<vmem>>
      %dma_wait3A_224 = tpu.memref_squeeze %dma_wait3A_223 : memref<1x128xi32, #tpu.memory_space<vmem>> -> memref<128xi32, #tpu.memory_space<vmem>>
      %dma_wait3A_225 = arith.constant 0 : i32
      %dma_wait3A_226 = arith.constant 0 : i32
      %dma_wait3A_227 = tpu.memref_slice %arg2[%dma_wait3A_225, %dma_wait3A_226] : memref<20480x128xf32, #tpu.memory_space<hbm>> -> memref<20480x128xf32, #tpu.memory_space<hbm>>
      tpu.wait_indirect_dma semaphore(%arg14 : memref<!tpu.dma_semaphore, #tpu.memory_space<semaphore_mem>>) src(%dma_wait3A_227 : memref<20480x128xf32, #tpu.memory_space<hbm>>) dst(%dma_wait3A_221 : memref<128x128xf32, #tpu.memory_space<vmem>>)
      %dma_wait3A_228 = arith.constant 3 : i32
      %dma_wait3A_229 = arith.constant 0 : i32
      %dma_wait3A_230 = arith.constant 0 : i32
      %dma_wait3A_231 = tpu.memref_slice %arg10[%dma_wait3A_228, %dma_wait3A_229, %dma_wait3A_230] : memref<4x128x128xf32, #tpu.memory_space<vmem>> -> memref<1x128x128xf32, #tpu.memory_space<vmem>>
      %dma_wait3A_232 = tpu.memref_squeeze %dma_wait3A_231 : memref<1x128x128xf32, #tpu.memory_space<vmem>> -> memref<128x128xf32, #tpu.memory_space<vmem>>
      %dma_wait3A_233 = arith.constant 0 : i32
      %dma_wait3A_234 = tpu.memref_slice %arg7[%add3A_184, %dma_wait3A_233] : memref<80x128xi32, #tpu.memory_space<vmem>> -> memref<1x128xi32, #tpu.memory_space<vmem>>
      %dma_wait3A_235 = tpu.memref_squeeze %dma_wait3A_234 : memref<1x128xi32, #tpu.memory_space<vmem>> -> memref<128xi32, #tpu.memory_space<vmem>>
      %dma_wait3A_236 = arith.constant 0 : i32
      %dma_wait3A_237 = arith.constant 0 : i32
      %dma_wait3A_238 = tpu.memref_slice %arg2[%dma_wait3A_236, %dma_wait3A_237] : memref<20480x128xf32, #tpu.memory_space<hbm>> -> memref<20480x128xf32, #tpu.memory_space<hbm>>
      tpu.wait_indirect_dma semaphore(%arg15 : memref<!tpu.dma_semaphore, #tpu.memory_space<semaphore_mem>>) src(%dma_wait3A_238 : memref<20480x128xf32, #tpu.memory_space<hbm>>) dst(%dma_wait3A_232 : memref<128x128xf32, #tpu.memory_space<vmem>>)
      %mul3A_239 = arith.constant 4 : i32
      %mul3A_240 = arith.muli %mul3A_239, %scan3A_136 : i32
      %add3A_241 = arith.constant 0 : i32
      %add3A_242 = arith.addi %mul3A_240, %add3A_241 : i32
      %run_scoped3A = arith.constant 0 : i32
      "tpu.region"() ({
        %run_scoped3A_258 = tpu.sem_alloc : memref<!tpu.dma_semaphore, #tpu.memory_space<semaphore_mem>>
        %dma_start3A_259 = arith.constant 0 : i32
        %dma_start3A_260 = arith.constant 0 : i32
        %dma_start3A_261 = tpu.memref_slice %arg10[%run_scoped3A, %dma_start3A_259, %dma_start3A_260] : memref<4x128x128xf32, #tpu.memory_space<vmem>> -> memref<1x128x128xf32, #tpu.memory_space<vmem>>
        %dma_start3A_262 = tpu.memref_squeeze %dma_start3A_261 : memref<1x128x128xf32, #tpu.memory_space<vmem>> -> memref<128x128xf32, #tpu.memory_space<vmem>>
        %dma_start3A_263 = arith.constant 0 : i32
        %dma_start3A_264 = tpu.memref_slice %arg9[%add3A_242, %dma_start3A_263] : memref<80x128xi32, #tpu.memory_space<vmem>> -> memref<1x128xi32, #tpu.memory_space<vmem>>
        %dma_start3A_265 = tpu.memref_squeeze %dma_start3A_264 : memref<1x128xi32, #tpu.memory_space<vmem>> -> memref<128xi32, #tpu.memory_space<vmem>>
        %dma_start3A_266 = arith.constant 0 : i32
        %dma_start3A_267 = arith.constant 0 : i32
        %dma_start3A_268 = tpu.memref_slice %arg11[%dma_start3A_266, %dma_start3A_267] : memref<2576x128xf32, #tpu.memory_space<vmem_shared>> -> memref<2576x128xf32, #tpu.memory_space<vmem_shared>>
        tpu.enqueue_indirect_dma source(%dma_start3A_262 : memref<128x128xf32, #tpu.memory_space<vmem>>) target(%dma_start3A_268 : memref<2576x128xf32, #tpu.memory_space<vmem_shared>>) offsets(%dma_start3A_265 : memref<128xi32, #tpu.memory_space<vmem>>) semaphore(%run_scoped3A_258 : memref<!tpu.dma_semaphore, #tpu.memory_space<semaphore_mem>>) {add = true}
        %dma_wait3A_269 = arith.constant 0 : i32
        %dma_wait3A_270 = arith.constant 0 : i32
        %dma_wait3A_271 = tpu.memref_slice %arg10[%run_scoped3A, %dma_wait3A_269, %dma_wait3A_270] : memref<4x128x128xf32, #tpu.memory_space<vmem>> -> memref<1x128x128xf32, #tpu.memory_space<vmem>>
        %dma_wait3A_272 = tpu.memref_squeeze %dma_wait3A_271 : memref<1x128x128xf32, #tpu.memory_space<vmem>> -> memref<128x128xf32, #tpu.memory_space<vmem>>
        %dma_wait3A_273 = arith.constant 0 : i32
        %dma_wait3A_274 = tpu.memref_slice %arg9[%add3A_242, %dma_wait3A_273] : memref<80x128xi32, #tpu.memory_space<vmem>> -> memref<1x128xi32, #tpu.memory_space<vmem>>
        %dma_wait3A_275 = tpu.memref_squeeze %dma_wait3A_274 : memref<1x128xi32, #tpu.memory_space<vmem>> -> memref<128xi32, #tpu.memory_space<vmem>>
        %dma_wait3A_276 = arith.constant 0 : i32
        %dma_wait3A_277 = arith.constant 0 : i32
        %dma_wait3A_278 = tpu.memref_slice %arg11[%dma_wait3A_276, %dma_wait3A_277] : memref<2576x128xf32, #tpu.memory_space<vmem_shared>> -> memref<2576x128xf32, #tpu.memory_space<vmem_shared>>
        tpu.wait_indirect_dma semaphore(%run_scoped3A_258 : memref<!tpu.dma_semaphore, #tpu.memory_space<semaphore_mem>>) src(%dma_wait3A_272 : memref<128x128xf32, #tpu.memory_space<vmem>>) dst(%dma_wait3A_278 : memref<2576x128xf32, #tpu.memory_space<vmem_shared>>)
        tpu.yield
      }) : () -> ()
      %mul3A_243 = arith.constant 4 : i32
      %mul3A_244 = arith.muli %mul3A_243, %scan3A_136 : i32
      %add3A_245 = arith.constant 1 : i32
      %add3A_246 = arith.addi %mul3A_244, %add3A_245 : i32
      %run_scoped3A_247 = arith.constant 1 : i32
      "tpu.region"() ({
        %run_scoped3A_258 = tpu.sem_alloc : memref<!tpu.dma_semaphore, #tpu.memory_space<semaphore_mem>>
        %dma_start3A_259 = arith.constant 0 : i32
        %dma_start3A_260 = arith.constant 0 : i32
        %dma_start3A_261 = tpu.memref_slice %arg10[%run_scoped3A_247, %dma_start3A_259, %dma_start3A_260] : memref<4x128x128xf32, #tpu.memory_space<vmem>> -> memref<1x128x128xf32, #tpu.memory_space<vmem>>
        %dma_start3A_262 = tpu.memref_squeeze %dma_start3A_261 : memref<1x128x128xf32, #tpu.memory_space<vmem>> -> memref<128x128xf32, #tpu.memory_space<vmem>>
        %dma_start3A_263 = arith.constant 0 : i32
        %dma_start3A_264 = tpu.memref_slice %arg9[%add3A_246, %dma_start3A_263] : memref<80x128xi32, #tpu.memory_space<vmem>> -> memref<1x128xi32, #tpu.memory_space<vmem>>
        %dma_start3A_265 = tpu.memref_squeeze %dma_start3A_264 : memref<1x128xi32, #tpu.memory_space<vmem>> -> memref<128xi32, #tpu.memory_space<vmem>>
        %dma_start3A_266 = arith.constant 0 : i32
        %dma_start3A_267 = arith.constant 0 : i32
        %dma_start3A_268 = tpu.memref_slice %arg11[%dma_start3A_266, %dma_start3A_267] : memref<2576x128xf32, #tpu.memory_space<vmem_shared>> -> memref<2576x128xf32, #tpu.memory_space<vmem_shared>>
        tpu.enqueue_indirect_dma source(%dma_start3A_262 : memref<128x128xf32, #tpu.memory_space<vmem>>) target(%dma_start3A_268 : memref<2576x128xf32, #tpu.memory_space<vmem_shared>>) offsets(%dma_start3A_265 : memref<128xi32, #tpu.memory_space<vmem>>) semaphore(%run_scoped3A_258 : memref<!tpu.dma_semaphore, #tpu.memory_space<semaphore_mem>>) {add = true}
        %dma_wait3A_269 = arith.constant 0 : i32
        %dma_wait3A_270 = arith.constant 0 : i32
        %dma_wait3A_271 = tpu.memref_slice %arg10[%run_scoped3A_247, %dma_wait3A_269, %dma_wait3A_270] : memref<4x128x128xf32, #tpu.memory_space<vmem>> -> memref<1x128x128xf32, #tpu.memory_space<vmem>>
        %dma_wait3A_272 = tpu.memref_squeeze %dma_wait3A_271 : memref<1x128x128xf32, #tpu.memory_space<vmem>> -> memref<128x128xf32, #tpu.memory_space<vmem>>
        %dma_wait3A_273 = arith.constant 0 : i32
        %dma_wait3A_274 = tpu.memref_slice %arg9[%add3A_246, %dma_wait3A_273] : memref<80x128xi32, #tpu.memory_space<vmem>> -> memref<1x128xi32, #tpu.memory_space<vmem>>
        %dma_wait3A_275 = tpu.memref_squeeze %dma_wait3A_274 : memref<1x128xi32, #tpu.memory_space<vmem>> -> memref<128xi32, #tpu.memory_space<vmem>>
        %dma_wait3A_276 = arith.constant 0 : i32
        %dma_wait3A_277 = arith.constant 0 : i32
        %dma_wait3A_278 = tpu.memref_slice %arg11[%dma_wait3A_276, %dma_wait3A_277] : memref<2576x128xf32, #tpu.memory_space<vmem_shared>> -> memref<2576x128xf32, #tpu.memory_space<vmem_shared>>
        tpu.wait_indirect_dma semaphore(%run_scoped3A_258 : memref<!tpu.dma_semaphore, #tpu.memory_space<semaphore_mem>>) src(%dma_wait3A_272 : memref<128x128xf32, #tpu.memory_space<vmem>>) dst(%dma_wait3A_278 : memref<2576x128xf32, #tpu.memory_space<vmem_shared>>)
        tpu.yield
      }) : () -> ()
      %mul3A_248 = arith.constant 4 : i32
      %mul3A_249 = arith.muli %mul3A_248, %scan3A_136 : i32
      %add3A_250 = arith.constant 2 : i32
      %add3A_251 = arith.addi %mul3A_249, %add3A_250 : i32
      %run_scoped3A_252 = arith.constant 2 : i32
      "tpu.region"() ({
        %run_scoped3A_258 = tpu.sem_alloc : memref<!tpu.dma_semaphore, #tpu.memory_space<semaphore_mem>>
        %dma_start3A_259 = arith.constant 0 : i32
        %dma_start3A_260 = arith.constant 0 : i32
        %dma_start3A_261 = tpu.memref_slice %arg10[%run_scoped3A_252, %dma_start3A_259, %dma_start3A_260] : memref<4x128x128xf32, #tpu.memory_space<vmem>> -> memref<1x128x128xf32, #tpu.memory_space<vmem>>
        %dma_start3A_262 = tpu.memref_squeeze %dma_start3A_261 : memref<1x128x128xf32, #tpu.memory_space<vmem>> -> memref<128x128xf32, #tpu.memory_space<vmem>>
        %dma_start3A_263 = arith.constant 0 : i32
        %dma_start3A_264 = tpu.memref_slice %arg9[%add3A_251, %dma_start3A_263] : memref<80x128xi32, #tpu.memory_space<vmem>> -> memref<1x128xi32, #tpu.memory_space<vmem>>
        %dma_start3A_265 = tpu.memref_squeeze %dma_start3A_264 : memref<1x128xi32, #tpu.memory_space<vmem>> -> memref<128xi32, #tpu.memory_space<vmem>>
        %dma_start3A_266 = arith.constant 0 : i32
        %dma_start3A_267 = arith.constant 0 : i32
        %dma_start3A_268 = tpu.memref_slice %arg11[%dma_start3A_266, %dma_start3A_267] : memref<2576x128xf32, #tpu.memory_space<vmem_shared>> -> memref<2576x128xf32, #tpu.memory_space<vmem_shared>>
        tpu.enqueue_indirect_dma source(%dma_start3A_262 : memref<128x128xf32, #tpu.memory_space<vmem>>) target(%dma_start3A_268 : memref<2576x128xf32, #tpu.memory_space<vmem_shared>>) offsets(%dma_start3A_265 : memref<128xi32, #tpu.memory_space<vmem>>) semaphore(%run_scoped3A_258 : memref<!tpu.dma_semaphore, #tpu.memory_space<semaphore_mem>>) {add = true}
        %dma_wait3A_269 = arith.constant 0 : i32
        %dma_wait3A_270 = arith.constant 0 : i32
        %dma_wait3A_271 = tpu.memref_slice %arg10[%run_scoped3A_252, %dma_wait3A_269, %dma_wait3A_270] : memref<4x128x128xf32, #tpu.memory_space<vmem>> -> memref<1x128x128xf32, #tpu.memory_space<vmem>>
        %dma_wait3A_272 = tpu.memref_squeeze %dma_wait3A_271 : memref<1x128x128xf32, #tpu.memory_space<vmem>> -> memref<128x128xf32, #tpu.memory_space<vmem>>
        %dma_wait3A_273 = arith.constant 0 : i32
        %dma_wait3A_274 = tpu.memref_slice %arg9[%add3A_251, %dma_wait3A_273] : memref<80x128xi32, #tpu.memory_space<vmem>> -> memref<1x128xi32, #tpu.memory_space<vmem>>
        %dma_wait3A_275 = tpu.memref_squeeze %dma_wait3A_274 : memref<1x128xi32, #tpu.memory_space<vmem>> -> memref<128xi32, #tpu.memory_space<vmem>>
        %dma_wait3A_276 = arith.constant 0 : i32
        %dma_wait3A_277 = arith.constant 0 : i32
        %dma_wait3A_278 = tpu.memref_slice %arg11[%dma_wait3A_276, %dma_wait3A_277] : memref<2576x128xf32, #tpu.memory_space<vmem_shared>> -> memref<2576x128xf32, #tpu.memory_space<vmem_shared>>
        tpu.wait_indirect_dma semaphore(%run_scoped3A_258 : memref<!tpu.dma_semaphore, #tpu.memory_space<semaphore_mem>>) src(%dma_wait3A_272 : memref<128x128xf32, #tpu.memory_space<vmem>>) dst(%dma_wait3A_278 : memref<2576x128xf32, #tpu.memory_space<vmem_shared>>)
        tpu.yield
      }) : () -> ()
      %mul3A_253 = arith.constant 4 : i32
      %mul3A_254 = arith.muli %mul3A_253, %scan3A_136 : i32
      %add3A_255 = arith.constant 3 : i32
      %add3A_256 = arith.addi %mul3A_254, %add3A_255 : i32
      %run_scoped3A_257 = arith.constant 3 : i32
      "tpu.region"() ({
        %run_scoped3A_258 = tpu.sem_alloc : memref<!tpu.dma_semaphore, #tpu.memory_space<semaphore_mem>>
        %dma_start3A_259 = arith.constant 0 : i32
        %dma_start3A_260 = arith.constant 0 : i32
        %dma_start3A_261 = tpu.memref_slice %arg10[%run_scoped3A_257, %dma_start3A_259, %dma_start3A_260] : memref<4x128x128xf32, #tpu.memory_space<vmem>> -> memref<1x128x128xf32, #tpu.memory_space<vmem>>
        %dma_start3A_262 = tpu.memref_squeeze %dma_start3A_261 : memref<1x128x128xf32, #tpu.memory_space<vmem>> -> memref<128x128xf32, #tpu.memory_space<vmem>>
        %dma_start3A_263 = arith.constant 0 : i32
        %dma_start3A_264 = tpu.memref_slice %arg9[%add3A_256, %dma_start3A_263] : memref<80x128xi32, #tpu.memory_space<vmem>> -> memref<1x128xi32, #tpu.memory_space<vmem>>
        %dma_start3A_265 = tpu.memref_squeeze %dma_start3A_264 : memref<1x128xi32, #tpu.memory_space<vmem>> -> memref<128xi32, #tpu.memory_space<vmem>>
        %dma_start3A_266 = arith.constant 0 : i32
        %dma_start3A_267 = arith.constant 0 : i32
        %dma_start3A_268 = tpu.memref_slice %arg11[%dma_start3A_266, %dma_start3A_267] : memref<2576x128xf32, #tpu.memory_space<vmem_shared>> -> memref<2576x128xf32, #tpu.memory_space<vmem_shared>>
        tpu.enqueue_indirect_dma source(%dma_start3A_262 : memref<128x128xf32, #tpu.memory_space<vmem>>) target(%dma_start3A_268 : memref<2576x128xf32, #tpu.memory_space<vmem_shared>>) offsets(%dma_start3A_265 : memref<128xi32, #tpu.memory_space<vmem>>) semaphore(%run_scoped3A_258 : memref<!tpu.dma_semaphore, #tpu.memory_space<semaphore_mem>>) {add = true}
        %dma_wait3A_269 = arith.constant 0 : i32
        %dma_wait3A_270 = arith.constant 0 : i32
        %dma_wait3A_271 = tpu.memref_slice %arg10[%run_scoped3A_257, %dma_wait3A_269, %dma_wait3A_270] : memref<4x128x128xf32, #tpu.memory_space<vmem>> -> memref<1x128x128xf32, #tpu.memory_space<vmem>>
        %dma_wait3A_272 = tpu.memref_squeeze %dma_wait3A_271 : memref<1x128x128xf32, #tpu.memory_space<vmem>> -> memref<128x128xf32, #tpu.memory_space<vmem>>
        %dma_wait3A_273 = arith.constant 0 : i32
        %dma_wait3A_274 = tpu.memref_slice %arg9[%add3A_256, %dma_wait3A_273] : memref<80x128xi32, #tpu.memory_space<vmem>> -> memref<1x128xi32, #tpu.memory_space<vmem>>
        %dma_wait3A_275 = tpu.memref_squeeze %dma_wait3A_274 : memref<1x128xi32, #tpu.memory_space<vmem>> -> memref<128xi32, #tpu.memory_space<vmem>>
        %dma_wait3A_276 = arith.constant 0 : i32
        %dma_wait3A_277 = arith.constant 0 : i32
        %dma_wait3A_278 = tpu.memref_slice %arg11[%dma_wait3A_276, %dma_wait3A_277] : memref<2576x128xf32, #tpu.memory_space<vmem_shared>> -> memref<2576x128xf32, #tpu.memory_space<vmem_shared>>
        tpu.wait_indirect_dma semaphore(%run_scoped3A_258 : memref<!tpu.dma_semaphore, #tpu.memory_space<semaphore_mem>>) src(%dma_wait3A_272 : memref<128x128xf32, #tpu.memory_space<vmem>>) dst(%dma_wait3A_278 : memref<2576x128xf32, #tpu.memory_space<vmem_shared>>)
        tpu.yield
      }) : () -> ()
    }
    %scan3A_20 = arith.constant 20 : i32
    %barrier3A_21 = arith.constant 0 : index
    tpu.barrier barrier_id(%barrier3A_21)
    %mul3A_22 = arith.constant 160 : i32
    %mul3A_23 = arith.muli %arg1, %mul3A_22 : i32
    %mul3A_24 = arith.constant 10240 : i32
    %mul3A_25 = arith.muli %arg0, %mul3A_24 : i32
    %add3A_26 = arith.constant 0 : i32
    %add3A_27 = arith.addi %mul3A_25, %add3A_26 : i32
    %mul3A_28 = arith.constant 160 : i32
    %mul3A_29 = arith.muli %arg1, %mul3A_28 : i32
    %add3A_30 = arith.addi %add3A_27, %mul3A_29 : i32
    "tpu.region"() ({
      %run_scoped3A = tpu.sem_alloc : memref<!tpu.dma_semaphore, #tpu.memory_space<semaphore_mem>>
      %dma_start3A = arith.constant 0 : i32
      %dma_start3A_136 = tpu.memref_slice %arg6[%add3A_30, %dma_start3A] : memref<20480x128xf32, #tpu.memory_space<hbm>> -> memref<160x128xf32, #tpu.memory_space<hbm>>
      %dma_start3A_137 = arith.constant 0 : i32
      %dma_start3A_138 = tpu.memref_slice %arg11[%mul3A_23, %dma_start3A_137] : memref<2576x128xf32, #tpu.memory_space<vmem_shared>> -> memref<160x128xf32, #tpu.memory_space<vmem_shared>>
      tpu.enqueue_dma source(%dma_start3A_138 : memref<160x128xf32, #tpu.memory_space<vmem_shared>>) target(%dma_start3A_136 : memref<160x128xf32, #tpu.memory_space<hbm>>) target_semaphore(%run_scoped3A : memref<!tpu.dma_semaphore, #tpu.memory_space<semaphore_mem>>)
      %dma_wait3A = arith.constant 0 : i32
      %dma_wait3A_139 = tpu.memref_slice %arg6[%add3A_30, %dma_wait3A] : memref<20480x128xf32, #tpu.memory_space<hbm>> -> memref<160x128xf32, #tpu.memory_space<hbm>>
      %dma_wait3A_140 = arith.constant 0 : i32
      %dma_wait3A_141 = tpu.memref_slice %arg11[%mul3A_23, %dma_wait3A_140] : memref<2576x128xf32, #tpu.memory_space<vmem_shared>> -> memref<160x128xf32, #tpu.memory_space<vmem_shared>>
      tpu.wait_dma2 semaphore(%run_scoped3A : memref<!tpu.dma_semaphore, #tpu.memory_space<semaphore_mem>>) src(%dma_wait3A_141 : memref<160x128xf32, #tpu.memory_space<vmem_shared>>) dst(%dma_wait3A_139 : memref<160x128xf32, #tpu.memory_space<hbm>>)
      tpu.yield
    }) : () -> ()
    %barrier3A_31 = arith.constant 0 : index
    tpu.barrier barrier_id(%barrier3A_31)
    %iota3A_32 = tpu.iota {dimensions = array<i32: 0>} : vector<16xi32>
    %add3A_33 = arith.constant 2560 : i32
    %add3A_34 = vector.broadcast %add3A_33 : i32 to vector<16xi32>
    %add3A_35 = arith.addi %add3A_34, %iota3A_32 : vector<16xi32>
    %scan3A_36 = arith.constant 0 : i32
    %scan3A_37 = arith.constant 640 : i32
    %scan3A_38 = arith.addi %scan3A_36, %scan3A_37 : i32
    %scan3A_39 = arith.constant 1 : i32
    scf.for %scan3A_136 = %scan3A_36 to %scan3A_38 step %scan3A_39  : i32 {
      %jit3A = arith.constant 8 : i32
      %div3A = arith.divsi %scan3A_136, %jit3A : i32
      %sign3A = arith.constant 0 : i32
      %sign3A_137 = arith.cmpi sgt, %scan3A_136, %sign3A : i32
      %sign3A_138 = arith.extui %sign3A_137 : i1 to i32
      %sign3A_139 = arith.constant 0 : i32
      %sign3A_140 = arith.cmpi slt, %scan3A_136, %sign3A_139 : i32
      %sign3A_141 = arith.extui %sign3A_140 : i1 to i32
      %sign3A_142 = arith.subi %sign3A_138, %sign3A_141 : i32
      %sign3A_143 = arith.constant 0 : i32
      %sign3A_144 = arith.cmpi sgt, %jit3A, %sign3A_143 : i32
      %sign3A_145 = arith.extui %sign3A_144 : i1 to i32
      %sign3A_146 = arith.constant 0 : i32
      %sign3A_147 = arith.cmpi slt, %jit3A, %sign3A_146 : i32
      %sign3A_148 = arith.extui %sign3A_147 : i1 to i32
      %sign3A_149 = arith.subi %sign3A_145, %sign3A_148 : i32
      %ne3A = arith.cmpi ne, %sign3A_142, %sign3A_149 : i32
      %rem3A = arith.remsi %scan3A_136, %jit3A : i32
      %ne3A_150 = arith.constant 0 : i32
      %ne3A_151 = arith.cmpi ne, %rem3A, %ne3A_150 : i32
      %and3A = arith.andi %ne3A, %ne3A_151 : i1
      %sub3A = arith.constant 1 : i32
      %sub3A_152 = arith.subi %div3A, %sub3A : i32
      %select_n3A = arith.select %and3A, %sub3A_152, %div3A : i32
      %jit3A_153 = arith.constant 8 : i32
      %eq3A_154 = arith.constant 0 : i32
      %eq3A_155 = arith.cmpi eq, %jit3A_153, %eq3A_154 : i32
      %jit3A_156 = arith.constant 1 : i32
      %select_n3A_157 = arith.select %eq3A_155, %jit3A_156, %jit3A_153 : i32
      %rem3A_158 = arith.remsi %scan3A_136, %select_n3A_157 : i32
      %ne3A_159 = arith.constant 0 : i32
      %ne3A_160 = arith.cmpi ne, %rem3A_158, %ne3A_159 : i32
      %lt3A = arith.constant 0 : i32
      %lt3A_161 = arith.cmpi slt, %rem3A_158, %lt3A : i32
      %lt3A_162 = arith.constant 0 : i32
      %lt3A_163 = arith.cmpi slt, %select_n3A_157, %lt3A_162 : i32
      %ne3A_164 = arith.xori %lt3A_161, %lt3A_163 : i1
      %and3A_165 = arith.andi %ne3A_164, %ne3A_160 : i1
      %add3A_166 = arith.addi %rem3A_158, %select_n3A_157 : i32
      %select_n3A_167 = arith.select %and3A_165, %add3A_166, %rem3A_158 : i32
      %mul3A_168 = arith.constant 16 : i32
      %mul3A_169 = arith.muli %select_n3A_167, %mul3A_168 : i32
      %get3A = arith.index_cast %select_n3A : i32 to index
      %get3A_170 = arith.index_cast %mul3A_169 : i32 to index
      %get3A_171 = tpu.vector_load %arg8[%get3A, %get3A_170] {strides = array<i32>} : memref<80x128xi32, #tpu.memory_space<vmem>>, vector<1x16xi32>,
      %get3A_172 = vector.shape_cast %get3A_171 : vector<1x16xi32> to vector<16xi32>
      %sub3A_173 = arith.constant 2560 : i32
      %sub3A_174 = vector.broadcast %sub3A_173 : i32 to vector<16xi32>
      %sub3A_175 = arith.subi %get3A_172, %sub3A_174 : vector<16xi32>
      %ge3A = arith.constant 0 : i32
      %ge3A_176 = vector.broadcast %ge3A : i32 to vector<16xi32>
      %ge3A_177 = arith.cmpi sge, %sub3A_175, %ge3A_176 : vector<16xi32>
      %lt3A_178 = arith.constant 2560 : i32
      %lt3A_179 = vector.broadcast %lt3A_178 : i32 to vector<16xi32>
      %lt3A_180 = arith.cmpi slt, %sub3A_175, %lt3A_179 : vector<16xi32>
      %and3A_181 = arith.andi %ge3A_177, %lt3A_180 : vector<16xi1>
      %select_n3A_182 = arith.select %and3A_181, %sub3A_175, %add3A_35 : vector<16xi1>, vector<16xi32>
      %swap3A = arith.index_cast %select_n3A : i32 to index
      %swap3A_183 = arith.index_cast %mul3A_169 : i32 to index
      %swap3A_184 = tpu.vector_load %arg9[%swap3A, %swap3A_183] {strides = array<i32>} : memref<80x128xi32, #tpu.memory_space<vmem>>, vector<1x16xi32>,
      %swap3A_185 = vector.shape_cast %swap3A_184 : vector<1x16xi32> to vector<16xi32>
      %swap3A_186 = vector.shape_cast %select_n3A_182 : vector<16xi32> to vector<1x16xi32>
      tpu.vector_store %arg9[%swap3A, %swap3A_183], %swap3A_186 {strides = array<i32>} : memref<80x128xi32, #tpu.memory_space<vmem>>, vector<1x16xi32>,
    }
    %scan3A_40 = arith.constant 640 : i32
    %mul3A_41 = arith.constant 160 : i32
    %mul3A_42 = arith.muli %arg1, %mul3A_41 : i32
    %mul3A_43 = arith.constant 160 : i32
    %mul3A_44 = arith.muli %arg1, %mul3A_43 : i32
    "tpu.region"() ({
      %run_scoped3A = tpu.sem_alloc : memref<!tpu.dma_semaphore, #tpu.memory_space<semaphore_mem>>
      %dma_start3A = arith.constant 0 : i32
      %dma_start3A_136 = tpu.memref_slice %arg11[%mul3A_44, %dma_start3A] : memref<2576x128xf32, #tpu.memory_space<vmem_shared>> -> memref<160x128xf32, #tpu.memory_space<vmem_shared>>
      %dma_start3A_137 = arith.constant 0 : i32
      %dma_start3A_138 = tpu.memref_slice %arg5[%mul3A_42, %dma_start3A_137] : memref<2560x128xf32, #tpu.memory_space<hbm>> -> memref<160x128xf32, #tpu.memory_space<hbm>>
      tpu.enqueue_dma source(%dma_start3A_138 : memref<160x128xf32, #tpu.memory_space<hbm>>) target(%dma_start3A_136 : memref<160x128xf32, #tpu.memory_space<vmem_shared>>) target_semaphore(%run_scoped3A : memref<!tpu.dma_semaphore, #tpu.memory_space<semaphore_mem>>)
      %dma_wait3A = arith.constant 0 : i32
      %dma_wait3A_139 = tpu.memref_slice %arg11[%mul3A_44, %dma_wait3A] : memref<2576x128xf32, #tpu.memory_space<vmem_shared>> -> memref<160x128xf32, #tpu.memory_space<vmem_shared>>
      %dma_wait3A_140 = arith.constant 0 : i32
      %dma_wait3A_141 = tpu.memref_slice %arg5[%mul3A_42, %dma_wait3A_140] : memref<2560x128xf32, #tpu.memory_space<hbm>> -> memref<160x128xf32, #tpu.memory_space<hbm>>
      tpu.wait_dma2 semaphore(%run_scoped3A : memref<!tpu.dma_semaphore, #tpu.memory_space<semaphore_mem>>) src(%dma_wait3A_141 : memref<160x128xf32, #tpu.memory_space<hbm>>) dst(%dma_wait3A_139 : memref<160x128xf32, #tpu.memory_space<vmem_shared>>)
      tpu.yield
    }) : () -> ()
    %eq3A_45 = arith.constant 0 : i32
    %eq3A_46 = arith.cmpi eq, %arg1, %eq3A_45 : i32
    %convert_element_type3A_47 = arith.extui %eq3A_46 : i1 to i32
    %cond3A_48 = arith.constant 0 : i32
    %cond3A_49 = arith.cmpi ne, %convert_element_type3A_47, %cond3A_48 : i32
    scf.if %cond3A_49 {
      "tpu.region"() ({
        %run_scoped3A = tpu.sem_alloc : memref<!tpu.dma_semaphore, #tpu.memory_space<semaphore_mem>>
        %dma_start3A = arith.constant 2560 : i32
        %dma_start3A_136 = arith.constant 0 : i32
        %dma_start3A_137 = tpu.memref_slice %arg11[%dma_start3A, %dma_start3A_136] : memref<2576x128xf32, #tpu.memory_space<vmem_shared>> -> memref<16x128xf32, #tpu.memory_space<vmem_shared>>
        %dma_start3A_138 = arith.constant 0 : i32
        %dma_start3A_139 = arith.constant 0 : i32
        %dma_start3A_140 = tpu.memref_slice %arg5[%dma_start3A_138, %dma_start3A_139] : memref<2560x128xf32, #tpu.memory_space<hbm>> -> memref<16x128xf32, #tpu.memory_space<hbm>>
        tpu.enqueue_dma source(%dma_start3A_140 : memref<16x128xf32, #tpu.memory_space<hbm>>) target(%dma_start3A_137 : memref<16x128xf32, #tpu.memory_space<vmem_shared>>) target_semaphore(%run_scoped3A : memref<!tpu.dma_semaphore, #tpu.memory_space<semaphore_mem>>)
        %dma_wait3A = arith.constant 2560 : i32
        %dma_wait3A_141 = arith.constant 0 : i32
        %dma_wait3A_142 = tpu.memref_slice %arg11[%dma_wait3A, %dma_wait3A_141] : memref<2576x128xf32, #tpu.memory_space<vmem_shared>> -> memref<16x128xf32, #tpu.memory_space<vmem_shared>>
        %dma_wait3A_143 = arith.constant 0 : i32
        %dma_wait3A_144 = arith.constant 0 : i32
        %dma_wait3A_145 = tpu.memref_slice %arg5[%dma_wait3A_143, %dma_wait3A_144] : memref<2560x128xf32, #tpu.memory_space<hbm>> -> memref<16x128xf32, #tpu.memory_space<hbm>>
        tpu.wait_dma2 semaphore(%run_scoped3A : memref<!tpu.dma_semaphore, #tpu.memory_space<semaphore_mem>>) src(%dma_wait3A_145 : memref<16x128xf32, #tpu.memory_space<hbm>>) dst(%dma_wait3A_142 : memref<16x128xf32, #tpu.memory_space<vmem_shared>>)
        tpu.yield
      }) : () -> ()
    } else {
    }
    %barrier3A_50 = arith.constant 0 : index
    tpu.barrier barrier_id(%barrier3A_50)
    %scan3A_51 = arith.constant 0 : i32
    %scan3A_52 = arith.constant 20 : i32
    %scan3A_53 = arith.addi %scan3A_51, %scan3A_52 : i32
    %scan3A_54 = arith.constant 1 : i32
    scf.for %scan3A_136 = %scan3A_51 to %scan3A_53 step %scan3A_54  : i32 {
      %mul3A_137 = arith.constant 4 : i32
      %mul3A_138 = arith.muli %mul3A_137, %scan3A_136 : i32
      %add3A_139 = arith.constant 0 : i32
      %add3A_140 = arith.addi %mul3A_138, %add3A_139 : i32
      %dma_start3A = arith.constant 0 : i32
      %dma_start3A_141 = arith.constant 0 : i32
      %dma_start3A_142 = arith.constant 0 : i32
      %dma_start3A_143 = tpu.memref_slice %arg10[%dma_start3A, %dma_start3A_141, %dma_start3A_142] : memref<4x128x128xf32, #tpu.memory_space<vmem>> -> memref<1x128x128xf32, #tpu.memory_space<vmem>>
      %dma_start3A_144 = tpu.memref_squeeze %dma_start3A_143 : memref<1x128x128xf32, #tpu.memory_space<vmem>> -> memref<128x128xf32, #tpu.memory_space<vmem>>
      %dma_start3A_145 = arith.constant 0 : i32
      %dma_start3A_146 = tpu.memref_slice %arg7[%add3A_140, %dma_start3A_145] : memref<80x128xi32, #tpu.memory_space<vmem>> -> memref<1x128xi32, #tpu.memory_space<vmem>>
      %dma_start3A_147 = tpu.memref_squeeze %dma_start3A_146 : memref<1x128xi32, #tpu.memory_space<vmem>> -> memref<128xi32, #tpu.memory_space<vmem>>
      %dma_start3A_148 = arith.constant 0 : i32
      %dma_start3A_149 = arith.constant 0 : i32
      %dma_start3A_150 = tpu.memref_slice %arg2[%dma_start3A_148, %dma_start3A_149] : memref<20480x128xf32, #tpu.memory_space<hbm>> -> memref<20480x128xf32, #tpu.memory_space<hbm>>
      tpu.enqueue_indirect_dma source(%dma_start3A_150 : memref<20480x128xf32, #tpu.memory_space<hbm>>) target(%dma_start3A_144 : memref<128x128xf32, #tpu.memory_space<vmem>>) offsets(%dma_start3A_147 : memref<128xi32, #tpu.memory_space<vmem>>) semaphore(%arg12 : memref<!tpu.dma_semaphore, #tpu.memory_space<semaphore_mem>>)
      %mul3A_151 = arith.constant 4 : i32
      %mul3A_152 = arith.muli %mul3A_151, %scan3A_136 : i32
      %add3A_153 = arith.constant 1 : i32
      %add3A_154 = arith.addi %mul3A_152, %add3A_153 : i32
      %dma_start3A_155 = arith.constant 1 : i32
      %dma_start3A_156 = arith.constant 0 : i32
      %dma_start3A_157 = arith.constant 0 : i32
      %dma_start3A_158 = tpu.memref_slice %arg10[%dma_start3A_155, %dma_start3A_156, %dma_start3A_157] : memref<4x128x128xf32, #tpu.memory_space<vmem>> -> memref<1x128x128xf32, #tpu.memory_space<vmem>>
      %dma_start3A_159 = tpu.memref_squeeze %dma_start3A_158 : memref<1x128x128xf32, #tpu.memory_space<vmem>> -> memref<128x128xf32, #tpu.memory_space<vmem>>
      %dma_start3A_160 = arith.constant 0 : i32
      %dma_start3A_161 = tpu.memref_slice %arg7[%add3A_154, %dma_start3A_160] : memref<80x128xi32, #tpu.memory_space<vmem>> -> memref<1x128xi32, #tpu.memory_space<vmem>>
      %dma_start3A_162 = tpu.memref_squeeze %dma_start3A_161 : memref<1x128xi32, #tpu.memory_space<vmem>> -> memref<128xi32, #tpu.memory_space<vmem>>
      %dma_start3A_163 = arith.constant 0 : i32
      %dma_start3A_164 = arith.constant 0 : i32
      %dma_start3A_165 = tpu.memref_slice %arg2[%dma_start3A_163, %dma_start3A_164] : memref<20480x128xf32, #tpu.memory_space<hbm>> -> memref<20480x128xf32, #tpu.memory_space<hbm>>
      tpu.enqueue_indirect_dma source(%dma_start3A_165 : memref<20480x128xf32, #tpu.memory_space<hbm>>) target(%dma_start3A_159 : memref<128x128xf32, #tpu.memory_space<vmem>>) offsets(%dma_start3A_162 : memref<128xi32, #tpu.memory_space<vmem>>) semaphore(%arg13 : memref<!tpu.dma_semaphore, #tpu.memory_space<semaphore_mem>>)
      %mul3A_166 = arith.constant 4 : i32
      %mul3A_167 = arith.muli %mul3A_166, %scan3A_136 : i32
      %add3A_168 = arith.constant 2 : i32
      %add3A_169 = arith.addi %mul3A_167, %add3A_168 : i32
      %dma_start3A_170 = arith.constant 2 : i32
      %dma_start3A_171 = arith.constant 0 : i32
      %dma_start3A_172 = arith.constant 0 : i32
      %dma_start3A_173 = tpu.memref_slice %arg10[%dma_start3A_170, %dma_start3A_171, %dma_start3A_172] : memref<4x128x128xf32, #tpu.memory_space<vmem>> -> memref<1x128x128xf32, #tpu.memory_space<vmem>>
      %dma_start3A_174 = tpu.memref_squeeze %dma_start3A_173 : memref<1x128x128xf32, #tpu.memory_space<vmem>> -> memref<128x128xf32, #tpu.memory_space<vmem>>
      %dma_start3A_175 = arith.constant 0 : i32
      %dma_start3A_176 = tpu.memref_slice %arg7[%add3A_169, %dma_start3A_175] : memref<80x128xi32, #tpu.memory_space<vmem>> -> memref<1x128xi32, #tpu.memory_space<vmem>>
      %dma_start3A_177 = tpu.memref_squeeze %dma_start3A_176 : memref<1x128xi32, #tpu.memory_space<vmem>> -> memref<128xi32, #tpu.memory_space<vmem>>
      %dma_start3A_178 = arith.constant 0 : i32
      %dma_start3A_179 = arith.constant 0 : i32
      %dma_start3A_180 = tpu.memref_slice %arg2[%dma_start3A_178, %dma_start3A_179] : memref<20480x128xf32, #tpu.memory_space<hbm>> -> memref<20480x128xf32, #tpu.memory_space<hbm>>
      tpu.enqueue_indirect_dma source(%dma_start3A_180 : memref<20480x128xf32, #tpu.memory_space<hbm>>) target(%dma_start3A_174 : memref<128x128xf32, #tpu.memory_space<vmem>>) offsets(%dma_start3A_177 : memref<128xi32, #tpu.memory_space<vmem>>) semaphore(%arg14 : memref<!tpu.dma_semaphore, #tpu.memory_space<semaphore_mem>>)
      %mul3A_181 = arith.constant 4 : i32
      %mul3A_182 = arith.muli %mul3A_181, %scan3A_136 : i32
      %add3A_183 = arith.constant 3 : i32
      %add3A_184 = arith.addi %mul3A_182, %add3A_183 : i32
      %dma_start3A_185 = arith.constant 3 : i32
      %dma_start3A_186 = arith.constant 0 : i32
      %dma_start3A_187 = arith.constant 0 : i32
      %dma_start3A_188 = tpu.memref_slice %arg10[%dma_start3A_185, %dma_start3A_186, %dma_start3A_187] : memref<4x128x128xf32, #tpu.memory_space<vmem>> -> memref<1x128x128xf32, #tpu.memory_space<vmem>>
      %dma_start3A_189 = tpu.memref_squeeze %dma_start3A_188 : memref<1x128x128xf32, #tpu.memory_space<vmem>> -> memref<128x128xf32, #tpu.memory_space<vmem>>
      %dma_start3A_190 = arith.constant 0 : i32
      %dma_start3A_191 = tpu.memref_slice %arg7[%add3A_184, %dma_start3A_190] : memref<80x128xi32, #tpu.memory_space<vmem>> -> memref<1x128xi32, #tpu.memory_space<vmem>>
      %dma_start3A_192 = tpu.memref_squeeze %dma_start3A_191 : memref<1x128xi32, #tpu.memory_space<vmem>> -> memref<128xi32, #tpu.memory_space<vmem>>
      %dma_start3A_193 = arith.constant 0 : i32
      %dma_start3A_194 = arith.constant 0 : i32
      %dma_start3A_195 = tpu.memref_slice %arg2[%dma_start3A_193, %dma_start3A_194] : memref<20480x128xf32, #tpu.memory_space<hbm>> -> memref<20480x128xf32, #tpu.memory_space<hbm>>
      tpu.enqueue_indirect_dma source(%dma_start3A_195 : memref<20480x128xf32, #tpu.memory_space<hbm>>) target(%dma_start3A_189 : memref<128x128xf32, #tpu.memory_space<vmem>>) offsets(%dma_start3A_192 : memref<128xi32, #tpu.memory_space<vmem>>) semaphore(%arg15 : memref<!tpu.dma_semaphore, #tpu.memory_space<semaphore_mem>>)
      %dma_wait3A = arith.constant 0 : i32
      %dma_wait3A_196 = arith.constant 0 : i32
      %dma_wait3A_197 = arith.constant 0 : i32
      %dma_wait3A_198 = tpu.memref_slice %arg10[%dma_wait3A, %dma_wait3A_196, %dma_wait3A_197] : memref<4x128x128xf32, #tpu.memory_space<vmem>> -> memref<1x128x128xf32, #tpu.memory_space<vmem>>
      %dma_wait3A_199 = tpu.memref_squeeze %dma_wait3A_198 : memref<1x128x128xf32, #tpu.memory_space<vmem>> -> memref<128x128xf32, #tpu.memory_space<vmem>>
      %dma_wait3A_200 = arith.constant 0 : i32
      %dma_wait3A_201 = tpu.memref_slice %arg7[%add3A_140, %dma_wait3A_200] : memref<80x128xi32, #tpu.memory_space<vmem>> -> memref<1x128xi32, #tpu.memory_space<vmem>>
      %dma_wait3A_202 = tpu.memref_squeeze %dma_wait3A_201 : memref<1x128xi32, #tpu.memory_space<vmem>> -> memref<128xi32, #tpu.memory_space<vmem>>
      %dma_wait3A_203 = arith.constant 0 : i32
      %dma_wait3A_204 = arith.constant 0 : i32
      %dma_wait3A_205 = tpu.memref_slice %arg2[%dma_wait3A_203, %dma_wait3A_204] : memref<20480x128xf32, #tpu.memory_space<hbm>> -> memref<20480x128xf32, #tpu.memory_space<hbm>>
      tpu.wait_indirect_dma semaphore(%arg12 : memref<!tpu.dma_semaphore, #tpu.memory_space<semaphore_mem>>) src(%dma_wait3A_205 : memref<20480x128xf32, #tpu.memory_space<hbm>>) dst(%dma_wait3A_199 : memref<128x128xf32, #tpu.memory_space<vmem>>)
      %dma_wait3A_206 = arith.constant 1 : i32
      %dma_wait3A_207 = arith.constant 0 : i32
      %dma_wait3A_208 = arith.constant 0 : i32
      %dma_wait3A_209 = tpu.memref_slice %arg10[%dma_wait3A_206, %dma_wait3A_207, %dma_wait3A_208] : memref<4x128x128xf32, #tpu.memory_space<vmem>> -> memref<1x128x128xf32, #tpu.memory_space<vmem>>
      %dma_wait3A_210 = tpu.memref_squeeze %dma_wait3A_209 : memref<1x128x128xf32, #tpu.memory_space<vmem>> -> memref<128x128xf32, #tpu.memory_space<vmem>>
      %dma_wait3A_211 = arith.constant 0 : i32
      %dma_wait3A_212 = tpu.memref_slice %arg7[%add3A_154, %dma_wait3A_211] : memref<80x128xi32, #tpu.memory_space<vmem>> -> memref<1x128xi32, #tpu.memory_space<vmem>>
      %dma_wait3A_213 = tpu.memref_squeeze %dma_wait3A_212 : memref<1x128xi32, #tpu.memory_space<vmem>> -> memref<128xi32, #tpu.memory_space<vmem>>
      %dma_wait3A_214 = arith.constant 0 : i32
      %dma_wait3A_215 = arith.constant 0 : i32
      %dma_wait3A_216 = tpu.memref_slice %arg2[%dma_wait3A_214, %dma_wait3A_215] : memref<20480x128xf32, #tpu.memory_space<hbm>> -> memref<20480x128xf32, #tpu.memory_space<hbm>>
      tpu.wait_indirect_dma semaphore(%arg13 : memref<!tpu.dma_semaphore, #tpu.memory_space<semaphore_mem>>) src(%dma_wait3A_216 : memref<20480x128xf32, #tpu.memory_space<hbm>>) dst(%dma_wait3A_210 : memref<128x128xf32, #tpu.memory_space<vmem>>)
      %dma_wait3A_217 = arith.constant 2 : i32
      %dma_wait3A_218 = arith.constant 0 : i32
      %dma_wait3A_219 = arith.constant 0 : i32
      %dma_wait3A_220 = tpu.memref_slice %arg10[%dma_wait3A_217, %dma_wait3A_218, %dma_wait3A_219] : memref<4x128x128xf32, #tpu.memory_space<vmem>> -> memref<1x128x128xf32, #tpu.memory_space<vmem>>
      %dma_wait3A_221 = tpu.memref_squeeze %dma_wait3A_220 : memref<1x128x128xf32, #tpu.memory_space<vmem>> -> memref<128x128xf32, #tpu.memory_space<vmem>>
      %dma_wait3A_222 = arith.constant 0 : i32
      %dma_wait3A_223 = tpu.memref_slice %arg7[%add3A_169, %dma_wait3A_222] : memref<80x128xi32, #tpu.memory_space<vmem>> -> memref<1x128xi32, #tpu.memory_space<vmem>>
      %dma_wait3A_224 = tpu.memref_squeeze %dma_wait3A_223 : memref<1x128xi32, #tpu.memory_space<vmem>> -> memref<128xi32, #tpu.memory_space<vmem>>
      %dma_wait3A_225 = arith.constant 0 : i32
      %dma_wait3A_226 = arith.constant 0 : i32
      %dma_wait3A_227 = tpu.memref_slice %arg2[%dma_wait3A_225, %dma_wait3A_226] : memref<20480x128xf32, #tpu.memory_space<hbm>> -> memref<20480x128xf32, #tpu.memory_space<hbm>>
      tpu.wait_indirect_dma semaphore(%arg14 : memref<!tpu.dma_semaphore, #tpu.memory_space<semaphore_mem>>) src(%dma_wait3A_227 : memref<20480x128xf32, #tpu.memory_space<hbm>>) dst(%dma_wait3A_221 : memref<128x128xf32, #tpu.memory_space<vmem>>)
      %dma_wait3A_228 = arith.constant 3 : i32
      %dma_wait3A_229 = arith.constant 0 : i32
      %dma_wait3A_230 = arith.constant 0 : i32
      %dma_wait3A_231 = tpu.memref_slice %arg10[%dma_wait3A_228, %dma_wait3A_229, %dma_wait3A_230] : memref<4x128x128xf32, #tpu.memory_space<vmem>> -> memref<1x128x128xf32, #tpu.memory_space<vmem>>
      %dma_wait3A_232 = tpu.memref_squeeze %dma_wait3A_231 : memref<1x128x128xf32, #tpu.memory_space<vmem>> -> memref<128x128xf32, #tpu.memory_space<vmem>>
      %dma_wait3A_233 = arith.constant 0 : i32
      %dma_wait3A_234 = tpu.memref_slice %arg7[%add3A_184, %dma_wait3A_233] : memref<80x128xi32, #tpu.memory_space<vmem>> -> memref<1x128xi32, #tpu.memory_space<vmem>>
      %dma_wait3A_235 = tpu.memref_squeeze %dma_wait3A_234 : memref<1x128xi32, #tpu.memory_space<vmem>> -> memref<128xi32, #tpu.memory_space<vmem>>
      %dma_wait3A_236 = arith.constant 0 : i32
      %dma_wait3A_237 = arith.constant 0 : i32
      %dma_wait3A_238 = tpu.memref_slice %arg2[%dma_wait3A_236, %dma_wait3A_237] : memref<20480x128xf32, #tpu.memory_space<hbm>> -> memref<20480x128xf32, #tpu.memory_space<hbm>>
      tpu.wait_indirect_dma semaphore(%arg15 : memref<!tpu.dma_semaphore, #tpu.memory_space<semaphore_mem>>) src(%dma_wait3A_238 : memref<20480x128xf32, #tpu.memory_space<hbm>>) dst(%dma_wait3A_232 : memref<128x128xf32, #tpu.memory_space<vmem>>)
      %mul3A_239 = arith.constant 4 : i32
      %mul3A_240 = arith.muli %mul3A_239, %scan3A_136 : i32
      %add3A_241 = arith.constant 0 : i32
      %add3A_242 = arith.addi %mul3A_240, %add3A_241 : i32
      %run_scoped3A = arith.constant 0 : i32
      "tpu.region"() ({
        %run_scoped3A_258 = tpu.sem_alloc : memref<!tpu.dma_semaphore, #tpu.memory_space<semaphore_mem>>
        %dma_start3A_259 = arith.constant 0 : i32
        %dma_start3A_260 = arith.constant 0 : i32
        %dma_start3A_261 = tpu.memref_slice %arg10[%run_scoped3A, %dma_start3A_259, %dma_start3A_260] : memref<4x128x128xf32, #tpu.memory_space<vmem>> -> memref<1x128x128xf32, #tpu.memory_space<vmem>>
        %dma_start3A_262 = tpu.memref_squeeze %dma_start3A_261 : memref<1x128x128xf32, #tpu.memory_space<vmem>> -> memref<128x128xf32, #tpu.memory_space<vmem>>
        %dma_start3A_263 = arith.constant 0 : i32
        %dma_start3A_264 = tpu.memref_slice %arg9[%add3A_242, %dma_start3A_263] : memref<80x128xi32, #tpu.memory_space<vmem>> -> memref<1x128xi32, #tpu.memory_space<vmem>>
        %dma_start3A_265 = tpu.memref_squeeze %dma_start3A_264 : memref<1x128xi32, #tpu.memory_space<vmem>> -> memref<128xi32, #tpu.memory_space<vmem>>
        %dma_start3A_266 = arith.constant 0 : i32
        %dma_start3A_267 = arith.constant 0 : i32
        %dma_start3A_268 = tpu.memref_slice %arg11[%dma_start3A_266, %dma_start3A_267] : memref<2576x128xf32, #tpu.memory_space<vmem_shared>> -> memref<2576x128xf32, #tpu.memory_space<vmem_shared>>
        tpu.enqueue_indirect_dma source(%dma_start3A_262 : memref<128x128xf32, #tpu.memory_space<vmem>>) target(%dma_start3A_268 : memref<2576x128xf32, #tpu.memory_space<vmem_shared>>) offsets(%dma_start3A_265 : memref<128xi32, #tpu.memory_space<vmem>>) semaphore(%run_scoped3A_258 : memref<!tpu.dma_semaphore, #tpu.memory_space<semaphore_mem>>) {add = true}
        %dma_wait3A_269 = arith.constant 0 : i32
        %dma_wait3A_270 = arith.constant 0 : i32
        %dma_wait3A_271 = tpu.memref_slice %arg10[%run_scoped3A, %dma_wait3A_269, %dma_wait3A_270] : memref<4x128x128xf32, #tpu.memory_space<vmem>> -> memref<1x128x128xf32, #tpu.memory_space<vmem>>
        %dma_wait3A_272 = tpu.memref_squeeze %dma_wait3A_271 : memref<1x128x128xf32, #tpu.memory_space<vmem>> -> memref<128x128xf32, #tpu.memory_space<vmem>>
        %dma_wait3A_273 = arith.constant 0 : i32
        %dma_wait3A_274 = tpu.memref_slice %arg9[%add3A_242, %dma_wait3A_273] : memref<80x128xi32, #tpu.memory_space<vmem>> -> memref<1x128xi32, #tpu.memory_space<vmem>>
        %dma_wait3A_275 = tpu.memref_squeeze %dma_wait3A_274 : memref<1x128xi32, #tpu.memory_space<vmem>> -> memref<128xi32, #tpu.memory_space<vmem>>
        %dma_wait3A_276 = arith.constant 0 : i32
        %dma_wait3A_277 = arith.constant 0 : i32
        %dma_wait3A_278 = tpu.memref_slice %arg11[%dma_wait3A_276, %dma_wait3A_277] : memref<2576x128xf32, #tpu.memory_space<vmem_shared>> -> memref<2576x128xf32, #tpu.memory_space<vmem_shared>>
        tpu.wait_indirect_dma semaphore(%run_scoped3A_258 : memref<!tpu.dma_semaphore, #tpu.memory_space<semaphore_mem>>) src(%dma_wait3A_272 : memref<128x128xf32, #tpu.memory_space<vmem>>) dst(%dma_wait3A_278 : memref<2576x128xf32, #tpu.memory_space<vmem_shared>>)
        tpu.yield
      }) : () -> ()
      %mul3A_243 = arith.constant 4 : i32
      %mul3A_244 = arith.muli %mul3A_243, %scan3A_136 : i32
      %add3A_245 = arith.constant 1 : i32
      %add3A_246 = arith.addi %mul3A_244, %add3A_245 : i32
      %run_scoped3A_247 = arith.constant 1 : i32
      "tpu.region"() ({
        %run_scoped3A_258 = tpu.sem_alloc : memref<!tpu.dma_semaphore, #tpu.memory_space<semaphore_mem>>
        %dma_start3A_259 = arith.constant 0 : i32
        %dma_start3A_260 = arith.constant 0 : i32
        %dma_start3A_261 = tpu.memref_slice %arg10[%run_scoped3A_247, %dma_start3A_259, %dma_start3A_260] : memref<4x128x128xf32, #tpu.memory_space<vmem>> -> memref<1x128x128xf32, #tpu.memory_space<vmem>>
        %dma_start3A_262 = tpu.memref_squeeze %dma_start3A_261 : memref<1x128x128xf32, #tpu.memory_space<vmem>> -> memref<128x128xf32, #tpu.memory_space<vmem>>
        %dma_start3A_263 = arith.constant 0 : i32
        %dma_start3A_264 = tpu.memref_slice %arg9[%add3A_246, %dma_start3A_263] : memref<80x128xi32, #tpu.memory_space<vmem>> -> memref<1x128xi32, #tpu.memory_space<vmem>>
        %dma_start3A_265 = tpu.memref_squeeze %dma_start3A_264 : memref<1x128xi32, #tpu.memory_space<vmem>> -> memref<128xi32, #tpu.memory_space<vmem>>
        %dma_start3A_266 = arith.constant 0 : i32
        %dma_start3A_267 = arith.constant 0 : i32
        %dma_start3A_268 = tpu.memref_slice %arg11[%dma_start3A_266, %dma_start3A_267] : memref<2576x128xf32, #tpu.memory_space<vmem_shared>> -> memref<2576x128xf32, #tpu.memory_space<vmem_shared>>
        tpu.enqueue_indirect_dma source(%dma_start3A_262 : memref<128x128xf32, #tpu.memory_space<vmem>>) target(%dma_start3A_268 : memref<2576x128xf32, #tpu.memory_space<vmem_shared>>) offsets(%dma_start3A_265 : memref<128xi32, #tpu.memory_space<vmem>>) semaphore(%run_scoped3A_258 : memref<!tpu.dma_semaphore, #tpu.memory_space<semaphore_mem>>) {add = true}
        %dma_wait3A_269 = arith.constant 0 : i32
        %dma_wait3A_270 = arith.constant 0 : i32
        %dma_wait3A_271 = tpu.memref_slice %arg10[%run_scoped3A_247, %dma_wait3A_269, %dma_wait3A_270] : memref<4x128x128xf32, #tpu.memory_space<vmem>> -> memref<1x128x128xf32, #tpu.memory_space<vmem>>
        %dma_wait3A_272 = tpu.memref_squeeze %dma_wait3A_271 : memref<1x128x128xf32, #tpu.memory_space<vmem>> -> memref<128x128xf32, #tpu.memory_space<vmem>>
        %dma_wait3A_273 = arith.constant 0 : i32
        %dma_wait3A_274 = tpu.memref_slice %arg9[%add3A_246, %dma_wait3A_273] : memref<80x128xi32, #tpu.memory_space<vmem>> -> memref<1x128xi32, #tpu.memory_space<vmem>>
        %dma_wait3A_275 = tpu.memref_squeeze %dma_wait3A_274 : memref<1x128xi32, #tpu.memory_space<vmem>> -> memref<128xi32, #tpu.memory_space<vmem>>
        %dma_wait3A_276 = arith.constant 0 : i32
        %dma_wait3A_277 = arith.constant 0 : i32
        %dma_wait3A_278 = tpu.memref_slice %arg11[%dma_wait3A_276, %dma_wait3A_277] : memref<2576x128xf32, #tpu.memory_space<vmem_shared>> -> memref<2576x128xf32, #tpu.memory_space<vmem_shared>>
        tpu.wait_indirect_dma semaphore(%run_scoped3A_258 : memref<!tpu.dma_semaphore, #tpu.memory_space<semaphore_mem>>) src(%dma_wait3A_272 : memref<128x128xf32, #tpu.memory_space<vmem>>) dst(%dma_wait3A_278 : memref<2576x128xf32, #tpu.memory_space<vmem_shared>>)
        tpu.yield
      }) : () -> ()
      %mul3A_248 = arith.constant 4 : i32
      %mul3A_249 = arith.muli %mul3A_248, %scan3A_136 : i32
      %add3A_250 = arith.constant 2 : i32
      %add3A_251 = arith.addi %mul3A_249, %add3A_250 : i32
      %run_scoped3A_252 = arith.constant 2 : i32
      "tpu.region"() ({
        %run_scoped3A_258 = tpu.sem_alloc : memref<!tpu.dma_semaphore, #tpu.memory_space<semaphore_mem>>
        %dma_start3A_259 = arith.constant 0 : i32
        %dma_start3A_260 = arith.constant 0 : i32
        %dma_start3A_261 = tpu.memref_slice %arg10[%run_scoped3A_252, %dma_start3A_259, %dma_start3A_260] : memref<4x128x128xf32, #tpu.memory_space<vmem>> -> memref<1x128x128xf32, #tpu.memory_space<vmem>>
        %dma_start3A_262 = tpu.memref_squeeze %dma_start3A_261 : memref<1x128x128xf32, #tpu.memory_space<vmem>> -> memref<128x128xf32, #tpu.memory_space<vmem>>
        %dma_start3A_263 = arith.constant 0 : i32
        %dma_start3A_264 = tpu.memref_slice %arg9[%add3A_251, %dma_start3A_263] : memref<80x128xi32, #tpu.memory_space<vmem>> -> memref<1x128xi32, #tpu.memory_space<vmem>>
        %dma_start3A_265 = tpu.memref_squeeze %dma_start3A_264 : memref<1x128xi32, #tpu.memory_space<vmem>> -> memref<128xi32, #tpu.memory_space<vmem>>
        %dma_start3A_266 = arith.constant 0 : i32
        %dma_start3A_267 = arith.constant 0 : i32
        %dma_start3A_268 = tpu.memref_slice %arg11[%dma_start3A_266, %dma_start3A_267] : memref<2576x128xf32, #tpu.memory_space<vmem_shared>> -> memref<2576x128xf32, #tpu.memory_space<vmem_shared>>
        tpu.enqueue_indirect_dma source(%dma_start3A_262 : memref<128x128xf32, #tpu.memory_space<vmem>>) target(%dma_start3A_268 : memref<2576x128xf32, #tpu.memory_space<vmem_shared>>) offsets(%dma_start3A_265 : memref<128xi32, #tpu.memory_space<vmem>>) semaphore(%run_scoped3A_258 : memref<!tpu.dma_semaphore, #tpu.memory_space<semaphore_mem>>) {add = true}
        %dma_wait3A_269 = arith.constant 0 : i32
        %dma_wait3A_270 = arith.constant 0 : i32
        %dma_wait3A_271 = tpu.memref_slice %arg10[%run_scoped3A_252, %dma_wait3A_269, %dma_wait3A_270] : memref<4x128x128xf32, #tpu.memory_space<vmem>> -> memref<1x128x128xf32, #tpu.memory_space<vmem>>
        %dma_wait3A_272 = tpu.memref_squeeze %dma_wait3A_271 : memref<1x128x128xf32, #tpu.memory_space<vmem>> -> memref<128x128xf32, #tpu.memory_space<vmem>>
        %dma_wait3A_273 = arith.constant 0 : i32
        %dma_wait3A_274 = tpu.memref_slice %arg9[%add3A_251, %dma_wait3A_273] : memref<80x128xi32, #tpu.memory_space<vmem>> -> memref<1x128xi32, #tpu.memory_space<vmem>>
        %dma_wait3A_275 = tpu.memref_squeeze %dma_wait3A_274 : memref<1x128xi32, #tpu.memory_space<vmem>> -> memref<128xi32, #tpu.memory_space<vmem>>
        %dma_wait3A_276 = arith.constant 0 : i32
        %dma_wait3A_277 = arith.constant 0 : i32
        %dma_wait3A_278 = tpu.memref_slice %arg11[%dma_wait3A_276, %dma_wait3A_277] : memref<2576x128xf32, #tpu.memory_space<vmem_shared>> -> memref<2576x128xf32, #tpu.memory_space<vmem_shared>>
        tpu.wait_indirect_dma semaphore(%run_scoped3A_258 : memref<!tpu.dma_semaphore, #tpu.memory_space<semaphore_mem>>) src(%dma_wait3A_272 : memref<128x128xf32, #tpu.memory_space<vmem>>) dst(%dma_wait3A_278 : memref<2576x128xf32, #tpu.memory_space<vmem_shared>>)
        tpu.yield
      }) : () -> ()
      %mul3A_253 = arith.constant 4 : i32
      %mul3A_254 = arith.muli %mul3A_253, %scan3A_136 : i32
      %add3A_255 = arith.constant 3 : i32
      %add3A_256 = arith.addi %mul3A_254, %add3A_255 : i32
      %run_scoped3A_257 = arith.constant 3 : i32
      "tpu.region"() ({
        %run_scoped3A_258 = tpu.sem_alloc : memref<!tpu.dma_semaphore, #tpu.memory_space<semaphore_mem>>
        %dma_start3A_259 = arith.constant 0 : i32
        %dma_start3A_260 = arith.constant 0 : i32
        %dma_start3A_261 = tpu.memref_slice %arg10[%run_scoped3A_257, %dma_start3A_259, %dma_start3A_260] : memref<4x128x128xf32, #tpu.memory_space<vmem>> -> memref<1x128x128xf32, #tpu.memory_space<vmem>>
        %dma_start3A_262 = tpu.memref_squeeze %dma_start3A_261 : memref<1x128x128xf32, #tpu.memory_space<vmem>> -> memref<128x128xf32, #tpu.memory_space<vmem>>
        %dma_start3A_263 = arith.constant 0 : i32
        %dma_start3A_264 = tpu.memref_slice %arg9[%add3A_256, %dma_start3A_263] : memref<80x128xi32, #tpu.memory_space<vmem>> -> memref<1x128xi32, #tpu.memory_space<vmem>>
        %dma_start3A_265 = tpu.memref_squeeze %dma_start3A_264 : memref<1x128xi32, #tpu.memory_space<vmem>> -> memref<128xi32, #tpu.memory_space<vmem>>
        %dma_start3A_266 = arith.constant 0 : i32
        %dma_start3A_267 = arith.constant 0 : i32
        %dma_start3A_268 = tpu.memref_slice %arg11[%dma_start3A_266, %dma_start3A_267] : memref<2576x128xf32, #tpu.memory_space<vmem_shared>> -> memref<2576x128xf32, #tpu.memory_space<vmem_shared>>
        tpu.enqueue_indirect_dma source(%dma_start3A_262 : memref<128x128xf32, #tpu.memory_space<vmem>>) target(%dma_start3A_268 : memref<2576x128xf32, #tpu.memory_space<vmem_shared>>) offsets(%dma_start3A_265 : memref<128xi32, #tpu.memory_space<vmem>>) semaphore(%run_scoped3A_258 : memref<!tpu.dma_semaphore, #tpu.memory_space<semaphore_mem>>) {add = true}
        %dma_wait3A_269 = arith.constant 0 : i32
        %dma_wait3A_270 = arith.constant 0 : i32
        %dma_wait3A_271 = tpu.memref_slice %arg10[%run_scoped3A_257, %dma_wait3A_269, %dma_wait3A_270] : memref<4x128x128xf32, #tpu.memory_space<vmem>> -> memref<1x128x128xf32, #tpu.memory_space<vmem>>
        %dma_wait3A_272 = tpu.memref_squeeze %dma_wait3A_271 : memref<1x128x128xf32, #tpu.memory_space<vmem>> -> memref<128x128xf32, #tpu.memory_space<vmem>>
        %dma_wait3A_273 = arith.constant 0 : i32
        %dma_wait3A_274 = tpu.memref_slice %arg9[%add3A_256, %dma_wait3A_273] : memref<80x128xi32, #tpu.memory_space<vmem>> -> memref<1x128xi32, #tpu.memory_space<vmem>>
        %dma_wait3A_275 = tpu.memref_squeeze %dma_wait3A_274 : memref<1x128xi32, #tpu.memory_space<vmem>> -> memref<128xi32, #tpu.memory_space<vmem>>
        %dma_wait3A_276 = arith.constant 0 : i32
        %dma_wait3A_277 = arith.constant 0 : i32
        %dma_wait3A_278 = tpu.memref_slice %arg11[%dma_wait3A_276, %dma_wait3A_277] : memref<2576x128xf32, #tpu.memory_space<vmem_shared>> -> memref<2576x128xf32, #tpu.memory_space<vmem_shared>>
        tpu.wait_indirect_dma semaphore(%run_scoped3A_258 : memref<!tpu.dma_semaphore, #tpu.memory_space<semaphore_mem>>) src(%dma_wait3A_272 : memref<128x128xf32, #tpu.memory_space<vmem>>) dst(%dma_wait3A_278 : memref<2576x128xf32, #tpu.memory_space<vmem_shared>>)
        tpu.yield
      }) : () -> ()
    }
    %scan3A_55 = arith.constant 20 : i32
    %barrier3A_56 = arith.constant 0 : index
    tpu.barrier barrier_id(%barrier3A_56)
    %mul3A_57 = arith.constant 160 : i32
    %mul3A_58 = arith.muli %arg1, %mul3A_57 : i32
    %mul3A_59 = arith.constant 10240 : i32
    %mul3A_60 = arith.muli %arg0, %mul3A_59 : i32
    %add3A_61 = arith.constant 2560 : i32
    %add3A_62 = arith.addi %mul3A_60, %add3A_61 : i32
    %mul3A_63 = arith.constant 160 : i32
    %mul3A_64 = arith.muli %arg1, %mul3A_63 : i32
    %add3A_65 = arith.addi %add3A_62, %mul3A_64 : i32
    "tpu.region"() ({
      %run_scoped3A = tpu.sem_alloc : memref<!tpu.dma_semaphore, #tpu.memory_space<semaphore_mem>>
      %dma_start3A = arith.constant 0 : i32
      %dma_start3A_136 = tpu.memref_slice %arg6[%add3A_65, %dma_start3A] : memref<20480x128xf32, #tpu.memory_space<hbm>> -> memref<160x128xf32, #tpu.memory_space<hbm>>
      %dma_start3A_137 = arith.constant 0 : i32
      %dma_start3A_138 = tpu.memref_slice %arg11[%mul3A_58, %dma_start3A_137] : memref<2576x128xf32, #tpu.memory_space<vmem_shared>> -> memref<160x128xf32, #tpu.memory_space<vmem_shared>>
      tpu.enqueue_dma source(%dma_start3A_138 : memref<160x128xf32, #tpu.memory_space<vmem_shared>>) target(%dma_start3A_136 : memref<160x128xf32, #tpu.memory_space<hbm>>) target_semaphore(%run_scoped3A : memref<!tpu.dma_semaphore, #tpu.memory_space<semaphore_mem>>)
      %dma_wait3A = arith.constant 0 : i32
      %dma_wait3A_139 = tpu.memref_slice %arg6[%add3A_65, %dma_wait3A] : memref<20480x128xf32, #tpu.memory_space<hbm>> -> memref<160x128xf32, #tpu.memory_space<hbm>>
      %dma_wait3A_140 = arith.constant 0 : i32
      %dma_wait3A_141 = tpu.memref_slice %arg11[%mul3A_58, %dma_wait3A_140] : memref<2576x128xf32, #tpu.memory_space<vmem_shared>> -> memref<160x128xf32, #tpu.memory_space<vmem_shared>>
      tpu.wait_dma2 semaphore(%run_scoped3A : memref<!tpu.dma_semaphore, #tpu.memory_space<semaphore_mem>>) src(%dma_wait3A_141 : memref<160x128xf32, #tpu.memory_space<vmem_shared>>) dst(%dma_wait3A_139 : memref<160x128xf32, #tpu.memory_space<hbm>>)
      tpu.yield
    }) : () -> ()
    %barrier3A_66 = arith.constant 0 : index
    tpu.barrier barrier_id(%barrier3A_66)
    %iota3A_67 = tpu.iota {dimensions = array<i32: 0>} : vector<16xi32>
    %add3A_68 = arith.constant 2560 : i32
    %add3A_69 = vector.broadcast %add3A_68 : i32 to vector<16xi32>
    %add3A_70 = arith.addi %add3A_69, %iota3A_67 : vector<16xi32>
    %scan3A_71 = arith.constant 0 : i32
    %scan3A_72 = arith.constant 640 : i32
    %scan3A_73 = arith.addi %scan3A_71, %scan3A_72 : i32
    %scan3A_74 = arith.constant 1 : i32
    scf.for %scan3A_136 = %scan3A_71 to %scan3A_73 step %scan3A_74  : i32 {
      %jit3A = arith.constant 8 : i32
      %div3A = arith.divsi %scan3A_136, %jit3A : i32
      %sign3A = arith.constant 0 : i32
      %sign3A_137 = arith.cmpi sgt, %scan3A_136, %sign3A : i32
      %sign3A_138 = arith.extui %sign3A_137 : i1 to i32
      %sign3A_139 = arith.constant 0 : i32
      %sign3A_140 = arith.cmpi slt, %scan3A_136, %sign3A_139 : i32
      %sign3A_141 = arith.extui %sign3A_140 : i1 to i32
      %sign3A_142 = arith.subi %sign3A_138, %sign3A_141 : i32
      %sign3A_143 = arith.constant 0 : i32
      %sign3A_144 = arith.cmpi sgt, %jit3A, %sign3A_143 : i32
      %sign3A_145 = arith.extui %sign3A_144 : i1 to i32
      %sign3A_146 = arith.constant 0 : i32
      %sign3A_147 = arith.cmpi slt, %jit3A, %sign3A_146 : i32
      %sign3A_148 = arith.extui %sign3A_147 : i1 to i32
      %sign3A_149 = arith.subi %sign3A_145, %sign3A_148 : i32
      %ne3A = arith.cmpi ne, %sign3A_142, %sign3A_149 : i32
      %rem3A = arith.remsi %scan3A_136, %jit3A : i32
      %ne3A_150 = arith.constant 0 : i32
      %ne3A_151 = arith.cmpi ne, %rem3A, %ne3A_150 : i32
      %and3A = arith.andi %ne3A, %ne3A_151 : i1
      %sub3A = arith.constant 1 : i32
      %sub3A_152 = arith.subi %div3A, %sub3A : i32
      %select_n3A = arith.select %and3A, %sub3A_152, %div3A : i32
      %jit3A_153 = arith.constant 8 : i32
      %eq3A_154 = arith.constant 0 : i32
      %eq3A_155 = arith.cmpi eq, %jit3A_153, %eq3A_154 : i32
      %jit3A_156 = arith.constant 1 : i32
      %select_n3A_157 = arith.select %eq3A_155, %jit3A_156, %jit3A_153 : i32
      %rem3A_158 = arith.remsi %scan3A_136, %select_n3A_157 : i32
      %ne3A_159 = arith.constant 0 : i32
      %ne3A_160 = arith.cmpi ne, %rem3A_158, %ne3A_159 : i32
      %lt3A = arith.constant 0 : i32
      %lt3A_161 = arith.cmpi slt, %rem3A_158, %lt3A : i32
      %lt3A_162 = arith.constant 0 : i32
      %lt3A_163 = arith.cmpi slt, %select_n3A_157, %lt3A_162 : i32
      %ne3A_164 = arith.xori %lt3A_161, %lt3A_163 : i1
      %and3A_165 = arith.andi %ne3A_164, %ne3A_160 : i1
      %add3A_166 = arith.addi %rem3A_158, %select_n3A_157 : i32
      %select_n3A_167 = arith.select %and3A_165, %add3A_166, %rem3A_158 : i32
      %mul3A_168 = arith.constant 16 : i32
      %mul3A_169 = arith.muli %select_n3A_167, %mul3A_168 : i32
      %get3A = arith.index_cast %select_n3A : i32 to index
      %get3A_170 = arith.index_cast %mul3A_169 : i32 to index
      %get3A_171 = tpu.vector_load %arg8[%get3A, %get3A_170] {strides = array<i32>} : memref<80x128xi32, #tpu.memory_space<vmem>>, vector<1x16xi32>,
      %get3A_172 = vector.shape_cast %get3A_171 : vector<1x16xi32> to vector<16xi32>
      %sub3A_173 = arith.constant 5120 : i32
      %sub3A_174 = vector.broadcast %sub3A_173 : i32 to vector<16xi32>
      %sub3A_175 = arith.subi %get3A_172, %sub3A_174 : vector<16xi32>
      %ge3A = arith.constant 0 : i32
      %ge3A_176 = vector.broadcast %ge3A : i32 to vector<16xi32>
      %ge3A_177 = arith.cmpi sge, %sub3A_175, %ge3A_176 : vector<16xi32>
      %lt3A_178 = arith.constant 2560 : i32
      %lt3A_179 = vector.broadcast %lt3A_178 : i32 to vector<16xi32>
      %lt3A_180 = arith.cmpi slt, %sub3A_175, %lt3A_179 : vector<16xi32>
      %and3A_181 = arith.andi %ge3A_177, %lt3A_180 : vector<16xi1>
      %select_n3A_182 = arith.select %and3A_181, %sub3A_175, %add3A_70 : vector<16xi1>, vector<16xi32>
      %swap3A = arith.index_cast %select_n3A : i32 to index
      %swap3A_183 = arith.index_cast %mul3A_169 : i32 to index
      %swap3A_184 = tpu.vector_load %arg9[%swap3A, %swap3A_183] {strides = array<i32>} : memref<80x128xi32, #tpu.memory_space<vmem>>, vector<1x16xi32>,
      %swap3A_185 = vector.shape_cast %swap3A_184 : vector<1x16xi32> to vector<16xi32>
      %swap3A_186 = vector.shape_cast %select_n3A_182 : vector<16xi32> to vector<1x16xi32>
      tpu.vector_store %arg9[%swap3A, %swap3A_183], %swap3A_186 {strides = array<i32>} : memref<80x128xi32, #tpu.memory_space<vmem>>, vector<1x16xi32>,
    }
    %scan3A_75 = arith.constant 640 : i32
    %mul3A_76 = arith.constant 160 : i32
    %mul3A_77 = arith.muli %arg1, %mul3A_76 : i32
    %mul3A_78 = arith.constant 160 : i32
    %mul3A_79 = arith.muli %arg1, %mul3A_78 : i32
    "tpu.region"() ({
      %run_scoped3A = tpu.sem_alloc : memref<!tpu.dma_semaphore, #tpu.memory_space<semaphore_mem>>
      %dma_start3A = arith.constant 0 : i32
      %dma_start3A_136 = tpu.memref_slice %arg11[%mul3A_79, %dma_start3A] : memref<2576x128xf32, #tpu.memory_space<vmem_shared>> -> memref<160x128xf32, #tpu.memory_space<vmem_shared>>
      %dma_start3A_137 = arith.constant 0 : i32
      %dma_start3A_138 = tpu.memref_slice %arg5[%mul3A_77, %dma_start3A_137] : memref<2560x128xf32, #tpu.memory_space<hbm>> -> memref<160x128xf32, #tpu.memory_space<hbm>>
      tpu.enqueue_dma source(%dma_start3A_138 : memref<160x128xf32, #tpu.memory_space<hbm>>) target(%dma_start3A_136 : memref<160x128xf32, #tpu.memory_space<vmem_shared>>) target_semaphore(%run_scoped3A : memref<!tpu.dma_semaphore, #tpu.memory_space<semaphore_mem>>)
      %dma_wait3A = arith.constant 0 : i32
      %dma_wait3A_139 = tpu.memref_slice %arg11[%mul3A_79, %dma_wait3A] : memref<2576x128xf32, #tpu.memory_space<vmem_shared>> -> memref<160x128xf32, #tpu.memory_space<vmem_shared>>
      %dma_wait3A_140 = arith.constant 0 : i32
      %dma_wait3A_141 = tpu.memref_slice %arg5[%mul3A_77, %dma_wait3A_140] : memref<2560x128xf32, #tpu.memory_space<hbm>> -> memref<160x128xf32, #tpu.memory_space<hbm>>
      tpu.wait_dma2 semaphore(%run_scoped3A : memref<!tpu.dma_semaphore, #tpu.memory_space<semaphore_mem>>) src(%dma_wait3A_141 : memref<160x128xf32, #tpu.memory_space<hbm>>) dst(%dma_wait3A_139 : memref<160x128xf32, #tpu.memory_space<vmem_shared>>)
      tpu.yield
    }) : () -> ()
    %eq3A_80 = arith.constant 0 : i32
    %eq3A_81 = arith.cmpi eq, %arg1, %eq3A_80 : i32
    %convert_element_type3A_82 = arith.extui %eq3A_81 : i1 to i32
    %cond3A_83 = arith.constant 0 : i32
    %cond3A_84 = arith.cmpi ne, %convert_element_type3A_82, %cond3A_83 : i32
    scf.if %cond3A_84 {
      "tpu.region"() ({
        %run_scoped3A = tpu.sem_alloc : memref<!tpu.dma_semaphore, #tpu.memory_space<semaphore_mem>>
        %dma_start3A = arith.constant 2560 : i32
        %dma_start3A_136 = arith.constant 0 : i32
        %dma_start3A_137 = tpu.memref_slice %arg11[%dma_start3A, %dma_start3A_136] : memref<2576x128xf32, #tpu.memory_space<vmem_shared>> -> memref<16x128xf32, #tpu.memory_space<vmem_shared>>
        %dma_start3A_138 = arith.constant 0 : i32
        %dma_start3A_139 = arith.constant 0 : i32
        %dma_start3A_140 = tpu.memref_slice %arg5[%dma_start3A_138, %dma_start3A_139] : memref<2560x128xf32, #tpu.memory_space<hbm>> -> memref<16x128xf32, #tpu.memory_space<hbm>>
        tpu.enqueue_dma source(%dma_start3A_140 : memref<16x128xf32, #tpu.memory_space<hbm>>) target(%dma_start3A_137 : memref<16x128xf32, #tpu.memory_space<vmem_shared>>) target_semaphore(%run_scoped3A : memref<!tpu.dma_semaphore, #tpu.memory_space<semaphore_mem>>)
        %dma_wait3A = arith.constant 2560 : i32
        %dma_wait3A_141 = arith.constant 0 : i32
        %dma_wait3A_142 = tpu.memref_slice %arg11[%dma_wait3A, %dma_wait3A_141] : memref<2576x128xf32, #tpu.memory_space<vmem_shared>> -> memref<16x128xf32, #tpu.memory_space<vmem_shared>>
        %dma_wait3A_143 = arith.constant 0 : i32
        %dma_wait3A_144 = arith.constant 0 : i32
        %dma_wait3A_145 = tpu.memref_slice %arg5[%dma_wait3A_143, %dma_wait3A_144] : memref<2560x128xf32, #tpu.memory_space<hbm>> -> memref<16x128xf32, #tpu.memory_space<hbm>>
        tpu.wait_dma2 semaphore(%run_scoped3A : memref<!tpu.dma_semaphore, #tpu.memory_space<semaphore_mem>>) src(%dma_wait3A_145 : memref<16x128xf32, #tpu.memory_space<hbm>>) dst(%dma_wait3A_142 : memref<16x128xf32, #tpu.memory_space<vmem_shared>>)
        tpu.yield
      }) : () -> ()
    } else {
    }
    %barrier3A_85 = arith.constant 0 : index
    tpu.barrier barrier_id(%barrier3A_85)
    %scan3A_86 = arith.constant 0 : i32
    %scan3A_87 = arith.constant 20 : i32
    %scan3A_88 = arith.addi %scan3A_86, %scan3A_87 : i32
    %scan3A_89 = arith.constant 1 : i32
    scf.for %scan3A_136 = %scan3A_86 to %scan3A_88 step %scan3A_89  : i32 {
      %mul3A_137 = arith.constant 4 : i32
      %mul3A_138 = arith.muli %mul3A_137, %scan3A_136 : i32
      %add3A_139 = arith.constant 0 : i32
      %add3A_140 = arith.addi %mul3A_138, %add3A_139 : i32
      %dma_start3A = arith.constant 0 : i32
      %dma_start3A_141 = arith.constant 0 : i32
      %dma_start3A_142 = arith.constant 0 : i32
      %dma_start3A_143 = tpu.memref_slice %arg10[%dma_start3A, %dma_start3A_141, %dma_start3A_142] : memref<4x128x128xf32, #tpu.memory_space<vmem>> -> memref<1x128x128xf32, #tpu.memory_space<vmem>>
      %dma_start3A_144 = tpu.memref_squeeze %dma_start3A_143 : memref<1x128x128xf32, #tpu.memory_space<vmem>> -> memref<128x128xf32, #tpu.memory_space<vmem>>
      %dma_start3A_145 = arith.constant 0 : i32
      %dma_start3A_146 = tpu.memref_slice %arg7[%add3A_140, %dma_start3A_145] : memref<80x128xi32, #tpu.memory_space<vmem>> -> memref<1x128xi32, #tpu.memory_space<vmem>>
      %dma_start3A_147 = tpu.memref_squeeze %dma_start3A_146 : memref<1x128xi32, #tpu.memory_space<vmem>> -> memref<128xi32, #tpu.memory_space<vmem>>
      %dma_start3A_148 = arith.constant 0 : i32
      %dma_start3A_149 = arith.constant 0 : i32
      %dma_start3A_150 = tpu.memref_slice %arg2[%dma_start3A_148, %dma_start3A_149] : memref<20480x128xf32, #tpu.memory_space<hbm>> -> memref<20480x128xf32, #tpu.memory_space<hbm>>
      tpu.enqueue_indirect_dma source(%dma_start3A_150 : memref<20480x128xf32, #tpu.memory_space<hbm>>) target(%dma_start3A_144 : memref<128x128xf32, #tpu.memory_space<vmem>>) offsets(%dma_start3A_147 : memref<128xi32, #tpu.memory_space<vmem>>) semaphore(%arg12 : memref<!tpu.dma_semaphore, #tpu.memory_space<semaphore_mem>>)
      %mul3A_151 = arith.constant 4 : i32
      %mul3A_152 = arith.muli %mul3A_151, %scan3A_136 : i32
      %add3A_153 = arith.constant 1 : i32
      %add3A_154 = arith.addi %mul3A_152, %add3A_153 : i32
      %dma_start3A_155 = arith.constant 1 : i32
      %dma_start3A_156 = arith.constant 0 : i32
      %dma_start3A_157 = arith.constant 0 : i32
      %dma_start3A_158 = tpu.memref_slice %arg10[%dma_start3A_155, %dma_start3A_156, %dma_start3A_157] : memref<4x128x128xf32, #tpu.memory_space<vmem>> -> memref<1x128x128xf32, #tpu.memory_space<vmem>>
      %dma_start3A_159 = tpu.memref_squeeze %dma_start3A_158 : memref<1x128x128xf32, #tpu.memory_space<vmem>> -> memref<128x128xf32, #tpu.memory_space<vmem>>
      %dma_start3A_160 = arith.constant 0 : i32
      %dma_start3A_161 = tpu.memref_slice %arg7[%add3A_154, %dma_start3A_160] : memref<80x128xi32, #tpu.memory_space<vmem>> -> memref<1x128xi32, #tpu.memory_space<vmem>>
      %dma_start3A_162 = tpu.memref_squeeze %dma_start3A_161 : memref<1x128xi32, #tpu.memory_space<vmem>> -> memref<128xi32, #tpu.memory_space<vmem>>
      %dma_start3A_163 = arith.constant 0 : i32
      %dma_start3A_164 = arith.constant 0 : i32
      %dma_start3A_165 = tpu.memref_slice %arg2[%dma_start3A_163, %dma_start3A_164] : memref<20480x128xf32, #tpu.memory_space<hbm>> -> memref<20480x128xf32, #tpu.memory_space<hbm>>
      tpu.enqueue_indirect_dma source(%dma_start3A_165 : memref<20480x128xf32, #tpu.memory_space<hbm>>) target(%dma_start3A_159 : memref<128x128xf32, #tpu.memory_space<vmem>>) offsets(%dma_start3A_162 : memref<128xi32, #tpu.memory_space<vmem>>) semaphore(%arg13 : memref<!tpu.dma_semaphore, #tpu.memory_space<semaphore_mem>>)
      %mul3A_166 = arith.constant 4 : i32
      %mul3A_167 = arith.muli %mul3A_166, %scan3A_136 : i32
      %add3A_168 = arith.constant 2 : i32
      %add3A_169 = arith.addi %mul3A_167, %add3A_168 : i32
      %dma_start3A_170 = arith.constant 2 : i32
      %dma_start3A_171 = arith.constant 0 : i32
      %dma_start3A_172 = arith.constant 0 : i32
      %dma_start3A_173 = tpu.memref_slice %arg10[%dma_start3A_170, %dma_start3A_171, %dma_start3A_172] : memref<4x128x128xf32, #tpu.memory_space<vmem>> -> memref<1x128x128xf32, #tpu.memory_space<vmem>>
      %dma_start3A_174 = tpu.memref_squeeze %dma_start3A_173 : memref<1x128x128xf32, #tpu.memory_space<vmem>> -> memref<128x128xf32, #tpu.memory_space<vmem>>
      %dma_start3A_175 = arith.constant 0 : i32
      %dma_start3A_176 = tpu.memref_slice %arg7[%add3A_169, %dma_start3A_175] : memref<80x128xi32, #tpu.memory_space<vmem>> -> memref<1x128xi32, #tpu.memory_space<vmem>>
      %dma_start3A_177 = tpu.memref_squeeze %dma_start3A_176 : memref<1x128xi32, #tpu.memory_space<vmem>> -> memref<128xi32, #tpu.memory_space<vmem>>
      %dma_start3A_178 = arith.constant 0 : i32
      %dma_start3A_179 = arith.constant 0 : i32
      %dma_start3A_180 = tpu.memref_slice %arg2[%dma_start3A_178, %dma_start3A_179] : memref<20480x128xf32, #tpu.memory_space<hbm>> -> memref<20480x128xf32, #tpu.memory_space<hbm>>
      tpu.enqueue_indirect_dma source(%dma_start3A_180 : memref<20480x128xf32, #tpu.memory_space<hbm>>) target(%dma_start3A_174 : memref<128x128xf32, #tpu.memory_space<vmem>>) offsets(%dma_start3A_177 : memref<128xi32, #tpu.memory_space<vmem>>) semaphore(%arg14 : memref<!tpu.dma_semaphore, #tpu.memory_space<semaphore_mem>>)
      %mul3A_181 = arith.constant 4 : i32
      %mul3A_182 = arith.muli %mul3A_181, %scan3A_136 : i32
      %add3A_183 = arith.constant 3 : i32
      %add3A_184 = arith.addi %mul3A_182, %add3A_183 : i32
      %dma_start3A_185 = arith.constant 3 : i32
      %dma_start3A_186 = arith.constant 0 : i32
      %dma_start3A_187 = arith.constant 0 : i32
      %dma_start3A_188 = tpu.memref_slice %arg10[%dma_start3A_185, %dma_start3A_186, %dma_start3A_187] : memref<4x128x128xf32, #tpu.memory_space<vmem>> -> memref<1x128x128xf32, #tpu.memory_space<vmem>>
      %dma_start3A_189 = tpu.memref_squeeze %dma_start3A_188 : memref<1x128x128xf32, #tpu.memory_space<vmem>> -> memref<128x128xf32, #tpu.memory_space<vmem>>
      %dma_start3A_190 = arith.constant 0 : i32
      %dma_start3A_191 = tpu.memref_slice %arg7[%add3A_184, %dma_start3A_190] : memref<80x128xi32, #tpu.memory_space<vmem>> -> memref<1x128xi32, #tpu.memory_space<vmem>>
      %dma_start3A_192 = tpu.memref_squeeze %dma_start3A_191 : memref<1x128xi32, #tpu.memory_space<vmem>> -> memref<128xi32, #tpu.memory_space<vmem>>
      %dma_start3A_193 = arith.constant 0 : i32
      %dma_start3A_194 = arith.constant 0 : i32
      %dma_start3A_195 = tpu.memref_slice %arg2[%dma_start3A_193, %dma_start3A_194] : memref<20480x128xf32, #tpu.memory_space<hbm>> -> memref<20480x128xf32, #tpu.memory_space<hbm>>
      tpu.enqueue_indirect_dma source(%dma_start3A_195 : memref<20480x128xf32, #tpu.memory_space<hbm>>) target(%dma_start3A_189 : memref<128x128xf32, #tpu.memory_space<vmem>>) offsets(%dma_start3A_192 : memref<128xi32, #tpu.memory_space<vmem>>) semaphore(%arg15 : memref<!tpu.dma_semaphore, #tpu.memory_space<semaphore_mem>>)
      %dma_wait3A = arith.constant 0 : i32
      %dma_wait3A_196 = arith.constant 0 : i32
      %dma_wait3A_197 = arith.constant 0 : i32
      %dma_wait3A_198 = tpu.memref_slice %arg10[%dma_wait3A, %dma_wait3A_196, %dma_wait3A_197] : memref<4x128x128xf32, #tpu.memory_space<vmem>> -> memref<1x128x128xf32, #tpu.memory_space<vmem>>
      %dma_wait3A_199 = tpu.memref_squeeze %dma_wait3A_198 : memref<1x128x128xf32, #tpu.memory_space<vmem>> -> memref<128x128xf32, #tpu.memory_space<vmem>>
      %dma_wait3A_200 = arith.constant 0 : i32
      %dma_wait3A_201 = tpu.memref_slice %arg7[%add3A_140, %dma_wait3A_200] : memref<80x128xi32, #tpu.memory_space<vmem>> -> memref<1x128xi32, #tpu.memory_space<vmem>>
      %dma_wait3A_202 = tpu.memref_squeeze %dma_wait3A_201 : memref<1x128xi32, #tpu.memory_space<vmem>> -> memref<128xi32, #tpu.memory_space<vmem>>
      %dma_wait3A_203 = arith.constant 0 : i32
      %dma_wait3A_204 = arith.constant 0 : i32
      %dma_wait3A_205 = tpu.memref_slice %arg2[%dma_wait3A_203, %dma_wait3A_204] : memref<20480x128xf32, #tpu.memory_space<hbm>> -> memref<20480x128xf32, #tpu.memory_space<hbm>>
      tpu.wait_indirect_dma semaphore(%arg12 : memref<!tpu.dma_semaphore, #tpu.memory_space<semaphore_mem>>) src(%dma_wait3A_205 : memref<20480x128xf32, #tpu.memory_space<hbm>>) dst(%dma_wait3A_199 : memref<128x128xf32, #tpu.memory_space<vmem>>)
      %dma_wait3A_206 = arith.constant 1 : i32
      %dma_wait3A_207 = arith.constant 0 : i32
      %dma_wait3A_208 = arith.constant 0 : i32
      %dma_wait3A_209 = tpu.memref_slice %arg10[%dma_wait3A_206, %dma_wait3A_207, %dma_wait3A_208] : memref<4x128x128xf32, #tpu.memory_space<vmem>> -> memref<1x128x128xf32, #tpu.memory_space<vmem>>
      %dma_wait3A_210 = tpu.memref_squeeze %dma_wait3A_209 : memref<1x128x128xf32, #tpu.memory_space<vmem>> -> memref<128x128xf32, #tpu.memory_space<vmem>>
      %dma_wait3A_211 = arith.constant 0 : i32
      %dma_wait3A_212 = tpu.memref_slice %arg7[%add3A_154, %dma_wait3A_211] : memref<80x128xi32, #tpu.memory_space<vmem>> -> memref<1x128xi32, #tpu.memory_space<vmem>>
      %dma_wait3A_213 = tpu.memref_squeeze %dma_wait3A_212 : memref<1x128xi32, #tpu.memory_space<vmem>> -> memref<128xi32, #tpu.memory_space<vmem>>
      %dma_wait3A_214 = arith.constant 0 : i32
      %dma_wait3A_215 = arith.constant 0 : i32
      %dma_wait3A_216 = tpu.memref_slice %arg2[%dma_wait3A_214, %dma_wait3A_215] : memref<20480x128xf32, #tpu.memory_space<hbm>> -> memref<20480x128xf32, #tpu.memory_space<hbm>>
      tpu.wait_indirect_dma semaphore(%arg13 : memref<!tpu.dma_semaphore, #tpu.memory_space<semaphore_mem>>) src(%dma_wait3A_216 : memref<20480x128xf32, #tpu.memory_space<hbm>>) dst(%dma_wait3A_210 : memref<128x128xf32, #tpu.memory_space<vmem>>)
      %dma_wait3A_217 = arith.constant 2 : i32
      %dma_wait3A_218 = arith.constant 0 : i32
      %dma_wait3A_219 = arith.constant 0 : i32
      %dma_wait3A_220 = tpu.memref_slice %arg10[%dma_wait3A_217, %dma_wait3A_218, %dma_wait3A_219] : memref<4x128x128xf32, #tpu.memory_space<vmem>> -> memref<1x128x128xf32, #tpu.memory_space<vmem>>
      %dma_wait3A_221 = tpu.memref_squeeze %dma_wait3A_220 : memref<1x128x128xf32, #tpu.memory_space<vmem>> -> memref<128x128xf32, #tpu.memory_space<vmem>>
      %dma_wait3A_222 = arith.constant 0 : i32
      %dma_wait3A_223 = tpu.memref_slice %arg7[%add3A_169, %dma_wait3A_222] : memref<80x128xi32, #tpu.memory_space<vmem>> -> memref<1x128xi32, #tpu.memory_space<vmem>>
      %dma_wait3A_224 = tpu.memref_squeeze %dma_wait3A_223 : memref<1x128xi32, #tpu.memory_space<vmem>> -> memref<128xi32, #tpu.memory_space<vmem>>
      %dma_wait3A_225 = arith.constant 0 : i32
      %dma_wait3A_226 = arith.constant 0 : i32
      %dma_wait3A_227 = tpu.memref_slice %arg2[%dma_wait3A_225, %dma_wait3A_226] : memref<20480x128xf32, #tpu.memory_space<hbm>> -> memref<20480x128xf32, #tpu.memory_space<hbm>>
      tpu.wait_indirect_dma semaphore(%arg14 : memref<!tpu.dma_semaphore, #tpu.memory_space<semaphore_mem>>) src(%dma_wait3A_227 : memref<20480x128xf32, #tpu.memory_space<hbm>>) dst(%dma_wait3A_221 : memref<128x128xf32, #tpu.memory_space<vmem>>)
      %dma_wait3A_228 = arith.constant 3 : i32
      %dma_wait3A_229 = arith.constant 0 : i32
      %dma_wait3A_230 = arith.constant 0 : i32
      %dma_wait3A_231 = tpu.memref_slice %arg10[%dma_wait3A_228, %dma_wait3A_229, %dma_wait3A_230] : memref<4x128x128xf32, #tpu.memory_space<vmem>> -> memref<1x128x128xf32, #tpu.memory_space<vmem>>
      %dma_wait3A_232 = tpu.memref_squeeze %dma_wait3A_231 : memref<1x128x128xf32, #tpu.memory_space<vmem>> -> memref<128x128xf32, #tpu.memory_space<vmem>>
      %dma_wait3A_233 = arith.constant 0 : i32
      %dma_wait3A_234 = tpu.memref_slice %arg7[%add3A_184, %dma_wait3A_233] : memref<80x128xi32, #tpu.memory_space<vmem>> -> memref<1x128xi32, #tpu.memory_space<vmem>>
      %dma_wait3A_235 = tpu.memref_squeeze %dma_wait3A_234 : memref<1x128xi32, #tpu.memory_space<vmem>> -> memref<128xi32, #tpu.memory_space<vmem>>
      %dma_wait3A_236 = arith.constant 0 : i32
      %dma_wait3A_237 = arith.constant 0 : i32
      %dma_wait3A_238 = tpu.memref_slice %arg2[%dma_wait3A_236, %dma_wait3A_237] : memref<20480x128xf32, #tpu.memory_space<hbm>> -> memref<20480x128xf32, #tpu.memory_space<hbm>>
      tpu.wait_indirect_dma semaphore(%arg15 : memref<!tpu.dma_semaphore, #tpu.memory_space<semaphore_mem>>) src(%dma_wait3A_238 : memref<20480x128xf32, #tpu.memory_space<hbm>>) dst(%dma_wait3A_232 : memref<128x128xf32, #tpu.memory_space<vmem>>)
      %mul3A_239 = arith.constant 4 : i32
      %mul3A_240 = arith.muli %mul3A_239, %scan3A_136 : i32
      %add3A_241 = arith.constant 0 : i32
      %add3A_242 = arith.addi %mul3A_240, %add3A_241 : i32
      %run_scoped3A = arith.constant 0 : i32
      "tpu.region"() ({
        %run_scoped3A_258 = tpu.sem_alloc : memref<!tpu.dma_semaphore, #tpu.memory_space<semaphore_mem>>
        %dma_start3A_259 = arith.constant 0 : i32
        %dma_start3A_260 = arith.constant 0 : i32
        %dma_start3A_261 = tpu.memref_slice %arg10[%run_scoped3A, %dma_start3A_259, %dma_start3A_260] : memref<4x128x128xf32, #tpu.memory_space<vmem>> -> memref<1x128x128xf32, #tpu.memory_space<vmem>>
        %dma_start3A_262 = tpu.memref_squeeze %dma_start3A_261 : memref<1x128x128xf32, #tpu.memory_space<vmem>> -> memref<128x128xf32, #tpu.memory_space<vmem>>
        %dma_start3A_263 = arith.constant 0 : i32
        %dma_start3A_264 = tpu.memref_slice %arg9[%add3A_242, %dma_start3A_263] : memref<80x128xi32, #tpu.memory_space<vmem>> -> memref<1x128xi32, #tpu.memory_space<vmem>>
        %dma_start3A_265 = tpu.memref_squeeze %dma_start3A_264 : memref<1x128xi32, #tpu.memory_space<vmem>> -> memref<128xi32, #tpu.memory_space<vmem>>
        %dma_start3A_266 = arith.constant 0 : i32
        %dma_start3A_267 = arith.constant 0 : i32
        %dma_start3A_268 = tpu.memref_slice %arg11[%dma_start3A_266, %dma_start3A_267] : memref<2576x128xf32, #tpu.memory_space<vmem_shared>> -> memref<2576x128xf32, #tpu.memory_space<vmem_shared>>
        tpu.enqueue_indirect_dma source(%dma_start3A_262 : memref<128x128xf32, #tpu.memory_space<vmem>>) target(%dma_start3A_268 : memref<2576x128xf32, #tpu.memory_space<vmem_shared>>) offsets(%dma_start3A_265 : memref<128xi32, #tpu.memory_space<vmem>>) semaphore(%run_scoped3A_258 : memref<!tpu.dma_semaphore, #tpu.memory_space<semaphore_mem>>) {add = true}
        %dma_wait3A_269 = arith.constant 0 : i32
        %dma_wait3A_270 = arith.constant 0 : i32
        %dma_wait3A_271 = tpu.memref_slice %arg10[%run_scoped3A, %dma_wait3A_269, %dma_wait3A_270] : memref<4x128x128xf32, #tpu.memory_space<vmem>> -> memref<1x128x128xf32, #tpu.memory_space<vmem>>
        %dma_wait3A_272 = tpu.memref_squeeze %dma_wait3A_271 : memref<1x128x128xf32, #tpu.memory_space<vmem>> -> memref<128x128xf32, #tpu.memory_space<vmem>>
        %dma_wait3A_273 = arith.constant 0 : i32
        %dma_wait3A_274 = tpu.memref_slice %arg9[%add3A_242, %dma_wait3A_273] : memref<80x128xi32, #tpu.memory_space<vmem>> -> memref<1x128xi32, #tpu.memory_space<vmem>>
        %dma_wait3A_275 = tpu.memref_squeeze %dma_wait3A_274 : memref<1x128xi32, #tpu.memory_space<vmem>> -> memref<128xi32, #tpu.memory_space<vmem>>
        %dma_wait3A_276 = arith.constant 0 : i32
        %dma_wait3A_277 = arith.constant 0 : i32
        %dma_wait3A_278 = tpu.memref_slice %arg11[%dma_wait3A_276, %dma_wait3A_277] : memref<2576x128xf32, #tpu.memory_space<vmem_shared>> -> memref<2576x128xf32, #tpu.memory_space<vmem_shared>>
        tpu.wait_indirect_dma semaphore(%run_scoped3A_258 : memref<!tpu.dma_semaphore, #tpu.memory_space<semaphore_mem>>) src(%dma_wait3A_272 : memref<128x128xf32, #tpu.memory_space<vmem>>) dst(%dma_wait3A_278 : memref<2576x128xf32, #tpu.memory_space<vmem_shared>>)
        tpu.yield
      }) : () -> ()
      %mul3A_243 = arith.constant 4 : i32
      %mul3A_244 = arith.muli %mul3A_243, %scan3A_136 : i32
      %add3A_245 = arith.constant 1 : i32
      %add3A_246 = arith.addi %mul3A_244, %add3A_245 : i32
      %run_scoped3A_247 = arith.constant 1 : i32
      "tpu.region"() ({
        %run_scoped3A_258 = tpu.sem_alloc : memref<!tpu.dma_semaphore, #tpu.memory_space<semaphore_mem>>
        %dma_start3A_259 = arith.constant 0 : i32
        %dma_start3A_260 = arith.constant 0 : i32
        %dma_start3A_261 = tpu.memref_slice %arg10[%run_scoped3A_247, %dma_start3A_259, %dma_start3A_260] : memref<4x128x128xf32, #tpu.memory_space<vmem>> -> memref<1x128x128xf32, #tpu.memory_space<vmem>>
        %dma_start3A_262 = tpu.memref_squeeze %dma_start3A_261 : memref<1x128x128xf32, #tpu.memory_space<vmem>> -> memref<128x128xf32, #tpu.memory_space<vmem>>
        %dma_start3A_263 = arith.constant 0 : i32
        %dma_start3A_264 = tpu.memref_slice %arg9[%add3A_246, %dma_start3A_263] : memref<80x128xi32, #tpu.memory_space<vmem>> -> memref<1x128xi32, #tpu.memory_space<vmem>>
        %dma_start3A_265 = tpu.memref_squeeze %dma_start3A_264 : memref<1x128xi32, #tpu.memory_space<vmem>> -> memref<128xi32, #tpu.memory_space<vmem>>
        %dma_start3A_266 = arith.constant 0 : i32
        %dma_start3A_267 = arith.constant 0 : i32
        %dma_start3A_268 = tpu.memref_slice %arg11[%dma_start3A_266, %dma_start3A_267] : memref<2576x128xf32, #tpu.memory_space<vmem_shared>> -> memref<2576x128xf32, #tpu.memory_space<vmem_shared>>
        tpu.enqueue_indirect_dma source(%dma_start3A_262 : memref<128x128xf32, #tpu.memory_space<vmem>>) target(%dma_start3A_268 : memref<2576x128xf32, #tpu.memory_space<vmem_shared>>) offsets(%dma_start3A_265 : memref<128xi32, #tpu.memory_space<vmem>>) semaphore(%run_scoped3A_258 : memref<!tpu.dma_semaphore, #tpu.memory_space<semaphore_mem>>) {add = true}
        %dma_wait3A_269 = arith.constant 0 : i32
        %dma_wait3A_270 = arith.constant 0 : i32
        %dma_wait3A_271 = tpu.memref_slice %arg10[%run_scoped3A_247, %dma_wait3A_269, %dma_wait3A_270] : memref<4x128x128xf32, #tpu.memory_space<vmem>> -> memref<1x128x128xf32, #tpu.memory_space<vmem>>
        %dma_wait3A_272 = tpu.memref_squeeze %dma_wait3A_271 : memref<1x128x128xf32, #tpu.memory_space<vmem>> -> memref<128x128xf32, #tpu.memory_space<vmem>>
        %dma_wait3A_273 = arith.constant 0 : i32
        %dma_wait3A_274 = tpu.memref_slice %arg9[%add3A_246, %dma_wait3A_273] : memref<80x128xi32, #tpu.memory_space<vmem>> -> memref<1x128xi32, #tpu.memory_space<vmem>>
        %dma_wait3A_275 = tpu.memref_squeeze %dma_wait3A_274 : memref<1x128xi32, #tpu.memory_space<vmem>> -> memref<128xi32, #tpu.memory_space<vmem>>
        %dma_wait3A_276 = arith.constant 0 : i32
        %dma_wait3A_277 = arith.constant 0 : i32
        %dma_wait3A_278 = tpu.memref_slice %arg11[%dma_wait3A_276, %dma_wait3A_277] : memref<2576x128xf32, #tpu.memory_space<vmem_shared>> -> memref<2576x128xf32, #tpu.memory_space<vmem_shared>>
        tpu.wait_indirect_dma semaphore(%run_scoped3A_258 : memref<!tpu.dma_semaphore, #tpu.memory_space<semaphore_mem>>) src(%dma_wait3A_272 : memref<128x128xf32, #tpu.memory_space<vmem>>) dst(%dma_wait3A_278 : memref<2576x128xf32, #tpu.memory_space<vmem_shared>>)
        tpu.yield
      }) : () -> ()
      %mul3A_248 = arith.constant 4 : i32
      %mul3A_249 = arith.muli %mul3A_248, %scan3A_136 : i32
      %add3A_250 = arith.constant 2 : i32
      %add3A_251 = arith.addi %mul3A_249, %add3A_250 : i32
      %run_scoped3A_252 = arith.constant 2 : i32
      "tpu.region"() ({
        %run_scoped3A_258 = tpu.sem_alloc : memref<!tpu.dma_semaphore, #tpu.memory_space<semaphore_mem>>
        %dma_start3A_259 = arith.constant 0 : i32
        %dma_start3A_260 = arith.constant 0 : i32
        %dma_start3A_261 = tpu.memref_slice %arg10[%run_scoped3A_252, %dma_start3A_259, %dma_start3A_260] : memref<4x128x128xf32, #tpu.memory_space<vmem>> -> memref<1x128x128xf32, #tpu.memory_space<vmem>>
        %dma_start3A_262 = tpu.memref_squeeze %dma_start3A_261 : memref<1x128x128xf32, #tpu.memory_space<vmem>> -> memref<128x128xf32, #tpu.memory_space<vmem>>
        %dma_start3A_263 = arith.constant 0 : i32
        %dma_start3A_264 = tpu.memref_slice %arg9[%add3A_251, %dma_start3A_263] : memref<80x128xi32, #tpu.memory_space<vmem>> -> memref<1x128xi32, #tpu.memory_space<vmem>>
        %dma_start3A_265 = tpu.memref_squeeze %dma_start3A_264 : memref<1x128xi32, #tpu.memory_space<vmem>> -> memref<128xi32, #tpu.memory_space<vmem>>
        %dma_start3A_266 = arith.constant 0 : i32
        %dma_start3A_267 = arith.constant 0 : i32
        %dma_start3A_268 = tpu.memref_slice %arg11[%dma_start3A_266, %dma_start3A_267] : memref<2576x128xf32, #tpu.memory_space<vmem_shared>> -> memref<2576x128xf32, #tpu.memory_space<vmem_shared>>
        tpu.enqueue_indirect_dma source(%dma_start3A_262 : memref<128x128xf32, #tpu.memory_space<vmem>>) target(%dma_start3A_268 : memref<2576x128xf32, #tpu.memory_space<vmem_shared>>) offsets(%dma_start3A_265 : memref<128xi32, #tpu.memory_space<vmem>>) semaphore(%run_scoped3A_258 : memref<!tpu.dma_semaphore, #tpu.memory_space<semaphore_mem>>) {add = true}
        %dma_wait3A_269 = arith.constant 0 : i32
        %dma_wait3A_270 = arith.constant 0 : i32
        %dma_wait3A_271 = tpu.memref_slice %arg10[%run_scoped3A_252, %dma_wait3A_269, %dma_wait3A_270] : memref<4x128x128xf32, #tpu.memory_space<vmem>> -> memref<1x128x128xf32, #tpu.memory_space<vmem>>
        %dma_wait3A_272 = tpu.memref_squeeze %dma_wait3A_271 : memref<1x128x128xf32, #tpu.memory_space<vmem>> -> memref<128x128xf32, #tpu.memory_space<vmem>>
        %dma_wait3A_273 = arith.constant 0 : i32
        %dma_wait3A_274 = tpu.memref_slice %arg9[%add3A_251, %dma_wait3A_273] : memref<80x128xi32, #tpu.memory_space<vmem>> -> memref<1x128xi32, #tpu.memory_space<vmem>>
        %dma_wait3A_275 = tpu.memref_squeeze %dma_wait3A_274 : memref<1x128xi32, #tpu.memory_space<vmem>> -> memref<128xi32, #tpu.memory_space<vmem>>
        %dma_wait3A_276 = arith.constant 0 : i32
        %dma_wait3A_277 = arith.constant 0 : i32
        %dma_wait3A_278 = tpu.memref_slice %arg11[%dma_wait3A_276, %dma_wait3A_277] : memref<2576x128xf32, #tpu.memory_space<vmem_shared>> -> memref<2576x128xf32, #tpu.memory_space<vmem_shared>>
        tpu.wait_indirect_dma semaphore(%run_scoped3A_258 : memref<!tpu.dma_semaphore, #tpu.memory_space<semaphore_mem>>) src(%dma_wait3A_272 : memref<128x128xf32, #tpu.memory_space<vmem>>) dst(%dma_wait3A_278 : memref<2576x128xf32, #tpu.memory_space<vmem_shared>>)
        tpu.yield
      }) : () -> ()
      %mul3A_253 = arith.constant 4 : i32
      %mul3A_254 = arith.muli %mul3A_253, %scan3A_136 : i32
      %add3A_255 = arith.constant 3 : i32
      %add3A_256 = arith.addi %mul3A_254, %add3A_255 : i32
      %run_scoped3A_257 = arith.constant 3 : i32
      "tpu.region"() ({
        %run_scoped3A_258 = tpu.sem_alloc : memref<!tpu.dma_semaphore, #tpu.memory_space<semaphore_mem>>
        %dma_start3A_259 = arith.constant 0 : i32
        %dma_start3A_260 = arith.constant 0 : i32
        %dma_start3A_261 = tpu.memref_slice %arg10[%run_scoped3A_257, %dma_start3A_259, %dma_start3A_260] : memref<4x128x128xf32, #tpu.memory_space<vmem>> -> memref<1x128x128xf32, #tpu.memory_space<vmem>>
        %dma_start3A_262 = tpu.memref_squeeze %dma_start3A_261 : memref<1x128x128xf32, #tpu.memory_space<vmem>> -> memref<128x128xf32, #tpu.memory_space<vmem>>
        %dma_start3A_263 = arith.constant 0 : i32
        %dma_start3A_264 = tpu.memref_slice %arg9[%add3A_256, %dma_start3A_263] : memref<80x128xi32, #tpu.memory_space<vmem>> -> memref<1x128xi32, #tpu.memory_space<vmem>>
        %dma_start3A_265 = tpu.memref_squeeze %dma_start3A_264 : memref<1x128xi32, #tpu.memory_space<vmem>> -> memref<128xi32, #tpu.memory_space<vmem>>
        %dma_start3A_266 = arith.constant 0 : i32
        %dma_start3A_267 = arith.constant 0 : i32
        %dma_start3A_268 = tpu.memref_slice %arg11[%dma_start3A_266, %dma_start3A_267] : memref<2576x128xf32, #tpu.memory_space<vmem_shared>> -> memref<2576x128xf32, #tpu.memory_space<vmem_shared>>
        tpu.enqueue_indirect_dma source(%dma_start3A_262 : memref<128x128xf32, #tpu.memory_space<vmem>>) target(%dma_start3A_268 : memref<2576x128xf32, #tpu.memory_space<vmem_shared>>) offsets(%dma_start3A_265 : memref<128xi32, #tpu.memory_space<vmem>>) semaphore(%run_scoped3A_258 : memref<!tpu.dma_semaphore, #tpu.memory_space<semaphore_mem>>) {add = true}
        %dma_wait3A_269 = arith.constant 0 : i32
        %dma_wait3A_270 = arith.constant 0 : i32
        %dma_wait3A_271 = tpu.memref_slice %arg10[%run_scoped3A_257, %dma_wait3A_269, %dma_wait3A_270] : memref<4x128x128xf32, #tpu.memory_space<vmem>> -> memref<1x128x128xf32, #tpu.memory_space<vmem>>
        %dma_wait3A_272 = tpu.memref_squeeze %dma_wait3A_271 : memref<1x128x128xf32, #tpu.memory_space<vmem>> -> memref<128x128xf32, #tpu.memory_space<vmem>>
        %dma_wait3A_273 = arith.constant 0 : i32
        %dma_wait3A_274 = tpu.memref_slice %arg9[%add3A_256, %dma_wait3A_273] : memref<80x128xi32, #tpu.memory_space<vmem>> -> memref<1x128xi32, #tpu.memory_space<vmem>>
        %dma_wait3A_275 = tpu.memref_squeeze %dma_wait3A_274 : memref<1x128xi32, #tpu.memory_space<vmem>> -> memref<128xi32, #tpu.memory_space<vmem>>
        %dma_wait3A_276 = arith.constant 0 : i32
        %dma_wait3A_277 = arith.constant 0 : i32
        %dma_wait3A_278 = tpu.memref_slice %arg11[%dma_wait3A_276, %dma_wait3A_277] : memref<2576x128xf32, #tpu.memory_space<vmem_shared>> -> memref<2576x128xf32, #tpu.memory_space<vmem_shared>>
        tpu.wait_indirect_dma semaphore(%run_scoped3A_258 : memref<!tpu.dma_semaphore, #tpu.memory_space<semaphore_mem>>) src(%dma_wait3A_272 : memref<128x128xf32, #tpu.memory_space<vmem>>) dst(%dma_wait3A_278 : memref<2576x128xf32, #tpu.memory_space<vmem_shared>>)
        tpu.yield
      }) : () -> ()
    }
    %scan3A_90 = arith.constant 20 : i32
    %barrier3A_91 = arith.constant 0 : index
    tpu.barrier barrier_id(%barrier3A_91)
    %mul3A_92 = arith.constant 160 : i32
    %mul3A_93 = arith.muli %arg1, %mul3A_92 : i32
    %mul3A_94 = arith.constant 10240 : i32
    %mul3A_95 = arith.muli %arg0, %mul3A_94 : i32
    %add3A_96 = arith.constant 5120 : i32
    %add3A_97 = arith.addi %mul3A_95, %add3A_96 : i32
    %mul3A_98 = arith.constant 160 : i32
    %mul3A_99 = arith.muli %arg1, %mul3A_98 : i32
    %add3A_100 = arith.addi %add3A_97, %mul3A_99 : i32
    "tpu.region"() ({
      %run_scoped3A = tpu.sem_alloc : memref<!tpu.dma_semaphore, #tpu.memory_space<semaphore_mem>>
      %dma_start3A = arith.constant 0 : i32
      %dma_start3A_136 = tpu.memref_slice %arg6[%add3A_100, %dma_start3A] : memref<20480x128xf32, #tpu.memory_space<hbm>> -> memref<160x128xf32, #tpu.memory_space<hbm>>
      %dma_start3A_137 = arith.constant 0 : i32
      %dma_start3A_138 = tpu.memref_slice %arg11[%mul3A_93, %dma_start3A_137] : memref<2576x128xf32, #tpu.memory_space<vmem_shared>> -> memref<160x128xf32, #tpu.memory_space<vmem_shared>>
      tpu.enqueue_dma source(%dma_start3A_138 : memref<160x128xf32, #tpu.memory_space<vmem_shared>>) target(%dma_start3A_136 : memref<160x128xf32, #tpu.memory_space<hbm>>) target_semaphore(%run_scoped3A : memref<!tpu.dma_semaphore, #tpu.memory_space<semaphore_mem>>)
      %dma_wait3A = arith.constant 0 : i32
      %dma_wait3A_139 = tpu.memref_slice %arg6[%add3A_100, %dma_wait3A] : memref<20480x128xf32, #tpu.memory_space<hbm>> -> memref<160x128xf32, #tpu.memory_space<hbm>>
      %dma_wait3A_140 = arith.constant 0 : i32
      %dma_wait3A_141 = tpu.memref_slice %arg11[%mul3A_93, %dma_wait3A_140] : memref<2576x128xf32, #tpu.memory_space<vmem_shared>> -> memref<160x128xf32, #tpu.memory_space<vmem_shared>>
      tpu.wait_dma2 semaphore(%run_scoped3A : memref<!tpu.dma_semaphore, #tpu.memory_space<semaphore_mem>>) src(%dma_wait3A_141 : memref<160x128xf32, #tpu.memory_space<vmem_shared>>) dst(%dma_wait3A_139 : memref<160x128xf32, #tpu.memory_space<hbm>>)
      tpu.yield
    }) : () -> ()
    %barrier3A_101 = arith.constant 0 : index
    tpu.barrier barrier_id(%barrier3A_101)
    %iota3A_102 = tpu.iota {dimensions = array<i32: 0>} : vector<16xi32>
    %add3A_103 = arith.constant 2560 : i32
    %add3A_104 = vector.broadcast %add3A_103 : i32 to vector<16xi32>
    %add3A_105 = arith.addi %add3A_104, %iota3A_102 : vector<16xi32>
    %scan3A_106 = arith.constant 0 : i32
    %scan3A_107 = arith.constant 640 : i32
    %scan3A_108 = arith.addi %scan3A_106, %scan3A_107 : i32
    %scan3A_109 = arith.constant 1 : i32
    scf.for %scan3A_136 = %scan3A_106 to %scan3A_108 step %scan3A_109  : i32 {
      %jit3A = arith.constant 8 : i32
      %div3A = arith.divsi %scan3A_136, %jit3A : i32
      %sign3A = arith.constant 0 : i32
      %sign3A_137 = arith.cmpi sgt, %scan3A_136, %sign3A : i32
      %sign3A_138 = arith.extui %sign3A_137 : i1 to i32
      %sign3A_139 = arith.constant 0 : i32
      %sign3A_140 = arith.cmpi slt, %scan3A_136, %sign3A_139 : i32
      %sign3A_141 = arith.extui %sign3A_140 : i1 to i32
      %sign3A_142 = arith.subi %sign3A_138, %sign3A_141 : i32
      %sign3A_143 = arith.constant 0 : i32
      %sign3A_144 = arith.cmpi sgt, %jit3A, %sign3A_143 : i32
      %sign3A_145 = arith.extui %sign3A_144 : i1 to i32
      %sign3A_146 = arith.constant 0 : i32
      %sign3A_147 = arith.cmpi slt, %jit3A, %sign3A_146 : i32
      %sign3A_148 = arith.extui %sign3A_147 : i1 to i32
      %sign3A_149 = arith.subi %sign3A_145, %sign3A_148 : i32
      %ne3A = arith.cmpi ne, %sign3A_142, %sign3A_149 : i32
      %rem3A = arith.remsi %scan3A_136, %jit3A : i32
      %ne3A_150 = arith.constant 0 : i32
      %ne3A_151 = arith.cmpi ne, %rem3A, %ne3A_150 : i32
      %and3A = arith.andi %ne3A, %ne3A_151 : i1
      %sub3A = arith.constant 1 : i32
      %sub3A_152 = arith.subi %div3A, %sub3A : i32
      %select_n3A = arith.select %and3A, %sub3A_152, %div3A : i32
      %jit3A_153 = arith.constant 8 : i32
      %eq3A_154 = arith.constant 0 : i32
      %eq3A_155 = arith.cmpi eq, %jit3A_153, %eq3A_154 : i32
      %jit3A_156 = arith.constant 1 : i32
      %select_n3A_157 = arith.select %eq3A_155, %jit3A_156, %jit3A_153 : i32
      %rem3A_158 = arith.remsi %scan3A_136, %select_n3A_157 : i32
      %ne3A_159 = arith.constant 0 : i32
      %ne3A_160 = arith.cmpi ne, %rem3A_158, %ne3A_159 : i32
      %lt3A = arith.constant 0 : i32
      %lt3A_161 = arith.cmpi slt, %rem3A_158, %lt3A : i32
      %lt3A_162 = arith.constant 0 : i32
      %lt3A_163 = arith.cmpi slt, %select_n3A_157, %lt3A_162 : i32
      %ne3A_164 = arith.xori %lt3A_161, %lt3A_163 : i1
      %and3A_165 = arith.andi %ne3A_164, %ne3A_160 : i1
      %add3A_166 = arith.addi %rem3A_158, %select_n3A_157 : i32
      %select_n3A_167 = arith.select %and3A_165, %add3A_166, %rem3A_158 : i32
      %mul3A_168 = arith.constant 16 : i32
      %mul3A_169 = arith.muli %select_n3A_167, %mul3A_168 : i32
      %get3A = arith.index_cast %select_n3A : i32 to index
      %get3A_170 = arith.index_cast %mul3A_169 : i32 to index
      %get3A_171 = tpu.vector_load %arg8[%get3A, %get3A_170] {strides = array<i32>} : memref<80x128xi32, #tpu.memory_space<vmem>>, vector<1x16xi32>,
      %get3A_172 = vector.shape_cast %get3A_171 : vector<1x16xi32> to vector<16xi32>
      %sub3A_173 = arith.constant 7680 : i32
      %sub3A_174 = vector.broadcast %sub3A_173 : i32 to vector<16xi32>
      %sub3A_175 = arith.subi %get3A_172, %sub3A_174 : vector<16xi32>
      %ge3A = arith.constant 0 : i32
      %ge3A_176 = vector.broadcast %ge3A : i32 to vector<16xi32>
      %ge3A_177 = arith.cmpi sge, %sub3A_175, %ge3A_176 : vector<16xi32>
      %lt3A_178 = arith.constant 2560 : i32
      %lt3A_179 = vector.broadcast %lt3A_178 : i32 to vector<16xi32>
      %lt3A_180 = arith.cmpi slt, %sub3A_175, %lt3A_179 : vector<16xi32>
      %and3A_181 = arith.andi %ge3A_177, %lt3A_180 : vector<16xi1>
      %select_n3A_182 = arith.select %and3A_181, %sub3A_175, %add3A_105 : vector<16xi1>, vector<16xi32>
      %swap3A = arith.index_cast %select_n3A : i32 to index
      %swap3A_183 = arith.index_cast %mul3A_169 : i32 to index
      %swap3A_184 = tpu.vector_load %arg9[%swap3A, %swap3A_183] {strides = array<i32>} : memref<80x128xi32, #tpu.memory_space<vmem>>, vector<1x16xi32>,
      %swap3A_185 = vector.shape_cast %swap3A_184 : vector<1x16xi32> to vector<16xi32>
      %swap3A_186 = vector.shape_cast %select_n3A_182 : vector<16xi32> to vector<1x16xi32>
      tpu.vector_store %arg9[%swap3A, %swap3A_183], %swap3A_186 {strides = array<i32>} : memref<80x128xi32, #tpu.memory_space<vmem>>, vector<1x16xi32>,
    }
    %scan3A_110 = arith.constant 640 : i32
    %mul3A_111 = arith.constant 160 : i32
    %mul3A_112 = arith.muli %arg1, %mul3A_111 : i32
    %mul3A_113 = arith.constant 160 : i32
    %mul3A_114 = arith.muli %arg1, %mul3A_113 : i32
    "tpu.region"() ({
      %run_scoped3A = tpu.sem_alloc : memref<!tpu.dma_semaphore, #tpu.memory_space<semaphore_mem>>
      %dma_start3A = arith.constant 0 : i32
      %dma_start3A_136 = tpu.memref_slice %arg11[%mul3A_114, %dma_start3A] : memref<2576x128xf32, #tpu.memory_space<vmem_shared>> -> memref<160x128xf32, #tpu.memory_space<vmem_shared>>
      %dma_start3A_137 = arith.constant 0 : i32
      %dma_start3A_138 = tpu.memref_slice %arg5[%mul3A_112, %dma_start3A_137] : memref<2560x128xf32, #tpu.memory_space<hbm>> -> memref<160x128xf32, #tpu.memory_space<hbm>>
      tpu.enqueue_dma source(%dma_start3A_138 : memref<160x128xf32, #tpu.memory_space<hbm>>) target(%dma_start3A_136 : memref<160x128xf32, #tpu.memory_space<vmem_shared>>) target_semaphore(%run_scoped3A : memref<!tpu.dma_semaphore, #tpu.memory_space<semaphore_mem>>)
      %dma_wait3A = arith.constant 0 : i32
      %dma_wait3A_139 = tpu.memref_slice %arg11[%mul3A_114, %dma_wait3A] : memref<2576x128xf32, #tpu.memory_space<vmem_shared>> -> memref<160x128xf32, #tpu.memory_space<vmem_shared>>
      %dma_wait3A_140 = arith.constant 0 : i32
      %dma_wait3A_141 = tpu.memref_slice %arg5[%mul3A_112, %dma_wait3A_140] : memref<2560x128xf32, #tpu.memory_space<hbm>> -> memref<160x128xf32, #tpu.memory_space<hbm>>
      tpu.wait_dma2 semaphore(%run_scoped3A : memref<!tpu.dma_semaphore, #tpu.memory_space<semaphore_mem>>) src(%dma_wait3A_141 : memref<160x128xf32, #tpu.memory_space<hbm>>) dst(%dma_wait3A_139 : memref<160x128xf32, #tpu.memory_space<vmem_shared>>)
      tpu.yield
    }) : () -> ()
    %eq3A_115 = arith.constant 0 : i32
    %eq3A_116 = arith.cmpi eq, %arg1, %eq3A_115 : i32
    %convert_element_type3A_117 = arith.extui %eq3A_116 : i1 to i32
    %cond3A_118 = arith.constant 0 : i32
    %cond3A_119 = arith.cmpi ne, %convert_element_type3A_117, %cond3A_118 : i32
    scf.if %cond3A_119 {
      "tpu.region"() ({
        %run_scoped3A = tpu.sem_alloc : memref<!tpu.dma_semaphore, #tpu.memory_space<semaphore_mem>>
        %dma_start3A = arith.constant 2560 : i32
        %dma_start3A_136 = arith.constant 0 : i32
        %dma_start3A_137 = tpu.memref_slice %arg11[%dma_start3A, %dma_start3A_136] : memref<2576x128xf32, #tpu.memory_space<vmem_shared>> -> memref<16x128xf32, #tpu.memory_space<vmem_shared>>
        %dma_start3A_138 = arith.constant 0 : i32
        %dma_start3A_139 = arith.constant 0 : i32
        %dma_start3A_140 = tpu.memref_slice %arg5[%dma_start3A_138, %dma_start3A_139] : memref<2560x128xf32, #tpu.memory_space<hbm>> -> memref<16x128xf32, #tpu.memory_space<hbm>>
        tpu.enqueue_dma source(%dma_start3A_140 : memref<16x128xf32, #tpu.memory_space<hbm>>) target(%dma_start3A_137 : memref<16x128xf32, #tpu.memory_space<vmem_shared>>) target_semaphore(%run_scoped3A : memref<!tpu.dma_semaphore, #tpu.memory_space<semaphore_mem>>)
        %dma_wait3A = arith.constant 2560 : i32
        %dma_wait3A_141 = arith.constant 0 : i32
        %dma_wait3A_142 = tpu.memref_slice %arg11[%dma_wait3A, %dma_wait3A_141] : memref<2576x128xf32, #tpu.memory_space<vmem_shared>> -> memref<16x128xf32, #tpu.memory_space<vmem_shared>>
        %dma_wait3A_143 = arith.constant 0 : i32
        %dma_wait3A_144 = arith.constant 0 : i32
        %dma_wait3A_145 = tpu.memref_slice %arg5[%dma_wait3A_143, %dma_wait3A_144] : memref<2560x128xf32, #tpu.memory_space<hbm>> -> memref<16x128xf32, #tpu.memory_space<hbm>>
        tpu.wait_dma2 semaphore(%run_scoped3A : memref<!tpu.dma_semaphore, #tpu.memory_space<semaphore_mem>>) src(%dma_wait3A_145 : memref<16x128xf32, #tpu.memory_space<hbm>>) dst(%dma_wait3A_142 : memref<16x128xf32, #tpu.memory_space<vmem_shared>>)
        tpu.yield
      }) : () -> ()
    } else {
    }
    %barrier3A_120 = arith.constant 0 : index
    tpu.barrier barrier_id(%barrier3A_120)
    %scan3A_121 = arith.constant 0 : i32
    %scan3A_122 = arith.constant 20 : i32
    %scan3A_123 = arith.addi %scan3A_121, %scan3A_122 : i32
    %scan3A_124 = arith.constant 1 : i32
    scf.for %scan3A_136 = %scan3A_121 to %scan3A_123 step %scan3A_124  : i32 {
      %mul3A_137 = arith.constant 4 : i32
      %mul3A_138 = arith.muli %mul3A_137, %scan3A_136 : i32
      %add3A_139 = arith.constant 0 : i32
      %add3A_140 = arith.addi %mul3A_138, %add3A_139 : i32
      %dma_start3A = arith.constant 0 : i32
      %dma_start3A_141 = arith.constant 0 : i32
      %dma_start3A_142 = arith.constant 0 : i32
      %dma_start3A_143 = tpu.memref_slice %arg10[%dma_start3A, %dma_start3A_141, %dma_start3A_142] : memref<4x128x128xf32, #tpu.memory_space<vmem>> -> memref<1x128x128xf32, #tpu.memory_space<vmem>>
      %dma_start3A_144 = tpu.memref_squeeze %dma_start3A_143 : memref<1x128x128xf32, #tpu.memory_space<vmem>> -> memref<128x128xf32, #tpu.memory_space<vmem>>
      %dma_start3A_145 = arith.constant 0 : i32
      %dma_start3A_146 = tpu.memref_slice %arg7[%add3A_140, %dma_start3A_145] : memref<80x128xi32, #tpu.memory_space<vmem>> -> memref<1x128xi32, #tpu.memory_space<vmem>>
      %dma_start3A_147 = tpu.memref_squeeze %dma_start3A_146 : memref<1x128xi32, #tpu.memory_space<vmem>> -> memref<128xi32, #tpu.memory_space<vmem>>
      %dma_start3A_148 = arith.constant 0 : i32
      %dma_start3A_149 = arith.constant 0 : i32
      %dma_start3A_150 = tpu.memref_slice %arg2[%dma_start3A_148, %dma_start3A_149] : memref<20480x128xf32, #tpu.memory_space<hbm>> -> memref<20480x128xf32, #tpu.memory_space<hbm>>
      tpu.enqueue_indirect_dma source(%dma_start3A_150 : memref<20480x128xf32, #tpu.memory_space<hbm>>) target(%dma_start3A_144 : memref<128x128xf32, #tpu.memory_space<vmem>>) offsets(%dma_start3A_147 : memref<128xi32, #tpu.memory_space<vmem>>) semaphore(%arg12 : memref<!tpu.dma_semaphore, #tpu.memory_space<semaphore_mem>>)
      %mul3A_151 = arith.constant 4 : i32
      %mul3A_152 = arith.muli %mul3A_151, %scan3A_136 : i32
      %add3A_153 = arith.constant 1 : i32
      %add3A_154 = arith.addi %mul3A_152, %add3A_153 : i32
      %dma_start3A_155 = arith.constant 1 : i32
      %dma_start3A_156 = arith.constant 0 : i32
      %dma_start3A_157 = arith.constant 0 : i32
      %dma_start3A_158 = tpu.memref_slice %arg10[%dma_start3A_155, %dma_start3A_156, %dma_start3A_157] : memref<4x128x128xf32, #tpu.memory_space<vmem>> -> memref<1x128x128xf32, #tpu.memory_space<vmem>>
      %dma_start3A_159 = tpu.memref_squeeze %dma_start3A_158 : memref<1x128x128xf32, #tpu.memory_space<vmem>> -> memref<128x128xf32, #tpu.memory_space<vmem>>
      %dma_start3A_160 = arith.constant 0 : i32
      %dma_start3A_161 = tpu.memref_slice %arg7[%add3A_154, %dma_start3A_160] : memref<80x128xi32, #tpu.memory_space<vmem>> -> memref<1x128xi32, #tpu.memory_space<vmem>>
      %dma_start3A_162 = tpu.memref_squeeze %dma_start3A_161 : memref<1x128xi32, #tpu.memory_space<vmem>> -> memref<128xi32, #tpu.memory_space<vmem>>
      %dma_start3A_163 = arith.constant 0 : i32
      %dma_start3A_164 = arith.constant 0 : i32
      %dma_start3A_165 = tpu.memref_slice %arg2[%dma_start3A_163, %dma_start3A_164] : memref<20480x128xf32, #tpu.memory_space<hbm>> -> memref<20480x128xf32, #tpu.memory_space<hbm>>
      tpu.enqueue_indirect_dma source(%dma_start3A_165 : memref<20480x128xf32, #tpu.memory_space<hbm>>) target(%dma_start3A_159 : memref<128x128xf32, #tpu.memory_space<vmem>>) offsets(%dma_start3A_162 : memref<128xi32, #tpu.memory_space<vmem>>) semaphore(%arg13 : memref<!tpu.dma_semaphore, #tpu.memory_space<semaphore_mem>>)
      %mul3A_166 = arith.constant 4 : i32
      %mul3A_167 = arith.muli %mul3A_166, %scan3A_136 : i32
      %add3A_168 = arith.constant 2 : i32
      %add3A_169 = arith.addi %mul3A_167, %add3A_168 : i32
      %dma_start3A_170 = arith.constant 2 : i32
      %dma_start3A_171 = arith.constant 0 : i32
      %dma_start3A_172 = arith.constant 0 : i32
      %dma_start3A_173 = tpu.memref_slice %arg10[%dma_start3A_170, %dma_start3A_171, %dma_start3A_172] : memref<4x128x128xf32, #tpu.memory_space<vmem>> -> memref<1x128x128xf32, #tpu.memory_space<vmem>>
      %dma_start3A_174 = tpu.memref_squeeze %dma_start3A_173 : memref<1x128x128xf32, #tpu.memory_space<vmem>> -> memref<128x128xf32, #tpu.memory_space<vmem>>
      %dma_start3A_175 = arith.constant 0 : i32
      %dma_start3A_176 = tpu.memref_slice %arg7[%add3A_169, %dma_start3A_175] : memref<80x128xi32, #tpu.memory_space<vmem>> -> memref<1x128xi32, #tpu.memory_space<vmem>>
      %dma_start3A_177 = tpu.memref_squeeze %dma_start3A_176 : memref<1x128xi32, #tpu.memory_space<vmem>> -> memref<128xi32, #tpu.memory_space<vmem>>
      %dma_start3A_178 = arith.constant 0 : i32
      %dma_start3A_179 = arith.constant 0 : i32
      %dma_start3A_180 = tpu.memref_slice %arg2[%dma_start3A_178, %dma_start3A_179] : memref<20480x128xf32, #tpu.memory_space<hbm>> -> memref<20480x128xf32, #tpu.memory_space<hbm>>
      tpu.enqueue_indirect_dma source(%dma_start3A_180 : memref<20480x128xf32, #tpu.memory_space<hbm>>) target(%dma_start3A_174 : memref<128x128xf32, #tpu.memory_space<vmem>>) offsets(%dma_start3A_177 : memref<128xi32, #tpu.memory_space<vmem>>) semaphore(%arg14 : memref<!tpu.dma_semaphore, #tpu.memory_space<semaphore_mem>>)
      %mul3A_181 = arith.constant 4 : i32
      %mul3A_182 = arith.muli %mul3A_181, %scan3A_136 : i32
      %add3A_183 = arith.constant 3 : i32
      %add3A_184 = arith.addi %mul3A_182, %add3A_183 : i32
      %dma_start3A_185 = arith.constant 3 : i32
      %dma_start3A_186 = arith.constant 0 : i32
      %dma_start3A_187 = arith.constant 0 : i32
      %dma_start3A_188 = tpu.memref_slice %arg10[%dma_start3A_185, %dma_start3A_186, %dma_start3A_187] : memref<4x128x128xf32, #tpu.memory_space<vmem>> -> memref<1x128x128xf32, #tpu.memory_space<vmem>>
      %dma_start3A_189 = tpu.memref_squeeze %dma_start3A_188 : memref<1x128x128xf32, #tpu.memory_space<vmem>> -> memref<128x128xf32, #tpu.memory_space<vmem>>
      %dma_start3A_190 = arith.constant 0 : i32
      %dma_start3A_191 = tpu.memref_slice %arg7[%add3A_184, %dma_start3A_190] : memref<80x128xi32, #tpu.memory_space<vmem>> -> memref<1x128xi32, #tpu.memory_space<vmem>>
      %dma_start3A_192 = tpu.memref_squeeze %dma_start3A_191 : memref<1x128xi32, #tpu.memory_space<vmem>> -> memref<128xi32, #tpu.memory_space<vmem>>
      %dma_start3A_193 = arith.constant 0 : i32
      %dma_start3A_194 = arith.constant 0 : i32
      %dma_start3A_195 = tpu.memref_slice %arg2[%dma_start3A_193, %dma_start3A_194] : memref<20480x128xf32, #tpu.memory_space<hbm>> -> memref<20480x128xf32, #tpu.memory_space<hbm>>
      tpu.enqueue_indirect_dma source(%dma_start3A_195 : memref<20480x128xf32, #tpu.memory_space<hbm>>) target(%dma_start3A_189 : memref<128x128xf32, #tpu.memory_space<vmem>>) offsets(%dma_start3A_192 : memref<128xi32, #tpu.memory_space<vmem>>) semaphore(%arg15 : memref<!tpu.dma_semaphore, #tpu.memory_space<semaphore_mem>>)
      %dma_wait3A = arith.constant 0 : i32
      %dma_wait3A_196 = arith.constant 0 : i32
      %dma_wait3A_197 = arith.constant 0 : i32
      %dma_wait3A_198 = tpu.memref_slice %arg10[%dma_wait3A, %dma_wait3A_196, %dma_wait3A_197] : memref<4x128x128xf32, #tpu.memory_space<vmem>> -> memref<1x128x128xf32, #tpu.memory_space<vmem>>
      %dma_wait3A_199 = tpu.memref_squeeze %dma_wait3A_198 : memref<1x128x128xf32, #tpu.memory_space<vmem>> -> memref<128x128xf32, #tpu.memory_space<vmem>>
      %dma_wait3A_200 = arith.constant 0 : i32
      %dma_wait3A_201 = tpu.memref_slice %arg7[%add3A_140, %dma_wait3A_200] : memref<80x128xi32, #tpu.memory_space<vmem>> -> memref<1x128xi32, #tpu.memory_space<vmem>>
      %dma_wait3A_202 = tpu.memref_squeeze %dma_wait3A_201 : memref<1x128xi32, #tpu.memory_space<vmem>> -> memref<128xi32, #tpu.memory_space<vmem>>
      %dma_wait3A_203 = arith.constant 0 : i32
      %dma_wait3A_204 = arith.constant 0 : i32
      %dma_wait3A_205 = tpu.memref_slice %arg2[%dma_wait3A_203, %dma_wait3A_204] : memref<20480x128xf32, #tpu.memory_space<hbm>> -> memref<20480x128xf32, #tpu.memory_space<hbm>>
      tpu.wait_indirect_dma semaphore(%arg12 : memref<!tpu.dma_semaphore, #tpu.memory_space<semaphore_mem>>) src(%dma_wait3A_205 : memref<20480x128xf32, #tpu.memory_space<hbm>>) dst(%dma_wait3A_199 : memref<128x128xf32, #tpu.memory_space<vmem>>)
      %dma_wait3A_206 = arith.constant 1 : i32
      %dma_wait3A_207 = arith.constant 0 : i32
      %dma_wait3A_208 = arith.constant 0 : i32
      %dma_wait3A_209 = tpu.memref_slice %arg10[%dma_wait3A_206, %dma_wait3A_207, %dma_wait3A_208] : memref<4x128x128xf32, #tpu.memory_space<vmem>> -> memref<1x128x128xf32, #tpu.memory_space<vmem>>
      %dma_wait3A_210 = tpu.memref_squeeze %dma_wait3A_209 : memref<1x128x128xf32, #tpu.memory_space<vmem>> -> memref<128x128xf32, #tpu.memory_space<vmem>>
      %dma_wait3A_211 = arith.constant 0 : i32
      %dma_wait3A_212 = tpu.memref_slice %arg7[%add3A_154, %dma_wait3A_211] : memref<80x128xi32, #tpu.memory_space<vmem>> -> memref<1x128xi32, #tpu.memory_space<vmem>>
      %dma_wait3A_213 = tpu.memref_squeeze %dma_wait3A_212 : memref<1x128xi32, #tpu.memory_space<vmem>> -> memref<128xi32, #tpu.memory_space<vmem>>
      %dma_wait3A_214 = arith.constant 0 : i32
      %dma_wait3A_215 = arith.constant 0 : i32
      %dma_wait3A_216 = tpu.memref_slice %arg2[%dma_wait3A_214, %dma_wait3A_215] : memref<20480x128xf32, #tpu.memory_space<hbm>> -> memref<20480x128xf32, #tpu.memory_space<hbm>>
      tpu.wait_indirect_dma semaphore(%arg13 : memref<!tpu.dma_semaphore, #tpu.memory_space<semaphore_mem>>) src(%dma_wait3A_216 : memref<20480x128xf32, #tpu.memory_space<hbm>>) dst(%dma_wait3A_210 : memref<128x128xf32, #tpu.memory_space<vmem>>)
      %dma_wait3A_217 = arith.constant 2 : i32
      %dma_wait3A_218 = arith.constant 0 : i32
      %dma_wait3A_219 = arith.constant 0 : i32
      %dma_wait3A_220 = tpu.memref_slice %arg10[%dma_wait3A_217, %dma_wait3A_218, %dma_wait3A_219] : memref<4x128x128xf32, #tpu.memory_space<vmem>> -> memref<1x128x128xf32, #tpu.memory_space<vmem>>
      %dma_wait3A_221 = tpu.memref_squeeze %dma_wait3A_220 : memref<1x128x128xf32, #tpu.memory_space<vmem>> -> memref<128x128xf32, #tpu.memory_space<vmem>>
      %dma_wait3A_222 = arith.constant 0 : i32
      %dma_wait3A_223 = tpu.memref_slice %arg7[%add3A_169, %dma_wait3A_222] : memref<80x128xi32, #tpu.memory_space<vmem>> -> memref<1x128xi32, #tpu.memory_space<vmem>>
      %dma_wait3A_224 = tpu.memref_squeeze %dma_wait3A_223 : memref<1x128xi32, #tpu.memory_space<vmem>> -> memref<128xi32, #tpu.memory_space<vmem>>
      %dma_wait3A_225 = arith.constant 0 : i32
      %dma_wait3A_226 = arith.constant 0 : i32
      %dma_wait3A_227 = tpu.memref_slice %arg2[%dma_wait3A_225, %dma_wait3A_226] : memref<20480x128xf32, #tpu.memory_space<hbm>> -> memref<20480x128xf32, #tpu.memory_space<hbm>>
      tpu.wait_indirect_dma semaphore(%arg14 : memref<!tpu.dma_semaphore, #tpu.memory_space<semaphore_mem>>) src(%dma_wait3A_227 : memref<20480x128xf32, #tpu.memory_space<hbm>>) dst(%dma_wait3A_221 : memref<128x128xf32, #tpu.memory_space<vmem>>)
      %dma_wait3A_228 = arith.constant 3 : i32
      %dma_wait3A_229 = arith.constant 0 : i32
      %dma_wait3A_230 = arith.constant 0 : i32
      %dma_wait3A_231 = tpu.memref_slice %arg10[%dma_wait3A_228, %dma_wait3A_229, %dma_wait3A_230] : memref<4x128x128xf32, #tpu.memory_space<vmem>> -> memref<1x128x128xf32, #tpu.memory_space<vmem>>
      %dma_wait3A_232 = tpu.memref_squeeze %dma_wait3A_231 : memref<1x128x128xf32, #tpu.memory_space<vmem>> -> memref<128x128xf32, #tpu.memory_space<vmem>>
      %dma_wait3A_233 = arith.constant 0 : i32
      %dma_wait3A_234 = tpu.memref_slice %arg7[%add3A_184, %dma_wait3A_233] : memref<80x128xi32, #tpu.memory_space<vmem>> -> memref<1x128xi32, #tpu.memory_space<vmem>>
      %dma_wait3A_235 = tpu.memref_squeeze %dma_wait3A_234 : memref<1x128xi32, #tpu.memory_space<vmem>> -> memref<128xi32, #tpu.memory_space<vmem>>
      %dma_wait3A_236 = arith.constant 0 : i32
      %dma_wait3A_237 = arith.constant 0 : i32
      %dma_wait3A_238 = tpu.memref_slice %arg2[%dma_wait3A_236, %dma_wait3A_237] : memref<20480x128xf32, #tpu.memory_space<hbm>> -> memref<20480x128xf32, #tpu.memory_space<hbm>>
      tpu.wait_indirect_dma semaphore(%arg15 : memref<!tpu.dma_semaphore, #tpu.memory_space<semaphore_mem>>) src(%dma_wait3A_238 : memref<20480x128xf32, #tpu.memory_space<hbm>>) dst(%dma_wait3A_232 : memref<128x128xf32, #tpu.memory_space<vmem>>)
      %mul3A_239 = arith.constant 4 : i32
      %mul3A_240 = arith.muli %mul3A_239, %scan3A_136 : i32
      %add3A_241 = arith.constant 0 : i32
      %add3A_242 = arith.addi %mul3A_240, %add3A_241 : i32
      %run_scoped3A = arith.constant 0 : i32
      "tpu.region"() ({
        %run_scoped3A_258 = tpu.sem_alloc : memref<!tpu.dma_semaphore, #tpu.memory_space<semaphore_mem>>
        %dma_start3A_259 = arith.constant 0 : i32
        %dma_start3A_260 = arith.constant 0 : i32
        %dma_start3A_261 = tpu.memref_slice %arg10[%run_scoped3A, %dma_start3A_259, %dma_start3A_260] : memref<4x128x128xf32, #tpu.memory_space<vmem>> -> memref<1x128x128xf32, #tpu.memory_space<vmem>>
        %dma_start3A_262 = tpu.memref_squeeze %dma_start3A_261 : memref<1x128x128xf32, #tpu.memory_space<vmem>> -> memref<128x128xf32, #tpu.memory_space<vmem>>
        %dma_start3A_263 = arith.constant 0 : i32
        %dma_start3A_264 = tpu.memref_slice %arg9[%add3A_242, %dma_start3A_263] : memref<80x128xi32, #tpu.memory_space<vmem>> -> memref<1x128xi32, #tpu.memory_space<vmem>>
        %dma_start3A_265 = tpu.memref_squeeze %dma_start3A_264 : memref<1x128xi32, #tpu.memory_space<vmem>> -> memref<128xi32, #tpu.memory_space<vmem>>
        %dma_start3A_266 = arith.constant 0 : i32
        %dma_start3A_267 = arith.constant 0 : i32
        %dma_start3A_268 = tpu.memref_slice %arg11[%dma_start3A_266, %dma_start3A_267] : memref<2576x128xf32, #tpu.memory_space<vmem_shared>> -> memref<2576x128xf32, #tpu.memory_space<vmem_shared>>
        tpu.enqueue_indirect_dma source(%dma_start3A_262 : memref<128x128xf32, #tpu.memory_space<vmem>>) target(%dma_start3A_268 : memref<2576x128xf32, #tpu.memory_space<vmem_shared>>) offsets(%dma_start3A_265 : memref<128xi32, #tpu.memory_space<vmem>>) semaphore(%run_scoped3A_258 : memref<!tpu.dma_semaphore, #tpu.memory_space<semaphore_mem>>) {add = true}
        %dma_wait3A_269 = arith.constant 0 : i32
        %dma_wait3A_270 = arith.constant 0 : i32
        %dma_wait3A_271 = tpu.memref_slice %arg10[%run_scoped3A, %dma_wait3A_269, %dma_wait3A_270] : memref<4x128x128xf32, #tpu.memory_space<vmem>> -> memref<1x128x128xf32, #tpu.memory_space<vmem>>
        %dma_wait3A_272 = tpu.memref_squeeze %dma_wait3A_271 : memref<1x128x128xf32, #tpu.memory_space<vmem>> -> memref<128x128xf32, #tpu.memory_space<vmem>>
        %dma_wait3A_273 = arith.constant 0 : i32
        %dma_wait3A_274 = tpu.memref_slice %arg9[%add3A_242, %dma_wait3A_273] : memref<80x128xi32, #tpu.memory_space<vmem>> -> memref<1x128xi32, #tpu.memory_space<vmem>>
        %dma_wait3A_275 = tpu.memref_squeeze %dma_wait3A_274 : memref<1x128xi32, #tpu.memory_space<vmem>> -> memref<128xi32, #tpu.memory_space<vmem>>
        %dma_wait3A_276 = arith.constant 0 : i32
        %dma_wait3A_277 = arith.constant 0 : i32
        %dma_wait3A_278 = tpu.memref_slice %arg11[%dma_wait3A_276, %dma_wait3A_277] : memref<2576x128xf32, #tpu.memory_space<vmem_shared>> -> memref<2576x128xf32, #tpu.memory_space<vmem_shared>>
        tpu.wait_indirect_dma semaphore(%run_scoped3A_258 : memref<!tpu.dma_semaphore, #tpu.memory_space<semaphore_mem>>) src(%dma_wait3A_272 : memref<128x128xf32, #tpu.memory_space<vmem>>) dst(%dma_wait3A_278 : memref<2576x128xf32, #tpu.memory_space<vmem_shared>>)
        tpu.yield
      }) : () -> ()
      %mul3A_243 = arith.constant 4 : i32
      %mul3A_244 = arith.muli %mul3A_243, %scan3A_136 : i32
      %add3A_245 = arith.constant 1 : i32
      %add3A_246 = arith.addi %mul3A_244, %add3A_245 : i32
      %run_scoped3A_247 = arith.constant 1 : i32
      "tpu.region"() ({
        %run_scoped3A_258 = tpu.sem_alloc : memref<!tpu.dma_semaphore, #tpu.memory_space<semaphore_mem>>
        %dma_start3A_259 = arith.constant 0 : i32
        %dma_start3A_260 = arith.constant 0 : i32
        %dma_start3A_261 = tpu.memref_slice %arg10[%run_scoped3A_247, %dma_start3A_259, %dma_start3A_260] : memref<4x128x128xf32, #tpu.memory_space<vmem>> -> memref<1x128x128xf32, #tpu.memory_space<vmem>>
        %dma_start3A_262 = tpu.memref_squeeze %dma_start3A_261 : memref<1x128x128xf32, #tpu.memory_space<vmem>> -> memref<128x128xf32, #tpu.memory_space<vmem>>
        %dma_start3A_263 = arith.constant 0 : i32
        %dma_start3A_264 = tpu.memref_slice %arg9[%add3A_246, %dma_start3A_263] : memref<80x128xi32, #tpu.memory_space<vmem>> -> memref<1x128xi32, #tpu.memory_space<vmem>>
        %dma_start3A_265 = tpu.memref_squeeze %dma_start3A_264 : memref<1x128xi32, #tpu.memory_space<vmem>> -> memref<128xi32, #tpu.memory_space<vmem>>
        %dma_start3A_266 = arith.constant 0 : i32
        %dma_start3A_267 = arith.constant 0 : i32
        %dma_start3A_268 = tpu.memref_slice %arg11[%dma_start3A_266, %dma_start3A_267] : memref<2576x128xf32, #tpu.memory_space<vmem_shared>> -> memref<2576x128xf32, #tpu.memory_space<vmem_shared>>
        tpu.enqueue_indirect_dma source(%dma_start3A_262 : memref<128x128xf32, #tpu.memory_space<vmem>>) target(%dma_start3A_268 : memref<2576x128xf32, #tpu.memory_space<vmem_shared>>) offsets(%dma_start3A_265 : memref<128xi32, #tpu.memory_space<vmem>>) semaphore(%run_scoped3A_258 : memref<!tpu.dma_semaphore, #tpu.memory_space<semaphore_mem>>) {add = true}
        %dma_wait3A_269 = arith.constant 0 : i32
        %dma_wait3A_270 = arith.constant 0 : i32
        %dma_wait3A_271 = tpu.memref_slice %arg10[%run_scoped3A_247, %dma_wait3A_269, %dma_wait3A_270] : memref<4x128x128xf32, #tpu.memory_space<vmem>> -> memref<1x128x128xf32, #tpu.memory_space<vmem>>
        %dma_wait3A_272 = tpu.memref_squeeze %dma_wait3A_271 : memref<1x128x128xf32, #tpu.memory_space<vmem>> -> memref<128x128xf32, #tpu.memory_space<vmem>>
        %dma_wait3A_273 = arith.constant 0 : i32
        %dma_wait3A_274 = tpu.memref_slice %arg9[%add3A_246, %dma_wait3A_273] : memref<80x128xi32, #tpu.memory_space<vmem>> -> memref<1x128xi32, #tpu.memory_space<vmem>>
        %dma_wait3A_275 = tpu.memref_squeeze %dma_wait3A_274 : memref<1x128xi32, #tpu.memory_space<vmem>> -> memref<128xi32, #tpu.memory_space<vmem>>
        %dma_wait3A_276 = arith.constant 0 : i32
        %dma_wait3A_277 = arith.constant 0 : i32
        %dma_wait3A_278 = tpu.memref_slice %arg11[%dma_wait3A_276, %dma_wait3A_277] : memref<2576x128xf32, #tpu.memory_space<vmem_shared>> -> memref<2576x128xf32, #tpu.memory_space<vmem_shared>>
        tpu.wait_indirect_dma semaphore(%run_scoped3A_258 : memref<!tpu.dma_semaphore, #tpu.memory_space<semaphore_mem>>) src(%dma_wait3A_272 : memref<128x128xf32, #tpu.memory_space<vmem>>) dst(%dma_wait3A_278 : memref<2576x128xf32, #tpu.memory_space<vmem_shared>>)
        tpu.yield
      }) : () -> ()
      %mul3A_248 = arith.constant 4 : i32
      %mul3A_249 = arith.muli %mul3A_248, %scan3A_136 : i32
      %add3A_250 = arith.constant 2 : i32
      %add3A_251 = arith.addi %mul3A_249, %add3A_250 : i32
      %run_scoped3A_252 = arith.constant 2 : i32
      "tpu.region"() ({
        %run_scoped3A_258 = tpu.sem_alloc : memref<!tpu.dma_semaphore, #tpu.memory_space<semaphore_mem>>
        %dma_start3A_259 = arith.constant 0 : i32
        %dma_start3A_260 = arith.constant 0 : i32
        %dma_start3A_261 = tpu.memref_slice %arg10[%run_scoped3A_252, %dma_start3A_259, %dma_start3A_260] : memref<4x128x128xf32, #tpu.memory_space<vmem>> -> memref<1x128x128xf32, #tpu.memory_space<vmem>>
        %dma_start3A_262 = tpu.memref_squeeze %dma_start3A_261 : memref<1x128x128xf32, #tpu.memory_space<vmem>> -> memref<128x128xf32, #tpu.memory_space<vmem>>
        %dma_start3A_263 = arith.constant 0 : i32
        %dma_start3A_264 = tpu.memref_slice %arg9[%add3A_251, %dma_start3A_263] : memref<80x128xi32, #tpu.memory_space<vmem>> -> memref<1x128xi32, #tpu.memory_space<vmem>>
        %dma_start3A_265 = tpu.memref_squeeze %dma_start3A_264 : memref<1x128xi32, #tpu.memory_space<vmem>> -> memref<128xi32, #tpu.memory_space<vmem>>
        %dma_start3A_266 = arith.constant 0 : i32
        %dma_start3A_267 = arith.constant 0 : i32
        %dma_start3A_268 = tpu.memref_slice %arg11[%dma_start3A_266, %dma_start3A_267] : memref<2576x128xf32, #tpu.memory_space<vmem_shared>> -> memref<2576x128xf32, #tpu.memory_space<vmem_shared>>
        tpu.enqueue_indirect_dma source(%dma_start3A_262 : memref<128x128xf32, #tpu.memory_space<vmem>>) target(%dma_start3A_268 : memref<2576x128xf32, #tpu.memory_space<vmem_shared>>) offsets(%dma_start3A_265 : memref<128xi32, #tpu.memory_space<vmem>>) semaphore(%run_scoped3A_258 : memref<!tpu.dma_semaphore, #tpu.memory_space<semaphore_mem>>) {add = true}
        %dma_wait3A_269 = arith.constant 0 : i32
        %dma_wait3A_270 = arith.constant 0 : i32
        %dma_wait3A_271 = tpu.memref_slice %arg10[%run_scoped3A_252, %dma_wait3A_269, %dma_wait3A_270] : memref<4x128x128xf32, #tpu.memory_space<vmem>> -> memref<1x128x128xf32, #tpu.memory_space<vmem>>
        %dma_wait3A_272 = tpu.memref_squeeze %dma_wait3A_271 : memref<1x128x128xf32, #tpu.memory_space<vmem>> -> memref<128x128xf32, #tpu.memory_space<vmem>>
        %dma_wait3A_273 = arith.constant 0 : i32
        %dma_wait3A_274 = tpu.memref_slice %arg9[%add3A_251, %dma_wait3A_273] : memref<80x128xi32, #tpu.memory_space<vmem>> -> memref<1x128xi32, #tpu.memory_space<vmem>>
        %dma_wait3A_275 = tpu.memref_squeeze %dma_wait3A_274 : memref<1x128xi32, #tpu.memory_space<vmem>> -> memref<128xi32, #tpu.memory_space<vmem>>
        %dma_wait3A_276 = arith.constant 0 : i32
        %dma_wait3A_277 = arith.constant 0 : i32
        %dma_wait3A_278 = tpu.memref_slice %arg11[%dma_wait3A_276, %dma_wait3A_277] : memref<2576x128xf32, #tpu.memory_space<vmem_shared>> -> memref<2576x128xf32, #tpu.memory_space<vmem_shared>>
        tpu.wait_indirect_dma semaphore(%run_scoped3A_258 : memref<!tpu.dma_semaphore, #tpu.memory_space<semaphore_mem>>) src(%dma_wait3A_272 : memref<128x128xf32, #tpu.memory_space<vmem>>) dst(%dma_wait3A_278 : memref<2576x128xf32, #tpu.memory_space<vmem_shared>>)
        tpu.yield
      }) : () -> ()
      %mul3A_253 = arith.constant 4 : i32
      %mul3A_254 = arith.muli %mul3A_253, %scan3A_136 : i32
      %add3A_255 = arith.constant 3 : i32
      %add3A_256 = arith.addi %mul3A_254, %add3A_255 : i32
      %run_scoped3A_257 = arith.constant 3 : i32
      "tpu.region"() ({
        %run_scoped3A_258 = tpu.sem_alloc : memref<!tpu.dma_semaphore, #tpu.memory_space<semaphore_mem>>
        %dma_start3A_259 = arith.constant 0 : i32
        %dma_start3A_260 = arith.constant 0 : i32
        %dma_start3A_261 = tpu.memref_slice %arg10[%run_scoped3A_257, %dma_start3A_259, %dma_start3A_260] : memref<4x128x128xf32, #tpu.memory_space<vmem>> -> memref<1x128x128xf32, #tpu.memory_space<vmem>>
        %dma_start3A_262 = tpu.memref_squeeze %dma_start3A_261 : memref<1x128x128xf32, #tpu.memory_space<vmem>> -> memref<128x128xf32, #tpu.memory_space<vmem>>
        %dma_start3A_263 = arith.constant 0 : i32
        %dma_start3A_264 = tpu.memref_slice %arg9[%add3A_256, %dma_start3A_263] : memref<80x128xi32, #tpu.memory_space<vmem>> -> memref<1x128xi32, #tpu.memory_space<vmem>>
        %dma_start3A_265 = tpu.memref_squeeze %dma_start3A_264 : memref<1x128xi32, #tpu.memory_space<vmem>> -> memref<128xi32, #tpu.memory_space<vmem>>
        %dma_start3A_266 = arith.constant 0 : i32
        %dma_start3A_267 = arith.constant 0 : i32
        %dma_start3A_268 = tpu.memref_slice %arg11[%dma_start3A_266, %dma_start3A_267] : memref<2576x128xf32, #tpu.memory_space<vmem_shared>> -> memref<2576x128xf32, #tpu.memory_space<vmem_shared>>
        tpu.enqueue_indirect_dma source(%dma_start3A_262 : memref<128x128xf32, #tpu.memory_space<vmem>>) target(%dma_start3A_268 : memref<2576x128xf32, #tpu.memory_space<vmem_shared>>) offsets(%dma_start3A_265 : memref<128xi32, #tpu.memory_space<vmem>>) semaphore(%run_scoped3A_258 : memref<!tpu.dma_semaphore, #tpu.memory_space<semaphore_mem>>) {add = true}
        %dma_wait3A_269 = arith.constant 0 : i32
        %dma_wait3A_270 = arith.constant 0 : i32
        %dma_wait3A_271 = tpu.memref_slice %arg10[%run_scoped3A_257, %dma_wait3A_269, %dma_wait3A_270] : memref<4x128x128xf32, #tpu.memory_space<vmem>> -> memref<1x128x128xf32, #tpu.memory_space<vmem>>
        %dma_wait3A_272 = tpu.memref_squeeze %dma_wait3A_271 : memref<1x128x128xf32, #tpu.memory_space<vmem>> -> memref<128x128xf32, #tpu.memory_space<vmem>>
        %dma_wait3A_273 = arith.constant 0 : i32
        %dma_wait3A_274 = tpu.memref_slice %arg9[%add3A_256, %dma_wait3A_273] : memref<80x128xi32, #tpu.memory_space<vmem>> -> memref<1x128xi32, #tpu.memory_space<vmem>>
        %dma_wait3A_275 = tpu.memref_squeeze %dma_wait3A_274 : memref<1x128xi32, #tpu.memory_space<vmem>> -> memref<128xi32, #tpu.memory_space<vmem>>
        %dma_wait3A_276 = arith.constant 0 : i32
        %dma_wait3A_277 = arith.constant 0 : i32
        %dma_wait3A_278 = tpu.memref_slice %arg11[%dma_wait3A_276, %dma_wait3A_277] : memref<2576x128xf32, #tpu.memory_space<vmem_shared>> -> memref<2576x128xf32, #tpu.memory_space<vmem_shared>>
        tpu.wait_indirect_dma semaphore(%run_scoped3A_258 : memref<!tpu.dma_semaphore, #tpu.memory_space<semaphore_mem>>) src(%dma_wait3A_272 : memref<128x128xf32, #tpu.memory_space<vmem>>) dst(%dma_wait3A_278 : memref<2576x128xf32, #tpu.memory_space<vmem_shared>>)
        tpu.yield
      }) : () -> ()
    }
    %scan3A_125 = arith.constant 20 : i32
    %barrier3A_126 = arith.constant 0 : index
    tpu.barrier barrier_id(%barrier3A_126)
    %mul3A_127 = arith.constant 160 : i32
    %mul3A_128 = arith.muli %arg1, %mul3A_127 : i32
    %mul3A_129 = arith.constant 10240 : i32
    %mul3A_130 = arith.muli %arg0, %mul3A_129 : i32
    %add3A_131 = arith.constant 7680 : i32
    %add3A_132 = arith.addi %mul3A_130, %add3A_131 : i32
    %mul3A_133 = arith.constant 160 : i32
    %mul3A_134 = arith.muli %arg1, %mul3A_133 : i32
    %add3A_135 = arith.addi %add3A_132, %mul3A_134 : i32
    "tpu.region"() ({
      %run_scoped3A = tpu.sem_alloc : memref<!tpu.dma_semaphore, #tpu.memory_space<semaphore_mem>>
      %dma_start3A = arith.constant 0 : i32
      %dma_start3A_136 = tpu.memref_slice %arg6[%add3A_135, %dma_start3A] : memref<20480x128xf32, #tpu.memory_space<hbm>> -> memref<160x128xf32, #tpu.memory_space<hbm>>
      %dma_start3A_137 = arith.constant 0 : i32
      %dma_start3A_138 = tpu.memref_slice %arg11[%mul3A_128, %dma_start3A_137] : memref<2576x128xf32, #tpu.memory_space<vmem_shared>> -> memref<160x128xf32, #tpu.memory_space<vmem_shared>>
      tpu.enqueue_dma source(%dma_start3A_138 : memref<160x128xf32, #tpu.memory_space<vmem_shared>>) target(%dma_start3A_136 : memref<160x128xf32, #tpu.memory_space<hbm>>) target_semaphore(%run_scoped3A : memref<!tpu.dma_semaphore, #tpu.memory_space<semaphore_mem>>)
      %dma_wait3A = arith.constant 0 : i32
      %dma_wait3A_139 = tpu.memref_slice %arg6[%add3A_135, %dma_wait3A] : memref<20480x128xf32, #tpu.memory_space<hbm>> -> memref<160x128xf32, #tpu.memory_space<hbm>>
      %dma_wait3A_140 = arith.constant 0 : i32
      %dma_wait3A_141 = tpu.memref_slice %arg11[%mul3A_128, %dma_wait3A_140] : memref<2576x128xf32, #tpu.memory_space<vmem_shared>> -> memref<160x128xf32, #tpu.memory_space<vmem_shared>>
      tpu.wait_dma2 semaphore(%run_scoped3A : memref<!tpu.dma_semaphore, #tpu.memory_space<semaphore_mem>>) src(%dma_wait3A_141 : memref<160x128xf32, #tpu.memory_space<vmem_shared>>) dst(%dma_wait3A_139 : memref<160x128xf32, #tpu.memory_space<hbm>>)
      tpu.yield
    }) : () -> ()
    return
  }
}

module attributes {stable_mosaic.version = 14 : i64} {
  func.func @_tc1_body(%arg0: i32, %arg1: memref<640x256xf32, #tpu.memory_space<vmem>>, %arg2: memref<256x256xf32, #tpu.memory_space<vmem>>, %arg3: memref<640x16xf32, #tpu.memory_space<vmem>>, %arg4: memref<640x16xf32, #tpu.memory_space<vmem>>, %arg5: memref<2x640x128xf32, #tpu.memory_space<vmem>>, %arg6: memref<640x1xf32, #tpu.memory_space<vmem>>) attributes {dimension_semantics = [#tpu.dimension_semantics<arbitrary>], iteration_bounds = array<i64: 16>, scalar_prefetch = 0 : i64, scratch_operands = 0 : i64, tpu.core_type = #tpu.core_type<tc>, window_params = [{transform_indices = @transform_0, window_bounds = array<i64: 640, 256>}, {pipeline_mode = #tpu.pipeline_mode<synchronous>, transform_indices = @transform_1, window_bounds = array<i64: 256, 256>}, {transform_indices = @transform_2, window_bounds = array<i64: 640, 16>}, {transform_indices = @transform_3, window_bounds = array<i64: 640, 16>}, {transform_indices = @transform_4, window_bounds = array<i64: 2, 640, 128>}, {transform_indices = @transform_5, window_bounds = array<i64: 640, 1>}]} {
    %get3A = arith.constant 0 : index
    %get3A_0 = arith.constant 0 : index
    %get3A_1 = vector.load %arg1[%get3A, %get3A_0] : memref<640x256xf32, #tpu.memory_space<vmem>>, vector<640x256xf32>
    %get3A_2 = arith.constant 0 : index
    %get3A_3 = arith.constant 0 : index
    %get3A_4 = vector.load %arg2[%get3A_2, %get3A_3] : memref<256x256xf32, #tpu.memory_space<vmem>>, vector<256x256xf32>
    %dot_general3A = arith.constant dense<0.000000e+00> : vector<640x256xf32>
    %dot_general3A_5 = tpu.matmul %get3A_1, %get3A_4, %dot_general3A {dimension_numbers = #tpu.dot_dimension_numbers<[1], [0], [0], [1], [0, 0, 1, 1], [], []>, transpose_lhs_hint = false} : vector<640x256xf32>, vector<256x256xf32>, vector<640x256xf32> -> vector<640x256xf32>
    %get3A_6 = arith.constant 0 : index
    %get3A_7 = arith.constant 0 : index
    %get3A_8 = vector.load %arg3[%get3A_6, %get3A_7] : memref<640x16xf32, #tpu.memory_space<vmem>>, vector<640x1xf32>
    %add3A = arith.constant 1.000000e+00 : f32
    %add3A_9 = vector.broadcast %add3A : f32 to vector<640x1xf32>
    %add3A_10 = arith.addf %add3A_9, %get3A_8 : vector<640x1xf32>
    %get3A_11 = arith.constant 0 : index
    %get3A_12 = arith.constant 0 : index
    %get3A_13 = vector.load %arg4[%get3A_11, %get3A_12] : memref<640x16xf32, #tpu.memory_space<vmem>>, vector<640x1xf32>
    %add3A_14 = arith.addf %add3A_10, %get3A_13 : vector<640x1xf32>
    %rsqrt3A = math.rsqrt %add3A_14 : vector<640x1xf32>
    %mul3A = arith.constant 640 : i32
    %mul3A_15 = arith.muli %arg0, %mul3A : i32
    %iota3A = tpu.iota {dimensions = array<i32: 0>} : vector<640x1xi32>
    %add3A_16 = vector.broadcast %mul3A_15 : i32 to vector<640x1xi32>
    %add3A_17 = arith.addi %add3A_16, %iota3A : vector<640x1xi32>
    %lt3A = arith.constant 10000 : i32
    %lt3A_18 = vector.broadcast %lt3A : i32 to vector<640x1xi32>
    %lt3A_19 = arith.cmpi slt, %add3A_17, %lt3A_18 : vector<640x1xi32>
    %mul3A_20 = vector.broadcast %rsqrt3A : vector<640x1xf32> to vector<640x256xf32>
    %mul3A_21 = arith.mulf %dot_general3A_5, %mul3A_20 : vector<640x256xf32>
    %jit3A = arith.constant 0.000000e+00 : f32
    %broadcast_in_dim3A = vector.shape_cast %lt3A_19 : vector<640x1xi1> to vector<640x1xi1>
    %broadcast_in_dim3A_22 = vector.broadcast %broadcast_in_dim3A : vector<640x1xi1> to vector<640x256xi1>
    %broadcast_in_dim3A_23 = vector.broadcast %jit3A : f32 to vector<640x256xf32>
    %select_n3A = arith.select %broadcast_in_dim3A_22, %mul3A_21, %broadcast_in_dim3A_23 : vector<640x256xi1>, vector<640x256xf32>
    %slice3A = vector.extract_strided_slice %select_n3A {offsets = [0, 0], sizes = [640, 128], strides = [1, 1]} : vector<640x256xf32> to vector<640x128xf32>
    %swap3A = arith.constant 0 : index
    %swap3A_24 = arith.constant 0 : index
    %swap3A_25 = arith.constant 0 : index
    %swap3A_26 = vector.load %arg5[%swap3A, %swap3A_24, %swap3A_25] : memref<2x640x128xf32, #tpu.memory_space<vmem>>, vector<1x640x128xf32>
    %swap3A_27 = vector.shape_cast %swap3A_26 : vector<1x640x128xf32> to vector<640x128xf32>
    %swap3A_28 = vector.shape_cast %slice3A : vector<640x128xf32> to vector<1x640x128xf32>
    tpu.vector_store %arg5[%swap3A, %swap3A_24, %swap3A_25], %swap3A_28 {strides = array<i32>} : memref<2x640x128xf32, #tpu.memory_space<vmem>>, vector<1x640x128xf32>,
    %slice3A_29 = vector.extract_strided_slice %select_n3A {offsets = [0, 128], sizes = [640, 128], strides = [1, 1]} : vector<640x256xf32> to vector<640x128xf32>
    %swap3A_30 = arith.constant 1 : index
    %swap3A_31 = arith.constant 0 : index
    %swap3A_32 = arith.constant 0 : index
    %swap3A_33 = vector.load %arg5[%swap3A_30, %swap3A_31, %swap3A_32] : memref<2x640x128xf32, #tpu.memory_space<vmem>>, vector<1x640x128xf32>
    %swap3A_34 = vector.shape_cast %swap3A_33 : vector<1x640x128xf32> to vector<640x128xf32>
    %swap3A_35 = vector.shape_cast %slice3A_29 : vector<640x128xf32> to vector<1x640x128xf32>
    tpu.vector_store %arg5[%swap3A_30, %swap3A_31, %swap3A_32], %swap3A_35 {strides = array<i32>} : memref<2x640x128xf32, #tpu.memory_space<vmem>>, vector<1x640x128xf32>,
    %swap3A_36 = arith.constant 0 : index
    %swap3A_37 = arith.constant 0 : index
    %swap3A_38 = vector.load %arg6[%swap3A_36, %swap3A_37] : memref<640x1xf32, #tpu.memory_space<vmem>>, vector<640x1xf32>
    tpu.vector_store %arg6[%swap3A_36, %swap3A_37], %rsqrt3A {strides = array<i32>} : memref<640x1xf32, #tpu.memory_space<vmem>>, vector<640x1xf32>,
    return
  }
  func.func @transform_0(%arg0: i32) -> (i32, i32) {
    %c0_i32 = arith.constant 0 : i32
    %c0_i32_0 = arith.constant 0 : i32
    return %arg0, %c0_i32 : i32, i32
  }
  func.func @transform_1(%arg0: i32) -> (i32, i32) {
    %c0_i32 = arith.constant 0 : i32
    %c0_i32_0 = arith.constant 0 : i32
    %c0_i32_1 = arith.constant 0 : i32
    return %c0_i32, %c0_i32_0 : i32, i32
  }
  func.func @transform_2(%arg0: i32) -> (i32, i32) {
    %c0_i32 = arith.constant 0 : i32
    %c0_i32_0 = arith.constant 0 : i32
    return %arg0, %c0_i32 : i32, i32
  }
  func.func @transform_3(%arg0: i32) -> (i32, i32) {
    %add3A = arith.constant 16 : i32
    %add3A_0 = arith.addi %arg0, %add3A : i32
    %c0_i32 = arith.constant 0 : i32
    %c0_i32_1 = arith.constant 0 : i32
    return %add3A_0, %c0_i32 : i32, i32
  }
  func.func @transform_4(%arg0: i32) -> (i32, i32, i32) {
    %c0_i32 = arith.constant 0 : i32
    %c0_i32_0 = arith.constant 0 : i32
    %c0_i32_1 = arith.constant 0 : i32
    return %c0_i32, %arg0, %c0_i32_0 : i32, i32, i32
  }
  func.func @transform_5(%arg0: i32) -> (i32, i32) {
    %c0_i32 = arith.constant 0 : i32
    %c0_i32_0 = arith.constant 0 : i32
    return %arg0, %c0_i32 : i32, i32
  }
}

module attributes {stable_mosaic.version = 14 : i64} {
  func.func @_tc2_body(%arg0: i32, %arg1: memref<2x640x128xf32, #tpu.memory_space<vmem>>, %arg2: memref<2x640x128xf32, #tpu.memory_space<vmem>>, %arg3: memref<640x1xf32, #tpu.memory_space<vmem>>, %arg4: memref<1x256xf32, #tpu.memory_space<vmem>>, %arg5: memref<256x256xf32, #tpu.memory_space<vmem>>, %arg6: memref<2x640x128xf32, #tpu.memory_space<vmem>>) attributes {dimension_semantics = [#tpu.dimension_semantics<arbitrary>], iteration_bounds = array<i64: 16>, scalar_prefetch = 0 : i64, scratch_operands = 0 : i64, tpu.core_type = #tpu.core_type<tc>, window_params = [{transform_indices = @transform_0, window_bounds = array<i64: 2, 640, 128>}, {transform_indices = @transform_1, window_bounds = array<i64: 2, 640, 128>}, {transform_indices = @transform_2, window_bounds = array<i64: 640, 1>}, {pipeline_mode = #tpu.pipeline_mode<synchronous>, transform_indices = @transform_3, window_bounds = array<i64: 1, 256>}, {pipeline_mode = #tpu.pipeline_mode<synchronous>, transform_indices = @transform_4, window_bounds = array<i64: 256, 256>}, {transform_indices = @transform_5, window_bounds = array<i64: 2, 640, 128>}]} {
    %get3A = arith.constant 0 : index
    %get3A_0 = arith.constant 0 : index
    %get3A_1 = arith.constant 0 : index
    %get3A_2 = vector.load %arg1[%get3A, %get3A_0, %get3A_1] : memref<2x640x128xf32, #tpu.memory_space<vmem>>, vector<1x640x128xf32>
    %get3A_3 = vector.shape_cast %get3A_2 : vector<1x640x128xf32> to vector<640x128xf32>
    %get3A_4 = arith.constant 1 : index
    %get3A_5 = arith.constant 0 : index
    %get3A_6 = arith.constant 0 : index
    %get3A_7 = vector.load %arg1[%get3A_4, %get3A_5, %get3A_6] : memref<2x640x128xf32, #tpu.memory_space<vmem>>, vector<1x640x128xf32>
    %get3A_8 = vector.shape_cast %get3A_7 : vector<1x640x128xf32> to vector<640x128xf32>
    %concatenate3A = tpu.concatenate %get3A_3, %get3A_8 in 1 : vector<640x128xf32>, vector<640x128xf32> -> vector<640x256xf32>
    %get3A_9 = arith.constant 0 : index
    %get3A_10 = arith.constant 0 : index
    %get3A_11 = arith.constant 0 : index
    %get3A_12 = vector.load %arg2[%get3A_9, %get3A_10, %get3A_11] : memref<2x640x128xf32, #tpu.memory_space<vmem>>, vector<1x640x128xf32>
    %get3A_13 = vector.shape_cast %get3A_12 : vector<1x640x128xf32> to vector<640x128xf32>
    %get3A_14 = arith.constant 1 : index
    %get3A_15 = arith.constant 0 : index
    %get3A_16 = arith.constant 0 : index
    %get3A_17 = vector.load %arg2[%get3A_14, %get3A_15, %get3A_16] : memref<2x640x128xf32, #tpu.memory_space<vmem>>, vector<1x640x128xf32>
    %get3A_18 = vector.shape_cast %get3A_17 : vector<1x640x128xf32> to vector<640x128xf32>
    %concatenate3A_19 = tpu.concatenate %get3A_13, %get3A_18 in 1 : vector<640x128xf32>, vector<640x128xf32> -> vector<640x256xf32>
    %add3A = arith.addf %concatenate3A, %concatenate3A_19 : vector<640x256xf32>
    %get3A_20 = arith.constant 0 : index
    %get3A_21 = arith.constant 0 : index
    %get3A_22 = vector.load %arg3[%get3A_20, %get3A_21] : memref<640x1xf32, #tpu.memory_space<vmem>>, vector<640x1xf32>
    %mul3A = vector.broadcast %get3A_22 : vector<640x1xf32> to vector<640x256xf32>
    %mul3A_23 = arith.mulf %add3A, %mul3A : vector<640x256xf32>
    %get3A_24 = arith.constant 0 : index
    %get3A_25 = arith.constant 0 : index
    %get3A_26 = vector.load %arg4[%get3A_24, %get3A_25] : memref<1x256xf32, #tpu.memory_space<vmem>>, vector<1x256xf32>
    %add3A_27 = vector.broadcast %get3A_26 : vector<1x256xf32> to vector<640x256xf32>
    %add3A_28 = arith.addf %mul3A_23, %add3A_27 : vector<640x256xf32>
    %max3A = arith.constant 0.000000e+00 : f32
    %max3A_29 = vector.broadcast %max3A : f32 to vector<640x256xf32>
    %max3A_30 = arith.maximumf %add3A_28, %max3A_29 : vector<640x256xf32>
    %get3A_31 = arith.constant 0 : index
    %get3A_32 = arith.constant 0 : index
    %get3A_33 = vector.load %arg5[%get3A_31, %get3A_32] : memref<256x256xf32, #tpu.memory_space<vmem>>, vector<256x256xf32>
    %dot_general3A = arith.constant dense<0.000000e+00> : vector<640x256xf32>
    %dot_general3A_34 = tpu.matmul %max3A_30, %get3A_33, %dot_general3A {dimension_numbers = #tpu.dot_dimension_numbers<[1], [0], [0], [1], [0, 0, 1, 1], [], []>, transpose_lhs_hint = false} : vector<640x256xf32>, vector<256x256xf32>, vector<640x256xf32> -> vector<640x256xf32>
    %mul3A_35 = arith.constant 640 : i32
    %mul3A_36 = arith.muli %arg0, %mul3A_35 : i32
    %iota3A = tpu.iota {dimensions = array<i32: 0>} : vector<640x1xi32>
    %add3A_37 = vector.broadcast %mul3A_36 : i32 to vector<640x1xi32>
    %add3A_38 = arith.addi %add3A_37, %iota3A : vector<640x1xi32>
    %lt3A = arith.constant 10000 : i32
    %lt3A_39 = vector.broadcast %lt3A : i32 to vector<640x1xi32>
    %lt3A_40 = arith.cmpi slt, %add3A_38, %lt3A_39 : vector<640x1xi32>
    %get3A_41 = arith.constant 0 : index
    %get3A_42 = arith.constant 0 : index
    %get3A_43 = vector.load %arg3[%get3A_41, %get3A_42] : memref<640x1xf32, #tpu.memory_space<vmem>>, vector<640x1xf32>
    %mul3A_44 = vector.broadcast %get3A_43 : vector<640x1xf32> to vector<640x256xf32>
    %mul3A_45 = arith.mulf %dot_general3A_34, %mul3A_44 : vector<640x256xf32>
    %jit3A = arith.constant 0.000000e+00 : f32
    %broadcast_in_dim3A = vector.shape_cast %lt3A_40 : vector<640x1xi1> to vector<640x1xi1>
    %broadcast_in_dim3A_46 = vector.broadcast %broadcast_in_dim3A : vector<640x1xi1> to vector<640x256xi1>
    %broadcast_in_dim3A_47 = vector.broadcast %jit3A : f32 to vector<640x256xf32>
    %select_n3A = arith.select %broadcast_in_dim3A_46, %mul3A_45, %broadcast_in_dim3A_47 : vector<640x256xi1>, vector<640x256xf32>
    %slice3A = vector.extract_strided_slice %select_n3A {offsets = [0, 0], sizes = [640, 128], strides = [1, 1]} : vector<640x256xf32> to vector<640x128xf32>
    %swap3A = arith.constant 0 : index
    %swap3A_48 = arith.constant 0 : index
    %swap3A_49 = arith.constant 0 : index
    %swap3A_50 = vector.load %arg6[%swap3A, %swap3A_48, %swap3A_49] : memref<2x640x128xf32, #tpu.memory_space<vmem>>, vector<1x640x128xf32>
    %swap3A_51 = vector.shape_cast %swap3A_50 : vector<1x640x128xf32> to vector<640x128xf32>
    %swap3A_52 = vector.shape_cast %slice3A : vector<640x128xf32> to vector<1x640x128xf32>
    tpu.vector_store %arg6[%swap3A, %swap3A_48, %swap3A_49], %swap3A_52 {strides = array<i32>} : memref<2x640x128xf32, #tpu.memory_space<vmem>>, vector<1x640x128xf32>,
    %slice3A_53 = vector.extract_strided_slice %select_n3A {offsets = [0, 128], sizes = [640, 128], strides = [1, 1]} : vector<640x256xf32> to vector<640x128xf32>
    %swap3A_54 = arith.constant 1 : index
    %swap3A_55 = arith.constant 0 : index
    %swap3A_56 = arith.constant 0 : index
    %swap3A_57 = vector.load %arg6[%swap3A_54, %swap3A_55, %swap3A_56] : memref<2x640x128xf32, #tpu.memory_space<vmem>>, vector<1x640x128xf32>
    %swap3A_58 = vector.shape_cast %swap3A_57 : vector<1x640x128xf32> to vector<640x128xf32>
    %swap3A_59 = vector.shape_cast %slice3A_53 : vector<640x128xf32> to vector<1x640x128xf32>
    tpu.vector_store %arg6[%swap3A_54, %swap3A_55, %swap3A_56], %swap3A_59 {strides = array<i32>} : memref<2x640x128xf32, #tpu.memory_space<vmem>>, vector<1x640x128xf32>,
    return
  }
  func.func @transform_0(%arg0: i32) -> (i32, i32, i32) {
    %c0_i32 = arith.constant 0 : i32
    %c0_i32_0 = arith.constant 0 : i32
    %c0_i32_1 = arith.constant 0 : i32
    return %c0_i32, %arg0, %c0_i32_0 : i32, i32, i32
  }
  func.func @transform_1(%arg0: i32) -> (i32, i32, i32) {
    %c0_i32 = arith.constant 0 : i32
    %c0_i32_0 = arith.constant 0 : i32
    %c0_i32_1 = arith.constant 0 : i32
    return %c0_i32, %arg0, %c0_i32_0 : i32, i32, i32
  }
  func.func @transform_2(%arg0: i32) -> (i32, i32) {
    %c0_i32 = arith.constant 0 : i32
    %c0_i32_0 = arith.constant 0 : i32
    return %arg0, %c0_i32 : i32, i32
  }
  func.func @transform_3(%arg0: i32) -> (i32, i32) {
    %c0_i32 = arith.constant 0 : i32
    %c0_i32_0 = arith.constant 0 : i32
    %c0_i32_1 = arith.constant 0 : i32
    return %c0_i32, %c0_i32_0 : i32, i32
  }
  func.func @transform_4(%arg0: i32) -> (i32, i32) {
    %c0_i32 = arith.constant 0 : i32
    %c0_i32_0 = arith.constant 0 : i32
    %c0_i32_1 = arith.constant 0 : i32
    return %c0_i32, %c0_i32_0 : i32, i32
  }
  func.func @transform_5(%arg0: i32) -> (i32, i32, i32) {
    %c0_i32 = arith.constant 0 : i32
    %c0_i32_0 = arith.constant 0 : i32
    %c0_i32_1 = arith.constant 0 : i32
    return %c0_i32, %arg0, %c0_i32_0 : i32, i32, i32
  }
}

module attributes {stable_mosaic.version = 14 : i64} {
  func.func @_tc3_body(%arg0: memref<2x10240x128xf32, #tpu.memory_space<vmem>>, %arg1: memref<2x10240x128xf32, #tpu.memory_space<vmem>>, %arg2: memref<10240x1xf32, #tpu.memory_space<vmem>>, %arg3: memref<1x256xf32, #tpu.memory_space<vmem>>, %arg4: memref<10240x1xi32, #tpu.memory_space<vmem>>, %arg5: memref<256x10xf32, #tpu.memory_space<vmem>>, %arg6: memref<1x10xf32, #tpu.memory_space<vmem>>, %arg7: memref<64x10xf32, #tpu.memory_space<vmem>>) attributes {dimension_semantics = [], scalar_prefetch = 0 : i64, scratch_operands = 0 : i64, tpu.core_type = #tpu.core_type<tc>} {
    %get3A = arith.constant 0 : index
    %get3A_0 = arith.constant 0 : index
    %get3A_1 = arith.constant 0 : index
    %get3A_2 = vector.load %arg0[%get3A, %get3A_0, %get3A_1] : memref<2x10240x128xf32, #tpu.memory_space<vmem>>, vector<1x10240x128xf32>
    %get3A_3 = vector.shape_cast %get3A_2 : vector<1x10240x128xf32> to vector<10240x128xf32>
    %get3A_4 = arith.constant 1 : index
    %get3A_5 = arith.constant 0 : index
    %get3A_6 = arith.constant 0 : index
    %get3A_7 = vector.load %arg0[%get3A_4, %get3A_5, %get3A_6] : memref<2x10240x128xf32, #tpu.memory_space<vmem>>, vector<1x10240x128xf32>
    %get3A_8 = vector.shape_cast %get3A_7 : vector<1x10240x128xf32> to vector<10240x128xf32>
    %concatenate3A = tpu.concatenate %get3A_3, %get3A_8 in 1 : vector<10240x128xf32>, vector<10240x128xf32> -> vector<10240x256xf32>
    %get3A_9 = arith.constant 0 : index
    %get3A_10 = arith.constant 0 : index
    %get3A_11 = arith.constant 0 : index
    %get3A_12 = vector.load %arg1[%get3A_9, %get3A_10, %get3A_11] : memref<2x10240x128xf32, #tpu.memory_space<vmem>>, vector<1x10240x128xf32>
    %get3A_13 = vector.shape_cast %get3A_12 : vector<1x10240x128xf32> to vector<10240x128xf32>
    %get3A_14 = arith.constant 1 : index
    %get3A_15 = arith.constant 0 : index
    %get3A_16 = arith.constant 0 : index
    %get3A_17 = vector.load %arg1[%get3A_14, %get3A_15, %get3A_16] : memref<2x10240x128xf32, #tpu.memory_space<vmem>>, vector<1x10240x128xf32>
    %get3A_18 = vector.shape_cast %get3A_17 : vector<1x10240x128xf32> to vector<10240x128xf32>
    %concatenate3A_19 = tpu.concatenate %get3A_13, %get3A_18 in 1 : vector<10240x128xf32>, vector<10240x128xf32> -> vector<10240x256xf32>
    %add3A = arith.addf %concatenate3A, %concatenate3A_19 : vector<10240x256xf32>
    %get3A_20 = arith.constant 0 : index
    %get3A_21 = arith.constant 0 : index
    %get3A_22 = vector.load %arg2[%get3A_20, %get3A_21] : memref<10240x1xf32, #tpu.memory_space<vmem>>, vector<10240x1xf32>
    %mul3A = vector.broadcast %get3A_22 : vector<10240x1xf32> to vector<10240x256xf32>
    %mul3A_23 = arith.mulf %add3A, %mul3A : vector<10240x256xf32>
    %get3A_24 = arith.constant 0 : index
    %get3A_25 = arith.constant 0 : index
    %get3A_26 = vector.load %arg3[%get3A_24, %get3A_25] : memref<1x256xf32, #tpu.memory_space<vmem>>, vector<1x256xf32>
    %add3A_27 = vector.broadcast %get3A_26 : vector<1x256xf32> to vector<10240x256xf32>
    %add3A_28 = arith.addf %mul3A_23, %add3A_27 : vector<10240x256xf32>
    %max3A = arith.constant 0.000000e+00 : f32
    %max3A_29 = vector.broadcast %max3A : f32 to vector<10240x256xf32>
    %max3A_30 = arith.maximumf %add3A_28, %max3A_29 : vector<10240x256xf32>
    %iota3A = tpu.iota {dimensions = array<i32: 1>} : vector<1x64xi32>
    %get3A_31 = arith.constant 0 : index
    %get3A_32 = arith.constant 0 : index
    %get3A_33 = vector.load %arg4[%get3A_31, %get3A_32] : memref<10240x1xi32, #tpu.memory_space<vmem>>, vector<10240x1xi32>
    %eq3A = vector.broadcast %get3A_33 : vector<10240x1xi32> to vector<10240x64xi32>
    %eq3A_34 = vector.broadcast %iota3A : vector<1x64xi32> to vector<10240x64xi32>
    %eq3A_35 = arith.cmpi eq, %eq3A, %eq3A_34 : vector<10240x64xi32>
    %convert_element_type3A = arith.extui %eq3A_35 : vector<10240x64xi1> to vector<10240x64xi32>
    %convert_element_type3A_36 = arith.sitofp %convert_element_type3A : vector<10240x64xi32> to vector<10240x64xf32>
    %dot_general3A = arith.constant dense<0.000000e+00> : vector<64x256xf32>
    %dot_general3A_37 = tpu.matmul %convert_element_type3A_36, %max3A_30, %dot_general3A {dimension_numbers = #tpu.dot_dimension_numbers<[0], [0], [1], [1], [0, 1, 1, 1], [], []>, transpose_lhs_hint = false} : vector<10240x64xf32>, vector<10240x256xf32>, vector<64x256xf32> -> vector<64x256xf32>
    %broadcast_in_dim3A = arith.constant 1.000000e+00 : f32
    %broadcast_in_dim3A_38 = vector.broadcast %broadcast_in_dim3A : f32 to vector<10240x1xf32>
    %dot_general3A_39 = arith.constant dense<0.000000e+00> : vector<64x1xf32>
    %dot_general3A_40 = tpu.matmul %convert_element_type3A_36, %broadcast_in_dim3A_38, %dot_general3A_39 {dimension_numbers = #tpu.dot_dimension_numbers<[0], [0], [1], [1], [0, 1, 1, 1], [], []>, transpose_lhs_hint = false} : vector<10240x64xf32>, vector<10240x1xf32>, vector<64x1xf32> -> vector<64x1xf32>
    %max3A_41 = arith.constant 1.000000e+00 : f32
    %max3A_42 = vector.broadcast %max3A_41 : f32 to vector<64x1xf32>
    %max3A_43 = arith.maximumf %dot_general3A_40, %max3A_42 : vector<64x1xf32>
    %div3A = vector.broadcast %max3A_43 : vector<64x1xf32> to vector<64x256xf32>
    %div3A_44 = arith.divf %dot_general3A_37, %div3A : vector<64x256xf32>
    %get3A_45 = arith.constant 0 : index
    %get3A_46 = arith.constant 0 : index
    %get3A_47 = vector.load %arg5[%get3A_45, %get3A_46] : memref<256x10xf32, #tpu.memory_space<vmem>>, vector<256x10xf32>
    %dot_general3A_48 = arith.constant dense<0.000000e+00> : vector<64x10xf32>
    %dot_general3A_49 = tpu.matmul %div3A_44, %get3A_47, %dot_general3A_48 {dimension_numbers = #tpu.dot_dimension_numbers<[1], [0], [0], [1], [0, 0, 1, 1], [], []>, transpose_lhs_hint = false} : vector<64x256xf32>, vector<256x10xf32>, vector<64x10xf32> -> vector<64x10xf32>
    %get3A_50 = arith.constant 0 : index
    %get3A_51 = arith.constant 0 : index
    %get3A_52 = vector.load %arg6[%get3A_50, %get3A_51] : memref<1x10xf32, #tpu.memory_space<vmem>>, vector<1x10xf32>
    %add3A_53 = vector.broadcast %get3A_52 : vector<1x10xf32> to vector<64x10xf32>
    %add3A_54 = arith.addf %dot_general3A_49, %add3A_53 : vector<64x10xf32>
    %swap3A = arith.constant 0 : index
    %swap3A_55 = arith.constant 0 : index
    %swap3A_56 = vector.load %arg7[%swap3A, %swap3A_55] : memref<64x10xf32, #tpu.memory_space<vmem>>, vector<64x10xf32>
    tpu.vector_store %arg7[%swap3A, %swap3A_55], %add3A_54 {strides = array<i32>} : memref<64x10xf32, #tpu.memory_space<vmem>>, vector<64x10xf32>,
    return
  }
}

</mosaic_0001>

<sc_bundles>
// kernel: kernel.11.cloned.1.call-start
scs
__scs_entry_jumppad:
0x0: {  	(pc) =	sbr.rel $0x88, $3  }
0x1: {  	(tag) =	ssettag $0x0;
	lr =	simm.s32 $0x1  }
0x2: {  	[smem:$0x3F98] =	sst lr;
	_ =	strace $0xD0000000  }
0x3: {  	_ = 	snop  }
0x4: {  	_ = 	snop  }
0x5: {  	_ = 	snop  }
0x6: {  	_ = 	snop  }
0x7: {  	_ = 	snop  }
__scs_overlays_trampoline_lowered:
0x8: {  	[smem:$0x3FA7] =	sst s0  }
0x9: {  	[smem:$0x3FA8] =	sst s1  }
0xa: {  	[smem:$0x3FA9] =	sst s2  }
0xb: {  	[smem:$0x3FAA] =	sst s3  }
0xc: {  	[smem:$0x3FAB] =	sst s4  }
0xd: {  	[smem:$0x3FAC] =	sst s5  }
0xe: {  	[smem:$0x3FAD] =	sst s6  }
0xf: {  	[smem:$0x3FAE] =	sst s7  }
0x10: {  	[smem:$0x3FAF] =	sst s8  }
0x11: {  	[smem:$0x3FB0] =	sst s9;
	s0 =	simm.s32 @!p0 $0x0  }
0x12: {  	s1 =	sld [smem:$0x3F96];
	s0 =	simm.s32 @p0 $0x1  }
0x13: {  	[smem:$0x3FB1] =	sst s0;
	s0 =	simm.s32 @!p1 $0x0  }
0x14: {  	s2 =	sld [smem:$0x3F95];
	s0 =	simm.s32 @p1 $0x1  }
0x15: {  	[smem:$0x3FB2] =	sst s0;
	s0 =	simm.s32 @!p2 $0x0  }
0x16: {  	s3 =	sld [smem:$0x3FDB];
	s0 =	simm.s32 @p2 $0x1  }
0x17: {  	s4 =	simm.s32 $0x1BF5;
	[smem:$0x3FB4] =	sst s0  }
0x18: {  	s0 =	sld [smem:$0x3F97];
	_ =	swait.ge [sflag:s4], $0x0  }
0x19: {  	s7 =	sld [smem:$0x3F98]  }
0x1a: {  	s8 =	sadd.s32 $0xFFFFE003, lr  }
0x1b: {  	s9 =	sadd.s32 $0xFFFFFEF7, lr;
	s5 =	simm.s32 $0xFFFFFFFF;
	p2 =	slt.u32 s8, $0xFFFFF086  }
0x1c: {  	p1 =	slt.u32 s9, $0xF7A;
	s5 =	simm.s32 @!p2 $0x0  }
0x1d: {  	s5 =	simm.s32 @p1 $0x1;
	p0 =	seq.s32 s7, s2  }
0x1e: {  	s7 =	smul.u32 @!p0 $0xF7A, s2;
	p2 =	seq.s32 @!p0 s5, $0x0  }
0x1f: {  	s9 =	smul.u32 $0xF7A, s1;
	s8 =	simm.s32 @!p0 $0x1BF5;
	p2 =	por !p2, p0  }
0x20: {  	[sflag:s8] =	ssyncset.s32 @!p0 $0xFFFFF086;
	s6 =	sadd.s32 @!p0 s3, s7;
	s7 =	simm.s32 @!p0 $0x108  }
0x21: {  	s3 =	sadd.s32 s3, s9;
	s6 =	sadd.s32 @!p0 $0x88, s6;
	s7 =	simm.s32 @p2 $0x1082  }
0x22: {  	[simem:s7], [sflag:s8] =	dma.local @!p0 [hbm:s6], $0xF7A  }
0x23: {  	s9 =	sor.u32 $0xD0000000, s2;
	s6 =	simm.s32 $0x108;
	_ =	swait.ge @!p0 [sflag:s8], $0x0  }
0x24: {  	s3 =	sadd.s32 $0x88, s3;
	s6 =	simm.s32 @!p1 $0x1082;
	[sflag:s4] =	ssyncset.s32 $0xFFFFF086  }
0x25: {  	[simem:s6], [sflag:s4] =	dma.local [hbm:s3], $0xF7A  }
0x26: {  	[smem:$0x3F98] =	sst s1;
	(tag) =	ssettag s2;
	_ =	strace s9  }
0x27: {  	s1 =	sld [smem:$0x3FA8]  }
0x28: {  	s2 =	sld [smem:$0x3FA9]  }
0x29: {  	s4 =	sld [smem:$0x3FAB]  }
0x2a: {  	p0 =	seq.s32 s5, $0x0;
	s5 =	sld [smem:$0x3FAC]  }
0x2b: {  	s6 =	sld [smem:$0x3FAD]  }
0x2c: {  	s7 =	sld [smem:$0x3FAE]  }
0x2d: {  	s3 =	simm.s32 $0x108;
	s8 =	sld [smem:$0x3FAF]  }
0x2e: {  	s3 =	simm.s32 @!p0 $0x1082;
	s9 =	sld [smem:$0x3FB0]  }
0x2f: {  	lr =	sadd.s32 s0, s3;
	s0 =	sld [smem:$0x3FA7]  }
0x30: {  	s3 =	sld [smem:$0x3FAA]  }
0x31: {  	[smem:$0x3FB3] =	sst s10  }
0x32: {  	s10 =	sld [smem:$0x3FB1];
	_ =	sdelay $0x3  }
0x33: {  	p0 =	seq.s32 s10, $0x1;
	s10 =	sld [smem:$0x3FB3];
	_ =	sdelay $0x3  }
0x34: {  	[smem:$0x3FB3] =	sst s10  }
0x35: {  	s10 =	sld [smem:$0x3FB2];
	_ =	sdelay $0x3  }
0x36: {  	p1 =	seq.s32 s10, $0x1;
	s10 =	sld [smem:$0x3FB3];
	_ =	sdelay $0x3  }
0x37: {  	[smem:$0x3FB3] =	sst s10  }
0x38: {  	s10 =	sld [smem:$0x3FB4]  }
0x39: {  	_ = 	snop;
	(pc) =	sbr.ind lr, $3  }
0x3a: {  	_ = 	snop  }
0x3b: {  	_ = 	snop  }
0x3c: {  	p2 =	seq.s32 s10, $0x1;
	s10 =	sld [smem:$0x3FB3]  }
0x3d: {  	_ =	shalt  }
0x3e: {  	_ =	shalt  }
0x3f: {  	_ =	shalt  }
0x40: {  	_ =	shalt  }
0x41: {  	_ =	shalt  }
0x42: {  	_ =	shalt  }
0x43: {  	_ =	shalt  }
0x44: {  	_ =	shalt  }
0x45: {  	_ =	shalt  }
0x46: {  	_ =	shalt  }
0x47: {  	_ =	shalt  }
0x48: {  	_ =	shalt  }
0x49: {  	_ =	shalt  }
0x4a: {  	_ =	shalt  }
0x4b: {  	_ =	shalt  }
0x4c: {  	_ =	shalt  }
0x4d: {  	_ =	shalt  }
0x4e: {  	_ =	shalt  }
0x4f: {  	_ =	shalt  }
0x50: {  	_ =	shalt  }
0x51: {  	_ =	shalt  }
0x52: {  	_ =	shalt  }
0x53: {  	_ =	shalt  }
0x54: {  	_ =	shalt  }
0x55: {  	_ =	shalt  }
0x56: {  	_ =	shalt  }
0x57: {  	_ =	shalt  }
0x58: {  	_ =	shalt  }
0x59: {  	_ =	shalt  }
0x5a: {  	_ =	shalt  }
0x5b: {  	_ =	shalt  }
0x5c: {  	_ =	shalt  }
0x5d: {  	_ =	shalt  }
0x5e: {  	_ =	shalt  }
0x5f: {  	_ =	shalt  }
0x60: {  	_ =	shalt  }
0x61: {  	_ =	shalt  }
0x62: {  	_ =	shalt  }
0x63: {  	_ =	shalt  }
0x64: {  	_ =	shalt  }
0x65: {  	_ =	shalt  }
0x66: {  	_ =	shalt  }
0x67: {  	_ =	shalt  }
0x68: {  	_ =	shalt  }
0x69: {  	_ =	shalt  }
0x6a: {  	_ =	shalt  }
0x6b: {  	_ =	shalt  }
0x6c: {  	_ =	shalt  }
0x6d: {  	_ =	shalt  }
0x6e: {  	_ =	shalt  }
0x6f: {  	_ =	shalt  }
0x70: {  	_ =	shalt  }
0x71: {  	_ =	shalt  }
0x72: {  	_ =	shalt  }
0x73: {  	_ =	shalt  }
0x74: {  	_ =	shalt  }
0x75: {  	_ =	shalt  }
0x76: {  	_ =	shalt  }
0x77: {  	_ =	shalt  }
0x78: {  	_ =	shalt  }
0x79: {  	_ =	shalt  }
0x7a: {  	_ =	shalt  }
0x7b: {  	_ =	shalt  }
0x7c: {  	_ =	shalt  }
0x7d: {  	_ =	shalt  }
0x7e: {  	_ =	shalt  }
0x7f: {  	_ =	shalt  }
0x80: {  	_ =	shalt  }
0x81: {  	_ =	shalt  }
0x82: {  	_ =	shalt  }
0x83: {  	_ =	shalt  }
0x84: {  	_ =	shalt  }
0x85: {  	_ =	shalt  }
0x86: {  	_ =	shalt  }
0x87: {  	_ =	shalt  }
.Lfunc_end0:
.L_simem_size_0:
called_computation.1_lowered:
.L_overlay_start_0:
0x88: {  	s2 =	sld [smem:$0x3FD9]  }
0x89: {  	s3 =	sld [smem:$0x3FFE];
	_ =	sdelay $0x1  }
0x8a: {  	s1 =	srdreg.scid  }
0x8b: {  	s0 =	sand.u32 $0x1, s1  }
0x8c: {  	s16 =	sshll.u32 s0, $0xA;
	s2 =	sadd.s32 s3, s2  }
0x8d: {  	s2 =	sadd.s32 s2, s16  }
0x8e: {  	[smem:$0x3FBF] =	sst s2  }
0x8f: {  	_ = 	snop  }
0x90: {  	(tm) =	ssettm $0x1  }
0x91: {  	s17 =	sld [smem:$0x3FFB];
	_ =	sdelay $0x3  }
0x92: {  	_ =	strace s17  }
0x93: {  	s2 =	sld [smem:$0x3FFC];
	_ =	sdelay $0x3  }
0x94: {  	_ =	strace s2  }
0x95: {  	s2 =	sld [smem:$0x3FFD];
	_ =	sdelay $0x3  }
0x96: {  	_ =	strace s2  }
0x97: {  	_ =	strace $0x8FFFFFFF  }
0x98: {  	s18 =	sld [smem:$0x3FDB];
	_ =	sdelay $0x1  }
0x99: {  	s19 =	simm.s32 $_scs_section_size  }
0x9a: {  	s4 =	simm.s32 $_size__tile_overlayer_lowered;
	s5 =	simm.s32 $_tile_overlayer_lowered  }
0x9b: {  	s22 =	simm.s32 $0x1BFF;
	s21 =	sshll.u32 s5, $0x1;
	s2 =	sadd.s32 s19, s18  }
0x9c: {  	s6 =	simm.s32 $0x0;
	s20 =	sshll.u32 s4, $0x1;
	s4 =	sadd.s32 s21, s2  }
0x9d: {  	[timem:s6], [sflag:s22] =	dma.local [hbm:s4], s20  }
0x9e: {  	_ =	swait.ge [sflag:s22], s20  }
0x9f: {  	s3 =	ssub.s32 $0x0, s20;
	[sflag:s22] =	ssyncset.done $0x0  }
0xa0: {  	[sflag:s22] =	ssyncadd.s32 s3;
	_ =	sdelay $0x1  }
0xa1: {  	s23 =	simm.s32 $0x1B8B  }
0xa2: {  	_ =	swait.ge [sflag:s23], $0x1  }
0xa3: {  	[sflag:s23] =	ssyncset.done $0x0  }
0xa4: {  	s25 =	simm.s32 $0x1B8E;
	s24 =	sld [smem:$0x3FFE];
	[sflag:s23] =	ssyncadd.s32 $0xFFFFFFFF  }
0xa5: {  	s26 =	simm.s32 $execute0_lowered;
	[smem:$0x3FD2] =	sst s25  }
0xa6: {  	s4 =	sshll.u32 s26, $0x1;
	_ =	strace $0x80000049;
	[dreg:$0x1] =	wrdreg $0xFFFFFFFF  }
0xa7: {  	s28 =	simm.s32 $_size_execute0_lowered;
	s2 =	sadd.s32 s2, s4;
	[dreg:$0x0] =	wrdreg $0x0  }
0xa8: {  	s4 =	sshll.u32 s28, $0x1;
	[dreg:$0x2] =	wrdreg s2  }
0xa9: {  	[dreg:$0x3] =	wrdreg s4  }
0xaa: {  	[dreg:$0x4] =	wrdreg $0xC0  }
0xab: {  	_ =	task [dreg:s6], $0x5FFFF  }
0xac: {  	[dreg:$0x1] =	wrdreg $0xFFFFFFFF  }
0xad: {  	[dreg:$0x0] =	wrdreg $0x60  }
0xae: {  	[dreg:$0x2] =	wrdreg s24  }
0xaf: {  	[dreg:$0x3] =	wrdreg $0x178000  }
0xb0: {  	[dreg:$0x4] =	wrdreg $0x9  }
0xb1: {  	_ =	task.clear_ibuf [dreg:s6], $0x5FFFF;
	_ =	strace $0x90000049  }
0xb2: {  	s29 =	simm.s32 $0x9;
	_ =	strace $0x8000004B  }
0xb3: {  	_ =	swait.ge [sflag:s29], $0x1  }
0xb4: {  	[sflag:s29] =	ssyncadd.s32 $0xFFFFFFFF  }
0xb5: {  	_ =	strace $0x9000004B  }
0xb6: {  	_ =	sfence  }
0xb7: {  	s30 =	sld [smem:$0x0];
	_ =	sdelay $0x2  }
0xb8: {  	s31 =	sshll.u32 s1, $0xD;
	s1 =	sshrl.u32 s1, $0x2  }
0xb9: {  	s3 =	sand.u32 $0x4000, s31;
	s1 =	sadd.s32 s1, s30  }
0xba: {  	s0 =	sor.u32 s3, s0;
	s1 =	sshll.u32 s1, $0x11  }
0xbb: {  	s0 =	sor.u32 s1, s0  }
0xbc: {  	s0 =	sadd.s32 $0x8F2B, s0  }
0xbd: {  	[sflag:s0] =	ssyncadd.remote.s32 $0x1  }
0xbe: {  	_ =	sfence.sel $0xFFFF  }
0xbf: {  	[dreg:$0x0] =	wrdreg $0xFFFFFFFF;
	(pc) =	sbr.abs _section_cstart, $3  }
0xc0: {  	[dreg:$0x1] =	wrdreg $0xFFFFFFFF  }
0xc1: {  	_ =	task.clear_ibuf [dreg:s6], $0x2FFFF;
	_ =	strace $0x9FFFFFFF  }
0xc2: {  	(tm) =	ssettm $0x7FFFFFFF  }
0xc3: {  	_ =	shalt  }
tec
execute0_lowered:
.L_overlay_start_1:
0x0: {  	(tag) =	ssettag $0x1  }
0x1: {  	s0 =	rddreg [dreg:$0x0]  }
0x2: {  	s1 =	rddreg [dreg:$0x1]  }
0x3: {  	s15 =	stileid.u32;
	s3 =	srdreg.scid;
	s2 =	simm.s32 $0x0  }
0x4: {  	s18 =	simm.s32 $0x80;
	s19 =	simm.s32 $0x7800;
	s20 =	simm.s32 $0xB800  }
0x5: {  	s21 =	simm.s32 $0xF800;
	s22 =	simm.s32 $0x13800;
	s23 =	simm.s32 $0x1  }
0x6: {  	s24 =	simm.s32 $0x2;
	s25 =	simm.s32 $0x3;
	s4 =	smul.u32 $0x500, s15  }
0x7: {  	s26 =	simm.s32 $0x4;
	s28 =	simm.s32 $0x0;
	s5 =	smul.u32 $0xA0, s15  }
0x8: {  	s13 =	sand.u32 $0x1, s3;
	[smem:$0x7FF] =	sst s2;
	s8 =	smul.u32 $0x14000, s15  }
0x9: {  	s3 =	sadd.s32 $0x18C00, s0;
	s9 =	smul.u32 $0xA00, s15;
	s17 =	sadd.s32 $0x50000, s1  }
0xa: {  	s31 =	sshll.u32 s15, $0x6;
	p0 =	sne.s32 s15, $0x0;
	s6 =	smul.u32 $0x2800, s13  }
0xb: {  	_ =	strace $0x8000004A;
	s29 =	ssub.s32 $0x2, s13;
	p1 =	seq.s32 s13, $0x0  }
0xc: {  	s13 =	simm.s32 $0x5;
	s15 =	sor.u32 $0x1C05, s31;
	s17 =	sshrl.u32 @!p0 s17, $0x3  }
0xd: {  	s7 =	sadd.s32 s4, s0;
	s4 =	sadd.s32 $0xEC00, s0;
	s30 =	sshrl.u32 s29, $0x1  }
0xe: {  	s8 =	sshrl.u32 s8, $0x2;
	s5 =	sadd.s32 s5, s6;
	s12 =	ssub.s32 s29, s30  }
0xf: {  	s6 =	sadd.s32 $0x1C00, s7;
	s16 =	sadd.s32 s8, s1;
	s5 =	sshll.u32 s5, $0x4  }
0x10: {  	s12 =	smax.u32 s12, $0x1;
	s16 =	sshrl.u32 s16, $0x3;
	s0 =	sadd.s32 s5, s0  }
0x11: {  	v0 =	vlaneseq.u32;
	s5 =	sadd.s32 $0x72C00, s7;
	s7 =	sadd.s32 s4, s9;
	s8 =	sadd.s32 $0x77C00, s0  }
0x12: {  	v0 =	vor.u32 $0xA00, v0;
	s9 =	sadd.s32 $0x81C00, s0;
	s10 =	sadd.s32 $0x8BC00, s0;
	s11 =	sadd.s32 $0x95C00, s0  }
.LBB2_1:
0x13: {  	[tilespmem:s2], [sflag:$0x5] =	stream.linear.gather [hbm4b:s5+s2], $0x2800, $0x38;
	[tilespmem:$0x1C880] =	vst v63  }
0x14: {  	_ =	swait.ge [sflag:s13], $0x2800  }
0x15: {  	[sflag:s13] =	ssyncset.done $0x0  }
.Ltmp0:
0x16: {  	s0 =	simm.s32 $0x2800;
	[sflag:s13] =	ssyncadd.s32 $0xFFFFD800;
	(pc) =	sbr.rel @p1 .LBB2_5-.Ltmp0, $4  }
0x17: {  	[tilespmem:s0], [sflag:$0x5] =	stream.linear.gather [hbm4b:s6+s2], $0x2800, $0x38;
	[tilespmem:$0x1C880] =	vst v63  }
0x18: {  	_ =	swait.ge [sflag:s13], $0x2800  }
0x19: {  	[sflag:s13] =	ssyncset.done $0x0  }
0x1a: {  	[sflag:s13] =	ssyncadd.s32 $0xFFFFD800  }
0x1b: {  	s0 =	sand.u32 $0xFE00, s2  }
0x1c: {  	s29 =	sand.u32 $0x70, s2;
	s0 =	sshrl.u32 s0, $0x2  }
0x1d: {  	s29 =	sor.u32 s29, s0  }
0x1e: {  	v1 =	vld [tilespmem:s29+$0x0];
	_ =	sdelay $0x2  }
0x1f: {  	s30 =	sadd.s32 $0x40, s2  }
0x20: {  	s31 =	sadd.s32 $0x40, s30;
	s0 =	sand.u32 $0xFE00, s30;
	s30 =	sadd.s32 $0x10, s2  }
.LBB2_3:
0x21: {  	p2 =	sne.s32 s31, $0x9FC0;
	s14 =	sand.u32 $0x70, s30;
	s0 =	sshrl.u32 s0, $0x2;
	v1 =	vadd.s32 $0x2800, v1  }
0x22: {  	[tilespmem:s29+$0x0] =	vst v1;
	s29 =	sor.u32 s14, s0  }
.Ltmp1:
0x23: {  	v1 =	vld [tilespmem:s29+$0x0];
	(pc) =	sbr.rel @p2 .LBB2_3-.Ltmp1, $2  }
0x24: {  	_ =	sdelay $0x2  }
0x25: {  	s30 =	sadd.s32 $0x10, s30;
	s0 =	sand.u32 $0xFE00, s31;
	s31 =	sadd.s32 $0x40, s31  }
0x26: {  	s14 =	sand.u32 $0x70, s30;
	s0 =	sshrl.u32 s0, $0x2;
	v1 =	vadd.s32 $0x2800, v1  }
0x27: {  	s0 =	sor.u32 s14, s0;
	[tilespmem:s29+$0x0] =	vst v1  }
0x28: {  	v1 =	vld [tilespmem:s0+$0x0];
	_ =	sdelay $0x4  }
0x29: {  	v1 =	vadd.s32 $0x2800, v1  }
0x2a: {  	[tilespmem:s0+$0x0] =	vst v1  }
.LBB2_5:
0x2b: {  	s29 =	simm.s32 $0x0  }
0x2c: {  	v1 =	vld [tilespmem:s29+$0x2800]  }
0x2d: {  	s30 =	simm.s32 $0x40  }
.LBB2_6:
0x2e: {  	p2 =	sne.s32 s30, $0x9FC0  }
.Ltmp2:
0x2f: {  	_ = 	snop;
	(pc) =	sbr.rel @p2 .LBB2_6-.Ltmp2, $4  }
0x30: {  	_ = 	snop  }
0x31: {  	s0 =	sshra.s32 s30, $0x2;
	s30 =	sadd.s32 $0x40, s30;
	vm0 =	vlt.u32 v1, $0xA00  }
0x32: {  	v2 =	vsel vm0, v1, v0;
	v1 =	vld [tilespmem:s0+$0x2800]  }
0x33: {  	[tilespmem:s29+$0x5000] =	vst v2;
	s29 =	smov.u32 s0  }
0x34: {  	_ =	sdelay $0x2  }
0x35: {  	vm0 =	vlt.u32 v1, $0xA00  }
0x36: {  	v1 =	vsel vm0, v1, v0  }
0x37: {  	[tilespmem:s29+$0x5000] =	vst v1  }
0x38: {  	[spmem:s16], [sflag:s15] =	dma.local [hbm:s7], $0xA00  }
0x39: {  	_ =	swait.ge [sflag:s13], $0xA00  }
0x3a: {  	[sflag:s13] =	ssyncset.done $0x0  }
0x3b: {  	s0 =	simm.s32 @!p0 $0x5;
	[sflag:s13] =	ssyncadd.s32 $0xFFFFF600  }
0x3c: {  	[spmem:s17], [sflag:s15] =	dma.local @!p0 [hbm:s4], $0x100  }
0x3d: {  	_ =	swait.ge @!p0 [sflag:s0], $0x100  }
0x3e: {  	[sflag:s0] =	ssyncset.done @!p0 $0x0  }
0x3f: {  	[sflag:s0] =	ssyncadd.s32 @!p0 $0xFFFFFF00  }
0x40: {  	s30 =	simm.s32 $0x0;
	[bflag:$0x0] =	sbarrier.arrive $0xFFFF  }
0x41: {  	[tilespmem:s19], [sflag:$0x1] =	stream.indirect.gather [hbm4b:s3+s18], $0x80, s30, s18, $0xb8;
	[tilespmem:$0x1C880] =	vst v63  }
0x42: {  	s31 =	simm.s32 $0x80  }
0x43: {  	[tilespmem:s20], [sflag:$0x2] =	stream.indirect.gather [hbm4b:s3+s18], $0x80, s31, s18, $0xb8;
	[tilespmem:$0x1C880] =	vst v63  }
0x44: {  	s14 =	simm.s32 $0x100  }
0x45: {  	[tilespmem:s21], [sflag:$0x3] =	stream.indirect.gather [hbm4b:s3+s18], $0x80, s14, s18, $0xb8;
	[tilespmem:$0x1C880] =	vst v63  }
0x46: {  	s30 =	simm.s32 $0x180  }
0x47: {  	[tilespmem:s22], [sflag:$0x4] =	stream.indirect.gather [hbm4b:s3+s18], $0x80, s30, s18, $0xb8;
	[tilespmem:$0x1C880] =	vst v63  }
0x48: {  	_ =	swait.ge [sflag:s23], $0x4000  }
0x49: {  	[sflag:s23] =	ssyncset.done $0x0  }
0x4a: {  	[sflag:s23] =	ssyncadd.s32 $0xFFFFC000  }
0x4b: {  	_ =	swait.ge [sflag:s24], $0x4000  }
0x4c: {  	[sflag:s24] =	ssyncset.done $0x0  }
0x4d: {  	[sflag:s24] =	ssyncadd.s32 $0xFFFFC000  }
0x4e: {  	_ =	swait.ge [sflag:s25], $0x4000  }
0x4f: {  	[sflag:s25] =	ssyncset.done $0x0  }
0x50: {  	[sflag:s25] =	ssyncadd.s32 $0xFFFFC000  }
0x51: {  	_ =	swait.ge [sflag:s26], $0x4000  }
0x52: {  	[sflag:s26] =	ssyncset.done $0x0  }
0x53: {  	s31 =	simm.s32 $0x5000;
	[sflag:s26] =	ssyncadd.s32 $0xFFFFC000  }
0x54: {  	[spmem:s1] =	stream.indirect.scatter.add.f32 [tilespmem:s19], [sflag:$0x5], $0x80, s31, s18, $0xb8;
	[tilespmem:$0x1C880] =	vst v63  }
0x55: {  	_ =	swait.ge [sflag:s13], $0x4000  }
0x56: {  	[sflag:s13] =	ssyncset.done $0x0  }
0x57: {  	s14 =	simm.s32 $0x5080;
	[sflag:s13] =	ssyncadd.s32 $0xFFFFC000  }
0x58: {  	[spmem:s1] =	stream.indirect.scatter.add.f32 [tilespmem:s20], [sflag:$0x5], $0x80, s14, s18, $0xb8;
	[tilespmem:$0x1C880] =	vst v63  }
0x59: {  	_ =	swait.ge [sflag:s13], $0x4000  }
0x5a: {  	[sflag:s13] =	ssyncset.done $0x0  }
0x5b: {  	s30 =	simm.s32 $0x5100;
	[sflag:s13] =	ssyncadd.s32 $0xFFFFC000  }
0x5c: {  	[spmem:s1] =	stream.indirect.scatter.add.f32 [tilespmem:s21], [sflag:$0x5], $0x80, s30, s18, $0xb8;
	[tilespmem:$0x1C880] =	vst v63  }
0x5d: {  	_ =	swait.ge [sflag:s13], $0x4000  }
0x5e: {  	[sflag:s13] =	ssyncset.done $0x0  }
0x5f: {  	s31 =	simm.s32 $0x5180;
	[sflag:s13] =	ssyncadd.s32 $0xFFFFC000  }
0x60: {  	[spmem:s1] =	stream.indirect.scatter.add.f32 [tilespmem:s22], [sflag:$0x5], $0x80, s31, s18, $0xb8;
	[tilespmem:$0x1C880] =	vst v63  }
0x61: {  	_ =	swait.ge [sflag:s13], $0x4000  }
0x62: {  	s29 =	simm.s32 $0x800;
	s0 =	simm.s32 $0x1000;
	[sflag:s13] =	ssyncset.done $0x0  }
.LBB2_8:
0x63: {  	s31 =	sshra.s32 s29, $0x2  }
0x64: {  	[sflag:s13] =	ssyncadd.s32 $0xFFFFC000;
	s29 =	smov.u32 s0;
	s30 =	sadd.s32 $0x800, s0  }
0x65: {  	[tilespmem:s19], [sflag:$0x1] =	stream.indirect.gather [hbm4b:s3+s18], $0x80, s31, s18, $0xb8;
	[tilespmem:$0x1C880] =	vst v63  }
0x66: {  	p2 =	sne.s32 s0, $0x9800;
	s0 =	sadd.s32 $0x80, s31  }
0x67: {  	[tilespmem:s20], [sflag:$0x2] =	stream.indirect.gather [hbm4b:s3+s18], $0x80, s0, s18, $0xb8;
	[tilespmem:$0x1C880] =	vst v63  }
0x68: {  	s0 =	sadd.s32 $0x100, s31  }
0x69: {  	[tilespmem:s21], [sflag:$0x3] =	stream.indirect.gather [hbm4b:s3+s18], $0x80, s0, s18, $0xb8;
	[tilespmem:$0x1C880] =	vst v63  }
0x6a: {  	s0 =	sadd.s32 $0x180, s31  }
0x6b: {  	[tilespmem:s22], [sflag:$0x4] =	stream.indirect.gather [hbm4b:s3+s18], $0x80, s0, s18, $0xb8;
	[tilespmem:$0x1C880] =	vst v63  }
0x6c: {  	_ =	swait.ge [sflag:s23], $0x4000  }
0x6d: {  	[sflag:s23] =	ssyncset.done $0x0  }
0x6e: {  	[sflag:s23] =	ssyncadd.s32 $0xFFFFC000  }
0x6f: {  	_ =	swait.ge [sflag:s24], $0x4000  }
0x70: {  	[sflag:s24] =	ssyncset.done $0x0  }
0x71: {  	[sflag:s24] =	ssyncadd.s32 $0xFFFFC000  }
0x72: {  	_ =	swait.ge [sflag:s25], $0x4000  }
0x73: {  	[sflag:s25] =	ssyncset.done $0x0  }
0x74: {  	[sflag:s25] =	ssyncadd.s32 $0xFFFFC000  }
0x75: {  	_ =	swait.ge [sflag:s26], $0x4000  }
0x76: {  	[sflag:s26] =	ssyncset.done $0x0  }
0x77: {  	s0 =	sadd.s32 $0x5000, s31;
	[sflag:s26] =	ssyncadd.s32 $0xFFFFC000  }
0x78: {  	[spmem:s1] =	stream.indirect.scatter.add.f32 [tilespmem:s19], [sflag:$0x5], $0x80, s0, s18, $0xb8;
	[tilespmem:$0x1C880] =	vst v63  }
0x79: {  	_ =	swait.ge [sflag:s13], $0x4000  }
0x7a: {  	[sflag:s13] =	ssyncset.done $0x0  }
0x7b: {  	s0 =	sadd.s32 $0x5080, s31;
	[sflag:s13] =	ssyncadd.s32 $0xFFFFC000  }
0x7c: {  	[spmem:s1] =	stream.indirect.scatter.add.f32 [tilespmem:s20], [sflag:$0x5], $0x80, s0, s18, $0xb8;
	[tilespmem:$0x1C880] =	vst v63  }
0x7d: {  	_ =	swait.ge [sflag:s13], $0x4000  }
0x7e: {  	[sflag:s13] =	ssyncset.done $0x0  }
0x7f: {  	s0 =	sadd.s32 $0x5100, s31;
	[sflag:s13] =	ssyncadd.s32 $0xFFFFC000  }
0x80: {  	[spmem:s1] =	stream.indirect.scatter.add.f32 [tilespmem:s21], [sflag:$0x5], $0x80, s0, s18, $0xb8;
	[tilespmem:$0x1C880] =	vst v63  }
0x81: {  	_ =	swait.ge [sflag:s13], $0x4000  }
.Ltmp3:
0x82: {  	[sflag:s13] =	ssyncset.done $0x0;
	(pc) =	sbr.rel @p2 .LBB2_8-.Ltmp3, $4  }
0x83: {  	s0 =	sadd.s32 $0x5180, s31;
	[sflag:s13] =	ssyncadd.s32 $0xFFFFC000  }
0x84: {  	[spmem:s1] =	stream.indirect.scatter.add.f32 [tilespmem:s22], [sflag:$0x5], $0x80, s0, s18, $0xb8;
	[tilespmem:$0x1C880] =	vst v63  }
0x85: {  	_ =	swait.ge [sflag:s13], $0x4000  }
0x86: {  	s0 =	smov.u32 s30;
	[sflag:s13] =	ssyncset.done $0x0  }
0x87: {  	s0 =	sshra.s32 s29, $0x2;
	[sflag:s13] =	ssyncadd.s32 $0xFFFFC000  }
0x88: {  	[tilespmem:s19], [sflag:$0x1] =	stream.indirect.gather [hbm4b:s3+s18], $0x80, s0, s18, $0xb8;
	[tilespmem:$0x1C880] =	vst v63  }
0x89: {  	s14 =	sadd.s32 $0x80, s0  }
0x8a: {  	[tilespmem:s20], [sflag:$0x2] =	stream.indirect.gather [hbm4b:s3+s18], $0x80, s14, s18, $0xb8;
	[tilespmem:$0x1C880] =	vst v63  }
0x8b: {  	s31 =	sadd.s32 $0x100, s0  }
0x8c: {  	[tilespmem:s21], [sflag:$0x3] =	stream.indirect.gather [hbm4b:s3+s18], $0x80, s31, s18, $0xb8;
	[tilespmem:$0x1C880] =	vst v63  }
0x8d: {  	s31 =	sadd.s32 $0x180, s0  }
0x8e: {  	[tilespmem:s22], [sflag:$0x4] =	stream.indirect.gather [hbm4b:s3+s18], $0x80, s31, s18, $0xb8;
	[tilespmem:$0x1C880] =	vst v63  }
0x8f: {  	_ =	swait.ge [sflag:s23], $0x4000  }
0x90: {  	[sflag:s23] =	ssyncset.done $0x0  }
0x91: {  	[sflag:s23] =	ssyncadd.s32 $0xFFFFC000  }
0x92: {  	_ =	swait.ge [sflag:s24], $0x4000  }
0x93: {  	[sflag:s24] =	ssyncset.done $0x0  }
0x94: {  	[sflag:s24] =	ssyncadd.s32 $0xFFFFC000  }
0x95: {  	_ =	swait.ge [sflag:s25], $0x4000  }
0x96: {  	[sflag:s25] =	ssyncset.done $0x0  }
0x97: {  	[sflag:s25] =	ssyncadd.s32 $0xFFFFC000  }
0x98: {  	_ =	swait.ge [sflag:s26], $0x4000  }
0x99: {  	[sflag:s26] =	ssyncset.done $0x0  }
0x9a: {  	s31 =	sadd.s32 $0x5000, s0;
	[sflag:s26] =	ssyncadd.s32 $0xFFFFC000  }
0x9b: {  	[spmem:s1] =	stream.indirect.scatter.add.f32 [tilespmem:s19], [sflag:$0x5], $0x80, s31, s18, $0xb8;
	[tilespmem:$0x1C880] =	vst v63  }
0x9c: {  	_ =	swait.ge [sflag:s13], $0x4000  }
0x9d: {  	[sflag:s13] =	ssyncset.done $0x0  }
0x9e: {  	s31 =	sadd.s32 $0x5080, s0;
	[sflag:s13] =	ssyncadd.s32 $0xFFFFC000  }
0x9f: {  	[spmem:s1] =	stream.indirect.scatter.add.f32 [tilespmem:s20], [sflag:$0x5], $0x80, s31, s18, $0xb8;
	[tilespmem:$0x1C880] =	vst v63  }
0xa0: {  	_ =	swait.ge [sflag:s13], $0x4000  }
0xa1: {  	[sflag:s13] =	ssyncset.done $0x0  }
0xa2: {  	s31 =	sadd.s32 $0x5100, s0;
	[sflag:s13] =	ssyncadd.s32 $0xFFFFC000  }
0xa3: {  	[spmem:s1] =	stream.indirect.scatter.add.f32 [tilespmem:s21], [sflag:$0x5], $0x80, s31, s18, $0xb8;
	[tilespmem:$0x1C880] =	vst v63  }
0xa4: {  	_ =	swait.ge [sflag:s13], $0x4000  }
0xa5: {  	[sflag:s13] =	ssyncset.done $0x0  }
0xa6: {  	s0 =	sadd.s32 $0x5180, s0;
	[sflag:s13] =	ssyncadd.s32 $0xFFFFC000  }
0xa7: {  	[spmem:s1] =	stream.indirect.scatter.add.f32 [tilespmem:s22], [sflag:$0x5], $0x80, s0, s18, $0xb8;
	[tilespmem:$0x1C880] =	vst v63  }
0xa8: {  	_ =	swait.ge [sflag:s13], $0x4000  }
0xa9: {  	[sflag:s13] =	ssyncset.done $0x0  }
0xaa: {  	[sflag:s13] =	ssyncadd.s32 $0xFFFFC000  }
0xab: {  	[bflag:$0x0] =	sbarrier.arrive $0xFFFF  }
0xac: {  	[hbm:s8], [sflag:s15] =	dma.local [spmem:s16], $0xA00  }
0xad: {  	_ =	swait.ge [sflag:s13], $0xA00  }
0xae: {  	[sflag:s13] =	ssyncset.done $0x0  }
0xaf: {  	[sflag:s13] =	ssyncadd.s32 $0xFFFFF600  }
0xb0: {  	s29 =	simm.s32 $0x0;
	[bflag:$0x0] =	sbarrier.arrive $0xFFFF  }
0xb1: {  	s30 =	simm.s32 $0x40;
	v1 =	vld [tilespmem:s29+$0x2800]  }
.LBB2_10:
0xb2: {  	_ =	sdelay $0x1  }
0xb3: {  	p2 =	sne.s32 s30, $0x9FC0  }
.Ltmp4:
0xb4: {  	_ = 	snop;
	(pc) =	sbr.rel @p2 .LBB2_10-.Ltmp4, $4  }
0xb5: {  	v2 =	vadd.s32 $0xFFFFF600, v1  }
0xb6: {  	vm0 =	vlt.u32 v2, $0xA00  }
0xb7: {  	s0 =	sshra.s32 s30, $0x2;
	v2 =	vsel vm0, v2, v0  }
0xb8: {  	s30 =	sadd.s32 $0x40, s30;
	v1 =	vld [tilespmem:s0+$0x2800];
	[tilespmem:s29+$0x5000] =	vst v2;
	s29 =	smov.u32 s0  }
0xb9: {  	_ =	sdelay $0x3  }
0xba: {  	v1 =	vadd.s32 $0xFFFFF600, v1  }
0xbb: {  	vm0 =	vlt.u32 v1, $0xA00  }
0xbc: {  	v1 =	vsel vm0, v1, v0  }
0xbd: {  	[tilespmem:s29+$0x5000] =	vst v1  }
0xbe: {  	[spmem:s16], [sflag:s15] =	dma.local [hbm:s7], $0xA00  }
0xbf: {  	_ =	swait.ge [sflag:s13], $0xA00  }
0xc0: {  	[sflag:s13] =	ssyncset.done $0x0  }
0xc1: {  	s0 =	simm.s32 @!p0 $0x5;
	[sflag:s13] =	ssyncadd.s32 $0xFFFFF600  }
0xc2: {  	[spmem:s17], [sflag:s15] =	dma.local @!p0 [hbm:s4], $0x100  }
0xc3: {  	_ =	swait.ge @!p0 [sflag:s0], $0x100  }
0xc4: {  	[sflag:s0] =	ssyncset.done @!p0 $0x0  }
0xc5: {  	[sflag:s0] =	ssyncadd.s32 @!p0 $0xFFFFFF00  }
0xc6: {  	s30 =	simm.s32 $0x0;
	[bflag:$0x0] =	sbarrier.arrive $0xFFFF  }
0xc7: {  	[tilespmem:s19], [sflag:$0x1] =	stream.indirect.gather [hbm4b:s3+s18], $0x80, s30, s18, $0xb8;
	[tilespmem:$0x1C880] =	vst v63  }
0xc8: {  	s31 =	simm.s32 $0x80  }
0xc9: {  	[tilespmem:s20], [sflag:$0x2] =	stream.indirect.gather [hbm4b:s3+s18], $0x80, s31, s18, $0xb8;
	[tilespmem:$0x1C880] =	vst v63  }
0xca: {  	s14 =	simm.s32 $0x100  }
0xcb: {  	[tilespmem:s21], [sflag:$0x3] =	stream.indirect.gather [hbm4b:s3+s18], $0x80, s14, s18, $0xb8;
	[tilespmem:$0x1C880] =	vst v63  }
0xcc: {  	s30 =	simm.s32 $0x180  }
0xcd: {  	[tilespmem:s22], [sflag:$0x4] =	stream.indirect.gather [hbm4b:s3+s18], $0x80, s30, s18, $0xb8;
	[tilespmem:$0x1C880] =	vst v63  }
0xce: {  	_ =	swait.ge [sflag:s23], $0x4000  }
0xcf: {  	[sflag:s23] =	ssyncset.done $0x0  }
0xd0: {  	[sflag:s23] =	ssyncadd.s32 $0xFFFFC000  }
0xd1: {  	_ =	swait.ge [sflag:s24], $0x4000  }
0xd2: {  	[sflag:s24] =	ssyncset.done $0x0  }
0xd3: {  	[sflag:s24] =	ssyncadd.s32 $0xFFFFC000  }
0xd4: {  	_ =	swait.ge [sflag:s25], $0x4000  }
0xd5: {  	[sflag:s25] =	ssyncset.done $0x0  }
0xd6: {  	[sflag:s25] =	ssyncadd.s32 $0xFFFFC000  }
0xd7: {  	_ =	swait.ge [sflag:s26], $0x4000  }
0xd8: {  	[sflag:s26] =	ssyncset.done $0x0  }
0xd9: {  	s31 =	simm.s32 $0x5000;
	[sflag:s26] =	ssyncadd.s32 $0xFFFFC000  }
0xda: {  	[spmem:s1] =	stream.indirect.scatter.add.f32 [tilespmem:s19], [sflag:$0x5], $0x80, s31, s18, $0xb8;
	[tilespmem:$0x1C880] =	vst v63  }
0xdb: {  	_ =	swait.ge [sflag:s13], $0x4000  }
0xdc: {  	[sflag:s13] =	ssyncset.done $0x0  }
0xdd: {  	s14 =	simm.s32 $0x5080;
	[sflag:s13] =	ssyncadd.s32 $0xFFFFC000  }
0xde: {  	[spmem:s1] =	stream.indirect.scatter.add.f32 [tilespmem:s20], [sflag:$0x5], $0x80, s14, s18, $0xb8;
	[tilespmem:$0x1C880] =	vst v63  }
0xdf: {  	_ =	swait.ge [sflag:s13], $0x4000  }
0xe0: {  	[sflag:s13] =	ssyncset.done $0x0  }
0xe1: {  	s30 =	simm.s32 $0x5100;
	[sflag:s13] =	ssyncadd.s32 $0xFFFFC000  }
0xe2: {  	[spmem:s1] =	stream.indirect.scatter.add.f32 [tilespmem:s21], [sflag:$0x5], $0x80, s30, s18, $0xb8;
	[tilespmem:$0x1C880] =	vst v63  }
0xe3: {  	_ =	swait.ge [sflag:s13], $0x4000  }
0xe4: {  	[sflag:s13] =	ssyncset.done $0x0  }
0xe5: {  	s31 =	simm.s32 $0x5180;
	[sflag:s13] =	ssyncadd.s32 $0xFFFFC000  }
0xe6: {  	[spmem:s1] =	stream.indirect.scatter.add.f32 [tilespmem:s22], [sflag:$0x5], $0x80, s31, s18, $0xb8;
	[tilespmem:$0x1C880] =	vst v63  }
0xe7: {  	_ =	swait.ge [sflag:s13], $0x4000  }
0xe8: {  	s29 =	simm.s32 $0x800;
	s0 =	simm.s32 $0x1000;
	[sflag:s13] =	ssyncset.done $0x0  }
.LBB2_12:
0xe9: {  	s31 =	sshra.s32 s29, $0x2  }
0xea: {  	[sflag:s13] =	ssyncadd.s32 $0xFFFFC000;
	s29 =	smov.u32 s0;
	s30 =	sadd.s32 $0x800, s0  }
0xeb: {  	[tilespmem:s19], [sflag:$0x1] =	stream.indirect.gather [hbm4b:s3+s18], $0x80, s31, s18, $0xb8;
	[tilespmem:$0x1C880] =	vst v63  }
0xec: {  	p2 =	sne.s32 s0, $0x9800;
	s0 =	sadd.s32 $0x80, s31  }
0xed: {  	[tilespmem:s20], [sflag:$0x2] =	stream.indirect.gather [hbm4b:s3+s18], $0x80, s0, s18, $0xb8;
	[tilespmem:$0x1C880] =	vst v63  }
0xee: {  	s0 =	sadd.s32 $0x100, s31  }
0xef: {  	[tilespmem:s21], [sflag:$0x3] =	stream.indirect.gather [hbm4b:s3+s18], $0x80, s0, s18, $0xb8;
	[tilespmem:$0x1C880] =	vst v63  }
0xf0: {  	s0 =	sadd.s32 $0x180, s31  }
0xf1: {  	[tilespmem:s22], [sflag:$0x4] =	stream.indirect.gather [hbm4b:s3+s18], $0x80, s0, s18, $0xb8;
	[tilespmem:$0x1C880] =	vst v63  }
0xf2: {  	_ =	swait.ge [sflag:s23], $0x4000  }
0xf3: {  	[sflag:s23] =	ssyncset.done $0x0  }
0xf4: {  	[sflag:s23] =	ssyncadd.s32 $0xFFFFC000  }
0xf5: {  	_ =	swait.ge [sflag:s24], $0x4000  }
0xf6: {  	[sflag:s24] =	ssyncset.done $0x0  }
0xf7: {  	[sflag:s24] =	ssyncadd.s32 $0xFFFFC000  }
0xf8: {  	_ =	swait.ge [sflag:s25], $0x4000  }
0xf9: {  	[sflag:s25] =	ssyncset.done $0x0  }
0xfa: {  	[sflag:s25] =	ssyncadd.s32 $0xFFFFC000  }
0xfb: {  	_ =	swait.ge [sflag:s26], $0x4000  }
0xfc: {  	[sflag:s26] =	ssyncset.done $0x0  }
0xfd: {  	s0 =	sadd.s32 $0x5000, s31;
	[sflag:s26] =	ssyncadd.s32 $0xFFFFC000  }
0xfe: {  	[spmem:s1] =	stream.indirect.scatter.add.f32 [tilespmem:s19], [sflag:$0x5], $0x80, s0, s18, $0xb8;
	[tilespmem:$0x1C880] =	vst v63  }
0xff: {  	_ =	swait.ge [sflag:s13], $0x4000  }
0x100: {  	[sflag:s13] =	ssyncset.done $0x0  }
0x101: {  	s0 =	sadd.s32 $0x5080, s31;
	[sflag:s13] =	ssyncadd.s32 $0xFFFFC000  }
0x102: {  	[spmem:s1] =	stream.indirect.scatter.add.f32 [tilespmem:s20], [sflag:$0x5], $0x80, s0, s18, $0xb8;
	[tilespmem:$0x1C880] =	vst v63  }
0x103: {  	_ =	swait.ge [sflag:s13], $0x4000  }
0x104: {  	[sflag:s13] =	ssyncset.done $0x0  }
0x105: {  	s0 =	sadd.s32 $0x5100, s31;
	[sflag:s13] =	ssyncadd.s32 $0xFFFFC000  }
0x106: {  	[spmem:s1] =	stream.indirect.scatter.add.f32 [tilespmem:s21], [sflag:$0x5], $0x80, s0, s18, $0xb8;
	[tilespmem:$0x1C880] =	vst v63  }
0x107: {  	_ =	swait.ge [sflag:s13], $0x4000  }
.Ltmp5:
0x108: {  	[sflag:s13] =	ssyncset.done $0x0;
	(pc) =	sbr.rel @p2 .LBB2_12-.Ltmp5, $4  }
0x109: {  	s0 =	sadd.s32 $0x5180, s31;
	[sflag:s13] =	ssyncadd.s32 $0xFFFFC000  }
0x10a: {  	[spmem:s1] =	stream.indirect.scatter.add.f32 [tilespmem:s22], [sflag:$0x5], $0x80, s0, s18, $0xb8;
	[tilespmem:$0x1C880] =	vst v63  }
0x10b: {  	_ =	swait.ge [sflag:s13], $0x4000  }
0x10c: {  	s0 =	smov.u32 s30;
	[sflag:s13] =	ssyncset.done $0x0  }
0x10d: {  	s0 =	sshra.s32 s29, $0x2;
	[sflag:s13] =	ssyncadd.s32 $0xFFFFC000  }
0x10e: {  	[tilespmem:s19], [sflag:$0x1] =	stream.indirect.gather [hbm4b:s3+s18], $0x80, s0, s18, $0xb8;
	[tilespmem:$0x1C880] =	vst v63  }
0x10f: {  	s14 =	sadd.s32 $0x80, s0  }
0x110: {  	[tilespmem:s20], [sflag:$0x2] =	stream.indirect.gather [hbm4b:s3+s18], $0x80, s14, s18, $0xb8;
	[tilespmem:$0x1C880] =	vst v63  }
0x111: {  	s31 =	sadd.s32 $0x100, s0  }
0x112: {  	[tilespmem:s21], [sflag:$0x3] =	stream.indirect.gather [hbm4b:s3+s18], $0x80, s31, s18, $0xb8;
	[tilespmem:$0x1C880] =	vst v63  }
0x113: {  	s31 =	sadd.s32 $0x180, s0  }
0x114: {  	[tilespmem:s22], [sflag:$0x4] =	stream.indirect.gather [hbm4b:s3+s18], $0x80, s31, s18, $0xb8;
	[tilespmem:$0x1C880] =	vst v63  }
0x115: {  	_ =	swait.ge [sflag:s23], $0x4000  }
0x116: {  	[sflag:s23] =	ssyncset.done $0x0  }
0x117: {  	[sflag:s23] =	ssyncadd.s32 $0xFFFFC000  }
0x118: {  	_ =	swait.ge [sflag:s24], $0x4000  }
0x119: {  	[sflag:s24] =	ssyncset.done $0x0  }
0x11a: {  	[sflag:s24] =	ssyncadd.s32 $0xFFFFC000  }
0x11b: {  	_ =	swait.ge [sflag:s25], $0x4000  }
0x11c: {  	[sflag:s25] =	ssyncset.done $0x0  }
0x11d: {  	[sflag:s25] =	ssyncadd.s32 $0xFFFFC000  }
0x11e: {  	_ =	swait.ge [sflag:s26], $0x4000  }
0x11f: {  	[sflag:s26] =	ssyncset.done $0x0  }
0x120: {  	s31 =	sadd.s32 $0x5000, s0;
	[sflag:s26] =	ssyncadd.s32 $0xFFFFC000  }
0x121: {  	[spmem:s1] =	stream.indirect.scatter.add.f32 [tilespmem:s19], [sflag:$0x5], $0x80, s31, s18, $0xb8;
	[tilespmem:$0x1C880] =	vst v63  }
0x122: {  	_ =	swait.ge [sflag:s13], $0x4000  }
0x123: {  	[sflag:s13] =	ssyncset.done $0x0  }
0x124: {  	s31 =	sadd.s32 $0x5080, s0;
	[sflag:s13] =	ssyncadd.s32 $0xFFFFC000  }
0x125: {  	[spmem:s1] =	stream.indirect.scatter.add.f32 [tilespmem:s20], [sflag:$0x5], $0x80, s31, s18, $0xb8;
	[tilespmem:$0x1C880] =	vst v63  }
0x126: {  	_ =	swait.ge [sflag:s13], $0x4000  }
0x127: {  	[sflag:s13] =	ssyncset.done $0x0  }
0x128: {  	s31 =	sadd.s32 $0x5100, s0;
	[sflag:s13] =	ssyncadd.s32 $0xFFFFC000  }
0x129: {  	[spmem:s1] =	stream.indirect.scatter.add.f32 [tilespmem:s21], [sflag:$0x5], $0x80, s31, s18, $0xb8;
	[tilespmem:$0x1C880] =	vst v63  }
0x12a: {  	_ =	swait.ge [sflag:s13], $0x4000  }
0x12b: {  	[sflag:s13] =	ssyncset.done $0x0  }
0x12c: {  	s0 =	sadd.s32 $0x5180, s0;
	[sflag:s13] =	ssyncadd.s32 $0xFFFFC000  }
0x12d: {  	[spmem:s1] =	stream.indirect.scatter.add.f32 [tilespmem:s22], [sflag:$0x5], $0x80, s0, s18, $0xb8;
	[tilespmem:$0x1C880] =	vst v63  }
0x12e: {  	_ =	swait.ge [sflag:s13], $0x4000  }
0x12f: {  	[sflag:s13] =	ssyncset.done $0x0  }
0x130: {  	[sflag:s13] =	ssyncadd.s32 $0xFFFFC000  }
0x131: {  	[bflag:$0x0] =	sbarrier.arrive $0xFFFF  }
0x132: {  	[hbm:s9], [sflag:s15] =	dma.local [spmem:s16], $0xA00  }
0x133: {  	_ =	swait.ge [sflag:s13], $0xA00  }
0x134: {  	[sflag:s13] =	ssyncset.done $0x0  }
0x135: {  	[sflag:s13] =	ssyncadd.s32 $0xFFFFF600  }
0x136: {  	s29 =	simm.s32 $0x0;
	[bflag:$0x0] =	sbarrier.arrive $0xFFFF  }
0x137: {  	s30 =	simm.s32 $0x40;
	v1 =	vld [tilespmem:s29+$0x2800]  }
.LBB2_14:
0x138: {  	_ =	sdelay $0x1  }
0x139: {  	p2 =	sne.s32 s30, $0x9FC0  }
.Ltmp6:
0x13a: {  	_ = 	snop;
	(pc) =	sbr.rel @p2 .LBB2_14-.Ltmp6, $4  }
0x13b: {  	v2 =	vadd.s32 $0xFFFFEC00, v1  }
0x13c: {  	vm0 =	vlt.u32 v2, $0xA00  }
0x13d: {  	s0 =	sshra.s32 s30, $0x2;
	v2 =	vsel vm0, v2, v0  }
0x13e: {  	s30 =	sadd.s32 $0x40, s30;
	v1 =	vld [tilespmem:s0+$0x2800];
	[tilespmem:s29+$0x5000] =	vst v2;
	s29 =	smov.u32 s0  }
0x13f: {  	_ =	sdelay $0x3  }
0x140: {  	v1 =	vadd.s32 $0xFFFFEC00, v1  }
0x141: {  	vm0 =	vlt.u32 v1, $0xA00  }
0x142: {  	v1 =	vsel vm0, v1, v0  }
0x143: {  	[tilespmem:s29+$0x5000] =	vst v1  }
0x144: {  	[spmem:s16], [sflag:s15] =	dma.local [hbm:s7], $0xA00  }
0x145: {  	_ =	swait.ge [sflag:s13], $0xA00  }
0x146: {  	[sflag:s13] =	ssyncset.done $0x0  }
0x147: {  	s0 =	simm.s32 @!p0 $0x5;
	[sflag:s13] =	ssyncadd.s32 $0xFFFFF600  }
0x148: {  	[spmem:s17], [sflag:s15] =	dma.local @!p0 [hbm:s4], $0x100  }
0x149: {  	_ =	swait.ge @!p0 [sflag:s0], $0x100  }
0x14a: {  	[sflag:s0] =	ssyncset.done @!p0 $0x0  }
0x14b: {  	[sflag:s0] =	ssyncadd.s32 @!p0 $0xFFFFFF00  }
0x14c: {  	s30 =	simm.s32 $0x0;
	[bflag:$0x0] =	sbarrier.arrive $0xFFFF  }
0x14d: {  	[tilespmem:s19], [sflag:$0x1] =	stream.indirect.gather [hbm4b:s3+s18], $0x80, s30, s18, $0xb8;
	[tilespmem:$0x1C880] =	vst v63  }
0x14e: {  	s31 =	simm.s32 $0x80  }
0x14f: {  	[tilespmem:s20], [sflag:$0x2] =	stream.indirect.gather [hbm4b:s3+s18], $0x80, s31, s18, $0xb8;
	[tilespmem:$0x1C880] =	vst v63  }
0x150: {  	s14 =	simm.s32 $0x100  }
0x151: {  	[tilespmem:s21], [sflag:$0x3] =	stream.indirect.gather [hbm4b:s3+s18], $0x80, s14, s18, $0xb8;
	[tilespmem:$0x1C880] =	vst v63  }
0x152: {  	s30 =	simm.s32 $0x180  }
0x153: {  	[tilespmem:s22], [sflag:$0x4] =	stream.indirect.gather [hbm4b:s3+s18], $0x80, s30, s18, $0xb8;
	[tilespmem:$0x1C880] =	vst v63  }
0x154: {  	_ =	swait.ge [sflag:s23], $0x4000  }
0x155: {  	[sflag:s23] =	ssyncset.done $0x0  }
0x156: {  	[sflag:s23] =	ssyncadd.s32 $0xFFFFC000  }
0x157: {  	_ =	swait.ge [sflag:s24], $0x4000  }
0x158: {  	[sflag:s24] =	ssyncset.done $0x0  }
0x159: {  	[sflag:s24] =	ssyncadd.s32 $0xFFFFC000  }
0x15a: {  	_ =	swait.ge [sflag:s25], $0x4000  }
0x15b: {  	[sflag:s25] =	ssyncset.done $0x0  }
0x15c: {  	[sflag:s25] =	ssyncadd.s32 $0xFFFFC000  }
0x15d: {  	_ =	swait.ge [sflag:s26], $0x4000  }
0x15e: {  	[sflag:s26] =	ssyncset.done $0x0  }
0x15f: {  	s31 =	simm.s32 $0x5000;
	[sflag:s26] =	ssyncadd.s32 $0xFFFFC000  }
0x160: {  	[spmem:s1] =	stream.indirect.scatter.add.f32 [tilespmem:s19], [sflag:$0x5], $0x80, s31, s18, $0xb8;
	[tilespmem:$0x1C880] =	vst v63  }
0x161: {  	_ =	swait.ge [sflag:s13], $0x4000  }
0x162: {  	[sflag:s13] =	ssyncset.done $0x0  }
0x163: {  	s14 =	simm.s32 $0x5080;
	[sflag:s13] =	ssyncadd.s32 $0xFFFFC000  }
0x164: {  	[spmem:s1] =	stream.indirect.scatter.add.f32 [tilespmem:s20], [sflag:$0x5], $0x80, s14, s18, $0xb8;
	[tilespmem:$0x1C880] =	vst v63  }
0x165: {  	_ =	swait.ge [sflag:s13], $0x4000  }
0x166: {  	[sflag:s13] =	ssyncset.done $0x0  }
0x167: {  	s30 =	simm.s32 $0x5100;
	[sflag:s13] =	ssyncadd.s32 $0xFFFFC000  }
0x168: {  	[spmem:s1] =	stream.indirect.scatter.add.f32 [tilespmem:s21], [sflag:$0x5], $0x80, s30, s18, $0xb8;
	[tilespmem:$0x1C880] =	vst v63  }
0x169: {  	_ =	swait.ge [sflag:s13], $0x4000  }
0x16a: {  	[sflag:s13] =	ssyncset.done $0x0  }
0x16b: {  	s31 =	simm.s32 $0x5180;
	[sflag:s13] =	ssyncadd.s32 $0xFFFFC000  }
0x16c: {  	[spmem:s1] =	stream.indirect.scatter.add.f32 [tilespmem:s22], [sflag:$0x5], $0x80, s31, s18, $0xb8;
	[tilespmem:$0x1C880] =	vst v63  }
0x16d: {  	_ =	swait.ge [sflag:s13], $0x4000  }
0x16e: {  	s29 =	simm.s32 $0x800;
	s0 =	simm.s32 $0x1000;
	[sflag:s13] =	ssyncset.done $0x0  }
.LBB2_16:
0x16f: {  	s31 =	sshra.s32 s29, $0x2  }
0x170: {  	[sflag:s13] =	ssyncadd.s32 $0xFFFFC000;
	s29 =	smov.u32 s0;
	s30 =	sadd.s32 $0x800, s0  }
0x171: {  	[tilespmem:s19], [sflag:$0x1] =	stream.indirect.gather [hbm4b:s3+s18], $0x80, s31, s18, $0xb8;
	[tilespmem:$0x1C880] =	vst v63  }
0x172: {  	p2 =	sne.s32 s0, $0x9800;
	s0 =	sadd.s32 $0x80, s31  }
0x173: {  	[tilespmem:s20], [sflag:$0x2] =	stream.indirect.gather [hbm4b:s3+s18], $0x80, s0, s18, $0xb8;
	[tilespmem:$0x1C880] =	vst v63  }
0x174: {  	s0 =	sadd.s32 $0x100, s31  }
0x175: {  	[tilespmem:s21], [sflag:$0x3] =	stream.indirect.gather [hbm4b:s3+s18], $0x80, s0, s18, $0xb8;
	[tilespmem:$0x1C880] =	vst v63  }
0x176: {  	s0 =	sadd.s32 $0x180, s31  }
0x177: {  	[tilespmem:s22], [sflag:$0x4] =	stream.indirect.gather [hbm4b:s3+s18], $0x80, s0, s18, $0xb8;
	[tilespmem:$0x1C880] =	vst v63  }
0x178: {  	_ =	swait.ge [sflag:s23], $0x4000  }
0x179: {  	[sflag:s23] =	ssyncset.done $0x0  }
0x17a: {  	[sflag:s23] =	ssyncadd.s32 $0xFFFFC000  }
0x17b: {  	_ =	swait.ge [sflag:s24], $0x4000  }
0x17c: {  	[sflag:s24] =	ssyncset.done $0x0  }
0x17d: {  	[sflag:s24] =	ssyncadd.s32 $0xFFFFC000  }
0x17e: {  	_ =	swait.ge [sflag:s25], $0x4000  }
0x17f: {  	[sflag:s25] =	ssyncset.done $0x0  }
0x180: {  	[sflag:s25] =	ssyncadd.s32 $0xFFFFC000  }
0x181: {  	_ =	swait.ge [sflag:s26], $0x4000  }
0x182: {  	[sflag:s26] =	ssyncset.done $0x0  }
0x183: {  	s0 =	sadd.s32 $0x5000, s31;
	[sflag:s26] =	ssyncadd.s32 $0xFFFFC000  }
0x184: {  	[spmem:s1] =	stream.indirect.scatter.add.f32 [tilespmem:s19], [sflag:$0x5], $0x80, s0, s18, $0xb8;
	[tilespmem:$0x1C880] =	vst v63  }
0x185: {  	_ =	swait.ge [sflag:s13], $0x4000  }
0x186: {  	[sflag:s13] =	ssyncset.done $0x0  }
0x187: {  	s0 =	sadd.s32 $0x5080, s31;
	[sflag:s13] =	ssyncadd.s32 $0xFFFFC000  }
0x188: {  	[spmem:s1] =	stream.indirect.scatter.add.f32 [tilespmem:s20], [sflag:$0x5], $0x80, s0, s18, $0xb8;
	[tilespmem:$0x1C880] =	vst v63  }
0x189: {  	_ =	swait.ge [sflag:s13], $0x4000  }
0x18a: {  	[sflag:s13] =	ssyncset.done $0x0  }
0x18b: {  	s0 =	sadd.s32 $0x5100, s31;
	[sflag:s13] =	ssyncadd.s32 $0xFFFFC000  }
0x18c: {  	[spmem:s1] =	stream.indirect.scatter.add.f32 [tilespmem:s21], [sflag:$0x5], $0x80, s0, s18, $0xb8;
	[tilespmem:$0x1C880] =	vst v63  }
0x18d: {  	_ =	swait.ge [sflag:s13], $0x4000  }
.Ltmp7:
0x18e: {  	[sflag:s13] =	ssyncset.done $0x0;
	(pc) =	sbr.rel @p2 .LBB2_16-.Ltmp7, $4  }
0x18f: {  	s0 =	sadd.s32 $0x5180, s31;
	[sflag:s13] =	ssyncadd.s32 $0xFFFFC000  }
0x190: {  	[spmem:s1] =	stream.indirect.scatter.add.f32 [tilespmem:s22], [sflag:$0x5], $0x80, s0, s18, $0xb8;
	[tilespmem:$0x1C880] =	vst v63  }
0x191: {  	_ =	swait.ge [sflag:s13], $0x4000  }
0x192: {  	s0 =	smov.u32 s30;
	[sflag:s13] =	ssyncset.done $0x0  }
0x193: {  	s0 =	sshra.s32 s29, $0x2;
	[sflag:s13] =	ssyncadd.s32 $0xFFFFC000  }
0x194: {  	[tilespmem:s19], [sflag:$0x1] =	stream.indirect.gather [hbm4b:s3+s18], $0x80, s0, s18, $0xb8;
	[tilespmem:$0x1C880] =	vst v63  }
0x195: {  	s14 =	sadd.s32 $0x80, s0  }
0x196: {  	[tilespmem:s20], [sflag:$0x2] =	stream.indirect.gather [hbm4b:s3+s18], $0x80, s14, s18, $0xb8;
	[tilespmem:$0x1C880] =	vst v63  }
0x197: {  	s31 =	sadd.s32 $0x100, s0  }
0x198: {  	[tilespmem:s21], [sflag:$0x3] =	stream.indirect.gather [hbm4b:s3+s18], $0x80, s31, s18, $0xb8;
	[tilespmem:$0x1C880] =	vst v63  }
0x199: {  	s31 =	sadd.s32 $0x180, s0  }
0x19a: {  	[tilespmem:s22], [sflag:$0x4] =	stream.indirect.gather [hbm4b:s3+s18], $0x80, s31, s18, $0xb8;
	[tilespmem:$0x1C880] =	vst v63  }
0x19b: {  	_ =	swait.ge [sflag:s23], $0x4000  }
0x19c: {  	[sflag:s23] =	ssyncset.done $0x0  }
0x19d: {  	[sflag:s23] =	ssyncadd.s32 $0xFFFFC000  }
0x19e: {  	_ =	swait.ge [sflag:s24], $0x4000  }
0x19f: {  	[sflag:s24] =	ssyncset.done $0x0  }
0x1a0: {  	[sflag:s24] =	ssyncadd.s32 $0xFFFFC000  }
0x1a1: {  	_ =	swait.ge [sflag:s25], $0x4000  }
0x1a2: {  	[sflag:s25] =	ssyncset.done $0x0  }
0x1a3: {  	[sflag:s25] =	ssyncadd.s32 $0xFFFFC000  }
0x1a4: {  	_ =	swait.ge [sflag:s26], $0x4000  }
0x1a5: {  	[sflag:s26] =	ssyncset.done $0x0  }
0x1a6: {  	s31 =	sadd.s32 $0x5000, s0;
	[sflag:s26] =	ssyncadd.s32 $0xFFFFC000  }
0x1a7: {  	[spmem:s1] =	stream.indirect.scatter.add.f32 [tilespmem:s19], [sflag:$0x5], $0x80, s31, s18, $0xb8;
	[tilespmem:$0x1C880] =	vst v63  }
0x1a8: {  	_ =	swait.ge [sflag:s13], $0x4000  }
0x1a9: {  	[sflag:s13] =	ssyncset.done $0x0  }
0x1aa: {  	s31 =	sadd.s32 $0x5080, s0;
	[sflag:s13] =	ssyncadd.s32 $0xFFFFC000  }
0x1ab: {  	[spmem:s1] =	stream.indirect.scatter.add.f32 [tilespmem:s20], [sflag:$0x5], $0x80, s31, s18, $0xb8;
	[tilespmem:$0x1C880] =	vst v63  }
0x1ac: {  	_ =	swait.ge [sflag:s13], $0x4000  }
0x1ad: {  	[sflag:s13] =	ssyncset.done $0x0  }
0x1ae: {  	s31 =	sadd.s32 $0x5100, s0;
	[sflag:s13] =	ssyncadd.s32 $0xFFFFC000  }
0x1af: {  	[spmem:s1] =	stream.indirect.scatter.add.f32 [tilespmem:s21], [sflag:$0x5], $0x80, s31, s18, $0xb8;
	[tilespmem:$0x1C880] =	vst v63  }
0x1b0: {  	_ =	swait.ge [sflag:s13], $0x4000  }
0x1b1: {  	[sflag:s13] =	ssyncset.done $0x0  }
0x1b2: {  	s0 =	sadd.s32 $0x5180, s0;
	[sflag:s13] =	ssyncadd.s32 $0xFFFFC000  }
0x1b3: {  	[spmem:s1] =	stream.indirect.scatter.add.f32 [tilespmem:s22], [sflag:$0x5], $0x80, s0, s18, $0xb8;
	[tilespmem:$0x1C880] =	vst v63  }
0x1b4: {  	_ =	swait.ge [sflag:s13], $0x4000  }
0x1b5: {  	[sflag:s13] =	ssyncset.done $0x0  }
0x1b6: {  	[sflag:s13] =	ssyncadd.s32 $0xFFFFC000  }
0x1b7: {  	[bflag:$0x0] =	sbarrier.arrive $0xFFFF  }
0x1b8: {  	[hbm:s10], [sflag:s15] =	dma.local [spmem:s16], $0xA00  }
0x1b9: {  	_ =	swait.ge [sflag:s13], $0xA00  }
0x1ba: {  	[sflag:s13] =	ssyncset.done $0x0  }
0x1bb: {  	[sflag:s13] =	ssyncadd.s32 $0xFFFFF600  }
0x1bc: {  	s29 =	simm.s32 $0x0;
	[bflag:$0x0] =	sbarrier.arrive $0xFFFF  }
0x1bd: {  	s30 =	simm.s32 $0x40;
	v1 =	vld [tilespmem:s29+$0x2800]  }
.LBB2_18:
0x1be: {  	_ =	sdelay $0x1  }
0x1bf: {  	p2 =	sne.s32 s30, $0x9FC0  }
.Ltmp8:
0x1c0: {  	_ = 	snop;
	(pc) =	sbr.rel @p2 .LBB2_18-.Ltmp8, $4  }
0x1c1: {  	v2 =	vadd.s32 $0xFFFFE200, v1  }
0x1c2: {  	vm0 =	vlt.u32 v2, $0xA00  }
0x1c3: {  	s0 =	sshra.s32 s30, $0x2;
	v2 =	vsel vm0, v2, v0  }
0x1c4: {  	s30 =	sadd.s32 $0x40, s30;
	v1 =	vld [tilespmem:s0+$0x2800];
	[tilespmem:s29+$0x5000] =	vst v2;
	s29 =	smov.u32 s0  }
0x1c5: {  	_ =	sdelay $0x3  }
0x1c6: {  	v1 =	vadd.s32 $0xFFFFE200, v1  }
0x1c7: {  	vm0 =	vlt.u32 v1, $0xA00  }
0x1c8: {  	v1 =	vsel vm0, v1, v0  }
0x1c9: {  	[tilespmem:s29+$0x5000] =	vst v1  }
0x1ca: {  	[spmem:s16], [sflag:s15] =	dma.local [hbm:s7], $0xA00  }
0x1cb: {  	_ =	swait.ge [sflag:s13], $0xA00  }
0x1cc: {  	[sflag:s13] =	ssyncset.done $0x0  }
0x1cd: {  	s0 =	simm.s32 @!p0 $0x5;
	[sflag:s13] =	ssyncadd.s32 $0xFFFFF600  }
0x1ce: {  	[spmem:s17], [sflag:s15] =	dma.local @!p0 [hbm:s4], $0x100  }
0x1cf: {  	_ =	swait.ge @!p0 [sflag:s0], $0x100  }
0x1d0: {  	[sflag:s0] =	ssyncset.done @!p0 $0x0  }
0x1d1: {  	[sflag:s0] =	ssyncadd.s32 @!p0 $0xFFFFFF00  }
0x1d2: {  	s30 =	simm.s32 $0x0;
	[bflag:$0x0] =	sbarrier.arrive $0xFFFF  }
0x1d3: {  	[tilespmem:s19], [sflag:$0x1] =	stream.indirect.gather [hbm4b:s3+s18], $0x80, s30, s18, $0xb8;
	[tilespmem:$0x1C880] =	vst v63  }
0x1d4: {  	s31 =	simm.s32 $0x80  }
0x1d5: {  	[tilespmem:s20], [sflag:$0x2] =	stream.indirect.gather [hbm4b:s3+s18], $0x80, s31, s18, $0xb8;
	[tilespmem:$0x1C880] =	vst v63  }
0x1d6: {  	s14 =	simm.s32 $0x100  }
0x1d7: {  	[tilespmem:s21], [sflag:$0x3] =	stream.indirect.gather [hbm4b:s3+s18], $0x80, s14, s18, $0xb8;
	[tilespmem:$0x1C880] =	vst v63  }
0x1d8: {  	s30 =	simm.s32 $0x180  }
0x1d9: {  	[tilespmem:s22], [sflag:$0x4] =	stream.indirect.gather [hbm4b:s3+s18], $0x80, s30, s18, $0xb8;
	[tilespmem:$0x1C880] =	vst v63  }
0x1da: {  	_ =	swait.ge [sflag:s23], $0x4000  }
0x1db: {  	[sflag:s23] =	ssyncset.done $0x0  }
0x1dc: {  	[sflag:s23] =	ssyncadd.s32 $0xFFFFC000  }
0x1dd: {  	_ =	swait.ge [sflag:s24], $0x4000  }
0x1de: {  	[sflag:s24] =	ssyncset.done $0x0  }
0x1df: {  	[sflag:s24] =	ssyncadd.s32 $0xFFFFC000  }
0x1e0: {  	_ =	swait.ge [sflag:s25], $0x4000  }
0x1e1: {  	[sflag:s25] =	ssyncset.done $0x0  }
0x1e2: {  	[sflag:s25] =	ssyncadd.s32 $0xFFFFC000  }
0x1e3: {  	_ =	swait.ge [sflag:s26], $0x4000  }
0x1e4: {  	[sflag:s26] =	ssyncset.done $0x0  }
0x1e5: {  	s31 =	simm.s32 $0x5000;
	[sflag:s26] =	ssyncadd.s32 $0xFFFFC000  }
0x1e6: {  	[spmem:s1] =	stream.indirect.scatter.add.f32 [tilespmem:s19], [sflag:$0x5], $0x80, s31, s18, $0xb8;
	[tilespmem:$0x1C880] =	vst v63  }
0x1e7: {  	_ =	swait.ge [sflag:s13], $0x4000  }
0x1e8: {  	[sflag:s13] =	ssyncset.done $0x0  }
0x1e9: {  	s14 =	simm.s32 $0x5080;
	[sflag:s13] =	ssyncadd.s32 $0xFFFFC000  }
0x1ea: {  	[spmem:s1] =	stream.indirect.scatter.add.f32 [tilespmem:s20], [sflag:$0x5], $0x80, s14, s18, $0xb8;
	[tilespmem:$0x1C880] =	vst v63  }
0x1eb: {  	_ =	swait.ge [sflag:s13], $0x4000  }
0x1ec: {  	[sflag:s13] =	ssyncset.done $0x0  }
0x1ed: {  	s30 =	simm.s32 $0x5100;
	[sflag:s13] =	ssyncadd.s32 $0xFFFFC000  }
0x1ee: {  	[spmem:s1] =	stream.indirect.scatter.add.f32 [tilespmem:s21], [sflag:$0x5], $0x80, s30, s18, $0xb8;
	[tilespmem:$0x1C880] =	vst v63  }
0x1ef: {  	_ =	swait.ge [sflag:s13], $0x4000  }
0x1f0: {  	[sflag:s13] =	ssyncset.done $0x0  }
0x1f1: {  	s31 =	simm.s32 $0x5180;
	[sflag:s13] =	ssyncadd.s32 $0xFFFFC000  }
0x1f2: {  	[spmem:s1] =	stream.indirect.scatter.add.f32 [tilespmem:s22], [sflag:$0x5], $0x80, s31, s18, $0xb8;
	[tilespmem:$0x1C880] =	vst v63  }
0x1f3: {  	_ =	swait.ge [sflag:s13], $0x4000  }
0x1f4: {  	s29 =	simm.s32 $0x800;
	s0 =	simm.s32 $0x1000;
	[sflag:s13] =	ssyncset.done $0x0  }
.LBB2_20:
0x1f5: {  	s31 =	sshra.s32 s29, $0x2  }
0x1f6: {  	[sflag:s13] =	ssyncadd.s32 $0xFFFFC000;
	s29 =	smov.u32 s0;
	s30 =	sadd.s32 $0x800, s0  }
0x1f7: {  	[tilespmem:s19], [sflag:$0x1] =	stream.indirect.gather [hbm4b:s3+s18], $0x80, s31, s18, $0xb8;
	[tilespmem:$0x1C880] =	vst v63  }
0x1f8: {  	p2 =	sne.s32 s0, $0x9800;
	s0 =	sadd.s32 $0x80, s31  }
0x1f9: {  	[tilespmem:s20], [sflag:$0x2] =	stream.indirect.gather [hbm4b:s3+s18], $0x80, s0, s18, $0xb8;
	[tilespmem:$0x1C880] =	vst v63  }
0x1fa: {  	s0 =	sadd.s32 $0x100, s31  }
0x1fb: {  	[tilespmem:s21], [sflag:$0x3] =	stream.indirect.gather [hbm4b:s3+s18], $0x80, s0, s18, $0xb8;
	[tilespmem:$0x1C880] =	vst v63  }
0x1fc: {  	s0 =	sadd.s32 $0x180, s31  }
0x1fd: {  	[tilespmem:s22], [sflag:$0x4] =	stream.indirect.gather [hbm4b:s3+s18], $0x80, s0, s18, $0xb8;
	[tilespmem:$0x1C880] =	vst v63  }
0x1fe: {  	_ =	swait.ge [sflag:s23], $0x4000  }
0x1ff: {  	[sflag:s23] =	ssyncset.done $0x0  }
0x200: {  	[sflag:s23] =	ssyncadd.s32 $0xFFFFC000  }
0x201: {  	_ =	swait.ge [sflag:s24], $0x4000  }
0x202: {  	[sflag:s24] =	ssyncset.done $0x0  }
0x203: {  	[sflag:s24] =	ssyncadd.s32 $0xFFFFC000  }
0x204: {  	_ =	swait.ge [sflag:s25], $0x4000  }
0x205: {  	[sflag:s25] =	ssyncset.done $0x0  }
0x206: {  	[sflag:s25] =	ssyncadd.s32 $0xFFFFC000  }
0x207: {  	_ =	swait.ge [sflag:s26], $0x4000  }
0x208: {  	[sflag:s26] =	ssyncset.done $0x0  }
0x209: {  	s0 =	sadd.s32 $0x5000, s31;
	[sflag:s26] =	ssyncadd.s32 $0xFFFFC000  }
0x20a: {  	[spmem:s1] =	stream.indirect.scatter.add.f32 [tilespmem:s19], [sflag:$0x5], $0x80, s0, s18, $0xb8;
	[tilespmem:$0x1C880] =	vst v63  }
0x20b: {  	_ =	swait.ge [sflag:s13], $0x4000  }
0x20c: {  	[sflag:s13] =	ssyncset.done $0x0  }
0x20d: {  	s0 =	sadd.s32 $0x5080, s31;
	[sflag:s13] =	ssyncadd.s32 $0xFFFFC000  }
0x20e: {  	[spmem:s1] =	stream.indirect.scatter.add.f32 [tilespmem:s20], [sflag:$0x5], $0x80, s0, s18, $0xb8;
	[tilespmem:$0x1C880] =	vst v63  }
0x20f: {  	_ =	swait.ge [sflag:s13], $0x4000  }
0x210: {  	[sflag:s13] =	ssyncset.done $0x0  }
0x211: {  	s0 =	sadd.s32 $0x5100, s31;
	[sflag:s13] =	ssyncadd.s32 $0xFFFFC000  }
0x212: {  	[spmem:s1] =	stream.indirect.scatter.add.f32 [tilespmem:s21], [sflag:$0x5], $0x80, s0, s18, $0xb8;
	[tilespmem:$0x1C880] =	vst v63  }
0x213: {  	_ =	swait.ge [sflag:s13], $0x4000  }
.Ltmp9:
0x214: {  	[sflag:s13] =	ssyncset.done $0x0;
	(pc) =	sbr.rel @p2 .LBB2_20-.Ltmp9, $4  }
0x215: {  	s0 =	sadd.s32 $0x5180, s31;
	[sflag:s13] =	ssyncadd.s32 $0xFFFFC000  }
0x216: {  	[spmem:s1] =	stream.indirect.scatter.add.f32 [tilespmem:s22], [sflag:$0x5], $0x80, s0, s18, $0xb8;
	[tilespmem:$0x1C880] =	vst v63  }
0x217: {  	_ =	swait.ge [sflag:s13], $0x4000  }
0x218: {  	s0 =	smov.u32 s30;
	[sflag:s13] =	ssyncset.done $0x0  }
0x219: {  	s0 =	sshra.s32 s29, $0x2;
	[sflag:s13] =	ssyncadd.s32 $0xFFFFC000  }
0x21a: {  	[tilespmem:s19], [sflag:$0x1] =	stream.indirect.gather [hbm4b:s3+s18], $0x80, s0, s18, $0xb8;
	[tilespmem:$0x1C880] =	vst v63  }
0x21b: {  	s14 =	sadd.s32 $0x80, s0  }
0x21c: {  	[tilespmem:s20], [sflag:$0x2] =	stream.indirect.gather [hbm4b:s3+s18], $0x80, s14, s18, $0xb8;
	[tilespmem:$0x1C880] =	vst v63  }
0x21d: {  	s30 =	sadd.s32 $0x100, s0  }
0x21e: {  	[tilespmem:s21], [sflag:$0x3] =	stream.indirect.gather [hbm4b:s3+s18], $0x80, s30, s18, $0xb8;
	[tilespmem:$0x1C880] =	vst v63  }
0x21f: {  	s31 =	sadd.s32 $0x180, s0  }
0x220: {  	[tilespmem:s22], [sflag:$0x4] =	stream.indirect.gather [hbm4b:s3+s18], $0x80, s31, s18, $0xb8;
	[tilespmem:$0x1C880] =	vst v63  }
0x221: {  	_ =	swait.ge [sflag:s23], $0x4000  }
0x222: {  	[sflag:s23] =	ssyncset.done $0x0  }
0x223: {  	[sflag:s23] =	ssyncadd.s32 $0xFFFFC000  }
0x224: {  	_ =	swait.ge [sflag:s24], $0x4000  }
0x225: {  	[sflag:s24] =	ssyncset.done $0x0  }
0x226: {  	[sflag:s24] =	ssyncadd.s32 $0xFFFFC000  }
0x227: {  	_ =	swait.ge [sflag:s25], $0x4000  }
0x228: {  	[sflag:s25] =	ssyncset.done $0x0  }
0x229: {  	[sflag:s25] =	ssyncadd.s32 $0xFFFFC000  }
0x22a: {  	_ =	swait.ge [sflag:s26], $0x4000  }
0x22b: {  	[sflag:s26] =	ssyncset.done $0x0  }
0x22c: {  	s29 =	sadd.s32 $0x5000, s0;
	[sflag:s26] =	ssyncadd.s32 $0xFFFFC000  }
0x22d: {  	[spmem:s1] =	stream.indirect.scatter.add.f32 [tilespmem:s19], [sflag:$0x5], $0x80, s29, s18, $0xb8;
	[tilespmem:$0x1C880] =	vst v63  }
0x22e: {  	_ =	swait.ge [sflag:s13], $0x4000  }
0x22f: {  	[sflag:s13] =	ssyncset.done $0x0  }
0x230: {  	s30 =	sadd.s32 $0x5080, s0;
	[sflag:s13] =	ssyncadd.s32 $0xFFFFC000  }
0x231: {  	[spmem:s1] =	stream.indirect.scatter.add.f32 [tilespmem:s20], [sflag:$0x5], $0x80, s30, s18, $0xb8;
	[tilespmem:$0x1C880] =	vst v63  }
0x232: {  	_ =	swait.ge [sflag:s13], $0x4000  }
0x233: {  	[sflag:s13] =	ssyncset.done $0x0  }
0x234: {  	s31 =	sadd.s32 $0x5100, s0;
	[sflag:s13] =	ssyncadd.s32 $0xFFFFC000  }
0x235: {  	[spmem:s1] =	stream.indirect.scatter.add.f32 [tilespmem:s21], [sflag:$0x5], $0x80, s31, s18, $0xb8;
	[tilespmem:$0x1C880] =	vst v63  }
0x236: {  	_ =	swait.ge [sflag:s13], $0x4000  }
0x237: {  	[sflag:s13] =	ssyncset.done $0x0  }
0x238: {  	s0 =	sadd.s32 $0x5180, s0;
	[sflag:s13] =	ssyncadd.s32 $0xFFFFC000  }
0x239: {  	[spmem:s1] =	stream.indirect.scatter.add.f32 [tilespmem:s22], [sflag:$0x5], $0x80, s0, s18, $0xb8;
	[tilespmem:$0x1C880] =	vst v63  }
0x23a: {  	_ =	swait.ge [sflag:s13], $0x4000  }
0x23b: {  	s28 =	sadd.s32 $0x1, s28;
	[sflag:s13] =	ssyncset.done $0x0  }
0x23c: {  	p2 =	sne.s32 s28, s12;
	[sflag:s13] =	ssyncadd.s32 $0xFFFFC000  }
.Ltmp10:
0x23d: {  	[bflag:$0x0] =	sbarrier.arrive $0xFFFF;
	(pc) =	sbr.rel @p2 .LBB2_1-.Ltmp10, $4  }
0x23e: {  	[hbm:s11], [sflag:s15] =	dma.local [spmem:s16], $0xA00  }
0x23f: {  	_ =	swait.ge [sflag:s13], $0xA00  }
0x240: {  	[sflag:s13] =	ssyncset.done $0x0  }
0x241: {  	[sflag:s13] =	ssyncadd.s32 $0xFFFFF600  }
0x242: {  	_ =	sfence.sel $0x180000  }
0x243: {  	[bflag:$0x0] =	sbarrier.arrive $0xFFFF  }
0x244: {  	_ =	strace $0x9000004A  }
0x245: {  	[bflag:$0x2] =	sbarrier.arrive $0xFFFF  }
0x246: {  	s0 =	rddreg [dreg:$0x2]  }
0x247: {  	s0 =	sadd.s32 @!p0 $0x100000, s0  }
0x248: {  	[sflag:s0] =	ssyncadd.tile.s32 @!p0 $0x1;
	_ =	shalt  }
.Lfunc_end2:
_tile_overlayer_lowered:
.L_overlay_start_2:
0x249: {  	(tag) =	ssettag $0x2  }
0x24a: {  	s0 =	rddreg [dreg:$0x0];
	s2 =	stileid.u32  }
0x24b: {  	s1 =	rddreg [dreg:$0x1];
	p0 =	sne.s32 s2, $0x0  }
0x24c: {  	s3 =	rddreg [dreg:$0x2];
	[bflag:$0x3] =	sbarrier.arrive $0xFFFF;
	s2 =	simm.s32 @!p0 $0x1C05  }
0x24d: {  	[timem:s3], [sflag:s2] =	dma.local @!p0 [hbm:s0], s1  }
0x24e: {  	s0 =	simm.s32 @!p0 $0x5  }
0x24f: {  	_ =	swait.ge @!p0 [sflag:s0], s1  }
0x250: {  	s1 =	ssub.s32 @!p0 $0x0, s1;
	[sflag:s0] =	ssyncset.done @!p0 $0x0  }
0x251: {  	[sflag:s0] =	ssyncadd.s32 @!p0 s1  }
0x252: {  	[bflag:$0x3] =	sbarrier.arrive $0xFFFF  }
0x253: {  	_ =	shalt  }

// kernel: kernel.14.cloned.1.call-start
scs
__scs_entry_jumppad:
0x0: {  	(pc) =	sbr.rel $0x88, $3  }
0x1: {  	(tag) =	ssettag $0x0;
	lr =	simm.s32 $0x1  }
0x2: {  	[smem:$0x3F98] =	sst lr;
	_ =	strace $0xD0000000  }
0x3: {  	_ = 	snop  }
0x4: {  	_ = 	snop  }
0x5: {  	_ = 	snop  }
0x6: {  	_ = 	snop  }
0x7: {  	_ = 	snop  }
__scs_overlays_trampoline_lowered:
0x8: {  	[smem:$0x3FA7] =	sst s0  }
0x9: {  	[smem:$0x3FA8] =	sst s1  }
0xa: {  	[smem:$0x3FA9] =	sst s2  }
0xb: {  	[smem:$0x3FAA] =	sst s3  }
0xc: {  	[smem:$0x3FAB] =	sst s4  }
0xd: {  	[smem:$0x3FAC] =	sst s5  }
0xe: {  	[smem:$0x3FAD] =	sst s6  }
0xf: {  	[smem:$0x3FAE] =	sst s7  }
0x10: {  	[smem:$0x3FAF] =	sst s8  }
0x11: {  	[smem:$0x3FB0] =	sst s9;
	s0 =	simm.s32 @!p0 $0x0  }
0x12: {  	s1 =	sld [smem:$0x3F96];
	s0 =	simm.s32 @p0 $0x1  }
0x13: {  	[smem:$0x3FB1] =	sst s0;
	s0 =	simm.s32 @!p1 $0x0  }
0x14: {  	s2 =	sld [smem:$0x3F95];
	s0 =	simm.s32 @p1 $0x1  }
0x15: {  	[smem:$0x3FB2] =	sst s0;
	s0 =	simm.s32 @!p2 $0x0  }
0x16: {  	s3 =	sld [smem:$0x3FDB];
	s0 =	simm.s32 @p2 $0x1  }
0x17: {  	s4 =	simm.s32 $0x1BF5;
	[smem:$0x3FB4] =	sst s0  }
0x18: {  	s0 =	sld [smem:$0x3F97];
	_ =	swait.ge [sflag:s4], $0x0  }
0x19: {  	s7 =	sld [smem:$0x3F98]  }
0x1a: {  	s8 =	sadd.s32 $0xFFFFE003, lr  }
0x1b: {  	s9 =	sadd.s32 $0xFFFFFEF7, lr;
	s5 =	simm.s32 $0xFFFFFFFF;
	p2 =	slt.u32 s8, $0xFFFFF086  }
0x1c: {  	p1 =	slt.u32 s9, $0xF7A;
	s5 =	simm.s32 @!p2 $0x0  }
0x1d: {  	s5 =	simm.s32 @p1 $0x1;
	p0 =	seq.s32 s7, s2  }
0x1e: {  	s7 =	smul.u32 @!p0 $0xF7A, s2;
	p2 =	seq.s32 @!p0 s5, $0x0  }
0x1f: {  	s9 =	smul.u32 $0xF7A, s1;
	s8 =	simm.s32 @!p0 $0x1BF5;
	p2 =	por !p2, p0  }
0x20: {  	[sflag:s8] =	ssyncset.s32 @!p0 $0xFFFFF086;
	s6 =	sadd.s32 @!p0 s3, s7;
	s7 =	simm.s32 @!p0 $0x108  }
0x21: {  	s3 =	sadd.s32 s3, s9;
	s6 =	sadd.s32 @!p0 $0x88, s6;
	s7 =	simm.s32 @p2 $0x1082  }
0x22: {  	[simem:s7], [sflag:s8] =	dma.local @!p0 [hbm:s6], $0xF7A  }
0x23: {  	s9 =	sor.u32 $0xD0000000, s2;
	s6 =	simm.s32 $0x108;
	_ =	swait.ge @!p0 [sflag:s8], $0x0  }
0x24: {  	s3 =	sadd.s32 $0x88, s3;
	s6 =	simm.s32 @!p1 $0x1082;
	[sflag:s4] =	ssyncset.s32 $0xFFFFF086  }
0x25: {  	[simem:s6], [sflag:s4] =	dma.local [hbm:s3], $0xF7A  }
0x26: {  	[smem:$0x3F98] =	sst s1;
	(tag) =	ssettag s2;
	_ =	strace s9  }
0x27: {  	s1 =	sld [smem:$0x3FA8]  }
0x28: {  	s2 =	sld [smem:$0x3FA9]  }
0x29: {  	s4 =	sld [smem:$0x3FAB]  }
0x2a: {  	p0 =	seq.s32 s5, $0x0;
	s5 =	sld [smem:$0x3FAC]  }
0x2b: {  	s6 =	sld [smem:$0x3FAD]  }
0x2c: {  	s7 =	sld [smem:$0x3FAE]  }
0x2d: {  	s3 =	simm.s32 $0x108;
	s8 =	sld [smem:$0x3FAF]  }
0x2e: {  	s3 =	simm.s32 @!p0 $0x1082;
	s9 =	sld [smem:$0x3FB0]  }
0x2f: {  	lr =	sadd.s32 s0, s3;
	s0 =	sld [smem:$0x3FA7]  }
0x30: {  	s3 =	sld [smem:$0x3FAA]  }
0x31: {  	[smem:$0x3FB3] =	sst s10  }
0x32: {  	s10 =	sld [smem:$0x3FB1];
	_ =	sdelay $0x3  }
0x33: {  	p0 =	seq.s32 s10, $0x1;
	s10 =	sld [smem:$0x3FB3];
	_ =	sdelay $0x3  }
0x34: {  	[smem:$0x3FB3] =	sst s10  }
0x35: {  	s10 =	sld [smem:$0x3FB2];
	_ =	sdelay $0x3  }
0x36: {  	p1 =	seq.s32 s10, $0x1;
	s10 =	sld [smem:$0x3FB3];
	_ =	sdelay $0x3  }
0x37: {  	[smem:$0x3FB3] =	sst s10  }
0x38: {  	s10 =	sld [smem:$0x3FB4]  }
0x39: {  	_ = 	snop;
	(pc) =	sbr.ind lr, $3  }
0x3a: {  	_ = 	snop  }
0x3b: {  	_ = 	snop  }
0x3c: {  	p2 =	seq.s32 s10, $0x1;
	s10 =	sld [smem:$0x3FB3]  }
0x3d: {  	_ =	shalt  }
0x3e: {  	_ =	shalt  }
0x3f: {  	_ =	shalt  }
0x40: {  	_ =	shalt  }
0x41: {  	_ =	shalt  }
0x42: {  	_ =	shalt  }
0x43: {  	_ =	shalt  }
0x44: {  	_ =	shalt  }
0x45: {  	_ =	shalt  }
0x46: {  	_ =	shalt  }
0x47: {  	_ =	shalt  }
0x48: {  	_ =	shalt  }
0x49: {  	_ =	shalt  }
0x4a: {  	_ =	shalt  }
0x4b: {  	_ =	shalt  }
0x4c: {  	_ =	shalt  }
0x4d: {  	_ =	shalt  }
0x4e: {  	_ =	shalt  }
0x4f: {  	_ =	shalt  }
0x50: {  	_ =	shalt  }
0x51: {  	_ =	shalt  }
0x52: {  	_ =	shalt  }
0x53: {  	_ =	shalt  }
0x54: {  	_ =	shalt  }
0x55: {  	_ =	shalt  }
0x56: {  	_ =	shalt  }
0x57: {  	_ =	shalt  }
0x58: {  	_ =	shalt  }
0x59: {  	_ =	shalt  }
0x5a: {  	_ =	shalt  }
0x5b: {  	_ =	shalt  }
0x5c: {  	_ =	shalt  }
0x5d: {  	_ =	shalt  }
0x5e: {  	_ =	shalt  }
0x5f: {  	_ =	shalt  }
0x60: {  	_ =	shalt  }
0x61: {  	_ =	shalt  }
0x62: {  	_ =	shalt  }
0x63: {  	_ =	shalt  }
0x64: {  	_ =	shalt  }
0x65: {  	_ =	shalt  }
0x66: {  	_ =	shalt  }
0x67: {  	_ =	shalt  }
0x68: {  	_ =	shalt  }
0x69: {  	_ =	shalt  }
0x6a: {  	_ =	shalt  }
0x6b: {  	_ =	shalt  }
0x6c: {  	_ =	shalt  }
0x6d: {  	_ =	shalt  }
0x6e: {  	_ =	shalt  }
0x6f: {  	_ =	shalt  }
0x70: {  	_ =	shalt  }
0x71: {  	_ =	shalt  }
0x72: {  	_ =	shalt  }
0x73: {  	_ =	shalt  }
0x74: {  	_ =	shalt  }
0x75: {  	_ =	shalt  }
0x76: {  	_ =	shalt  }
0x77: {  	_ =	shalt  }
0x78: {  	_ =	shalt  }
0x79: {  	_ =	shalt  }
0x7a: {  	_ =	shalt  }
0x7b: {  	_ =	shalt  }
0x7c: {  	_ =	shalt  }
0x7d: {  	_ =	shalt  }
0x7e: {  	_ =	shalt  }
0x7f: {  	_ =	shalt  }
0x80: {  	_ =	shalt  }
0x81: {  	_ =	shalt  }
0x82: {  	_ =	shalt  }
0x83: {  	_ =	shalt  }
0x84: {  	_ =	shalt  }
0x85: {  	_ =	shalt  }
0x86: {  	_ =	shalt  }
0x87: {  	_ =	shalt  }
.Lfunc_end0:
.L_simem_size_0:
called_computation.2_lowered:
.L_overlay_start_0:
0x88: {  	s2 =	sld [smem:$0x3FD9]  }
0x89: {  	s3 =	sld [smem:$0x3FFE];
	_ =	sdelay $0x1  }
0x8a: {  	s1 =	srdreg.scid  }
0x8b: {  	s0 =	sand.u32 $0x1, s1  }
0x8c: {  	s16 =	sshll.u32 s0, $0xA;
	s2 =	sadd.s32 s3, s2  }
0x8d: {  	s2 =	sadd.s32 s2, s16  }
0x8e: {  	[smem:$0x3FBF] =	sst s2  }
0x8f: {  	_ = 	snop  }
0x90: {  	(tm) =	ssettm $0x1  }
0x91: {  	s17 =	sld [smem:$0x3FFB];
	_ =	sdelay $0x3  }
0x92: {  	_ =	strace s17  }
0x93: {  	s2 =	sld [smem:$0x3FFC];
	_ =	sdelay $0x3  }
0x94: {  	_ =	strace s2  }
0x95: {  	s2 =	sld [smem:$0x3FFD];
	_ =	sdelay $0x3  }
0x96: {  	_ =	strace s2  }
0x97: {  	_ =	strace $0x8FFFFFFF  }
0x98: {  	s18 =	sld [smem:$0x3FDB];
	_ =	sdelay $0x1  }
0x99: {  	s19 =	simm.s32 $_scs_section_size  }
0x9a: {  	s4 =	simm.s32 $_size__tile_overlayer_lowered;
	s5 =	simm.s32 $_tile_overlayer_lowered  }
0x9b: {  	s22 =	simm.s32 $0x1BFF;
	s21 =	sshll.u32 s5, $0x1;
	s2 =	sadd.s32 s19, s18  }
0x9c: {  	s6 =	simm.s32 $0x0;
	s20 =	sshll.u32 s4, $0x1;
	s4 =	sadd.s32 s21, s2  }
0x9d: {  	[timem:s6], [sflag:s22] =	dma.local [hbm:s4], s20  }
0x9e: {  	_ =	swait.ge [sflag:s22], s20  }
0x9f: {  	s3 =	ssub.s32 $0x0, s20;
	[sflag:s22] =	ssyncset.done $0x0  }
0xa0: {  	[sflag:s22] =	ssyncadd.s32 s3;
	_ =	sdelay $0x1  }
0xa1: {  	s23 =	simm.s32 $0x1B8B  }
0xa2: {  	_ =	swait.ge [sflag:s23], $0x1  }
0xa3: {  	[sflag:s23] =	ssyncset.done $0x0  }
0xa4: {  	s25 =	simm.s32 $0x1B8E;
	s24 =	sld [smem:$0x3FFE];
	[sflag:s23] =	ssyncadd.s32 $0xFFFFFFFF  }
0xa5: {  	s26 =	simm.s32 $execute0_lowered;
	[smem:$0x3FD2] =	sst s25  }
0xa6: {  	s4 =	sshll.u32 s26, $0x1;
	_ =	strace $0x8000004C;
	[dreg:$0x1] =	wrdreg $0xFFFFFFFF  }
0xa7: {  	s28 =	simm.s32 $_size_execute0_lowered;
	s2 =	sadd.s32 s2, s4;
	[dreg:$0x0] =	wrdreg $0x0  }
0xa8: {  	s4 =	sshll.u32 s28, $0x1;
	[dreg:$0x2] =	wrdreg s2  }
0xa9: {  	[dreg:$0x3] =	wrdreg s4  }
0xaa: {  	[dreg:$0x4] =	wrdreg $0xC0  }
0xab: {  	_ =	task [dreg:s6], $0x5FFFF  }
0xac: {  	[dreg:$0x1] =	wrdreg $0xFFFFFFFF  }
0xad: {  	[dreg:$0x0] =	wrdreg $0x60  }
0xae: {  	[dreg:$0x2] =	wrdreg s24  }
0xaf: {  	[dreg:$0x3] =	wrdreg $0x178000  }
0xb0: {  	[dreg:$0x4] =	wrdreg $0x9  }
0xb1: {  	_ =	task.clear_ibuf [dreg:s6], $0x5FFFF;
	_ =	strace $0x9000004C  }
0xb2: {  	s29 =	simm.s32 $0x9;
	_ =	strace $0x8000004E  }
0xb3: {  	_ =	swait.ge [sflag:s29], $0x1  }
0xb4: {  	[sflag:s29] =	ssyncadd.s32 $0xFFFFFFFF  }
0xb5: {  	_ =	strace $0x9000004E  }
0xb6: {  	_ =	sfence  }
0xb7: {  	s30 =	sld [smem:$0x0];
	_ =	sdelay $0x2  }
0xb8: {  	s31 =	sshll.u32 s1, $0xD;
	s1 =	sshrl.u32 s1, $0x2  }
0xb9: {  	s3 =	sand.u32 $0x4000, s31;
	s1 =	sadd.s32 s1, s30  }
0xba: {  	s0 =	sor.u32 s3, s0;
	s1 =	sshll.u32 s1, $0x11  }
0xbb: {  	s0 =	sor.u32 s1, s0  }
0xbc: {  	s0 =	sadd.s32 $0x8F2B, s0  }
0xbd: {  	[sflag:s0] =	ssyncadd.remote.s32 $0x1  }
0xbe: {  	_ =	sfence.sel $0xFFFF  }
0xbf: {  	[dreg:$0x0] =	wrdreg $0xFFFFFFFF;
	(pc) =	sbr.abs _section_cstart, $3  }
0xc0: {  	[dreg:$0x1] =	wrdreg $0xFFFFFFFF  }
0xc1: {  	_ =	task.clear_ibuf [dreg:s6], $0x2FFFF;
	_ =	strace $0x9FFFFFFF  }
0xc2: {  	(tm) =	ssettm $0x7FFFFFFF  }
0xc3: {  	_ =	shalt  }
tec
execute0_lowered:
.L_overlay_start_1:
0x0: {  	(tag) =	ssettag $0x1  }
0x1: {  	s0 =	rddreg [dreg:$0x0]  }
0x2: {  	s1 =	rddreg [dreg:$0x1]  }
0x3: {  	s15 =	stileid.u32;
	s3 =	srdreg.scid;
	s2 =	simm.s32 $0x0  }
0x4: {  	s18 =	simm.s32 $0x80;
	s19 =	simm.s32 $0x7800;
	s20 =	simm.s32 $0xB800  }
0x5: {  	s21 =	simm.s32 $0xF800;
	s22 =	simm.s32 $0x13800;
	s23 =	simm.s32 $0x1  }
0x6: {  	s24 =	simm.s32 $0x2;
	s25 =	simm.s32 $0x3;
	s4 =	smul.u32 $0x500, s15  }
0x7: {  	s26 =	simm.s32 $0x4;
	s28 =	simm.s32 $0x0;
	s5 =	smul.u32 $0xA0, s15  }
0x8: {  	s13 =	sand.u32 $0x1, s3;
	[smem:$0x7FF] =	sst s2;
	s8 =	smul.u32 $0x14000, s15  }
0x9: {  	s3 =	sadd.s32 $0x18C00, s0;
	s9 =	smul.u32 $0xA00, s15;
	s17 =	sadd.s32 $0x50000, s1  }
0xa: {  	s31 =	sshll.u32 s15, $0x6;
	p0 =	sne.s32 s15, $0x0;
	s6 =	smul.u32 $0x2800, s13  }
0xb: {  	_ =	strace $0x8000004D;
	s29 =	ssub.s32 $0x2, s13;
	p1 =	seq.s32 s13, $0x0  }
0xc: {  	s13 =	simm.s32 $0x5;
	s15 =	sor.u32 $0x1C05, s31;
	s17 =	sshrl.u32 @!p0 s17, $0x3  }
0xd: {  	s7 =	sadd.s32 s4, s0;
	s4 =	sadd.s32 $0xEC00, s0;
	s30 =	sshrl.u32 s29, $0x1  }
0xe: {  	s8 =	sshrl.u32 s8, $0x2;
	s5 =	sadd.s32 s5, s6;
	s12 =	ssub.s32 s29, s30  }
0xf: {  	s6 =	sadd.s32 $0x1C00, s7;
	s16 =	sadd.s32 s8, s1;
	s5 =	sshll.u32 s5, $0x4  }
0x10: {  	s12 =	smax.u32 s12, $0x1;
	s16 =	sshrl.u32 s16, $0x3;
	s0 =	sadd.s32 s5, s0  }
0x11: {  	v0 =	vlaneseq.u32;
	s5 =	sadd.s32 $0x72C00, s7;
	s7 =	sadd.s32 s4, s9;
	s8 =	sadd.s32 $0x77C00, s0  }
0x12: {  	v0 =	vor.u32 $0xA00, v0;
	s9 =	sadd.s32 $0x81C00, s0;
	s10 =	sadd.s32 $0x8BC00, s0;
	s11 =	sadd.s32 $0x95C00, s0  }
.LBB2_1:
0x13: {  	[tilespmem:s2], [sflag:$0x5] =	stream.linear.gather [hbm4b:s5+s2], $0x2800, $0x38;
	[tilespmem:$0x1C880] =	vst v63  }
0x14: {  	_ =	swait.ge [sflag:s13], $0x2800  }
0x15: {  	[sflag:s13] =	ssyncset.done $0x0  }
.Ltmp0:
0x16: {  	s0 =	simm.s32 $0x2800;
	[sflag:s13] =	ssyncadd.s32 $0xFFFFD800;
	(pc) =	sbr.rel @p1 .LBB2_5-.Ltmp0, $4  }
0x17: {  	[tilespmem:s0], [sflag:$0x5] =	stream.linear.gather [hbm4b:s6+s2], $0x2800, $0x38;
	[tilespmem:$0x1C880] =	vst v63  }
0x18: {  	_ =	swait.ge [sflag:s13], $0x2800  }
0x19: {  	[sflag:s13] =	ssyncset.done $0x0  }
0x1a: {  	[sflag:s13] =	ssyncadd.s32 $0xFFFFD800  }
0x1b: {  	s0 =	sand.u32 $0xFE00, s2  }
0x1c: {  	s29 =	sand.u32 $0x70, s2;
	s0 =	sshrl.u32 s0, $0x2  }
0x1d: {  	s29 =	sor.u32 s29, s0  }
0x1e: {  	v1 =	vld [tilespmem:s29+$0x0];
	_ =	sdelay $0x2  }
0x1f: {  	s30 =	sadd.s32 $0x40, s2  }
0x20: {  	s31 =	sadd.s32 $0x40, s30;
	s0 =	sand.u32 $0xFE00, s30;
	s30 =	sadd.s32 $0x10, s2  }
.LBB2_3:
0x21: {  	p2 =	sne.s32 s31, $0x9FC0;
	s14 =	sand.u32 $0x70, s30;
	s0 =	sshrl.u32 s0, $0x2;
	v1 =	vadd.s32 $0x2800, v1  }
0x22: {  	[tilespmem:s29+$0x0] =	vst v1;
	s29 =	sor.u32 s14, s0  }
.Ltmp1:
0x23: {  	v1 =	vld [tilespmem:s29+$0x0];
	(pc) =	sbr.rel @p2 .LBB2_3-.Ltmp1, $2  }
0x24: {  	_ =	sdelay $0x2  }
0x25: {  	s30 =	sadd.s32 $0x10, s30;
	s0 =	sand.u32 $0xFE00, s31;
	s31 =	sadd.s32 $0x40, s31  }
0x26: {  	s14 =	sand.u32 $0x70, s30;
	s0 =	sshrl.u32 s0, $0x2;
	v1 =	vadd.s32 $0x2800, v1  }
0x27: {  	s0 =	sor.u32 s14, s0;
	[tilespmem:s29+$0x0] =	vst v1  }
0x28: {  	v1 =	vld [tilespmem:s0+$0x0];
	_ =	sdelay $0x4  }
0x29: {  	v1 =	vadd.s32 $0x2800, v1  }
0x2a: {  	[tilespmem:s0+$0x0] =	vst v1  }
.LBB2_5:
0x2b: {  	s29 =	simm.s32 $0x0  }
0x2c: {  	v1 =	vld [tilespmem:s29+$0x2800]  }
0x2d: {  	s30 =	simm.s32 $0x40  }
.LBB2_6:
0x2e: {  	p2 =	sne.s32 s30, $0x9FC0  }
.Ltmp2:
0x2f: {  	_ = 	snop;
	(pc) =	sbr.rel @p2 .LBB2_6-.Ltmp2, $4  }
0x30: {  	_ = 	snop  }
0x31: {  	s0 =	sshra.s32 s30, $0x2;
	s30 =	sadd.s32 $0x40, s30;
	vm0 =	vlt.u32 v1, $0xA00  }
0x32: {  	v2 =	vsel vm0, v1, v0;
	v1 =	vld [tilespmem:s0+$0x2800]  }
0x33: {  	[tilespmem:s29+$0x5000] =	vst v2;
	s29 =	smov.u32 s0  }
0x34: {  	_ =	sdelay $0x2  }
0x35: {  	vm0 =	vlt.u32 v1, $0xA00  }
0x36: {  	v1 =	vsel vm0, v1, v0  }
0x37: {  	[tilespmem:s29+$0x5000] =	vst v1  }
0x38: {  	[spmem:s16], [sflag:s15] =	dma.local [hbm:s7], $0xA00  }
0x39: {  	_ =	swait.ge [sflag:s13], $0xA00  }
0x3a: {  	[sflag:s13] =	ssyncset.done $0x0  }
0x3b: {  	s0 =	simm.s32 @!p0 $0x5;
	[sflag:s13] =	ssyncadd.s32 $0xFFFFF600  }
0x3c: {  	[spmem:s17], [sflag:s15] =	dma.local @!p0 [hbm:s4], $0x100  }
0x3d: {  	_ =	swait.ge @!p0 [sflag:s0], $0x100  }
0x3e: {  	[sflag:s0] =	ssyncset.done @!p0 $0x0  }
0x3f: {  	[sflag:s0] =	ssyncadd.s32 @!p0 $0xFFFFFF00  }
0x40: {  	s30 =	simm.s32 $0x0;
	[bflag:$0x0] =	sbarrier.arrive $0xFFFF  }
0x41: {  	[tilespmem:s19], [sflag:$0x1] =	stream.indirect.gather [hbm4b:s3+s18], $0x80, s30, s18, $0xb8;
	[tilespmem:$0x1C880] =	vst v63  }
0x42: {  	s31 =	simm.s32 $0x80  }
0x43: {  	[tilespmem:s20], [sflag:$0x2] =	stream.indirect.gather [hbm4b:s3+s18], $0x80, s31, s18, $0xb8;
	[tilespmem:$0x1C880] =	vst v63  }
0x44: {  	s14 =	simm.s32 $0x100  }
0x45: {  	[tilespmem:s21], [sflag:$0x3] =	stream.indirect.gather [hbm4b:s3+s18], $0x80, s14, s18, $0xb8;
	[tilespmem:$0x1C880] =	vst v63  }
0x46: {  	s30 =	simm.s32 $0x180  }
0x47: {  	[tilespmem:s22], [sflag:$0x4] =	stream.indirect.gather [hbm4b:s3+s18], $0x80, s30, s18, $0xb8;
	[tilespmem:$0x1C880] =	vst v63  }
0x48: {  	_ =	swait.ge [sflag:s23], $0x4000  }
0x49: {  	[sflag:s23] =	ssyncset.done $0x0  }
0x4a: {  	[sflag:s23] =	ssyncadd.s32 $0xFFFFC000  }
0x4b: {  	_ =	swait.ge [sflag:s24], $0x4000  }
0x4c: {  	[sflag:s24] =	ssyncset.done $0x0  }
0x4d: {  	[sflag:s24] =	ssyncadd.s32 $0xFFFFC000  }
0x4e: {  	_ =	swait.ge [sflag:s25], $0x4000  }
0x4f: {  	[sflag:s25] =	ssyncset.done $0x0  }
0x50: {  	[sflag:s25] =	ssyncadd.s32 $0xFFFFC000  }
0x51: {  	_ =	swait.ge [sflag:s26], $0x4000  }
0x52: {  	[sflag:s26] =	ssyncset.done $0x0  }
0x53: {  	s31 =	simm.s32 $0x5000;
	[sflag:s26] =	ssyncadd.s32 $0xFFFFC000  }
0x54: {  	[spmem:s1] =	stream.indirect.scatter.add.f32 [tilespmem:s19], [sflag:$0x5], $0x80, s31, s18, $0xb8;
	[tilespmem:$0x1C880] =	vst v63  }
0x55: {  	_ =	swait.ge [sflag:s13], $0x4000  }
0x56: {  	[sflag:s13] =	ssyncset.done $0x0  }
0x57: {  	s14 =	simm.s32 $0x5080;
	[sflag:s13] =	ssyncadd.s32 $0xFFFFC000  }
0x58: {  	[spmem:s1] =	stream.indirect.scatter.add.f32 [tilespmem:s20], [sflag:$0x5], $0x80, s14, s18, $0xb8;
	[tilespmem:$0x1C880] =	vst v63  }
0x59: {  	_ =	swait.ge [sflag:s13], $0x4000  }
0x5a: {  	[sflag:s13] =	ssyncset.done $0x0  }
0x5b: {  	s30 =	simm.s32 $0x5100;
	[sflag:s13] =	ssyncadd.s32 $0xFFFFC000  }
0x5c: {  	[spmem:s1] =	stream.indirect.scatter.add.f32 [tilespmem:s21], [sflag:$0x5], $0x80, s30, s18, $0xb8;
	[tilespmem:$0x1C880] =	vst v63  }
0x5d: {  	_ =	swait.ge [sflag:s13], $0x4000  }
0x5e: {  	[sflag:s13] =	ssyncset.done $0x0  }
0x5f: {  	s31 =	simm.s32 $0x5180;
	[sflag:s13] =	ssyncadd.s32 $0xFFFFC000  }
0x60: {  	[spmem:s1] =	stream.indirect.scatter.add.f32 [tilespmem:s22], [sflag:$0x5], $0x80, s31, s18, $0xb8;
	[tilespmem:$0x1C880] =	vst v63  }
0x61: {  	_ =	swait.ge [sflag:s13], $0x4000  }
0x62: {  	s29 =	simm.s32 $0x800;
	s0 =	simm.s32 $0x1000;
	[sflag:s13] =	ssyncset.done $0x0  }
.LBB2_8:
0x63: {  	s31 =	sshra.s32 s29, $0x2  }
0x64: {  	[sflag:s13] =	ssyncadd.s32 $0xFFFFC000;
	s29 =	smov.u32 s0;
	s30 =	sadd.s32 $0x800, s0  }
0x65: {  	[tilespmem:s19], [sflag:$0x1] =	stream.indirect.gather [hbm4b:s3+s18], $0x80, s31, s18, $0xb8;
	[tilespmem:$0x1C880] =	vst v63  }
0x66: {  	p2 =	sne.s32 s0, $0x9800;
	s0 =	sadd.s32 $0x80, s31  }
0x67: {  	[tilespmem:s20], [sflag:$0x2] =	stream.indirect.gather [hbm4b:s3+s18], $0x80, s0, s18, $0xb8;
	[tilespmem:$0x1C880] =	vst v63  }
0x68: {  	s0 =	sadd.s32 $0x100, s31  }
0x69: {  	[tilespmem:s21], [sflag:$0x3] =	stream.indirect.gather [hbm4b:s3+s18], $0x80, s0, s18, $0xb8;
	[tilespmem:$0x1C880] =	vst v63  }
0x6a: {  	s0 =	sadd.s32 $0x180, s31  }
0x6b: {  	[tilespmem:s22], [sflag:$0x4] =	stream.indirect.gather [hbm4b:s3+s18], $0x80, s0, s18, $0xb8;
	[tilespmem:$0x1C880] =	vst v63  }
0x6c: {  	_ =	swait.ge [sflag:s23], $0x4000  }
0x6d: {  	[sflag:s23] =	ssyncset.done $0x0  }
0x6e: {  	[sflag:s23] =	ssyncadd.s32 $0xFFFFC000  }
0x6f: {  	_ =	swait.ge [sflag:s24], $0x4000  }
0x70: {  	[sflag:s24] =	ssyncset.done $0x0  }
0x71: {  	[sflag:s24] =	ssyncadd.s32 $0xFFFFC000  }
0x72: {  	_ =	swait.ge [sflag:s25], $0x4000  }
0x73: {  	[sflag:s25] =	ssyncset.done $0x0  }
0x74: {  	[sflag:s25] =	ssyncadd.s32 $0xFFFFC000  }
0x75: {  	_ =	swait.ge [sflag:s26], $0x4000  }
0x76: {  	[sflag:s26] =	ssyncset.done $0x0  }
0x77: {  	s0 =	sadd.s32 $0x5000, s31;
	[sflag:s26] =	ssyncadd.s32 $0xFFFFC000  }
0x78: {  	[spmem:s1] =	stream.indirect.scatter.add.f32 [tilespmem:s19], [sflag:$0x5], $0x80, s0, s18, $0xb8;
	[tilespmem:$0x1C880] =	vst v63  }
0x79: {  	_ =	swait.ge [sflag:s13], $0x4000  }
0x7a: {  	[sflag:s13] =	ssyncset.done $0x0  }
0x7b: {  	s0 =	sadd.s32 $0x5080, s31;
	[sflag:s13] =	ssyncadd.s32 $0xFFFFC000  }
0x7c: {  	[spmem:s1] =	stream.indirect.scatter.add.f32 [tilespmem:s20], [sflag:$0x5], $0x80, s0, s18, $0xb8;
	[tilespmem:$0x1C880] =	vst v63  }
0x7d: {  	_ =	swait.ge [sflag:s13], $0x4000  }
0x7e: {  	[sflag:s13] =	ssyncset.done $0x0  }
0x7f: {  	s0 =	sadd.s32 $0x5100, s31;
	[sflag:s13] =	ssyncadd.s32 $0xFFFFC000  }
0x80: {  	[spmem:s1] =	stream.indirect.scatter.add.f32 [tilespmem:s21], [sflag:$0x5], $0x80, s0, s18, $0xb8;
	[tilespmem:$0x1C880] =	vst v63  }
0x81: {  	_ =	swait.ge [sflag:s13], $0x4000  }
.Ltmp3:
0x82: {  	[sflag:s13] =	ssyncset.done $0x0;
	(pc) =	sbr.rel @p2 .LBB2_8-.Ltmp3, $4  }
0x83: {  	s0 =	sadd.s32 $0x5180, s31;
	[sflag:s13] =	ssyncadd.s32 $0xFFFFC000  }
0x84: {  	[spmem:s1] =	stream.indirect.scatter.add.f32 [tilespmem:s22], [sflag:$0x5], $0x80, s0, s18, $0xb8;
	[tilespmem:$0x1C880] =	vst v63  }
0x85: {  	_ =	swait.ge [sflag:s13], $0x4000  }
0x86: {  	s0 =	smov.u32 s30;
	[sflag:s13] =	ssyncset.done $0x0  }
0x87: {  	s0 =	sshra.s32 s29, $0x2;
	[sflag:s13] =	ssyncadd.s32 $0xFFFFC000  }
0x88: {  	[tilespmem:s19], [sflag:$0x1] =	stream.indirect.gather [hbm4b:s3+s18], $0x80, s0, s18, $0xb8;
	[tilespmem:$0x1C880] =	vst v63  }
0x89: {  	s14 =	sadd.s32 $0x80, s0  }
0x8a: {  	[tilespmem:s20], [sflag:$0x2] =	stream.indirect.gather [hbm4b:s3+s18], $0x80, s14, s18, $0xb8;
	[tilespmem:$0x1C880] =	vst v63  }
0x8b: {  	s31 =	sadd.s32 $0x100, s0  }
0x8c: {  	[tilespmem:s21], [sflag:$0x3] =	stream.indirect.gather [hbm4b:s3+s18], $0x80, s31, s18, $0xb8;
	[tilespmem:$0x1C880] =	vst v63  }
0x8d: {  	s31 =	sadd.s32 $0x180, s0  }
0x8e: {  	[tilespmem:s22], [sflag:$0x4] =	stream.indirect.gather [hbm4b:s3+s18], $0x80, s31, s18, $0xb8;
	[tilespmem:$0x1C880] =	vst v63  }
0x8f: {  	_ =	swait.ge [sflag:s23], $0x4000  }
0x90: {  	[sflag:s23] =	ssyncset.done $0x0  }
0x91: {  	[sflag:s23] =	ssyncadd.s32 $0xFFFFC000  }
0x92: {  	_ =	swait.ge [sflag:s24], $0x4000  }
0x93: {  	[sflag:s24] =	ssyncset.done $0x0  }
0x94: {  	[sflag:s24] =	ssyncadd.s32 $0xFFFFC000  }
0x95: {  	_ =	swait.ge [sflag:s25], $0x4000  }
0x96: {  	[sflag:s25] =	ssyncset.done $0x0  }
0x97: {  	[sflag:s25] =	ssyncadd.s32 $0xFFFFC000  }
0x98: {  	_ =	swait.ge [sflag:s26], $0x4000  }
0x99: {  	[sflag:s26] =	ssyncset.done $0x0  }
0x9a: {  	s31 =	sadd.s32 $0x5000, s0;
	[sflag:s26] =	ssyncadd.s32 $0xFFFFC000  }
0x9b: {  	[spmem:s1] =	stream.indirect.scatter.add.f32 [tilespmem:s19], [sflag:$0x5], $0x80, s31, s18, $0xb8;
	[tilespmem:$0x1C880] =	vst v63  }
0x9c: {  	_ =	swait.ge [sflag:s13], $0x4000  }
0x9d: {  	[sflag:s13] =	ssyncset.done $0x0  }
0x9e: {  	s31 =	sadd.s32 $0x5080, s0;
	[sflag:s13] =	ssyncadd.s32 $0xFFFFC000  }
0x9f: {  	[spmem:s1] =	stream.indirect.scatter.add.f32 [tilespmem:s20], [sflag:$0x5], $0x80, s31, s18, $0xb8;
	[tilespmem:$0x1C880] =	vst v63  }
0xa0: {  	_ =	swait.ge [sflag:s13], $0x4000  }
0xa1: {  	[sflag:s13] =	ssyncset.done $0x0  }
0xa2: {  	s31 =	sadd.s32 $0x5100, s0;
	[sflag:s13] =	ssyncadd.s32 $0xFFFFC000  }
0xa3: {  	[spmem:s1] =	stream.indirect.scatter.add.f32 [tilespmem:s21], [sflag:$0x5], $0x80, s31, s18, $0xb8;
	[tilespmem:$0x1C880] =	vst v63  }
0xa4: {  	_ =	swait.ge [sflag:s13], $0x4000  }
0xa5: {  	[sflag:s13] =	ssyncset.done $0x0  }
0xa6: {  	s0 =	sadd.s32 $0x5180, s0;
	[sflag:s13] =	ssyncadd.s32 $0xFFFFC000  }
0xa7: {  	[spmem:s1] =	stream.indirect.scatter.add.f32 [tilespmem:s22], [sflag:$0x5], $0x80, s0, s18, $0xb8;
	[tilespmem:$0x1C880] =	vst v63  }
0xa8: {  	_ =	swait.ge [sflag:s13], $0x4000  }
0xa9: {  	[sflag:s13] =	ssyncset.done $0x0  }
0xaa: {  	[sflag:s13] =	ssyncadd.s32 $0xFFFFC000  }
0xab: {  	[bflag:$0x0] =	sbarrier.arrive $0xFFFF  }
0xac: {  	[hbm:s8], [sflag:s15] =	dma.local [spmem:s16], $0xA00  }
0xad: {  	_ =	swait.ge [sflag:s13], $0xA00  }
0xae: {  	[sflag:s13] =	ssyncset.done $0x0  }
0xaf: {  	[sflag:s13] =	ssyncadd.s32 $0xFFFFF600  }
0xb0: {  	s29 =	simm.s32 $0x0;
	[bflag:$0x0] =	sbarrier.arrive $0xFFFF  }
0xb1: {  	s30 =	simm.s32 $0x40;
	v1 =	vld [tilespmem:s29+$0x2800]  }
.LBB2_10:
0xb2: {  	_ =	sdelay $0x1  }
0xb3: {  	p2 =	sne.s32 s30, $0x9FC0  }
.Ltmp4:
0xb4: {  	_ = 	snop;
	(pc) =	sbr.rel @p2 .LBB2_10-.Ltmp4, $4  }
0xb5: {  	v2 =	vadd.s32 $0xFFFFF600, v1  }
0xb6: {  	vm0 =	vlt.u32 v2, $0xA00  }
0xb7: {  	s0 =	sshra.s32 s30, $0x2;
	v2 =	vsel vm0, v2, v0  }
0xb8: {  	s30 =	sadd.s32 $0x40, s30;
	v1 =	vld [tilespmem:s0+$0x2800];
	[tilespmem:s29+$0x5000] =	vst v2;
	s29 =	smov.u32 s0  }
0xb9: {  	_ =	sdelay $0x3  }
0xba: {  	v1 =	vadd.s32 $0xFFFFF600, v1  }
0xbb: {  	vm0 =	vlt.u32 v1, $0xA00  }
0xbc: {  	v1 =	vsel vm0, v1, v0  }
0xbd: {  	[tilespmem:s29+$0x5000] =	vst v1  }
0xbe: {  	[spmem:s16], [sflag:s15] =	dma.local [hbm:s7], $0xA00  }
0xbf: {  	_ =	swait.ge [sflag:s13], $0xA00  }
0xc0: {  	[sflag:s13] =	ssyncset.done $0x0  }
0xc1: {  	s0 =	simm.s32 @!p0 $0x5;
	[sflag:s13] =	ssyncadd.s32 $0xFFFFF600  }
0xc2: {  	[spmem:s17], [sflag:s15] =	dma.local @!p0 [hbm:s4], $0x100  }
0xc3: {  	_ =	swait.ge @!p0 [sflag:s0], $0x100  }
0xc4: {  	[sflag:s0] =	ssyncset.done @!p0 $0x0  }
0xc5: {  	[sflag:s0] =	ssyncadd.s32 @!p0 $0xFFFFFF00  }
0xc6: {  	s30 =	simm.s32 $0x0;
	[bflag:$0x0] =	sbarrier.arrive $0xFFFF  }
0xc7: {  	[tilespmem:s19], [sflag:$0x1] =	stream.indirect.gather [hbm4b:s3+s18], $0x80, s30, s18, $0xb8;
	[tilespmem:$0x1C880] =	vst v63  }
0xc8: {  	s31 =	simm.s32 $0x80  }
0xc9: {  	[tilespmem:s20], [sflag:$0x2] =	stream.indirect.gather [hbm4b:s3+s18], $0x80, s31, s18, $0xb8;
	[tilespmem:$0x1C880] =	vst v63  }
0xca: {  	s14 =	simm.s32 $0x100  }
0xcb: {  	[tilespmem:s21], [sflag:$0x3] =	stream.indirect.gather [hbm4b:s3+s18], $0x80, s14, s18, $0xb8;
	[tilespmem:$0x1C880] =	vst v63  }
0xcc: {  	s30 =	simm.s32 $0x180  }
0xcd: {  	[tilespmem:s22], [sflag:$0x4] =	stream.indirect.gather [hbm4b:s3+s18], $0x80, s30, s18, $0xb8;
	[tilespmem:$0x1C880] =	vst v63  }
0xce: {  	_ =	swait.ge [sflag:s23], $0x4000  }
0xcf: {  	[sflag:s23] =	ssyncset.done $0x0  }
0xd0: {  	[sflag:s23] =	ssyncadd.s32 $0xFFFFC000  }
0xd1: {  	_ =	swait.ge [sflag:s24], $0x4000  }
0xd2: {  	[sflag:s24] =	ssyncset.done $0x0  }
0xd3: {  	[sflag:s24] =	ssyncadd.s32 $0xFFFFC000  }
0xd4: {  	_ =	swait.ge [sflag:s25], $0x4000  }
0xd5: {  	[sflag:s25] =	ssyncset.done $0x0  }
0xd6: {  	[sflag:s25] =	ssyncadd.s32 $0xFFFFC000  }
0xd7: {  	_ =	swait.ge [sflag:s26], $0x4000  }
0xd8: {  	[sflag:s26] =	ssyncset.done $0x0  }
0xd9: {  	s31 =	simm.s32 $0x5000;
	[sflag:s26] =	ssyncadd.s32 $0xFFFFC000  }
0xda: {  	[spmem:s1] =	stream.indirect.scatter.add.f32 [tilespmem:s19], [sflag:$0x5], $0x80, s31, s18, $0xb8;
	[tilespmem:$0x1C880] =	vst v63  }
0xdb: {  	_ =	swait.ge [sflag:s13], $0x4000  }
0xdc: {  	[sflag:s13] =	ssyncset.done $0x0  }
0xdd: {  	s14 =	simm.s32 $0x5080;
	[sflag:s13] =	ssyncadd.s32 $0xFFFFC000  }
0xde: {  	[spmem:s1] =	stream.indirect.scatter.add.f32 [tilespmem:s20], [sflag:$0x5], $0x80, s14, s18, $0xb8;
	[tilespmem:$0x1C880] =	vst v63  }
0xdf: {  	_ =	swait.ge [sflag:s13], $0x4000  }
0xe0: {  	[sflag:s13] =	ssyncset.done $0x0  }
0xe1: {  	s30 =	simm.s32 $0x5100;
	[sflag:s13] =	ssyncadd.s32 $0xFFFFC000  }
0xe2: {  	[spmem:s1] =	stream.indirect.scatter.add.f32 [tilespmem:s21], [sflag:$0x5], $0x80, s30, s18, $0xb8;
	[tilespmem:$0x1C880] =	vst v63  }
0xe3: {  	_ =	swait.ge [sflag:s13], $0x4000  }
0xe4: {  	[sflag:s13] =	ssyncset.done $0x0  }
0xe5: {  	s31 =	simm.s32 $0x5180;
	[sflag:s13] =	ssyncadd.s32 $0xFFFFC000  }
0xe6: {  	[spmem:s1] =	stream.indirect.scatter.add.f32 [tilespmem:s22], [sflag:$0x5], $0x80, s31, s18, $0xb8;
	[tilespmem:$0x1C880] =	vst v63  }
0xe7: {  	_ =	swait.ge [sflag:s13], $0x4000  }
0xe8: {  	s29 =	simm.s32 $0x800;
	s0 =	simm.s32 $0x1000;
	[sflag:s13] =	ssyncset.done $0x0  }
.LBB2_12:
0xe9: {  	s31 =	sshra.s32 s29, $0x2  }
0xea: {  	[sflag:s13] =	ssyncadd.s32 $0xFFFFC000;
	s29 =	smov.u32 s0;
	s30 =	sadd.s32 $0x800, s0  }
0xeb: {  	[tilespmem:s19], [sflag:$0x1] =	stream.indirect.gather [hbm4b:s3+s18], $0x80, s31, s18, $0xb8;
	[tilespmem:$0x1C880] =	vst v63  }
0xec: {  	p2 =	sne.s32 s0, $0x9800;
	s0 =	sadd.s32 $0x80, s31  }
0xed: {  	[tilespmem:s20], [sflag:$0x2] =	stream.indirect.gather [hbm4b:s3+s18], $0x80, s0, s18, $0xb8;
	[tilespmem:$0x1C880] =	vst v63  }
0xee: {  	s0 =	sadd.s32 $0x100, s31  }
0xef: {  	[tilespmem:s21], [sflag:$0x3] =	stream.indirect.gather [hbm4b:s3+s18], $0x80, s0, s18, $0xb8;
	[tilespmem:$0x1C880] =	vst v63  }
0xf0: {  	s0 =	sadd.s32 $0x180, s31  }
0xf1: {  	[tilespmem:s22], [sflag:$0x4] =	stream.indirect.gather [hbm4b:s3+s18], $0x80, s0, s18, $0xb8;
	[tilespmem:$0x1C880] =	vst v63  }
0xf2: {  	_ =	swait.ge [sflag:s23], $0x4000  }
0xf3: {  	[sflag:s23] =	ssyncset.done $0x0  }
0xf4: {  	[sflag:s23] =	ssyncadd.s32 $0xFFFFC000  }
0xf5: {  	_ =	swait.ge [sflag:s24], $0x4000  }
0xf6: {  	[sflag:s24] =	ssyncset.done $0x0  }
0xf7: {  	[sflag:s24] =	ssyncadd.s32 $0xFFFFC000  }
0xf8: {  	_ =	swait.ge [sflag:s25], $0x4000  }
0xf9: {  	[sflag:s25] =	ssyncset.done $0x0  }
0xfa: {  	[sflag:s25] =	ssyncadd.s32 $0xFFFFC000  }
0xfb: {  	_ =	swait.ge [sflag:s26], $0x4000  }
0xfc: {  	[sflag:s26] =	ssyncset.done $0x0  }
0xfd: {  	s0 =	sadd.s32 $0x5000, s31;
	[sflag:s26] =	ssyncadd.s32 $0xFFFFC000  }
0xfe: {  	[spmem:s1] =	stream.indirect.scatter.add.f32 [tilespmem:s19], [sflag:$0x5], $0x80, s0, s18, $0xb8;
	[tilespmem:$0x1C880] =	vst v63  }
0xff: {  	_ =	swait.ge [sflag:s13], $0x4000  }
0x100: {  	[sflag:s13] =	ssyncset.done $0x0  }
0x101: {  	s0 =	sadd.s32 $0x5080, s31;
	[sflag:s13] =	ssyncadd.s32 $0xFFFFC000  }
0x102: {  	[spmem:s1] =	stream.indirect.scatter.add.f32 [tilespmem:s20], [sflag:$0x5], $0x80, s0, s18, $0xb8;
	[tilespmem:$0x1C880] =	vst v63  }
0x103: {  	_ =	swait.ge [sflag:s13], $0x4000  }
0x104: {  	[sflag:s13] =	ssyncset.done $0x0  }
0x105: {  	s0 =	sadd.s32 $0x5100, s31;
	[sflag:s13] =	ssyncadd.s32 $0xFFFFC000  }
0x106: {  	[spmem:s1] =	stream.indirect.scatter.add.f32 [tilespmem:s21], [sflag:$0x5], $0x80, s0, s18, $0xb8;
	[tilespmem:$0x1C880] =	vst v63  }
0x107: {  	_ =	swait.ge [sflag:s13], $0x4000  }
.Ltmp5:
0x108: {  	[sflag:s13] =	ssyncset.done $0x0;
	(pc) =	sbr.rel @p2 .LBB2_12-.Ltmp5, $4  }
0x109: {  	s0 =	sadd.s32 $0x5180, s31;
	[sflag:s13] =	ssyncadd.s32 $0xFFFFC000  }
0x10a: {  	[spmem:s1] =	stream.indirect.scatter.add.f32 [tilespmem:s22], [sflag:$0x5], $0x80, s0, s18, $0xb8;
	[tilespmem:$0x1C880] =	vst v63  }
0x10b: {  	_ =	swait.ge [sflag:s13], $0x4000  }
0x10c: {  	s0 =	smov.u32 s30;
	[sflag:s13] =	ssyncset.done $0x0  }
0x10d: {  	s0 =	sshra.s32 s29, $0x2;
	[sflag:s13] =	ssyncadd.s32 $0xFFFFC000  }
0x10e: {  	[tilespmem:s19], [sflag:$0x1] =	stream.indirect.gather [hbm4b:s3+s18], $0x80, s0, s18, $0xb8;
	[tilespmem:$0x1C880] =	vst v63  }
0x10f: {  	s14 =	sadd.s32 $0x80, s0  }
0x110: {  	[tilespmem:s20], [sflag:$0x2] =	stream.indirect.gather [hbm4b:s3+s18], $0x80, s14, s18, $0xb8;
	[tilespmem:$0x1C880] =	vst v63  }
0x111: {  	s31 =	sadd.s32 $0x100, s0  }
0x112: {  	[tilespmem:s21], [sflag:$0x3] =	stream.indirect.gather [hbm4b:s3+s18], $0x80, s31, s18, $0xb8;
	[tilespmem:$0x1C880] =	vst v63  }
0x113: {  	s31 =	sadd.s32 $0x180, s0  }
0x114: {  	[tilespmem:s22], [sflag:$0x4] =	stream.indirect.gather [hbm4b:s3+s18], $0x80, s31, s18, $0xb8;
	[tilespmem:$0x1C880] =	vst v63  }
0x115: {  	_ =	swait.ge [sflag:s23], $0x4000  }
0x116: {  	[sflag:s23] =	ssyncset.done $0x0  }
0x117: {  	[sflag:s23] =	ssyncadd.s32 $0xFFFFC000  }
0x118: {  	_ =	swait.ge [sflag:s24], $0x4000  }
0x119: {  	[sflag:s24] =	ssyncset.done $0x0  }
0x11a: {  	[sflag:s24] =	ssyncadd.s32 $0xFFFFC000  }
0x11b: {  	_ =	swait.ge [sflag:s25], $0x4000  }
0x11c: {  	[sflag:s25] =	ssyncset.done $0x0  }
0x11d: {  	[sflag:s25] =	ssyncadd.s32 $0xFFFFC000  }
0x11e: {  	_ =	swait.ge [sflag:s26], $0x4000  }
0x11f: {  	[sflag:s26] =	ssyncset.done $0x0  }
0x120: {  	s31 =	sadd.s32 $0x5000, s0;
	[sflag:s26] =	ssyncadd.s32 $0xFFFFC000  }
0x121: {  	[spmem:s1] =	stream.indirect.scatter.add.f32 [tilespmem:s19], [sflag:$0x5], $0x80, s31, s18, $0xb8;
	[tilespmem:$0x1C880] =	vst v63  }
0x122: {  	_ =	swait.ge [sflag:s13], $0x4000  }
0x123: {  	[sflag:s13] =	ssyncset.done $0x0  }
0x124: {  	s31 =	sadd.s32 $0x5080, s0;
	[sflag:s13] =	ssyncadd.s32 $0xFFFFC000  }
0x125: {  	[spmem:s1] =	stream.indirect.scatter.add.f32 [tilespmem:s20], [sflag:$0x5], $0x80, s31, s18, $0xb8;
	[tilespmem:$0x1C880] =	vst v63  }
0x126: {  	_ =	swait.ge [sflag:s13], $0x4000  }
0x127: {  	[sflag:s13] =	ssyncset.done $0x0  }
0x128: {  	s31 =	sadd.s32 $0x5100, s0;
	[sflag:s13] =	ssyncadd.s32 $0xFFFFC000  }
0x129: {  	[spmem:s1] =	stream.indirect.scatter.add.f32 [tilespmem:s21], [sflag:$0x5], $0x80, s31, s18, $0xb8;
	[tilespmem:$0x1C880] =	vst v63  }
0x12a: {  	_ =	swait.ge [sflag:s13], $0x4000  }
0x12b: {  	[sflag:s13] =	ssyncset.done $0x0  }
0x12c: {  	s0 =	sadd.s32 $0x5180, s0;
	[sflag:s13] =	ssyncadd.s32 $0xFFFFC000  }
0x12d: {  	[spmem:s1] =	stream.indirect.scatter.add.f32 [tilespmem:s22], [sflag:$0x5], $0x80, s0, s18, $0xb8;
	[tilespmem:$0x1C880] =	vst v63  }
0x12e: {  	_ =	swait.ge [sflag:s13], $0x4000  }
0x12f: {  	[sflag:s13] =	ssyncset.done $0x0  }
0x130: {  	[sflag:s13] =	ssyncadd.s32 $0xFFFFC000  }
0x131: {  	[bflag:$0x0] =	sbarrier.arrive $0xFFFF  }
0x132: {  	[hbm:s9], [sflag:s15] =	dma.local [spmem:s16], $0xA00  }
0x133: {  	_ =	swait.ge [sflag:s13], $0xA00  }
0x134: {  	[sflag:s13] =	ssyncset.done $0x0  }
0x135: {  	[sflag:s13] =	ssyncadd.s32 $0xFFFFF600  }
0x136: {  	s29 =	simm.s32 $0x0;
	[bflag:$0x0] =	sbarrier.arrive $0xFFFF  }
0x137: {  	s30 =	simm.s32 $0x40;
	v1 =	vld [tilespmem:s29+$0x2800]  }
.LBB2_14:
0x138: {  	_ =	sdelay $0x1  }
0x139: {  	p2 =	sne.s32 s30, $0x9FC0  }
.Ltmp6:
0x13a: {  	_ = 	snop;
	(pc) =	sbr.rel @p2 .LBB2_14-.Ltmp6, $4  }
0x13b: {  	v2 =	vadd.s32 $0xFFFFEC00, v1  }
0x13c: {  	vm0 =	vlt.u32 v2, $0xA00  }
0x13d: {  	s0 =	sshra.s32 s30, $0x2;
	v2 =	vsel vm0, v2, v0  }
0x13e: {  	s30 =	sadd.s32 $0x40, s30;
	v1 =	vld [tilespmem:s0+$0x2800];
	[tilespmem:s29+$0x5000] =	vst v2;
	s29 =	smov.u32 s0  }
0x13f: {  	_ =	sdelay $0x3  }
0x140: {  	v1 =	vadd.s32 $0xFFFFEC00, v1  }
0x141: {  	vm0 =	vlt.u32 v1, $0xA00  }
0x142: {  	v1 =	vsel vm0, v1, v0  }
0x143: {  	[tilespmem:s29+$0x5000] =	vst v1  }
0x144: {  	[spmem:s16], [sflag:s15] =	dma.local [hbm:s7], $0xA00  }
0x145: {  	_ =	swait.ge [sflag:s13], $0xA00  }
0x146: {  	[sflag:s13] =	ssyncset.done $0x0  }
0x147: {  	s0 =	simm.s32 @!p0 $0x5;
	[sflag:s13] =	ssyncadd.s32 $0xFFFFF600  }
0x148: {  	[spmem:s17], [sflag:s15] =	dma.local @!p0 [hbm:s4], $0x100  }
0x149: {  	_ =	swait.ge @!p0 [sflag:s0], $0x100  }
0x14a: {  	[sflag:s0] =	ssyncset.done @!p0 $0x0  }
0x14b: {  	[sflag:s0] =	ssyncadd.s32 @!p0 $0xFFFFFF00  }
0x14c: {  	s30 =	simm.s32 $0x0;
	[bflag:$0x0] =	sbarrier.arrive $0xFFFF  }
0x14d: {  	[tilespmem:s19], [sflag:$0x1] =	stream.indirect.gather [hbm4b:s3+s18], $0x80, s30, s18, $0xb8;
	[tilespmem:$0x1C880] =	vst v63  }
0x14e: {  	s31 =	simm.s32 $0x80  }
0x14f: {  	[tilespmem:s20], [sflag:$0x2] =	stream.indirect.gather [hbm4b:s3+s18], $0x80, s31, s18, $0xb8;
	[tilespmem:$0x1C880] =	vst v63  }
0x150: {  	s14 =	simm.s32 $0x100  }
0x151: {  	[tilespmem:s21], [sflag:$0x3] =	stream.indirect.gather [hbm4b:s3+s18], $0x80, s14, s18, $0xb8;
	[tilespmem:$0x1C880] =	vst v63  }
0x152: {  	s30 =	simm.s32 $0x180  }
0x153: {  	[tilespmem:s22], [sflag:$0x4] =	stream.indirect.gather [hbm4b:s3+s18], $0x80, s30, s18, $0xb8;
	[tilespmem:$0x1C880] =	vst v63  }
0x154: {  	_ =	swait.ge [sflag:s23], $0x4000  }
0x155: {  	[sflag:s23] =	ssyncset.done $0x0  }
0x156: {  	[sflag:s23] =	ssyncadd.s32 $0xFFFFC000  }
0x157: {  	_ =	swait.ge [sflag:s24], $0x4000  }
0x158: {  	[sflag:s24] =	ssyncset.done $0x0  }
0x159: {  	[sflag:s24] =	ssyncadd.s32 $0xFFFFC000  }
0x15a: {  	_ =	swait.ge [sflag:s25], $0x4000  }
0x15b: {  	[sflag:s25] =	ssyncset.done $0x0  }
0x15c: {  	[sflag:s25] =	ssyncadd.s32 $0xFFFFC000  }
0x15d: {  	_ =	swait.ge [sflag:s26], $0x4000  }
0x15e: {  	[sflag:s26] =	ssyncset.done $0x0  }
0x15f: {  	s31 =	simm.s32 $0x5000;
	[sflag:s26] =	ssyncadd.s32 $0xFFFFC000  }
0x160: {  	[spmem:s1] =	stream.indirect.scatter.add.f32 [tilespmem:s19], [sflag:$0x5], $0x80, s31, s18, $0xb8;
	[tilespmem:$0x1C880] =	vst v63  }
0x161: {  	_ =	swait.ge [sflag:s13], $0x4000  }
0x162: {  	[sflag:s13] =	ssyncset.done $0x0  }
0x163: {  	s14 =	simm.s32 $0x5080;
	[sflag:s13] =	ssyncadd.s32 $0xFFFFC000  }
0x164: {  	[spmem:s1] =	stream.indirect.scatter.add.f32 [tilespmem:s20], [sflag:$0x5], $0x80, s14, s18, $0xb8;
	[tilespmem:$0x1C880] =	vst v63  }
0x165: {  	_ =	swait.ge [sflag:s13], $0x4000  }
0x166: {  	[sflag:s13] =	ssyncset.done $0x0  }
0x167: {  	s30 =	simm.s32 $0x5100;
	[sflag:s13] =	ssyncadd.s32 $0xFFFFC000  }
0x168: {  	[spmem:s1] =	stream.indirect.scatter.add.f32 [tilespmem:s21], [sflag:$0x5], $0x80, s30, s18, $0xb8;
	[tilespmem:$0x1C880] =	vst v63  }
0x169: {  	_ =	swait.ge [sflag:s13], $0x4000  }
0x16a: {  	[sflag:s13] =	ssyncset.done $0x0  }
0x16b: {  	s31 =	simm.s32 $0x5180;
	[sflag:s13] =	ssyncadd.s32 $0xFFFFC000  }
0x16c: {  	[spmem:s1] =	stream.indirect.scatter.add.f32 [tilespmem:s22], [sflag:$0x5], $0x80, s31, s18, $0xb8;
	[tilespmem:$0x1C880] =	vst v63  }
0x16d: {  	_ =	swait.ge [sflag:s13], $0x4000  }
0x16e: {  	s29 =	simm.s32 $0x800;
	s0 =	simm.s32 $0x1000;
	[sflag:s13] =	ssyncset.done $0x0  }
.LBB2_16:
0x16f: {  	s31 =	sshra.s32 s29, $0x2  }
0x170: {  	[sflag:s13] =	ssyncadd.s32 $0xFFFFC000;
	s29 =	smov.u32 s0;
	s30 =	sadd.s32 $0x800, s0  }
0x171: {  	[tilespmem:s19], [sflag:$0x1] =	stream.indirect.gather [hbm4b:s3+s18], $0x80, s31, s18, $0xb8;
	[tilespmem:$0x1C880] =	vst v63  }
0x172: {  	p2 =	sne.s32 s0, $0x9800;
	s0 =	sadd.s32 $0x80, s31  }
0x173: {  	[tilespmem:s20], [sflag:$0x2] =	stream.indirect.gather [hbm4b:s3+s18], $0x80, s0, s18, $0xb8;
	[tilespmem:$0x1C880] =	vst v63  }
0x174: {  	s0 =	sadd.s32 $0x100, s31  }
0x175: {  	[tilespmem:s21], [sflag:$0x3] =	stream.indirect.gather [hbm4b:s3+s18], $0x80, s0, s18, $0xb8;
	[tilespmem:$0x1C880] =	vst v63  }
0x176: {  	s0 =	sadd.s32 $0x180, s31  }
0x177: {  	[tilespmem:s22], [sflag:$0x4] =	stream.indirect.gather [hbm4b:s3+s18], $0x80, s0, s18, $0xb8;
	[tilespmem:$0x1C880] =	vst v63  }
0x178: {  	_ =	swait.ge [sflag:s23], $0x4000  }
0x179: {  	[sflag:s23] =	ssyncset.done $0x0  }
0x17a: {  	[sflag:s23] =	ssyncadd.s32 $0xFFFFC000  }
0x17b: {  	_ =	swait.ge [sflag:s24], $0x4000  }
0x17c: {  	[sflag:s24] =	ssyncset.done $0x0  }
0x17d: {  	[sflag:s24] =	ssyncadd.s32 $0xFFFFC000  }
0x17e: {  	_ =	swait.ge [sflag:s25], $0x4000  }
0x17f: {  	[sflag:s25] =	ssyncset.done $0x0  }
0x180: {  	[sflag:s25] =	ssyncadd.s32 $0xFFFFC000  }
0x181: {  	_ =	swait.ge [sflag:s26], $0x4000  }
0x182: {  	[sflag:s26] =	ssyncset.done $0x0  }
0x183: {  	s0 =	sadd.s32 $0x5000, s31;
	[sflag:s26] =	ssyncadd.s32 $0xFFFFC000  }
0x184: {  	[spmem:s1] =	stream.indirect.scatter.add.f32 [tilespmem:s19], [sflag:$0x5], $0x80, s0, s18, $0xb8;
	[tilespmem:$0x1C880] =	vst v63  }
0x185: {  	_ =	swait.ge [sflag:s13], $0x4000  }
0x186: {  	[sflag:s13] =	ssyncset.done $0x0  }
0x187: {  	s0 =	sadd.s32 $0x5080, s31;
	[sflag:s13] =	ssyncadd.s32 $0xFFFFC000  }
0x188: {  	[spmem:s1] =	stream.indirect.scatter.add.f32 [tilespmem:s20], [sflag:$0x5], $0x80, s0, s18, $0xb8;
	[tilespmem:$0x1C880] =	vst v63  }
0x189: {  	_ =	swait.ge [sflag:s13], $0x4000  }
0x18a: {  	[sflag:s13] =	ssyncset.done $0x0  }
0x18b: {  	s0 =	sadd.s32 $0x5100, s31;
	[sflag:s13] =	ssyncadd.s32 $0xFFFFC000  }
0x18c: {  	[spmem:s1] =	stream.indirect.scatter.add.f32 [tilespmem:s21], [sflag:$0x5], $0x80, s0, s18, $0xb8;
	[tilespmem:$0x1C880] =	vst v63  }
0x18d: {  	_ =	swait.ge [sflag:s13], $0x4000  }
.Ltmp7:
0x18e: {  	[sflag:s13] =	ssyncset.done $0x0;
	(pc) =	sbr.rel @p2 .LBB2_16-.Ltmp7, $4  }
0x18f: {  	s0 =	sadd.s32 $0x5180, s31;
	[sflag:s13] =	ssyncadd.s32 $0xFFFFC000  }
0x190: {  	[spmem:s1] =	stream.indirect.scatter.add.f32 [tilespmem:s22], [sflag:$0x5], $0x80, s0, s18, $0xb8;
	[tilespmem:$0x1C880] =	vst v63  }
0x191: {  	_ =	swait.ge [sflag:s13], $0x4000  }
0x192: {  	s0 =	smov.u32 s30;
	[sflag:s13] =	ssyncset.done $0x0  }
0x193: {  	s0 =	sshra.s32 s29, $0x2;
	[sflag:s13] =	ssyncadd.s32 $0xFFFFC000  }
0x194: {  	[tilespmem:s19], [sflag:$0x1] =	stream.indirect.gather [hbm4b:s3+s18], $0x80, s0, s18, $0xb8;
	[tilespmem:$0x1C880] =	vst v63  }
0x195: {  	s14 =	sadd.s32 $0x80, s0  }
0x196: {  	[tilespmem:s20], [sflag:$0x2] =	stream.indirect.gather [hbm4b:s3+s18], $0x80, s14, s18, $0xb8;
	[tilespmem:$0x1C880] =	vst v63  }
0x197: {  	s31 =	sadd.s32 $0x100, s0  }
0x198: {  	[tilespmem:s21], [sflag:$0x3] =	stream.indirect.gather [hbm4b:s3+s18], $0x80, s31, s18, $0xb8;
	[tilespmem:$0x1C880] =	vst v63  }
0x199: {  	s31 =	sadd.s32 $0x180, s0  }
0x19a: {  	[tilespmem:s22], [sflag:$0x4] =	stream.indirect.gather [hbm4b:s3+s18], $0x80, s31, s18, $0xb8;
	[tilespmem:$0x1C880] =	vst v63  }
0x19b: {  	_ =	swait.ge [sflag:s23], $0x4000  }
0x19c: {  	[sflag:s23] =	ssyncset.done $0x0  }
0x19d: {  	[sflag:s23] =	ssyncadd.s32 $0xFFFFC000  }
0x19e: {  	_ =	swait.ge [sflag:s24], $0x4000  }
0x19f: {  	[sflag:s24] =	ssyncset.done $0x0  }
0x1a0: {  	[sflag:s24] =	ssyncadd.s32 $0xFFFFC000  }
0x1a1: {  	_ =	swait.ge [sflag:s25], $0x4000  }
0x1a2: {  	[sflag:s25] =	ssyncset.done $0x0  }
0x1a3: {  	[sflag:s25] =	ssyncadd.s32 $0xFFFFC000  }
0x1a4: {  	_ =	swait.ge [sflag:s26], $0x4000  }
0x1a5: {  	[sflag:s26] =	ssyncset.done $0x0  }
0x1a6: {  	s31 =	sadd.s32 $0x5000, s0;
	[sflag:s26] =	ssyncadd.s32 $0xFFFFC000  }
0x1a7: {  	[spmem:s1] =	stream.indirect.scatter.add.f32 [tilespmem:s19], [sflag:$0x5], $0x80, s31, s18, $0xb8;
	[tilespmem:$0x1C880] =	vst v63  }
0x1a8: {  	_ =	swait.ge [sflag:s13], $0x4000  }
0x1a9: {  	[sflag:s13] =	ssyncset.done $0x0  }
0x1aa: {  	s31 =	sadd.s32 $0x5080, s0;
	[sflag:s13] =	ssyncadd.s32 $0xFFFFC000  }
0x1ab: {  	[spmem:s1] =	stream.indirect.scatter.add.f32 [tilespmem:s20], [sflag:$0x5], $0x80, s31, s18, $0xb8;
	[tilespmem:$0x1C880] =	vst v63  }
0x1ac: {  	_ =	swait.ge [sflag:s13], $0x4000  }
0x1ad: {  	[sflag:s13] =	ssyncset.done $0x0  }
0x1ae: {  	s31 =	sadd.s32 $0x5100, s0;
	[sflag:s13] =	ssyncadd.s32 $0xFFFFC000  }
0x1af: {  	[spmem:s1] =	stream.indirect.scatter.add.f32 [tilespmem:s21], [sflag:$0x5], $0x80, s31, s18, $0xb8;
	[tilespmem:$0x1C880] =	vst v63  }
0x1b0: {  	_ =	swait.ge [sflag:s13], $0x4000  }
0x1b1: {  	[sflag:s13] =	ssyncset.done $0x0  }
0x1b2: {  	s0 =	sadd.s32 $0x5180, s0;
	[sflag:s13] =	ssyncadd.s32 $0xFFFFC000  }
0x1b3: {  	[spmem:s1] =	stream.indirect.scatter.add.f32 [tilespmem:s22], [sflag:$0x5], $0x80, s0, s18, $0xb8;
	[tilespmem:$0x1C880] =	vst v63  }
0x1b4: {  	_ =	swait.ge [sflag:s13], $0x4000  }
0x1b5: {  	[sflag:s13] =	ssyncset.done $0x0  }
0x1b6: {  	[sflag:s13] =	ssyncadd.s32 $0xFFFFC000  }
0x1b7: {  	[bflag:$0x0] =	sbarrier.arrive $0xFFFF  }
0x1b8: {  	[hbm:s10], [sflag:s15] =	dma.local [spmem:s16], $0xA00  }
0x1b9: {  	_ =	swait.ge [sflag:s13], $0xA00  }
0x1ba: {  	[sflag:s13] =	ssyncset.done $0x0  }
0x1bb: {  	[sflag:s13] =	ssyncadd.s32 $0xFFFFF600  }
0x1bc: {  	s29 =	simm.s32 $0x0;
	[bflag:$0x0] =	sbarrier.arrive $0xFFFF  }
0x1bd: {  	s30 =	simm.s32 $0x40;
	v1 =	vld [tilespmem:s29+$0x2800]  }
.LBB2_18:
0x1be: {  	_ =	sdelay $0x1  }
0x1bf: {  	p2 =	sne.s32 s30, $0x9FC0  }
.Ltmp8:
0x1c0: {  	_ = 	snop;
	(pc) =	sbr.rel @p2 .LBB2_18-.Ltmp8, $4  }
0x1c1: {  	v2 =	vadd.s32 $0xFFFFE200, v1  }
0x1c2: {  	vm0 =	vlt.u32 v2, $0xA00  }
0x1c3: {  	s0 =	sshra.s32 s30, $0x2;
	v2 =	vsel vm0, v2, v0  }
0x1c4: {  	s30 =	sadd.s32 $0x40, s30;
	v1 =	vld [tilespmem:s0+$0x2800];
	[tilespmem:s29+$0x5000] =	vst v2;
	s29 =	smov.u32 s0  }
0x1c5: {  	_ =	sdelay $0x3  }
0x1c6: {  	v1 =	vadd.s32 $0xFFFFE200, v1  }
0x1c7: {  	vm0 =	vlt.u32 v1, $0xA00  }
0x1c8: {  	v1 =	vsel vm0, v1, v0  }
0x1c9: {  	[tilespmem:s29+$0x5000] =	vst v1  }
0x1ca: {  	[spmem:s16], [sflag:s15] =	dma.local [hbm:s7], $0xA00  }
0x1cb: {  	_ =	swait.ge [sflag:s13], $0xA00  }
0x1cc: {  	[sflag:s13] =	ssyncset.done $0x0  }
0x1cd: {  	s0 =	simm.s32 @!p0 $0x5;
	[sflag:s13] =	ssyncadd.s32 $0xFFFFF600  }
0x1ce: {  	[spmem:s17], [sflag:s15] =	dma.local @!p0 [hbm:s4], $0x100  }
0x1cf: {  	_ =	swait.ge @!p0 [sflag:s0], $0x100  }
0x1d0: {  	[sflag:s0] =	ssyncset.done @!p0 $0x0  }
0x1d1: {  	[sflag:s0] =	ssyncadd.s32 @!p0 $0xFFFFFF00  }
0x1d2: {  	s30 =	simm.s32 $0x0;
	[bflag:$0x0] =	sbarrier.arrive $0xFFFF  }
0x1d3: {  	[tilespmem:s19], [sflag:$0x1] =	stream.indirect.gather [hbm4b:s3+s18], $0x80, s30, s18, $0xb8;
	[tilespmem:$0x1C880] =	vst v63  }
0x1d4: {  	s31 =	simm.s32 $0x80  }
0x1d5: {  	[tilespmem:s20], [sflag:$0x2] =	stream.indirect.gather [hbm4b:s3+s18], $0x80, s31, s18, $0xb8;
	[tilespmem:$0x1C880] =	vst v63  }
0x1d6: {  	s14 =	simm.s32 $0x100  }
0x1d7: {  	[tilespmem:s21], [sflag:$0x3] =	stream.indirect.gather [hbm4b:s3+s18], $0x80, s14, s18, $0xb8;
	[tilespmem:$0x1C880] =	vst v63  }
0x1d8: {  	s30 =	simm.s32 $0x180  }
0x1d9: {  	[tilespmem:s22], [sflag:$0x4] =	stream.indirect.gather [hbm4b:s3+s18], $0x80, s30, s18, $0xb8;
	[tilespmem:$0x1C880] =	vst v63  }
0x1da: {  	_ =	swait.ge [sflag:s23], $0x4000  }
0x1db: {  	[sflag:s23] =	ssyncset.done $0x0  }
0x1dc: {  	[sflag:s23] =	ssyncadd.s32 $0xFFFFC000  }
0x1dd: {  	_ =	swait.ge [sflag:s24], $0x4000  }
0x1de: {  	[sflag:s24] =	ssyncset.done $0x0  }
0x1df: {  	[sflag:s24] =	ssyncadd.s32 $0xFFFFC000  }
0x1e0: {  	_ =	swait.ge [sflag:s25], $0x4000  }
0x1e1: {  	[sflag:s25] =	ssyncset.done $0x0  }
0x1e2: {  	[sflag:s25] =	ssyncadd.s32 $0xFFFFC000  }
0x1e3: {  	_ =	swait.ge [sflag:s26], $0x4000  }
0x1e4: {  	[sflag:s26] =	ssyncset.done $0x0  }
0x1e5: {  	s31 =	simm.s32 $0x5000;
	[sflag:s26] =	ssyncadd.s32 $0xFFFFC000  }
0x1e6: {  	[spmem:s1] =	stream.indirect.scatter.add.f32 [tilespmem:s19], [sflag:$0x5], $0x80, s31, s18, $0xb8;
	[tilespmem:$0x1C880] =	vst v63  }
0x1e7: {  	_ =	swait.ge [sflag:s13], $0x4000  }
0x1e8: {  	[sflag:s13] =	ssyncset.done $0x0  }
0x1e9: {  	s14 =	simm.s32 $0x5080;
	[sflag:s13] =	ssyncadd.s32 $0xFFFFC000  }
0x1ea: {  	[spmem:s1] =	stream.indirect.scatter.add.f32 [tilespmem:s20], [sflag:$0x5], $0x80, s14, s18, $0xb8;
	[tilespmem:$0x1C880] =	vst v63  }
0x1eb: {  	_ =	swait.ge [sflag:s13], $0x4000  }
0x1ec: {  	[sflag:s13] =	ssyncset.done $0x0  }
0x1ed: {  	s30 =	simm.s32 $0x5100;
	[sflag:s13] =	ssyncadd.s32 $0xFFFFC000  }
0x1ee: {  	[spmem:s1] =	stream.indirect.scatter.add.f32 [tilespmem:s21], [sflag:$0x5], $0x80, s30, s18, $0xb8;
	[tilespmem:$0x1C880] =	vst v63  }
0x1ef: {  	_ =	swait.ge [sflag:s13], $0x4000  }
0x1f0: {  	[sflag:s13] =	ssyncset.done $0x0  }
0x1f1: {  	s31 =	simm.s32 $0x5180;
	[sflag:s13] =	ssyncadd.s32 $0xFFFFC000  }
0x1f2: {  	[spmem:s1] =	stream.indirect.scatter.add.f32 [tilespmem:s22], [sflag:$0x5], $0x80, s31, s18, $0xb8;
	[tilespmem:$0x1C880] =	vst v63  }
0x1f3: {  	_ =	swait.ge [sflag:s13], $0x4000  }
0x1f4: {  	s29 =	simm.s32 $0x800;
	s0 =	simm.s32 $0x1000;
	[sflag:s13] =	ssyncset.done $0x0  }
.LBB2_20:
0x1f5: {  	s31 =	sshra.s32 s29, $0x2  }
0x1f6: {  	[sflag:s13] =	ssyncadd.s32 $0xFFFFC000;
	s29 =	smov.u32 s0;
	s30 =	sadd.s32 $0x800, s0  }
0x1f7: {  	[tilespmem:s19], [sflag:$0x1] =	stream.indirect.gather [hbm4b:s3+s18], $0x80, s31, s18, $0xb8;
	[tilespmem:$0x1C880] =	vst v63  }
0x1f8: {  	p2 =	sne.s32 s0, $0x9800;
	s0 =	sadd.s32 $0x80, s31  }
0x1f9: {  	[tilespmem:s20], [sflag:$0x2] =	stream.indirect.gather [hbm4b:s3+s18], $0x80, s0, s18, $0xb8;
	[tilespmem:$0x1C880] =	vst v63  }
0x1fa: {  	s0 =	sadd.s32 $0x100, s31  }
0x1fb: {  	[tilespmem:s21], [sflag:$0x3] =	stream.indirect.gather [hbm4b:s3+s18], $0x80, s0, s18, $0xb8;
	[tilespmem:$0x1C880] =	vst v63  }
0x1fc: {  	s0 =	sadd.s32 $0x180, s31  }
0x1fd: {  	[tilespmem:s22], [sflag:$0x4] =	stream.indirect.gather [hbm4b:s3+s18], $0x80, s0, s18, $0xb8;
	[tilespmem:$0x1C880] =	vst v63  }
0x1fe: {  	_ =	swait.ge [sflag:s23], $0x4000  }
0x1ff: {  	[sflag:s23] =	ssyncset.done $0x0  }
0x200: {  	[sflag:s23] =	ssyncadd.s32 $0xFFFFC000  }
0x201: {  	_ =	swait.ge [sflag:s24], $0x4000  }
0x202: {  	[sflag:s24] =	ssyncset.done $0x0  }
0x203: {  	[sflag:s24] =	ssyncadd.s32 $0xFFFFC000  }
0x204: {  	_ =	swait.ge [sflag:s25], $0x4000  }
0x205: {  	[sflag:s25] =	ssyncset.done $0x0  }
0x206: {  	[sflag:s25] =	ssyncadd.s32 $0xFFFFC000  }
0x207: {  	_ =	swait.ge [sflag:s26], $0x4000  }
0x208: {  	[sflag:s26] =	ssyncset.done $0x0  }
0x209: {  	s0 =	sadd.s32 $0x5000, s31;
	[sflag:s26] =	ssyncadd.s32 $0xFFFFC000  }
0x20a: {  	[spmem:s1] =	stream.indirect.scatter.add.f32 [tilespmem:s19], [sflag:$0x5], $0x80, s0, s18, $0xb8;
	[tilespmem:$0x1C880] =	vst v63  }
0x20b: {  	_ =	swait.ge [sflag:s13], $0x4000  }
0x20c: {  	[sflag:s13] =	ssyncset.done $0x0  }
0x20d: {  	s0 =	sadd.s32 $0x5080, s31;
	[sflag:s13] =	ssyncadd.s32 $0xFFFFC000  }
0x20e: {  	[spmem:s1] =	stream.indirect.scatter.add.f32 [tilespmem:s20], [sflag:$0x5], $0x80, s0, s18, $0xb8;
	[tilespmem:$0x1C880] =	vst v63  }
0x20f: {  	_ =	swait.ge [sflag:s13], $0x4000  }
0x210: {  	[sflag:s13] =	ssyncset.done $0x0  }
0x211: {  	s0 =	sadd.s32 $0x5100, s31;
	[sflag:s13] =	ssyncadd.s32 $0xFFFFC000  }
0x212: {  	[spmem:s1] =	stream.indirect.scatter.add.f32 [tilespmem:s21], [sflag:$0x5], $0x80, s0, s18, $0xb8;
	[tilespmem:$0x1C880] =	vst v63  }
0x213: {  	_ =	swait.ge [sflag:s13], $0x4000  }
.Ltmp9:
0x214: {  	[sflag:s13] =	ssyncset.done $0x0;
	(pc) =	sbr.rel @p2 .LBB2_20-.Ltmp9, $4  }
0x215: {  	s0 =	sadd.s32 $0x5180, s31;
	[sflag:s13] =	ssyncadd.s32 $0xFFFFC000  }
0x216: {  	[spmem:s1] =	stream.indirect.scatter.add.f32 [tilespmem:s22], [sflag:$0x5], $0x80, s0, s18, $0xb8;
	[tilespmem:$0x1C880] =	vst v63  }
0x217: {  	_ =	swait.ge [sflag:s13], $0x4000  }
0x218: {  	s0 =	smov.u32 s30;
	[sflag:s13] =	ssyncset.done $0x0  }
0x219: {  	s0 =	sshra.s32 s29, $0x2;
	[sflag:s13] =	ssyncadd.s32 $0xFFFFC000  }
0x21a: {  	[tilespmem:s19], [sflag:$0x1] =	stream.indirect.gather [hbm4b:s3+s18], $0x80, s0, s18, $0xb8;
	[tilespmem:$0x1C880] =	vst v63  }
0x21b: {  	s14 =	sadd.s32 $0x80, s0  }
0x21c: {  	[tilespmem:s20], [sflag:$0x2] =	stream.indirect.gather [hbm4b:s3+s18], $0x80, s14, s18, $0xb8;
	[tilespmem:$0x1C880] =	vst v63  }
0x21d: {  	s30 =	sadd.s32 $0x100, s0  }
0x21e: {  	[tilespmem:s21], [sflag:$0x3] =	stream.indirect.gather [hbm4b:s3+s18], $0x80, s30, s18, $0xb8;
	[tilespmem:$0x1C880] =	vst v63  }
0x21f: {  	s31 =	sadd.s32 $0x180, s0  }
0x220: {  	[tilespmem:s22], [sflag:$0x4] =	stream.indirect.gather [hbm4b:s3+s18], $0x80, s31, s18, $0xb8;
	[tilespmem:$0x1C880] =	vst v63  }
0x221: {  	_ =	swait.ge [sflag:s23], $0x4000  }
0x222: {  	[sflag:s23] =	ssyncset.done $0x0  }
0x223: {  	[sflag:s23] =	ssyncadd.s32 $0xFFFFC000  }
0x224: {  	_ =	swait.ge [sflag:s24], $0x4000  }
0x225: {  	[sflag:s24] =	ssyncset.done $0x0  }
0x226: {  	[sflag:s24] =	ssyncadd.s32 $0xFFFFC000  }
0x227: {  	_ =	swait.ge [sflag:s25], $0x4000  }
0x228: {  	[sflag:s25] =	ssyncset.done $0x0  }
0x229: {  	[sflag:s25] =	ssyncadd.s32 $0xFFFFC000  }
0x22a: {  	_ =	swait.ge [sflag:s26], $0x4000  }
0x22b: {  	[sflag:s26] =	ssyncset.done $0x0  }
0x22c: {  	s29 =	sadd.s32 $0x5000, s0;
	[sflag:s26] =	ssyncadd.s32 $0xFFFFC000  }
0x22d: {  	[spmem:s1] =	stream.indirect.scatter.add.f32 [tilespmem:s19], [sflag:$0x5], $0x80, s29, s18, $0xb8;
	[tilespmem:$0x1C880] =	vst v63  }
0x22e: {  	_ =	swait.ge [sflag:s13], $0x4000  }
0x22f: {  	[sflag:s13] =	ssyncset.done $0x0  }
0x230: {  	s30 =	sadd.s32 $0x5080, s0;
	[sflag:s13] =	ssyncadd.s32 $0xFFFFC000  }
0x231: {  	[spmem:s1] =	stream.indirect.scatter.add.f32 [tilespmem:s20], [sflag:$0x5], $0x80, s30, s18, $0xb8;
	[tilespmem:$0x1C880] =	vst v63  }
0x232: {  	_ =	swait.ge [sflag:s13], $0x4000  }
0x233: {  	[sflag:s13] =	ssyncset.done $0x0  }
0x234: {  	s31 =	sadd.s32 $0x5100, s0;
	[sflag:s13] =	ssyncadd.s32 $0xFFFFC000  }
0x235: {  	[spmem:s1] =	stream.indirect.scatter.add.f32 [tilespmem:s21], [sflag:$0x5], $0x80, s31, s18, $0xb8;
	[tilespmem:$0x1C880] =	vst v63  }
0x236: {  	_ =	swait.ge [sflag:s13], $0x4000  }
0x237: {  	[sflag:s13] =	ssyncset.done $0x0  }
0x238: {  	s0 =	sadd.s32 $0x5180, s0;
	[sflag:s13] =	ssyncadd.s32 $0xFFFFC000  }
0x239: {  	[spmem:s1] =	stream.indirect.scatter.add.f32 [tilespmem:s22], [sflag:$0x5], $0x80, s0, s18, $0xb8;
	[tilespmem:$0x1C880] =	vst v63  }
0x23a: {  	_ =	swait.ge [sflag:s13], $0x4000  }
0x23b: {  	s28 =	sadd.s32 $0x1, s28;
	[sflag:s13] =	ssyncset.done $0x0  }
0x23c: {  	p2 =	sne.s32 s28, s12;
	[sflag:s13] =	ssyncadd.s32 $0xFFFFC000  }
.Ltmp10:
0x23d: {  	[bflag:$0x0] =	sbarrier.arrive $0xFFFF;
	(pc) =	sbr.rel @p2 .LBB2_1-.Ltmp10, $4  }
0x23e: {  	[hbm:s11], [sflag:s15] =	dma.local [spmem:s16], $0xA00  }
0x23f: {  	_ =	swait.ge [sflag:s13], $0xA00  }
0x240: {  	[sflag:s13] =	ssyncset.done $0x0  }
0x241: {  	[sflag:s13] =	ssyncadd.s32 $0xFFFFF600  }
0x242: {  	_ =	sfence.sel $0x180000  }
0x243: {  	[bflag:$0x0] =	sbarrier.arrive $0xFFFF  }
0x244: {  	_ =	strace $0x9000004D  }
0x245: {  	[bflag:$0x2] =	sbarrier.arrive $0xFFFF  }
0x246: {  	s0 =	rddreg [dreg:$0x2]  }
0x247: {  	s0 =	sadd.s32 @!p0 $0x100000, s0  }
0x248: {  	[sflag:s0] =	ssyncadd.tile.s32 @!p0 $0x1;
	_ =	shalt  }
.Lfunc_end2:
_tile_overlayer_lowered:
.L_overlay_start_2:
0x249: {  	(tag) =	ssettag $0x2  }
0x24a: {  	s0 =	rddreg [dreg:$0x0];
	s2 =	stileid.u32  }
0x24b: {  	s1 =	rddreg [dreg:$0x1];
	p0 =	sne.s32 s2, $0x0  }
0x24c: {  	s3 =	rddreg [dreg:$0x2];
	[bflag:$0x3] =	sbarrier.arrive $0xFFFF;
	s2 =	simm.s32 @!p0 $0x1C05  }
0x24d: {  	[timem:s3], [sflag:s2] =	dma.local @!p0 [hbm:s0], s1  }
0x24e: {  	s0 =	simm.s32 @!p0 $0x5  }
0x24f: {  	_ =	swait.ge @!p0 [sflag:s0], s1  }
0x250: {  	s1 =	ssub.s32 @!p0 $0x0, s1;
	[sflag:s0] =	ssyncset.done @!p0 $0x0  }
0x251: {  	[sflag:s0] =	ssyncadd.s32 @!p0 s1  }
0x252: {  	[bflag:$0x3] =	sbarrier.arrive $0xFFFF  }
0x253: {  	_ =	shalt  }

// kernel: kernel.8.cloned.1.call-start
scs
__scs_entry_jumppad:
0x0: {  	(pc) =	sbr.rel $0x88, $3  }
0x1: {  	(tag) =	ssettag $0x0;
	lr =	simm.s32 $0x1  }
0x2: {  	[smem:$0x3F98] =	sst lr;
	_ =	strace $0xD0000000  }
0x3: {  	_ = 	snop  }
0x4: {  	_ = 	snop  }
0x5: {  	_ = 	snop  }
0x6: {  	_ = 	snop  }
0x7: {  	_ = 	snop  }
__scs_overlays_trampoline_lowered:
0x8: {  	[smem:$0x3FA7] =	sst s0  }
0x9: {  	[smem:$0x3FA8] =	sst s1  }
0xa: {  	[smem:$0x3FA9] =	sst s2  }
0xb: {  	[smem:$0x3FAA] =	sst s3  }
0xc: {  	[smem:$0x3FAB] =	sst s4  }
0xd: {  	[smem:$0x3FAC] =	sst s5  }
0xe: {  	[smem:$0x3FAD] =	sst s6  }
0xf: {  	[smem:$0x3FAE] =	sst s7  }
0x10: {  	[smem:$0x3FAF] =	sst s8  }
0x11: {  	[smem:$0x3FB0] =	sst s9;
	s0 =	simm.s32 @!p0 $0x0  }
0x12: {  	s1 =	sld [smem:$0x3F96];
	s0 =	simm.s32 @p0 $0x1  }
0x13: {  	[smem:$0x3FB1] =	sst s0;
	s0 =	simm.s32 @!p1 $0x0  }
0x14: {  	s2 =	sld [smem:$0x3F95];
	s0 =	simm.s32 @p1 $0x1  }
0x15: {  	[smem:$0x3FB2] =	sst s0;
	s0 =	simm.s32 @!p2 $0x0  }
0x16: {  	s3 =	sld [smem:$0x3FDB];
	s0 =	simm.s32 @p2 $0x1  }
0x17: {  	s4 =	simm.s32 $0x1BF5;
	[smem:$0x3FB4] =	sst s0  }
0x18: {  	s0 =	sld [smem:$0x3F97];
	_ =	swait.ge [sflag:s4], $0x0  }
0x19: {  	s7 =	sld [smem:$0x3F98]  }
0x1a: {  	s8 =	sadd.s32 $0xFFFFE003, lr  }
0x1b: {  	s9 =	sadd.s32 $0xFFFFFEF7, lr;
	s5 =	simm.s32 $0xFFFFFFFF;
	p2 =	slt.u32 s8, $0xFFFFF086  }
0x1c: {  	p1 =	slt.u32 s9, $0xF7A;
	s5 =	simm.s32 @!p2 $0x0  }
0x1d: {  	s5 =	simm.s32 @p1 $0x1;
	p0 =	seq.s32 s7, s2  }
0x1e: {  	s7 =	smul.u32 @!p0 $0xF7A, s2;
	p2 =	seq.s32 @!p0 s5, $0x0  }
0x1f: {  	s9 =	smul.u32 $0xF7A, s1;
	s8 =	simm.s32 @!p0 $0x1BF5;
	p2 =	por !p2, p0  }
0x20: {  	[sflag:s8] =	ssyncset.s32 @!p0 $0xFFFFF086;
	s6 =	sadd.s32 @!p0 s3, s7;
	s7 =	simm.s32 @!p0 $0x108  }
0x21: {  	s3 =	sadd.s32 s3, s9;
	s6 =	sadd.s32 @!p0 $0x88, s6;
	s7 =	simm.s32 @p2 $0x1082  }
0x22: {  	[simem:s7], [sflag:s8] =	dma.local @!p0 [hbm:s6], $0xF7A  }
0x23: {  	s9 =	sor.u32 $0xD0000000, s2;
	s6 =	simm.s32 $0x108;
	_ =	swait.ge @!p0 [sflag:s8], $0x0  }
0x24: {  	s3 =	sadd.s32 $0x88, s3;
	s6 =	simm.s32 @!p1 $0x1082;
	[sflag:s4] =	ssyncset.s32 $0xFFFFF086  }
0x25: {  	[simem:s6], [sflag:s4] =	dma.local [hbm:s3], $0xF7A  }
0x26: {  	[smem:$0x3F98] =	sst s1;
	(tag) =	ssettag s2;
	_ =	strace s9  }
0x27: {  	s1 =	sld [smem:$0x3FA8]  }
0x28: {  	s2 =	sld [smem:$0x3FA9]  }
0x29: {  	s4 =	sld [smem:$0x3FAB]  }
0x2a: {  	p0 =	seq.s32 s5, $0x0;
	s5 =	sld [smem:$0x3FAC]  }
0x2b: {  	s6 =	sld [smem:$0x3FAD]  }
0x2c: {  	s7 =	sld [smem:$0x3FAE]  }
0x2d: {  	s3 =	simm.s32 $0x108;
	s8 =	sld [smem:$0x3FAF]  }
0x2e: {  	s3 =	simm.s32 @!p0 $0x1082;
	s9 =	sld [smem:$0x3FB0]  }
0x2f: {  	lr =	sadd.s32 s0, s3;
	s0 =	sld [smem:$0x3FA7]  }
0x30: {  	s3 =	sld [smem:$0x3FAA]  }
0x31: {  	[smem:$0x3FB3] =	sst s10  }
0x32: {  	s10 =	sld [smem:$0x3FB1];
	_ =	sdelay $0x3  }
0x33: {  	p0 =	seq.s32 s10, $0x1;
	s10 =	sld [smem:$0x3FB3];
	_ =	sdelay $0x3  }
0x34: {  	[smem:$0x3FB3] =	sst s10  }
0x35: {  	s10 =	sld [smem:$0x3FB2];
	_ =	sdelay $0x3  }
0x36: {  	p1 =	seq.s32 s10, $0x1;
	s10 =	sld [smem:$0x3FB3];
	_ =	sdelay $0x3  }
0x37: {  	[smem:$0x3FB3] =	sst s10  }
0x38: {  	s10 =	sld [smem:$0x3FB4]  }
0x39: {  	_ = 	snop;
	(pc) =	sbr.ind lr, $3  }
0x3a: {  	_ = 	snop  }
0x3b: {  	_ = 	snop  }
0x3c: {  	p2 =	seq.s32 s10, $0x1;
	s10 =	sld [smem:$0x3FB3]  }
0x3d: {  	_ =	shalt  }
0x3e: {  	_ =	shalt  }
0x3f: {  	_ =	shalt  }
0x40: {  	_ =	shalt  }
0x41: {  	_ =	shalt  }
0x42: {  	_ =	shalt  }
0x43: {  	_ =	shalt  }
0x44: {  	_ =	shalt  }
0x45: {  	_ =	shalt  }
0x46: {  	_ =	shalt  }
0x47: {  	_ =	shalt  }
0x48: {  	_ =	shalt  }
0x49: {  	_ =	shalt  }
0x4a: {  	_ =	shalt  }
0x4b: {  	_ =	shalt  }
0x4c: {  	_ =	shalt  }
0x4d: {  	_ =	shalt  }
0x4e: {  	_ =	shalt  }
0x4f: {  	_ =	shalt  }
0x50: {  	_ =	shalt  }
0x51: {  	_ =	shalt  }
0x52: {  	_ =	shalt  }
0x53: {  	_ =	shalt  }
0x54: {  	_ =	shalt  }
0x55: {  	_ =	shalt  }
0x56: {  	_ =	shalt  }
0x57: {  	_ =	shalt  }
0x58: {  	_ =	shalt  }
0x59: {  	_ =	shalt  }
0x5a: {  	_ =	shalt  }
0x5b: {  	_ =	shalt  }
0x5c: {  	_ =	shalt  }
0x5d: {  	_ =	shalt  }
0x5e: {  	_ =	shalt  }
0x5f: {  	_ =	shalt  }
0x60: {  	_ =	shalt  }
0x61: {  	_ =	shalt  }
0x62: {  	_ =	shalt  }
0x63: {  	_ =	shalt  }
0x64: {  	_ =	shalt  }
0x65: {  	_ =	shalt  }
0x66: {  	_ =	shalt  }
0x67: {  	_ =	shalt  }
0x68: {  	_ =	shalt  }
0x69: {  	_ =	shalt  }
0x6a: {  	_ =	shalt  }
0x6b: {  	_ =	shalt  }
0x6c: {  	_ =	shalt  }
0x6d: {  	_ =	shalt  }
0x6e: {  	_ =	shalt  }
0x6f: {  	_ =	shalt  }
0x70: {  	_ =	shalt  }
0x71: {  	_ =	shalt  }
0x72: {  	_ =	shalt  }
0x73: {  	_ =	shalt  }
0x74: {  	_ =	shalt  }
0x75: {  	_ =	shalt  }
0x76: {  	_ =	shalt  }
0x77: {  	_ =	shalt  }
0x78: {  	_ =	shalt  }
0x79: {  	_ =	shalt  }
0x7a: {  	_ =	shalt  }
0x7b: {  	_ =	shalt  }
0x7c: {  	_ =	shalt  }
0x7d: {  	_ =	shalt  }
0x7e: {  	_ =	shalt  }
0x7f: {  	_ =	shalt  }
0x80: {  	_ =	shalt  }
0x81: {  	_ =	shalt  }
0x82: {  	_ =	shalt  }
0x83: {  	_ =	shalt  }
0x84: {  	_ =	shalt  }
0x85: {  	_ =	shalt  }
0x86: {  	_ =	shalt  }
0x87: {  	_ =	shalt  }
.Lfunc_end0:
.L_simem_size_0:
called_computation_lowered:
.L_overlay_start_0:
0x88: {  	s2 =	sld [smem:$0x3FD9]  }
0x89: {  	s3 =	sld [smem:$0x3FFE];
	_ =	sdelay $0x1  }
0x8a: {  	s1 =	srdreg.scid  }
0x8b: {  	s0 =	sand.u32 $0x1, s1  }
0x8c: {  	s16 =	sshll.u32 s0, $0xA;
	s2 =	sadd.s32 s3, s2  }
0x8d: {  	s2 =	sadd.s32 s2, s16  }
0x8e: {  	[smem:$0x3FBF] =	sst s2  }
0x8f: {  	_ = 	snop  }
0x90: {  	(tm) =	ssettm $0x1  }
0x91: {  	s17 =	sld [smem:$0x3FFB];
	_ =	sdelay $0x3  }
0x92: {  	_ =	strace s17  }
0x93: {  	s2 =	sld [smem:$0x3FFC];
	_ =	sdelay $0x3  }
0x94: {  	_ =	strace s2  }
0x95: {  	s2 =	sld [smem:$0x3FFD];
	_ =	sdelay $0x3  }
0x96: {  	_ =	strace s2  }
0x97: {  	_ =	strace $0x8FFFFFFF  }
0x98: {  	s18 =	sld [smem:$0x3FDB];
	_ =	sdelay $0x1  }
0x99: {  	s19 =	simm.s32 $_scs_section_size  }
0x9a: {  	s4 =	simm.s32 $_size__tile_overlayer_lowered;
	s5 =	simm.s32 $_tile_overlayer_lowered  }
0x9b: {  	s22 =	simm.s32 $0x1BFF;
	s21 =	sshll.u32 s5, $0x1;
	s2 =	sadd.s32 s19, s18  }
0x9c: {  	s6 =	simm.s32 $0x0;
	s20 =	sshll.u32 s4, $0x1;
	s4 =	sadd.s32 s21, s2  }
0x9d: {  	[timem:s6], [sflag:s22] =	dma.local [hbm:s4], s20  }
0x9e: {  	_ =	swait.ge [sflag:s22], s20  }
0x9f: {  	s3 =	ssub.s32 $0x0, s20;
	[sflag:s22] =	ssyncset.done $0x0  }
0xa0: {  	[sflag:s22] =	ssyncadd.s32 s3;
	_ =	sdelay $0x1  }
0xa1: {  	s23 =	simm.s32 $0x1B8B  }
0xa2: {  	_ =	swait.ge [sflag:s23], $0x1  }
0xa3: {  	[sflag:s23] =	ssyncset.done $0x0  }
0xa4: {  	s25 =	simm.s32 $0x1B8E;
	s24 =	sld [smem:$0x3FFE];
	[sflag:s23] =	ssyncadd.s32 $0xFFFFFFFF  }
0xa5: {  	s26 =	simm.s32 $execute0_lowered;
	[smem:$0x3FD2] =	sst s25  }
0xa6: {  	s4 =	sshll.u32 s26, $0x1;
	_ =	strace $0x80000046;
	[dreg:$0x1] =	wrdreg $0xFFFFFFFF  }
0xa7: {  	s28 =	simm.s32 $_size_execute0_lowered;
	s2 =	sadd.s32 s2, s4;
	[dreg:$0x0] =	wrdreg $0x0  }
0xa8: {  	s4 =	sshll.u32 s28, $0x1;
	[dreg:$0x2] =	wrdreg s2  }
0xa9: {  	[dreg:$0x3] =	wrdreg s4  }
0xaa: {  	[dreg:$0x4] =	wrdreg $0xC0  }
0xab: {  	_ =	task [dreg:s6], $0x5FFFF  }
0xac: {  	[dreg:$0x1] =	wrdreg $0xFFFFFFFF  }
0xad: {  	[dreg:$0x0] =	wrdreg $0x60  }
0xae: {  	[dreg:$0x2] =	wrdreg s24  }
0xaf: {  	[dreg:$0x3] =	wrdreg $0x150000  }
0xb0: {  	[dreg:$0x4] =	wrdreg $0x9  }
0xb1: {  	_ =	task.clear_ibuf [dreg:s6], $0x5FFFF;
	_ =	strace $0x90000046  }
0xb2: {  	s29 =	simm.s32 $0x9;
	_ =	strace $0x80000048  }
0xb3: {  	_ =	swait.ge [sflag:s29], $0x1  }
0xb4: {  	[sflag:s29] =	ssyncadd.s32 $0xFFFFFFFF  }
0xb5: {  	_ =	strace $0x90000048  }
0xb6: {  	_ =	sfence  }
0xb7: {  	s30 =	sld [smem:$0x0];
	_ =	sdelay $0x2  }
0xb8: {  	s31 =	sshll.u32 s1, $0xD;
	s1 =	sshrl.u32 s1, $0x2  }
0xb9: {  	s3 =	sand.u32 $0x4000, s31;
	s1 =	sadd.s32 s1, s30  }
0xba: {  	s0 =	sor.u32 s3, s0;
	s1 =	sshll.u32 s1, $0x11  }
0xbb: {  	s0 =	sor.u32 s1, s0  }
0xbc: {  	s0 =	sadd.s32 $0x8F2B, s0  }
0xbd: {  	[sflag:s0] =	ssyncadd.remote.s32 $0x1  }
0xbe: {  	_ =	sfence.sel $0xFFFF  }
0xbf: {  	[dreg:$0x0] =	wrdreg $0xFFFFFFFF;
	(pc) =	sbr.abs _section_cstart, $3  }
0xc0: {  	[dreg:$0x1] =	wrdreg $0xFFFFFFFF  }
0xc1: {  	_ =	task.clear_ibuf [dreg:s6], $0x2FFFF;
	_ =	strace $0x9FFFFFFF  }
0xc2: {  	(tm) =	ssettm $0x7FFFFFFF  }
0xc3: {  	_ =	shalt  }
tec
execute0_lowered:
.L_overlay_start_1:
0x0: {  	(tag) =	ssettag $0x1  }
0x1: {  	s5 =	rddreg [dreg:$0x0]  }
0x2: {  	s1 =	rddreg [dreg:$0x1]  }
0x3: {  	s0 =	rddreg [dreg:$0x2];
	s2 =	simm.s32 $0x0;
	s11 =	stileid.u32  }
0x4: {  	s3 =	srdreg.scid;
	s15 =	simm.s32 $0x5000;
	s16 =	simm.s32 $0x9000  }
0x5: {  	s17 =	simm.s32 $0xD000;
	s18 =	simm.s32 $0x11000;
	s19 =	simm.s32 $0x1  }
0x6: {  	s20 =	simm.s32 $0x2;
	s21 =	simm.s32 $0x3;
	s22 =	simm.s32 $0x4  }
0x7: {  	s23 =	simm.s32 $0x0;
	[smem:$0x7FF] =	sst s2;
	s7 =	smul.u32 $0x500, s11  }
0x8: {  	s6 =	sand.u32 $0x1, s3;
	s3 =	sadd.s32 $0x6C00, s5;
	s13 =	smul.u32 $0xA000, s11  }
0x9: {  	s14 =	sshll.u32 s11, $0x6;
	p0 =	sne.s32 s11, $0x0;
	s4 =	smul.u32 $0x5000, s6  }
0xa: {  	_ =	strace $0x80000047;
	s9 =	ssub.s32 $0x2, s6;
	s6 =	smul.u32 $0x28, s6  }
0xb: {  	s11 =	sor.u32 $0x1C05, s14;
	s14 =	simm.s32 $0x80;
	s8 =	sadd.s32 s7, s5  }
0xc: {  	s12 =	sshrl.u32 s9, $0x1;
	s30 =	sshrl.u32 s13, $0x2;
	s13 =	sadd.s32 $0x28000, s1  }
0xd: {  	s10 =	sadd.s32 s7, s4;
	s4 =	sadd.s32 $0xEC00, s5;
	s9 =	ssub.s32 s9, s12  }
0xe: {  	s31 =	sadd.s32 s30, s1;
	s13 =	sshrl.u32 @!p0 s13, $0x3;
	s10 =	sadd.s32 s10, s5  }
0xf: {  	s5 =	sadd.s32 $0x1C00, s8;
	s7 =	sadd.s32 s4, s7;
	s9 =	smax.u32 s9, $0x1  }
0x10: {  	s12 =	sshrl.u32 s31, $0x3;
	s8 =	sadd.s32 $0x18C00, s10;
	s10 =	simm.s32 $0x5  }
.LBB2_1:
0x11: {  	[tilespmem:s2], [sflag:$0x5] =	stream.linear.gather [hbm4b:s5+s2], $0x2800, $0x38;
	[tilespmem:$0x17840] =	vst v63  }
0x12: {  	s24 =	sadd.s32 $0x0, s6  }
0x13: {  	_ =	swait.ge [sflag:s10], $0x2800;
	s25 =	sshll.u32 s24, $0x7  }
0x14: {  	s24 =	sand.u32 $0x70, s2;
	[sflag:s10] =	ssyncset.done $0x0;
	s25 =	sand.u32 $0x3FFFFF80, s25  }
0x15: {  	[sflag:s10] =	ssyncadd.s32 $0xFFFFD800;
	s25 =	sor.u32 s24, s25  }
0x16: {  	v0 =	vld [tilespmem:s25+$0x0];
	_ =	sdelay $0x1  }
0x17: {  	s29 =	simm.s32 $0x0  }
0x18: {  	s28 =	simm.s32 $0x2;
	s26 =	simm.s32 $0x0;
	s25 =	simm.s32 $0x0  }
.LBB2_2:
0x19: {  	p1 =	sne.s32 s28, $0x13F;
	s30 =	sadd.s32 s6, s25;
	s29 =	sshll.u32 s29, $0x7  }
0x1a: {  	s26 =	sadd.s32 $0x10, s26;
	s30 =	sshll.u32 s30, $0x7;
	v1 =	vand.u32 $0x7FF, v0;
	s31 =	sor.u32 s24, s29;
	v0 =	vshrl.u32 v0, $0x3  }
0x1b: {  	s24 =	sand.u32 $0x70, s26;
	s29 =	smov.u32 s25;
	s30 =	sand.u32 $0x3FFFFF80, s30;
	[tilespmem:s31+$0x2800] =	vst v1  }
.Ltmp0:
0x1c: {  	s25 =	sor.u32 s24, s30;
	[tilespmem:s31+$0x3C00] =	vst v0;
	(pc) =	sbr.rel @p1 .LBB2_2-.Ltmp0, $2  }
0x1d: {  	v0 =	vld [tilespmem:s25+$0x0];
	_ =	sdelay $0x2  }
0x1e: {  	s25 =	sshrl.u32 s28, $0x3;
	s28 =	sadd.s32 $0x1, s28  }
0x1f: {  	s28 =	sadd.s32 s6, s25;
	s29 =	sshll.u32 s29, $0x7  }
0x20: {  	s26 =	sadd.s32 $0x10, s26;
	s28 =	sshll.u32 s28, $0x7;
	v1 =	vand.u32 $0x7FF, v0;
	s24 =	sor.u32 s24, s29  }
0x21: {  	v62 =	vshrl.u32 v0, $0x3;
	s26 =	sand.u32 $0x70, s26;
	s28 =	sand.u32 $0x3FFFFF80, s28;
	[tilespmem:s24+$0x2800] =	vst v1  }
0x22: {  	[tilespmem:s24+$0x3C00] =	vst v62;
	s28 =	sor.u32 s26, s28  }
0x23: {  	v0 =	vld [tilespmem:s28+$0x0];
	_ =	sdelay $0x3  }
0x24: {  	s25 =	sshll.u32 s25, $0x7  }
0x25: {  	s24 =	sor.u32 s26, s25;
	v63 =	vand.u32 $0x7FF, v0  }
0x26: {  	v0 =	vshrl.u32 v0, $0x3;
	[tilespmem:s24+$0x2800] =	vst v63  }
0x27: {  	[tilespmem:s24+$0x3C00] =	vst v0  }
0x28: {  	[spmem:s12], [sflag:s11] =	dma.local [hbm:s7], $0x500  }
0x29: {  	_ =	swait.ge [sflag:s10], $0x500  }
0x2a: {  	[sflag:s10] =	ssyncset.done $0x0  }
0x2b: {  	s24 =	simm.s32 @!p0 $0x5;
	[sflag:s10] =	ssyncadd.s32 $0xFFFFFB00  }
0x2c: {  	[spmem:s13], [sflag:s11] =	dma.local @!p0 [hbm:s4], $0x80  }
0x2d: {  	_ =	swait.ge @!p0 [sflag:s24], $0x80  }
0x2e: {  	[sflag:s24] =	ssyncset.done @!p0 $0x0  }
0x2f: {  	[sflag:s24] =	ssyncadd.s32 @!p0 $0xFFFFFF80  }
0x30: {  	s29 =	simm.s32 $0x2800;
	[bflag:$0x0] =	sbarrier.arrive $0xFFFF  }
0x31: {  	[tilespmem:s15], [sflag:$0x1] =	stream.indirect.gather [hbm4b:s3+s14], $0x80, s29, s14, $0xb8;
	[tilespmem:$0x17840] =	vst v63  }
0x32: {  	s30 =	simm.s32 $0x2880  }
0x33: {  	[tilespmem:s16], [sflag:$0x2] =	stream.indirect.gather [hbm4b:s3+s14], $0x80, s30, s14, $0xb8;
	[tilespmem:$0x17840] =	vst v63  }
0x34: {  	s31 =	simm.s32 $0x2900  }
0x35: {  	[tilespmem:s17], [sflag:$0x3] =	stream.indirect.gather [hbm4b:s3+s14], $0x80, s31, s14, $0xb8;
	[tilespmem:$0x17840] =	vst v63  }
0x36: {  	s25 =	simm.s32 $0x2980  }
0x37: {  	[tilespmem:s18], [sflag:$0x4] =	stream.indirect.gather [hbm4b:s3+s14], $0x80, s25, s14, $0xb8;
	[tilespmem:$0x17840] =	vst v63  }
0x38: {  	_ =	swait.ge [sflag:s19], $0x4000  }
0x39: {  	[sflag:s19] =	ssyncset.done $0x0  }
0x3a: {  	[sflag:s19] =	ssyncadd.s32 $0xFFFFC000  }
0x3b: {  	_ =	swait.ge [sflag:s20], $0x4000  }
0x3c: {  	[sflag:s20] =	ssyncset.done $0x0  }
0x3d: {  	[sflag:s20] =	ssyncadd.s32 $0xFFFFC000  }
0x3e: {  	_ =	swait.ge [sflag:s21], $0x4000  }
0x3f: {  	[sflag:s21] =	ssyncset.done $0x0  }
0x40: {  	[sflag:s21] =	ssyncadd.s32 $0xFFFFC000  }
0x41: {  	_ =	swait.ge [sflag:s22], $0x4000  }
0x42: {  	[sflag:s22] =	ssyncset.done $0x0  }
0x43: {  	s26 =	simm.s32 $0x3C00;
	[sflag:s22] =	ssyncadd.s32 $0xFFFFC000  }
0x44: {  	[spmem:s1] =	stream.indirect.scatter.add.f32 [tilespmem:s15], [sflag:$0x5], $0x80, s26, s14, $0xb8;
	[tilespmem:$0x17840] =	vst v63  }
0x45: {  	_ =	swait.ge [sflag:s10], $0x4000  }
0x46: {  	[sflag:s10] =	ssyncset.done $0x0  }
0x47: {  	s29 =	simm.s32 $0x3C80;
	[sflag:s10] =	ssyncadd.s32 $0xFFFFC000  }
0x48: {  	[spmem:s1] =	stream.indirect.scatter.add.f32 [tilespmem:s16], [sflag:$0x5], $0x80, s29, s14, $0xb8;
	[tilespmem:$0x17840] =	vst v63  }
0x49: {  	_ =	swait.ge [sflag:s10], $0x4000  }
0x4a: {  	[sflag:s10] =	ssyncset.done $0x0  }
0x4b: {  	s30 =	simm.s32 $0x3D00;
	[sflag:s10] =	ssyncadd.s32 $0xFFFFC000  }
0x4c: {  	[spmem:s1] =	stream.indirect.scatter.add.f32 [tilespmem:s17], [sflag:$0x5], $0x80, s30, s14, $0xb8;
	[tilespmem:$0x17840] =	vst v63  }
0x4d: {  	_ =	swait.ge [sflag:s10], $0x4000  }
0x4e: {  	[sflag:s10] =	ssyncset.done $0x0  }
0x4f: {  	s31 =	simm.s32 $0x3D80;
	[sflag:s10] =	ssyncadd.s32 $0xFFFFC000  }
0x50: {  	[spmem:s1] =	stream.indirect.scatter.add.f32 [tilespmem:s18], [sflag:$0x5], $0x80, s31, s14, $0xb8;
	[tilespmem:$0x17840] =	vst v63  }
0x51: {  	_ =	swait.ge [sflag:s10], $0x4000  }
0x52: {  	s28 =	simm.s32 $0x1000;
	s24 =	simm.s32 $0x200;
	[sflag:s10] =	ssyncset.done $0x0  }
.LBB2_4:
0x53: {  	s29 =	sadd.s32 $0x2800, s24  }
0x54: {  	[sflag:s10] =	ssyncadd.s32 $0xFFFFC000;
	s26 =	smov.u32 s28;
	s25 =	sadd.s32 $0x800, s28  }
0x55: {  	[tilespmem:s15], [sflag:$0x1] =	stream.indirect.gather [hbm4b:s3+s14], $0x80, s29, s14, $0xb8;
	[tilespmem:$0x17840] =	vst v63  }
0x56: {  	p1 =	sne.s32 s28, $0x4800;
	s28 =	sadd.s32 $0x2880, s24  }
0x57: {  	[tilespmem:s16], [sflag:$0x2] =	stream.indirect.gather [hbm4b:s3+s14], $0x80, s28, s14, $0xb8;
	[tilespmem:$0x17840] =	vst v63  }
0x58: {  	s28 =	sadd.s32 $0x2900, s24  }
0x59: {  	[tilespmem:s17], [sflag:$0x3] =	stream.indirect.gather [hbm4b:s3+s14], $0x80, s28, s14, $0xb8;
	[tilespmem:$0x17840] =	vst v63  }
0x5a: {  	s28 =	sadd.s32 $0x2980, s24  }
0x5b: {  	[tilespmem:s18], [sflag:$0x4] =	stream.indirect.gather [hbm4b:s3+s14], $0x80, s28, s14, $0xb8;
	[tilespmem:$0x17840] =	vst v63  }
0x5c: {  	_ =	swait.ge [sflag:s19], $0x4000  }
0x5d: {  	[sflag:s19] =	ssyncset.done $0x0  }
0x5e: {  	[sflag:s19] =	ssyncadd.s32 $0xFFFFC000  }
0x5f: {  	_ =	swait.ge [sflag:s20], $0x4000  }
0x60: {  	[sflag:s20] =	ssyncset.done $0x0  }
0x61: {  	[sflag:s20] =	ssyncadd.s32 $0xFFFFC000  }
0x62: {  	_ =	swait.ge [sflag:s21], $0x4000  }
0x63: {  	[sflag:s21] =	ssyncset.done $0x0  }
0x64: {  	[sflag:s21] =	ssyncadd.s32 $0xFFFFC000  }
0x65: {  	_ =	swait.ge [sflag:s22], $0x4000  }
0x66: {  	[sflag:s22] =	ssyncset.done $0x0  }
0x67: {  	s28 =	sadd.s32 $0x3C00, s24;
	[sflag:s22] =	ssyncadd.s32 $0xFFFFC000  }
0x68: {  	[spmem:s1] =	stream.indirect.scatter.add.f32 [tilespmem:s15], [sflag:$0x5], $0x80, s28, s14, $0xb8;
	[tilespmem:$0x17840] =	vst v63  }
0x69: {  	_ =	swait.ge [sflag:s10], $0x4000  }
0x6a: {  	[sflag:s10] =	ssyncset.done $0x0  }
0x6b: {  	s28 =	sadd.s32 $0x3C80, s24;
	[sflag:s10] =	ssyncadd.s32 $0xFFFFC000  }
0x6c: {  	[spmem:s1] =	stream.indirect.scatter.add.f32 [tilespmem:s16], [sflag:$0x5], $0x80, s28, s14, $0xb8;
	[tilespmem:$0x17840] =	vst v63  }
0x6d: {  	_ =	swait.ge [sflag:s10], $0x4000  }
0x6e: {  	[sflag:s10] =	ssyncset.done $0x0  }
0x6f: {  	s28 =	sadd.s32 $0x3D00, s24;
	[sflag:s10] =	ssyncadd.s32 $0xFFFFC000  }
0x70: {  	[spmem:s1] =	stream.indirect.scatter.add.f32 [tilespmem:s17], [sflag:$0x5], $0x80, s28, s14, $0xb8;
	[tilespmem:$0x17840] =	vst v63  }
0x71: {  	_ =	swait.ge [sflag:s10], $0x4000  }
.Ltmp1:
0x72: {  	[sflag:s10] =	ssyncset.done $0x0;
	(pc) =	sbr.rel @p1 .LBB2_4-.Ltmp1, $4  }
0x73: {  	s24 =	sadd.s32 $0x3D80, s24;
	[sflag:s10] =	ssyncadd.s32 $0xFFFFC000  }
0x74: {  	[spmem:s1] =	stream.indirect.scatter.add.f32 [tilespmem:s18], [sflag:$0x5], $0x80, s24, s14, $0xb8;
	[tilespmem:$0x17840] =	vst v63  }
0x75: {  	_ =	swait.ge [sflag:s10], $0x4000  }
0x76: {  	s28 =	smov.u32 s25;
	s24 =	sshra.s32 s26, $0x2;
	[sflag:s10] =	ssyncset.done $0x0  }
0x77: {  	s25 =	sadd.s32 $0x2800, s24;
	[sflag:s10] =	ssyncadd.s32 $0xFFFFC000  }
0x78: {  	[tilespmem:s15], [sflag:$0x1] =	stream.indirect.gather [hbm4b:s3+s14], $0x80, s25, s14, $0xb8;
	[tilespmem:$0x17840] =	vst v63  }
0x79: {  	s30 =	sadd.s32 $0x2880, s24  }
0x7a: {  	[tilespmem:s16], [sflag:$0x2] =	stream.indirect.gather [hbm4b:s3+s14], $0x80, s30, s14, $0xb8;
	[tilespmem:$0x17840] =	vst v63  }
0x7b: {  	s31 =	sadd.s32 $0x2900, s24  }
0x7c: {  	[tilespmem:s17], [sflag:$0x3] =	stream.indirect.gather [hbm4b:s3+s14], $0x80, s31, s14, $0xb8;
	[tilespmem:$0x17840] =	vst v63  }
0x7d: {  	s26 =	sadd.s32 $0x2980, s24  }
0x7e: {  	[tilespmem:s18], [sflag:$0x4] =	stream.indirect.gather [hbm4b:s3+s14], $0x80, s26, s14, $0xb8;
	[tilespmem:$0x17840] =	vst v63  }
0x7f: {  	_ =	swait.ge [sflag:s19], $0x4000  }
0x80: {  	[sflag:s19] =	ssyncset.done $0x0  }
0x81: {  	[sflag:s19] =	ssyncadd.s32 $0xFFFFC000  }
0x82: {  	_ =	swait.ge [sflag:s20], $0x4000  }
0x83: {  	[sflag:s20] =	ssyncset.done $0x0  }
0x84: {  	[sflag:s20] =	ssyncadd.s32 $0xFFFFC000  }
0x85: {  	_ =	swait.ge [sflag:s21], $0x4000  }
0x86: {  	[sflag:s21] =	ssyncset.done $0x0  }
0x87: {  	[sflag:s21] =	ssyncadd.s32 $0xFFFFC000  }
0x88: {  	_ =	swait.ge [sflag:s22], $0x4000  }
0x89: {  	[sflag:s22] =	ssyncset.done $0x0  }
0x8a: {  	s28 =	sadd.s32 $0x3C00, s24;
	[sflag:s22] =	ssyncadd.s32 $0xFFFFC000  }
0x8b: {  	[spmem:s1] =	stream.indirect.scatter.add.f32 [tilespmem:s15], [sflag:$0x5], $0x80, s28, s14, $0xb8;
	[tilespmem:$0x17840] =	vst v63  }
0x8c: {  	_ =	swait.ge [sflag:s10], $0x4000  }
0x8d: {  	[sflag:s10] =	ssyncset.done $0x0  }
0x8e: {  	s29 =	sadd.s32 $0x3C80, s24;
	[sflag:s10] =	ssyncadd.s32 $0xFFFFC000  }
0x8f: {  	[spmem:s1] =	stream.indirect.scatter.add.f32 [tilespmem:s16], [sflag:$0x5], $0x80, s29, s14, $0xb8;
	[tilespmem:$0x17840] =	vst v63  }
0x90: {  	_ =	swait.ge [sflag:s10], $0x4000  }
0x91: {  	[sflag:s10] =	ssyncset.done $0x0  }
0x92: {  	s30 =	sadd.s32 $0x3D00, s24;
	[sflag:s10] =	ssyncadd.s32 $0xFFFFC000  }
0x93: {  	[spmem:s1] =	stream.indirect.scatter.add.f32 [tilespmem:s17], [sflag:$0x5], $0x80, s30, s14, $0xb8;
	[tilespmem:$0x17840] =	vst v63  }
0x94: {  	_ =	swait.ge [sflag:s10], $0x4000  }
0x95: {  	[sflag:s10] =	ssyncset.done $0x0  }
0x96: {  	s31 =	sadd.s32 $0x3D80, s24;
	[sflag:s10] =	ssyncadd.s32 $0xFFFFC000  }
0x97: {  	[spmem:s1] =	stream.indirect.scatter.add.f32 [tilespmem:s18], [sflag:$0x5], $0x80, s31, s14, $0xb8;
	[tilespmem:$0x17840] =	vst v63  }
0x98: {  	_ =	swait.ge [sflag:s10], $0x4000  }
0x99: {  	s23 =	sadd.s32 $0x1, s23;
	[sflag:s10] =	ssyncset.done $0x0  }
0x9a: {  	p1 =	sne.s32 s23, s9;
	[sflag:s10] =	ssyncadd.s32 $0xFFFFC000  }
.Ltmp2:
0x9b: {  	[bflag:$0x0] =	sbarrier.arrive $0xFFFF;
	(pc) =	sbr.rel @p1 .LBB2_1-.Ltmp2, $4  }
0x9c: {  	[hbm:s8], [sflag:s11] =	dma.local [spmem:s12], $0x500  }
0x9d: {  	_ =	swait.ge [sflag:s10], $0x500  }
0x9e: {  	[sflag:s10] =	ssyncset.done $0x0  }
0x9f: {  	[sflag:s10] =	ssyncadd.s32 $0xFFFFFB00  }
0xa0: {  	_ =	sfence.sel $0x180000  }
0xa1: {  	[bflag:$0x0] =	sbarrier.arrive $0xFFFF  }
0xa2: {  	_ =	strace $0x90000047  }
0xa3: {  	s0 =	sadd.s32 @!p0 $0x100000, s0;
	[bflag:$0x2] =	sbarrier.arrive $0xFFFF  }
0xa4: {  	[sflag:s0] =	ssyncadd.tile.s32 @!p0 $0x1;
	_ =	shalt  }
.Lfunc_end2:
_tile_overlayer_lowered:
.L_overlay_start_2:
0xa5: {  	(tag) =	ssettag $0x2  }
0xa6: {  	s0 =	rddreg [dreg:$0x0];
	s2 =	stileid.u32  }
0xa7: {  	s1 =	rddreg [dreg:$0x1];
	p0 =	sne.s32 s2, $0x0  }
0xa8: {  	s3 =	rddreg [dreg:$0x2];
	[bflag:$0x3] =	sbarrier.arrive $0xFFFF;
	s2 =	simm.s32 @!p0 $0x1C05  }
0xa9: {  	[timem:s3], [sflag:s2] =	dma.local @!p0 [hbm:s0], s1  }
0xaa: {  	s0 =	simm.s32 @!p0 $0x5  }
0xab: {  	_ =	swait.ge @!p0 [sflag:s0], s1  }
0xac: {  	s1 =	ssub.s32 @!p0 $0x0, s1;
	[sflag:s0] =	ssyncset.done @!p0 $0x0  }
0xad: {  	[sflag:s0] =	ssyncadd.s32 @!p0 s1  }
0xae: {  	[bflag:$0x3] =	sbarrier.arrive $0xFFFF  }
0xaf: {  	_ =	shalt  }

</sc_bundles>
